<compile_context>
chip_gen: v7x
topology: tpu7x:2x2x1
jax: 0.10.2.dev20260603
libtpu: 0.0.44.dev20260713+nightly
codegen_flags: <defaults>
</compile_context>

<pallas_src>
import functools

import jax
import jax.numpy as jnp
from jax import lax
from jax.experimental import pallas as pl
from jax.experimental.pallas import tpu as pltpu
from jax.experimental.pallas import tpu_sc as plsc

EPS = 1e-5
NEG_SLOPE = 0.2

_KA = 1000
_KM = 400

_SC_PARAMS = pltpu.CompilerParams(needs_layout_passes=False,
                                  use_tc_tiling_on_sc=False)


def _att_sc(src1, dst1, asrc, adst, ae_flat, M16):
    NP = asrc.shape[0]
    E = src1.shape[0]
    chunks = E // (32 * _KA)
    rows_per_tile = NP // 16
    f32 = jnp.float32

    mesh = plsc.VectorSubcoreMesh(core_axis_name="c", subcore_axis_name="s")

    @functools.partial(
        pl.kernel,
        out_type=(jax.ShapeDtypeStruct((E, 8), f32),
                  jax.ShapeDtypeStruct((2, NP, 8), f32)),
        mesh=mesh,
        compiler_params=_SC_PARAMS,
        scratch_types=dict(
            Dsh=pltpu.VMEM_SHARED((NP, 8), f32),
            srcv=pltpu.VMEM((_KA,), jnp.int32),
            dstv=pltpu.VMEM((_KA,), jnp.int32),
            asrcv=pltpu.VMEM((_KA, 8), f32),
            adstv=pltpu.VMEM((_KA, 8), f32),
            aev=pltpu.VMEM((_KA * 4,), f32),
            exv=pltpu.VMEM((_KA, 8), f32),
            Mv=pltpu.VMEM((16,), f32),
            sem1=pltpu.SemaphoreType.DMA,
            sem2=pltpu.SemaphoreType.DMA,
        ),
    )
    def k(src_h, dst_h, asrc_h, adst_h, ae_h, M_h, ex_out, den_out,
          Dsh, srcv, dstv, asrcv, adstv, aev, exv, Mv, sem1, sem2):
        c = lax.axis_index("c")
        s = lax.axis_index("s")
        z16 = jnp.zeros((16,), f32)
        iota = lax.iota(jnp.int32, 16)
        rb16 = lax.shift_right_logical(iota, 2)
        c16 = lax.bitwise_and(iota, 3)
        rb8 = lax.shift_right_logical(iota, 3)
        c8 = lax.bitwise_and(iota, 7)

        def zs(j, _):
            plsc.store_scatter(exv, [rb8 + 2 * j, c8], z16)
            return 0
        lax.fori_loop(0, _KA // 2, zs, 0)

        r0 = s * rows_per_tile
        pltpu.sync_copy(exv.at[pl.ds(0, _KA), :], Dsh.at[pl.ds(r0, _KA), :])
        pltpu.sync_copy(exv.at[pl.ds(0, _KA), :],
                        Dsh.at[pl.ds(r0 + _KA, _KA), :])
        pltpu.sync_copy(exv.at[pl.ds(0, _KA), :],
                        Dsh.at[pl.ds(r0 + 2 * _KA, _KA), :])
        pltpu.sync_copy(exv.at[pl.ds(0, 136), :],
                        Dsh.at[pl.ds(r0 + 3 * _KA, 136), :])
        plsc.subcore_barrier()

        pltpu.sync_copy(M_h, Mv)
        m16 = Mv[...]

        def chunk(i, _):
            base = ((c * 16 + s) * chunks + i) * _KA
            pltpu.sync_copy(src_h.at[pl.ds(base, _KA)], srcv)
            pltpu.sync_copy(dst_h.at[pl.ds(base, _KA)], dstv)
            pltpu.sync_copy(ae_h.at[pl.ds(base * 4, _KA * 4)], aev)
            cp1 = pltpu.async_copy(asrc_h.at[srcv], asrcv, sem1)
            cp2 = pltpu.async_copy(adst_h.at[dstv], adstv, sem2)
            cp1.wait()
            cp2.wait()

            def exbody(q, _):
                for u in range(2):
                    j = 2 * q + u
                    rowi = rb16 + 4 * j
                    a1 = plsc.load_gather(asrcv, [rowi, c16])
                    a2 = plsc.load_gather(adstv, [rowi, c16])
                    sv = a1 + a2 + aev[pl.ds(j * 16, 16)]
                    al = jnp.where(sv > 0, sv, NEG_SLOPE * sv)
                    plsc.store_scatter(exv, [rowi, c16], jnp.exp(al - m16))
                return 0
            lax.fori_loop(0, _KA * 4 // 32, exbody, 0)

            pltpu.sync_copy(exv, Dsh.at[dstv], add=True)
            pltpu.sync_copy(exv, ex_out.at[pl.ds(base, _KA), :])
            return 0

        lax.fori_loop(0, chunks, chunk, 0)
        plsc.subcore_barrier()

        pltpu.sync_copy(Dsh.at[pl.ds(r0, rows_per_tile), :],
                        den_out.at[c, pl.ds(r0, rows_per_tile), :])

    return k(src1, dst1, asrc, adst, ae_flat, M16)


def _msg_sc(src1, dst1, ex, xp2):
    NP = xp2.shape[1]
    E = src1.shape[0]
    chunks = E // (16 * _KM)
    rows_per_tile = NP // 16
    f32 = jnp.float32

    mesh = plsc.VectorSubcoreMesh(core_axis_name="c", subcore_axis_name="s")

    @functools.partial(
        pl.kernel,
        out_type=jax.ShapeDtypeStruct((2, NP, 32), f32),
        mesh=mesh,
        compiler_params=_SC_PARAMS,
        scratch_types=dict(
            Ssh=pltpu.VMEM_SHARED((NP, 32), f32),
            srcv=pltpu.VMEM((_KM,), jnp.int32),
            dstv=pltpu.VMEM((_KM,), jnp.int32),
            exv=pltpu.VMEM((_KM, 8), f32),
            xpv=pltpu.VMEM((_KM, 32), f32),
            sem1=pltpu.SemaphoreType.DMA,
        ),
    )
    def k(src_h, dst_h, ex_h, xp_h, S_out,
          Ssh, srcv, dstv, exv, xpv, sem1):
        c = lax.axis_index("c")
        s = lax.axis_index("s")
        z16 = jnp.zeros((16,), f32)

        def zx(j, _):
            xpv[j, pl.ds(0, 16)] = z16
            xpv[j, pl.ds(16, 16)] = z16
            return 0
        lax.fori_loop(0, _KM, zx, 0)

        r0 = s * rows_per_tile
        for tpart in range(7):
            pltpu.sync_copy(xpv.at[pl.ds(0, _KM), :],
                            Ssh.at[pl.ds(r0 + tpart * _KM, _KM), :])
        pltpu.sync_copy(xpv.at[pl.ds(0, 336), :],
                        Ssh.at[pl.ds(r0 + 7 * _KM, 336), :])
        plsc.subcore_barrier()

        cs0 = jnp.full((16,), 2 * c, jnp.int32)
        cs1 = jnp.full((16,), 2 * c + 1, jnp.int32)

        def chunk(i, _):
            base = (s * chunks + i) * _KM
            pltpu.sync_copy(src_h.at[pl.ds(base, _KM)], srcv)
            pltpu.sync_copy(dst_h.at[pl.ds(base, _KM)], dstv)
            pltpu.sync_copy(ex_h.at[pl.ds(base, _KM), :], exv)
            cp1 = pltpu.async_copy(xp_h.at[c].at[srcv], xpv, sem1)
            cp1.wait()

            def msgbody(q, _):
                rbase = 8 * q
                for u in range(8):
                    r = rbase + u
                    rsp = jnp.full((16,), r, jnp.int32)
                    e0 = plsc.load_gather(exv, [rsp, cs0])
                    e1 = plsc.load_gather(exv, [rsp, cs1])
                    xpv[r, pl.ds(0, 16)] = xpv[r, pl.ds(0, 16)] * e0
                    xpv[r, pl.ds(16, 16)] = xpv[r, pl.ds(16, 16)] * e1
                return 0
            lax.fori_loop(0, _KM // 8, msgbody, 0)

            pltpu.sync_copy(xpv, Ssh.at[dstv], add=True)
            return 0

        lax.fori_loop(0, chunks, chunk, 0)
        plsc.subcore_barrier()

        pltpu.sync_copy(Ssh.at[pl.ds(r0, rows_per_tile), :],
                        S_out.at[c, pl.ds(r0, rows_per_tile), :])

    return k(src1, dst1, ex, xp2)


def _pool_sc(h, batch):
    N = h.shape[0]
    G = 1024
    f32 = jnp.float32
    KP = 400
    nchunk = N // KP
    mesh = plsc.VectorSubcoreMesh(core_axis_name="c", subcore_axis_name="s")

    @functools.partial(
        pl.kernel,
        out_type=jax.ShapeDtypeStruct((2, G, 64), f32),
        mesh=mesh,
        compiler_params=_SC_PARAMS,
        scratch_types=dict(
            Psh=pltpu.VMEM_SHARED((G, 64), f32),
            bv=pltpu.VMEM((KP,), jnp.int32),
            hv=pltpu.VMEM((KP, 64), f32),
        ),
    )
    def k(h_h, b_h, P_out, Psh, bv, hv):
        c = lax.axis_index("c")
        s = lax.axis_index("s")
        w = c * 16 + s
        z16 = jnp.zeros((16,), f32)

        def zx(j, _):
            for u in range(4):
                hv[j, pl.ds(16 * u, 16)] = z16
            return 0
        lax.fori_loop(0, KP, zx, 0)

        pltpu.sync_copy(hv.at[pl.ds(0, 64), :], Psh.at[pl.ds(s * 64, 64), :])
        plsc.subcore_barrier()

        nb = 3 + jnp.where(w < nchunk - 3 * 32, 1, 0)

        def chunk(i, _):
            base = (i * 32 + w) * KP
            pltpu.sync_copy(b_h.at[pl.ds(base, KP)], bv)
            pltpu.sync_copy(h_h.at[pl.ds(base, KP), :], hv)
            pltpu.sync_copy(hv, Psh.at[bv], add=True)
            return 0

        lax.fori_loop(0, nb, chunk, 0)
        plsc.subcore_barrier()

        pltpu.sync_copy(Psh.at[pl.ds(s * 64, 64), :],
                        P_out.at[c, pl.ds(s * 64, 64), :])

    return k(h, batch)


_BLK = 2000


def _nodeA_body(SA_ref, SB_ref, den_ref, xpA_ref, xpB_ref, exl_ref, bias_ref,
                out_ref, stats_ref):
    SA = SA_ref[...]
    SB = SB_ref[...]
    den = den_ref[...]
    exl = exl_ref[...]
    BLK = SA.shape[0]
    inv = 1.0 / (den + 1e-16)

    def expand2(v):
        return jnp.broadcast_to(v[:, :, None], (BLK, 2, 16)).reshape(BLK, 32)

    outA = (SA + xpA_ref[...] * expand2(exl[:, :2])) * expand2(inv[:, :2])
    outB = (SB + xpB_ref[...] * expand2(exl[:, 2:])) * expand2(inv[:, 2:])
    out = jnp.concatenate([outA, outB], axis=1) + bias_ref[...]
    out_ref[...] = out
    stats_ref[0, 0, :] = jnp.sum(out, axis=0)
    stats_ref[0, 1, :] = jnp.sum(out * out, axis=0)


def _nodeB_body(out_ref, scale_ref, shift_ref, W_ref, h_ref, xpA_ref, xpB_ref,
                as_ref, ad_ref):
    h = jnp.maximum(out_ref[...] * scale_ref[...] + shift_ref[...], 0.0)
    h_ref[...] = h
    P = jnp.dot(h, W_ref[...], preferred_element_type=jnp.float32)
    xpA_ref[...] = P[:, :32]
    xpB_ref[...] = P[:, 32:64]
    as_ref[...] = P[:, 64:68]
    ad_ref[...] = P[:, 68:72]


def _node_update(SA, SB, den, xpA, xpB, exl, bias, gamma, beta, W):
    N = SA.shape[0]
    HIDDEN = 64
    nblk = N // _BLK
    f32 = jnp.float32
    out, stats = pl.pallas_call(
        _nodeA_body,
        grid=(nblk,),
        in_specs=[pl.BlockSpec((_BLK, 32), lambda i: (i, 0)),
                  pl.BlockSpec((_BLK, 32), lambda i: (i, 0)),
                  pl.BlockSpec((_BLK, 4), lambda i: (i, 0)),
                  pl.BlockSpec((_BLK, 32), lambda i: (i, 0)),
                  pl.BlockSpec((_BLK, 32), lambda i: (i, 0)),
                  pl.BlockSpec((_BLK, 4), lambda i: (i, 0)),
                  pl.BlockSpec((1, HIDDEN), lambda i: (0, 0))],
        out_specs=(pl.BlockSpec((_BLK, HIDDEN), lambda i: (i, 0)),
                   pl.BlockSpec((1, 2, HIDDEN), lambda i: (i, 0, 0))),
        out_shape=(jax.ShapeDtypeStruct((N, HIDDEN), f32),
                   jax.ShapeDtypeStruct((nblk, 2, HIDDEN), f32)),
    )(SA, SB, den, xpA, xpB, exl, bias.reshape(1, HIDDEN))
    tot = jnp.sum(stats, axis=0)
    mu = tot[0] / N
    var = tot[1] / N - mu * mu
    scale = gamma * lax.rsqrt(var + EPS)
    shift = beta - mu * scale
    h, nxpA, nxpB, nas, nad = pl.pallas_call(
        _nodeB_body,
        grid=(nblk,),
        in_specs=[pl.BlockSpec((_BLK, HIDDEN), lambda i: (i, 0)),
                  pl.BlockSpec((1, HIDDEN), lambda i: (0, 0)),
                  pl.BlockSpec((1, HIDDEN), lambda i: (0, 0)),
                  pl.BlockSpec((HIDDEN, 72), lambda i: (0, 0))],
        out_specs=(pl.BlockSpec((_BLK, HIDDEN), lambda i: (i, 0)),
                   pl.BlockSpec((_BLK, 32), lambda i: (i, 0)),
                   pl.BlockSpec((_BLK, 32), lambda i: (i, 0)),
                   pl.BlockSpec((_BLK, 4), lambda i: (i, 0)),
                   pl.BlockSpec((_BLK, 4), lambda i: (i, 0))),
        out_shape=(jax.ShapeDtypeStruct((N, HIDDEN), f32),
                   jax.ShapeDtypeStruct((N, 32), f32),
                   jax.ShapeDtypeStruct((N, 32), f32),
                   jax.ShapeDtypeStruct((N, 4), f32),
                   jax.ShapeDtypeStruct((N, 4), f32)),
    )(out, scale.reshape(1, HIDDEN), shift.reshape(1, HIDDEN), W)
    return h, nxpA, nxpB, nas, nad


def kernel(x, edge_index, edge_attr, batch, node_W, node_b, edge_W, edge_b,
           lin_W, lin_edge_W, att_src, att_dst, att_edge, gat_bias, bn_gamma,
           bn_beta):
    N, NODE_DIM = x.shape
    NP = 50176
    E = edge_index.shape[1]
    LAYERS, HIDDEN, HO = lin_W.shape
    HEADS, OUT = att_src.shape[1], att_src.shape[2]
    G = 1024
    f32 = jnp.float32

    src1 = edge_index[0]
    dst1 = edge_index[1]

    lw = lin_W.reshape(LAYERS, HIDDEN, HEADS, OUT)
    lew = lin_edge_W.reshape(LAYERS, HIDDEN, HEADS, OUT)
    U_src = jnp.einsum('lkho,lho->lkh', lw, att_src)
    U_dst = jnp.einsum('lkho,lho->lkh', lw, att_dst)
    V_e = jnp.einsum('lkho,lho->lkh', lew, att_edge)

    P_e = jnp.einsum('dk,lkh->ldh', edge_W, V_e)
    q_e = jnp.einsum('k,lkh->lh', edge_b, V_e)
    ae = jnp.einsum('ed,ldh->leh', edge_attr, P_e) + q_e[:, None, :]
    ea_mean = edge_attr.mean(axis=0) @ edge_W + edge_b
    a_loop = jnp.einsum('k,lkh->lh', ea_mean, V_e)
    ae_max = jnp.max(ae, axis=1)

    h = x @ node_W + node_b

    P0 = h @ jnp.concatenate([lin_W[0], U_src[0], U_dst[0]], axis=1)
    xpA, xpB = P0[:, :32], P0[:, 32:64]
    a_s, a_d = P0[:, 64:64 + HEADS], P0[:, 64 + HEADS:64 + 2 * HEADS]

    for l in range(LAYERS):
        bound = (jnp.max(a_s, axis=0) + jnp.max(a_d, axis=0)
                 + jnp.maximum(ae_max[l], a_loop[l]))
        M = jnp.where(bound > 0, bound, NEG_SLOPE * bound)
        M16 = jnp.tile(M, 4)

        s_l = a_s + a_d + a_loop[l]
        alpha_l = jnp.where(s_l > 0, s_l, NEG_SLOPE * s_l)
        exl = jnp.exp(alpha_l - M)

        xp2 = (jnp.zeros((2, NP, 32), f32)
               .at[0, :N].set(xpA).at[1, :N].set(xpB))
        a_sp = jnp.zeros((NP, 8), f32).at[:N, :4].set(a_s)
        a_dp = jnp.zeros((NP, 8), f32).at[:N, :4].set(a_d)
        ex_e, den2 = _att_sc(src1, dst1, a_sp, a_dp, ae[l].reshape(-1), M16)
        S2 = _msg_sc(src1, dst1, ex_e, xp2)
        den_tot = (den2[0] + den2[1])[:N, :4] + exl

        if l + 1 < LAYERS:
            W_next = jnp.concatenate(
                [lin_W[l + 1], U_src[l + 1], U_dst[l + 1]], axis=1)
        else:
            W_next = jnp.zeros((HIDDEN, HIDDEN + 2 * HEADS), f32)
        h, xpA, xpB, a_s, a_d = _node_update(
            S2[0, :N], S2[1, :N], den_tot, xpA, xpB, exl, gat_bias[l],
            bn_gamma[l], bn_beta[l], W_next)

    P2 = _pool_sc(h, batch)
    sums = P2[0] + P2[1]
    bounds = jnp.searchsorted(batch, jnp.arange(G + 1, dtype=jnp.int32))
    counts = (bounds[1:] - bounds[:-1]).astype(f32)
    return sums / jnp.maximum(counts, 1.0)[:, None]

# --- scband reference (transcript-rebuilt; emitter-appended) ---
"""Pipeline reference for scband-molecular-gnn-52621939311117 (READ-ONLY COPY).

The authoritative reference and input builder live on the scoring server;
editing this copy changes nothing except your own understanding.
"""

import jax, jax.numpy as jnp
import numpy as np

N = 50000
E = 800000
G = 1024
NODE_DIM = 9
EDGE_DIM = 5
HIDDEN = 64
HEADS = 4
OUT = 16
LAYERS = 3
EPS = 1e-5


def setup_inputs(seed: int = 0) -> dict:
    key = jax.random.key(seed)
    ks = jax.random.split(key, 16)
    x = jax.random.normal(ks[0], (N, NODE_DIM), jnp.float32)
    edge_index = jax.random.randint(ks[1], (2, E), 0, N, dtype=jnp.int32)
    edge_attr = jax.random.normal(ks[2], (E, EDGE_DIM), jnp.float32)
    batch = jnp.sort(jax.random.randint(ks[3], (N,), 0, G, dtype=jnp.int32))
    node_W = jax.random.normal(ks[4], (NODE_DIM, HIDDEN), jnp.float32) * 0.3
    node_b = jnp.zeros((HIDDEN,), jnp.float32)
    edge_W = jax.random.normal(ks[5], (EDGE_DIM, HIDDEN), jnp.float32) * 0.3
    edge_b = jnp.zeros((HIDDEN,), jnp.float32)
    lin_W = jax.random.normal(ks[6], (LAYERS, HIDDEN, HEADS * OUT), jnp.float32) * 0.1
    lin_edge_W = jax.random.normal(ks[7], (LAYERS, HIDDEN, HEADS * OUT), jnp.float32) * 0.1
    att_src = jax.random.normal(ks[8], (LAYERS, HEADS, OUT), jnp.float32) * 0.1
    att_dst = jax.random.normal(ks[9], (LAYERS, HEADS, OUT), jnp.float32) * 0.1
    att_edge = jax.random.normal(ks[10], (LAYERS, HEADS, OUT), jnp.float32) * 0.1
    gat_bias = jnp.zeros((LAYERS, HIDDEN), jnp.float32)
    bn_gamma = jnp.ones((LAYERS, HIDDEN), jnp.float32)
    bn_beta = jnp.zeros((LAYERS, HIDDEN), jnp.float32)
    return {
        'x': x, 'edge_index': edge_index, 'edge_attr': edge_attr, 'batch': batch,
        'node_W': node_W, 'node_b': node_b, 'edge_W': edge_W, 'edge_b': edge_b,
        'lin_W': lin_W, 'lin_edge_W': lin_edge_W,
        'att_src': att_src, 'att_dst': att_dst, 'att_edge': att_edge,
        'gat_bias': gat_bias, 'bn_gamma': bn_gamma, 'bn_beta': bn_beta,
    }


def _forward(x, edge_attr, node_W, node_b, edge_W, edge_b, lin_W, lin_edge_W,
             att_src, att_dst, att_edge, gat_bias, bn_gamma, bn_beta,
             edge_index, batch):
    # node / edge embeddings
    h = x @ node_W + node_b
    ea = edge_attr @ edge_W + edge_b
    src = edge_index[0]
    dst = edge_index[1]
    # PyG GATConv default: add self-loops, self-loop edge_attr = mean of edge_attr
    loop = jnp.arange(N, dtype=src.dtype)
    src2 = jnp.concatenate([src, loop], axis=0)
    dst2 = jnp.concatenate([dst, loop], axis=0)
    ea2 = jnp.concatenate([ea, jnp.broadcast_to(ea.mean(axis=0), (N, HIDDEN))], axis=0)
    for l in range(LAYERS):
        xp = (h @ lin_W[l]).reshape(N, HEADS, OUT)
        ep = (ea2 @ lin_edge_W[l]).reshape(E + N, HEADS, OUT)
        a_src = (xp * att_src[l][None]).sum(-1)   # [N, HEADS]
        a_dst = (xp * att_dst[l][None]).sum(-1)   # [N, HEADS]
        a_edge = (ep * att_edge[l][None]).sum(-1)  # [E+N, HEADS]
        alpha = a_src[src2] + a_dst[dst2] + a_edge
        alpha = jax.nn.leaky_relu(alpha, 0.2)
        # softmax over incoming edges of each dst node
        amax = jax.ops.segment_max(alpha, dst2, num_segments=N)
        amax = jnp.where(jnp.isfinite(amax), amax, 0.0)
        ex = jnp.exp(alpha - amax[dst2])
        denom = jax.ops.segment_sum(ex, dst2, num_segments=N)
        attn = ex / (denom[dst2] + 1e-16)
        msg = xp[src2] * attn[:, :, None]
        out = jax.ops.segment_sum(msg, dst2, num_segments=N).reshape(N, HIDDEN) + gat_bias[l]
        # BatchNorm (training-mode batch statistics), then ReLU; dropout is identity in eval
        mu = out.mean(axis=0)
        var = out.var(axis=0)
        out = (out - mu) / jnp.sqrt(var + EPS) * bn_gamma[l] + bn_beta[l]
        h = jax.nn.relu(out)
    # global_mean_pool over graph ids
    sums = jax.ops.segment_sum(h, batch, num_segments=G)
    counts = jax.ops.segment_sum(jnp.ones((N,), jnp.float32), batch, num_segments=G)
    return sums / jnp.maximum(counts, 1.0)[:, None]


def reference(x, edge_index, edge_attr, batch, node_W, node_b, edge_W, edge_b,
              lin_W, lin_edge_W, att_src, att_dst, att_edge, gat_bias, bn_gamma, bn_beta):
    return _forward(x, edge_attr, node_W, node_b, edge_W, edge_b, lin_W, lin_edge_W,
                    att_src, att_dst, att_edge, gat_bias, bn_gamma, bn_beta,
                    edge_index, batch)

if __name__ == "__main__":
    import jax
    _d = setup_inputs()
    print(jax.jit(kernel)(*tuple(_d.values())))

</pallas_src>

<mosaic_0001>
#map = affine_map<(d0, d1) -> (0)>
#map1 = affine_map<(d0, d1) -> (0, 0)>
#map2 = affine_map<(d0, d1) -> (0, 0, 0)>
module attributes {stable_mosaic.version = 14 : i64} {
  func.func @k(%arg0: i32, %arg1: i32, %arg2: memref<800000xi32, #tpu.memory_space<hbm>>, %arg3: memref<800000xi32, #tpu.memory_space<hbm>>, %arg4: memref<800000x8xf32, #tpu.memory_space<hbm>>, %arg5: memref<2x50176x32xf32, #tpu.memory_space<hbm>>, %arg6: memref<2x50176x32xf32, #tpu.memory_space<hbm>>, %arg7: memref<50176x32xf32, #tpu.memory_space<vmem_shared>>, %arg8: memref<400xi32, #tpu.memory_space<vmem>>, %arg9: memref<400x8xf32, #tpu.memory_space<vmem>>, %arg10: memref<!tpu.dma_semaphore, #tpu.memory_space<semaphore_mem>>, %arg11: memref<400xi32, #tpu.memory_space<vmem>>, %arg12: memref<400x32xf32, #tpu.memory_space<vmem>>) attributes {dimension_semantics = [#tpu.dimension_semantics<core_parallel>, #tpu.dimension_semantics<subcore_parallel>], iteration_bounds = array<i64: 2, 16>, scalar_prefetch = 0 : i64, scratch_operands = 6 : i64, tpu.core_type = #tpu.core_type<sc_vector_subcore>, window_params = [{transform_indices = #map}, {transform_indices = #map}, {transform_indices = #map1}, {transform_indices = #map2}, {transform_indices = #map2}]} {
    %broadcast_in_dim3A = arith.constant 0.000000e+00 : f32
    %broadcast_in_dim3A_0 = vector.broadcast %broadcast_in_dim3A : f32 to vector<16xf32>
    %scan3A = arith.constant 0 : i32
    %scan3A_1 = arith.constant 0 : i32
    %scan3A_2 = arith.constant 400 : i32
    %scan3A_3 = arith.addi %scan3A_1, %scan3A_2 : i32
    %scan3A_4 = arith.constant 1 : i32
    %scan3A_5 = scf.for %scan3A_39 = %scan3A_1 to %scan3A_3 step %scan3A_4 iter_args(%scan3A_40 = %scan3A) -> (i32)  : i32 {
      %swap3A = arith.index_cast %scan3A_39 : i32 to index
      %swap3A_41 = arith.constant 0 : index
      %swap3A_42 = tpu.vector_load %arg12[%swap3A, %swap3A_41] {strides = array<i32>} : memref<400x32xf32, #tpu.memory_space<vmem>>, vector<16xf32>,
      tpu.vector_store %arg12[%swap3A, %swap3A_41], %broadcast_in_dim3A_0 {strides = array<i32>} : memref<400x32xf32, #tpu.memory_space<vmem>>, vector<16xf32>,
      %swap3A_43 = arith.index_cast %scan3A_39 : i32 to index
      %swap3A_44 = arith.constant 16 : index
      %swap3A_45 = tpu.vector_load %arg12[%swap3A_43, %swap3A_44] {strides = array<i32>} : memref<400x32xf32, #tpu.memory_space<vmem>>, vector<16xf32>,
      tpu.vector_store %arg12[%swap3A_43, %swap3A_44], %broadcast_in_dim3A_0 {strides = array<i32>} : memref<400x32xf32, #tpu.memory_space<vmem>>, vector<16xf32>,
      %scan3A_46 = arith.constant 0 : i32
      scf.yield %scan3A_46 : i32
    }
    %scan3A_6 = arith.constant 400 : i32
    %mul3A = arith.constant 3136 : i32
    %mul3A_7 = arith.muli %arg1, %mul3A : i32
    %add3A = arith.constant 0 : i32
    %add3A_8 = arith.addi %mul3A_7, %add3A : i32
    "tpu.region"() ({
      %run_scoped3A = tpu.sem_alloc : memref<!tpu.dma_semaphore, #tpu.memory_space<semaphore_mem>>
      %dma_start3A = arith.constant 0 : i32
      %dma_start3A_39 = arith.constant 0 : i32
      %dma_start3A_40 = tpu.memref_slice %arg12[%dma_start3A, %dma_start3A_39] : memref<400x32xf32, #tpu.memory_space<vmem>> -> memref<400x32xf32, #tpu.memory_space<vmem>>
      %dma_start3A_41 = arith.constant 0 : i32
      %dma_start3A_42 = tpu.memref_slice %arg7[%add3A_8, %dma_start3A_41] : memref<50176x32xf32, #tpu.memory_space<vmem_shared>> -> memref<400x32xf32, #tpu.memory_space<vmem_shared>>
      %dma_start3A_43 = arith.constant 0 : i32
      %dma_start3A_44 = tpu.memref_slice %arg7[%add3A_8, %dma_start3A_43] : memref<50176x32xf32, #tpu.memory_space<vmem_shared>> -> memref<400x32xf32, #tpu.memory_space<vmem_shared>>
      %dma_start3A_45 = arith.constant 0 : i32
      %dma_start3A_46 = arith.constant 0 : i32
      %dma_start3A_47 = tpu.memref_slice %arg12[%dma_start3A_45, %dma_start3A_46] : memref<400x32xf32, #tpu.memory_space<vmem>> -> memref<400x32xf32, #tpu.memory_space<vmem>>
      tpu.enqueue_dma source(%dma_start3A_47 : memref<400x32xf32, #tpu.memory_space<vmem>>) target(%dma_start3A_44 : memref<400x32xf32, #tpu.memory_space<vmem_shared>>) target_semaphore(%run_scoped3A : memref<!tpu.dma_semaphore, #tpu.memory_space<semaphore_mem>>)
      %dma_wait3A = arith.constant 0 : i32
      %dma_wait3A_48 = arith.constant 0 : i32
      %dma_wait3A_49 = tpu.memref_slice %arg12[%dma_wait3A, %dma_wait3A_48] : memref<400x32xf32, #tpu.memory_space<vmem>> -> memref<400x32xf32, #tpu.memory_space<vmem>>
      %dma_wait3A_50 = arith.constant 0 : i32
      %dma_wait3A_51 = tpu.memref_slice %arg7[%add3A_8, %dma_wait3A_50] : memref<50176x32xf32, #tpu.memory_space<vmem_shared>> -> memref<400x32xf32, #tpu.memory_space<vmem_shared>>
      %dma_wait3A_52 = arith.constant 0 : i32
      %dma_wait3A_53 = tpu.memref_slice %arg7[%add3A_8, %dma_wait3A_52] : memref<50176x32xf32, #tpu.memory_space<vmem_shared>> -> memref<400x32xf32, #tpu.memory_space<vmem_shared>>
      %dma_wait3A_54 = arith.constant 0 : i32
      %dma_wait3A_55 = arith.constant 0 : i32
      %dma_wait3A_56 = tpu.memref_slice %arg12[%dma_wait3A_54, %dma_wait3A_55] : memref<400x32xf32, #tpu.memory_space<vmem>> -> memref<400x32xf32, #tpu.memory_space<vmem>>
      tpu.wait_dma2 semaphore(%run_scoped3A : memref<!tpu.dma_semaphore, #tpu.memory_space<semaphore_mem>>) src(%dma_wait3A_56 : memref<400x32xf32, #tpu.memory_space<vmem>>) dst(%dma_wait3A_53 : memref<400x32xf32, #tpu.memory_space<vmem_shared>>)
      tpu.yield
    }) : () -> ()
    %add3A_9 = arith.constant 400 : i32
    %add3A_10 = arith.addi %mul3A_7, %add3A_9 : i32
    "tpu.region"() ({
      %run_scoped3A = tpu.sem_alloc : memref<!tpu.dma_semaphore, #tpu.memory_space<semaphore_mem>>
      %dma_start3A = arith.constant 0 : i32
      %dma_start3A_39 = arith.constant 0 : i32
      %dma_start3A_40 = tpu.memref_slice %arg12[%dma_start3A, %dma_start3A_39] : memref<400x32xf32, #tpu.memory_space<vmem>> -> memref<400x32xf32, #tpu.memory_space<vmem>>
      %dma_start3A_41 = arith.constant 0 : i32
      %dma_start3A_42 = tpu.memref_slice %arg7[%add3A_10, %dma_start3A_41] : memref<50176x32xf32, #tpu.memory_space<vmem_shared>> -> memref<400x32xf32, #tpu.memory_space<vmem_shared>>
      %dma_start3A_43 = arith.constant 0 : i32
      %dma_start3A_44 = tpu.memref_slice %arg7[%add3A_10, %dma_start3A_43] : memref<50176x32xf32, #tpu.memory_space<vmem_shared>> -> memref<400x32xf32, #tpu.memory_space<vmem_shared>>
      %dma_start3A_45 = arith.constant 0 : i32
      %dma_start3A_46 = arith.constant 0 : i32
      %dma_start3A_47 = tpu.memref_slice %arg12[%dma_start3A_45, %dma_start3A_46] : memref<400x32xf32, #tpu.memory_space<vmem>> -> memref<400x32xf32, #tpu.memory_space<vmem>>
      tpu.enqueue_dma source(%dma_start3A_47 : memref<400x32xf32, #tpu.memory_space<vmem>>) target(%dma_start3A_44 : memref<400x32xf32, #tpu.memory_space<vmem_shared>>) target_semaphore(%run_scoped3A : memref<!tpu.dma_semaphore, #tpu.memory_space<semaphore_mem>>)
      %dma_wait3A = arith.constant 0 : i32
      %dma_wait3A_48 = arith.constant 0 : i32
      %dma_wait3A_49 = tpu.memref_slice %arg12[%dma_wait3A, %dma_wait3A_48] : memref<400x32xf32, #tpu.memory_space<vmem>> -> memref<400x32xf32, #tpu.memory_space<vmem>>
      %dma_wait3A_50 = arith.constant 0 : i32
      %dma_wait3A_51 = tpu.memref_slice %arg7[%add3A_10, %dma_wait3A_50] : memref<50176x32xf32, #tpu.memory_space<vmem_shared>> -> memref<400x32xf32, #tpu.memory_space<vmem_shared>>
      %dma_wait3A_52 = arith.constant 0 : i32
      %dma_wait3A_53 = tpu.memref_slice %arg7[%add3A_10, %dma_wait3A_52] : memref<50176x32xf32, #tpu.memory_space<vmem_shared>> -> memref<400x32xf32, #tpu.memory_space<vmem_shared>>
      %dma_wait3A_54 = arith.constant 0 : i32
      %dma_wait3A_55 = arith.constant 0 : i32
      %dma_wait3A_56 = tpu.memref_slice %arg12[%dma_wait3A_54, %dma_wait3A_55] : memref<400x32xf32, #tpu.memory_space<vmem>> -> memref<400x32xf32, #tpu.memory_space<vmem>>
      tpu.wait_dma2 semaphore(%run_scoped3A : memref<!tpu.dma_semaphore, #tpu.memory_space<semaphore_mem>>) src(%dma_wait3A_56 : memref<400x32xf32, #tpu.memory_space<vmem>>) dst(%dma_wait3A_53 : memref<400x32xf32, #tpu.memory_space<vmem_shared>>)
      tpu.yield
    }) : () -> ()
    %add3A_11 = arith.constant 800 : i32
    %add3A_12 = arith.addi %mul3A_7, %add3A_11 : i32
    "tpu.region"() ({
      %run_scoped3A = tpu.sem_alloc : memref<!tpu.dma_semaphore, #tpu.memory_space<semaphore_mem>>
      %dma_start3A = arith.constant 0 : i32
      %dma_start3A_39 = arith.constant 0 : i32
      %dma_start3A_40 = tpu.memref_slice %arg12[%dma_start3A, %dma_start3A_39] : memref<400x32xf32, #tpu.memory_space<vmem>> -> memref<400x32xf32, #tpu.memory_space<vmem>>
      %dma_start3A_41 = arith.constant 0 : i32
      %dma_start3A_42 = tpu.memref_slice %arg7[%add3A_12, %dma_start3A_41] : memref<50176x32xf32, #tpu.memory_space<vmem_shared>> -> memref<400x32xf32, #tpu.memory_space<vmem_shared>>
      %dma_start3A_43 = arith.constant 0 : i32
      %dma_start3A_44 = tpu.memref_slice %arg7[%add3A_12, %dma_start3A_43] : memref<50176x32xf32, #tpu.memory_space<vmem_shared>> -> memref<400x32xf32, #tpu.memory_space<vmem_shared>>
      %dma_start3A_45 = arith.constant 0 : i32
      %dma_start3A_46 = arith.constant 0 : i32
      %dma_start3A_47 = tpu.memref_slice %arg12[%dma_start3A_45, %dma_start3A_46] : memref<400x32xf32, #tpu.memory_space<vmem>> -> memref<400x32xf32, #tpu.memory_space<vmem>>
      tpu.enqueue_dma source(%dma_start3A_47 : memref<400x32xf32, #tpu.memory_space<vmem>>) target(%dma_start3A_44 : memref<400x32xf32, #tpu.memory_space<vmem_shared>>) target_semaphore(%run_scoped3A : memref<!tpu.dma_semaphore, #tpu.memory_space<semaphore_mem>>)
      %dma_wait3A = arith.constant 0 : i32
      %dma_wait3A_48 = arith.constant 0 : i32
      %dma_wait3A_49 = tpu.memref_slice %arg12[%dma_wait3A, %dma_wait3A_48] : memref<400x32xf32, #tpu.memory_space<vmem>> -> memref<400x32xf32, #tpu.memory_space<vmem>>
      %dma_wait3A_50 = arith.constant 0 : i32
      %dma_wait3A_51 = tpu.memref_slice %arg7[%add3A_12, %dma_wait3A_50] : memref<50176x32xf32, #tpu.memory_space<vmem_shared>> -> memref<400x32xf32, #tpu.memory_space<vmem_shared>>
      %dma_wait3A_52 = arith.constant 0 : i32
      %dma_wait3A_53 = tpu.memref_slice %arg7[%add3A_12, %dma_wait3A_52] : memref<50176x32xf32, #tpu.memory_space<vmem_shared>> -> memref<400x32xf32, #tpu.memory_space<vmem_shared>>
      %dma_wait3A_54 = arith.constant 0 : i32
      %dma_wait3A_55 = arith.constant 0 : i32
      %dma_wait3A_56 = tpu.memref_slice %arg12[%dma_wait3A_54, %dma_wait3A_55] : memref<400x32xf32, #tpu.memory_space<vmem>> -> memref<400x32xf32, #tpu.memory_space<vmem>>
      tpu.wait_dma2 semaphore(%run_scoped3A : memref<!tpu.dma_semaphore, #tpu.memory_space<semaphore_mem>>) src(%dma_wait3A_56 : memref<400x32xf32, #tpu.memory_space<vmem>>) dst(%dma_wait3A_53 : memref<400x32xf32, #tpu.memory_space<vmem_shared>>)
      tpu.yield
    }) : () -> ()
    %add3A_13 = arith.constant 1200 : i32
    %add3A_14 = arith.addi %mul3A_7, %add3A_13 : i32
    "tpu.region"() ({
      %run_scoped3A = tpu.sem_alloc : memref<!tpu.dma_semaphore, #tpu.memory_space<semaphore_mem>>
      %dma_start3A = arith.constant 0 : i32
      %dma_start3A_39 = arith.constant 0 : i32
      %dma_start3A_40 = tpu.memref_slice %arg12[%dma_start3A, %dma_start3A_39] : memref<400x32xf32, #tpu.memory_space<vmem>> -> memref<400x32xf32, #tpu.memory_space<vmem>>
      %dma_start3A_41 = arith.constant 0 : i32
      %dma_start3A_42 = tpu.memref_slice %arg7[%add3A_14, %dma_start3A_41] : memref<50176x32xf32, #tpu.memory_space<vmem_shared>> -> memref<400x32xf32, #tpu.memory_space<vmem_shared>>
      %dma_start3A_43 = arith.constant 0 : i32
      %dma_start3A_44 = tpu.memref_slice %arg7[%add3A_14, %dma_start3A_43] : memref<50176x32xf32, #tpu.memory_space<vmem_shared>> -> memref<400x32xf32, #tpu.memory_space<vmem_shared>>
      %dma_start3A_45 = arith.constant 0 : i32
      %dma_start3A_46 = arith.constant 0 : i32
      %dma_start3A_47 = tpu.memref_slice %arg12[%dma_start3A_45, %dma_start3A_46] : memref<400x32xf32, #tpu.memory_space<vmem>> -> memref<400x32xf32, #tpu.memory_space<vmem>>
      tpu.enqueue_dma source(%dma_start3A_47 : memref<400x32xf32, #tpu.memory_space<vmem>>) target(%dma_start3A_44 : memref<400x32xf32, #tpu.memory_space<vmem_shared>>) target_semaphore(%run_scoped3A : memref<!tpu.dma_semaphore, #tpu.memory_space<semaphore_mem>>)
      %dma_wait3A = arith.constant 0 : i32
      %dma_wait3A_48 = arith.constant 0 : i32
      %dma_wait3A_49 = tpu.memref_slice %arg12[%dma_wait3A, %dma_wait3A_48] : memref<400x32xf32, #tpu.memory_space<vmem>> -> memref<400x32xf32, #tpu.memory_space<vmem>>
      %dma_wait3A_50 = arith.constant 0 : i32
      %dma_wait3A_51 = tpu.memref_slice %arg7[%add3A_14, %dma_wait3A_50] : memref<50176x32xf32, #tpu.memory_space<vmem_shared>> -> memref<400x32xf32, #tpu.memory_space<vmem_shared>>
      %dma_wait3A_52 = arith.constant 0 : i32
      %dma_wait3A_53 = tpu.memref_slice %arg7[%add3A_14, %dma_wait3A_52] : memref<50176x32xf32, #tpu.memory_space<vmem_shared>> -> memref<400x32xf32, #tpu.memory_space<vmem_shared>>
      %dma_wait3A_54 = arith.constant 0 : i32
      %dma_wait3A_55 = arith.constant 0 : i32
      %dma_wait3A_56 = tpu.memref_slice %arg12[%dma_wait3A_54, %dma_wait3A_55] : memref<400x32xf32, #tpu.memory_space<vmem>> -> memref<400x32xf32, #tpu.memory_space<vmem>>
      tpu.wait_dma2 semaphore(%run_scoped3A : memref<!tpu.dma_semaphore, #tpu.memory_space<semaphore_mem>>) src(%dma_wait3A_56 : memref<400x32xf32, #tpu.memory_space<vmem>>) dst(%dma_wait3A_53 : memref<400x32xf32, #tpu.memory_space<vmem_shared>>)
      tpu.yield
    }) : () -> ()
    %add3A_15 = arith.constant 1600 : i32
    %add3A_16 = arith.addi %mul3A_7, %add3A_15 : i32
    "tpu.region"() ({
      %run_scoped3A = tpu.sem_alloc : memref<!tpu.dma_semaphore, #tpu.memory_space<semaphore_mem>>
      %dma_start3A = arith.constant 0 : i32
      %dma_start3A_39 = arith.constant 0 : i32
      %dma_start3A_40 = tpu.memref_slice %arg12[%dma_start3A, %dma_start3A_39] : memref<400x32xf32, #tpu.memory_space<vmem>> -> memref<400x32xf32, #tpu.memory_space<vmem>>
      %dma_start3A_41 = arith.constant 0 : i32
      %dma_start3A_42 = tpu.memref_slice %arg7[%add3A_16, %dma_start3A_41] : memref<50176x32xf32, #tpu.memory_space<vmem_shared>> -> memref<400x32xf32, #tpu.memory_space<vmem_shared>>
      %dma_start3A_43 = arith.constant 0 : i32
      %dma_start3A_44 = tpu.memref_slice %arg7[%add3A_16, %dma_start3A_43] : memref<50176x32xf32, #tpu.memory_space<vmem_shared>> -> memref<400x32xf32, #tpu.memory_space<vmem_shared>>
      %dma_start3A_45 = arith.constant 0 : i32
      %dma_start3A_46 = arith.constant 0 : i32
      %dma_start3A_47 = tpu.memref_slice %arg12[%dma_start3A_45, %dma_start3A_46] : memref<400x32xf32, #tpu.memory_space<vmem>> -> memref<400x32xf32, #tpu.memory_space<vmem>>
      tpu.enqueue_dma source(%dma_start3A_47 : memref<400x32xf32, #tpu.memory_space<vmem>>) target(%dma_start3A_44 : memref<400x32xf32, #tpu.memory_space<vmem_shared>>) target_semaphore(%run_scoped3A : memref<!tpu.dma_semaphore, #tpu.memory_space<semaphore_mem>>)
      %dma_wait3A = arith.constant 0 : i32
      %dma_wait3A_48 = arith.constant 0 : i32
      %dma_wait3A_49 = tpu.memref_slice %arg12[%dma_wait3A, %dma_wait3A_48] : memref<400x32xf32, #tpu.memory_space<vmem>> -> memref<400x32xf32, #tpu.memory_space<vmem>>
      %dma_wait3A_50 = arith.constant 0 : i32
      %dma_wait3A_51 = tpu.memref_slice %arg7[%add3A_16, %dma_wait3A_50] : memref<50176x32xf32, #tpu.memory_space<vmem_shared>> -> memref<400x32xf32, #tpu.memory_space<vmem_shared>>
      %dma_wait3A_52 = arith.constant 0 : i32
      %dma_wait3A_53 = tpu.memref_slice %arg7[%add3A_16, %dma_wait3A_52] : memref<50176x32xf32, #tpu.memory_space<vmem_shared>> -> memref<400x32xf32, #tpu.memory_space<vmem_shared>>
      %dma_wait3A_54 = arith.constant 0 : i32
      %dma_wait3A_55 = arith.constant 0 : i32
      %dma_wait3A_56 = tpu.memref_slice %arg12[%dma_wait3A_54, %dma_wait3A_55] : memref<400x32xf32, #tpu.memory_space<vmem>> -> memref<400x32xf32, #tpu.memory_space<vmem>>
      tpu.wait_dma2 semaphore(%run_scoped3A : memref<!tpu.dma_semaphore, #tpu.memory_space<semaphore_mem>>) src(%dma_wait3A_56 : memref<400x32xf32, #tpu.memory_space<vmem>>) dst(%dma_wait3A_53 : memref<400x32xf32, #tpu.memory_space<vmem_shared>>)
      tpu.yield
    }) : () -> ()
    %add3A_17 = arith.constant 2000 : i32
    %add3A_18 = arith.addi %mul3A_7, %add3A_17 : i32
    "tpu.region"() ({
      %run_scoped3A = tpu.sem_alloc : memref<!tpu.dma_semaphore, #tpu.memory_space<semaphore_mem>>
      %dma_start3A = arith.constant 0 : i32
      %dma_start3A_39 = arith.constant 0 : i32
      %dma_start3A_40 = tpu.memref_slice %arg12[%dma_start3A, %dma_start3A_39] : memref<400x32xf32, #tpu.memory_space<vmem>> -> memref<400x32xf32, #tpu.memory_space<vmem>>
      %dma_start3A_41 = arith.constant 0 : i32
      %dma_start3A_42 = tpu.memref_slice %arg7[%add3A_18, %dma_start3A_41] : memref<50176x32xf32, #tpu.memory_space<vmem_shared>> -> memref<400x32xf32, #tpu.memory_space<vmem_shared>>
      %dma_start3A_43 = arith.constant 0 : i32
      %dma_start3A_44 = tpu.memref_slice %arg7[%add3A_18, %dma_start3A_43] : memref<50176x32xf32, #tpu.memory_space<vmem_shared>> -> memref<400x32xf32, #tpu.memory_space<vmem_shared>>
      %dma_start3A_45 = arith.constant 0 : i32
      %dma_start3A_46 = arith.constant 0 : i32
      %dma_start3A_47 = tpu.memref_slice %arg12[%dma_start3A_45, %dma_start3A_46] : memref<400x32xf32, #tpu.memory_space<vmem>> -> memref<400x32xf32, #tpu.memory_space<vmem>>
      tpu.enqueue_dma source(%dma_start3A_47 : memref<400x32xf32, #tpu.memory_space<vmem>>) target(%dma_start3A_44 : memref<400x32xf32, #tpu.memory_space<vmem_shared>>) target_semaphore(%run_scoped3A : memref<!tpu.dma_semaphore, #tpu.memory_space<semaphore_mem>>)
      %dma_wait3A = arith.constant 0 : i32
      %dma_wait3A_48 = arith.constant 0 : i32
      %dma_wait3A_49 = tpu.memref_slice %arg12[%dma_wait3A, %dma_wait3A_48] : memref<400x32xf32, #tpu.memory_space<vmem>> -> memref<400x32xf32, #tpu.memory_space<vmem>>
      %dma_wait3A_50 = arith.constant 0 : i32
      %dma_wait3A_51 = tpu.memref_slice %arg7[%add3A_18, %dma_wait3A_50] : memref<50176x32xf32, #tpu.memory_space<vmem_shared>> -> memref<400x32xf32, #tpu.memory_space<vmem_shared>>
      %dma_wait3A_52 = arith.constant 0 : i32
      %dma_wait3A_53 = tpu.memref_slice %arg7[%add3A_18, %dma_wait3A_52] : memref<50176x32xf32, #tpu.memory_space<vmem_shared>> -> memref<400x32xf32, #tpu.memory_space<vmem_shared>>
      %dma_wait3A_54 = arith.constant 0 : i32
      %dma_wait3A_55 = arith.constant 0 : i32
      %dma_wait3A_56 = tpu.memref_slice %arg12[%dma_wait3A_54, %dma_wait3A_55] : memref<400x32xf32, #tpu.memory_space<vmem>> -> memref<400x32xf32, #tpu.memory_space<vmem>>
      tpu.wait_dma2 semaphore(%run_scoped3A : memref<!tpu.dma_semaphore, #tpu.memory_space<semaphore_mem>>) src(%dma_wait3A_56 : memref<400x32xf32, #tpu.memory_space<vmem>>) dst(%dma_wait3A_53 : memref<400x32xf32, #tpu.memory_space<vmem_shared>>)
      tpu.yield
    }) : () -> ()
    %add3A_19 = arith.constant 2400 : i32
    %add3A_20 = arith.addi %mul3A_7, %add3A_19 : i32
    "tpu.region"() ({
      %run_scoped3A = tpu.sem_alloc : memref<!tpu.dma_semaphore, #tpu.memory_space<semaphore_mem>>
      %dma_start3A = arith.constant 0 : i32
      %dma_start3A_39 = arith.constant 0 : i32
      %dma_start3A_40 = tpu.memref_slice %arg12[%dma_start3A, %dma_start3A_39] : memref<400x32xf32, #tpu.memory_space<vmem>> -> memref<400x32xf32, #tpu.memory_space<vmem>>
      %dma_start3A_41 = arith.constant 0 : i32
      %dma_start3A_42 = tpu.memref_slice %arg7[%add3A_20, %dma_start3A_41] : memref<50176x32xf32, #tpu.memory_space<vmem_shared>> -> memref<400x32xf32, #tpu.memory_space<vmem_shared>>
      %dma_start3A_43 = arith.constant 0 : i32
      %dma_start3A_44 = tpu.memref_slice %arg7[%add3A_20, %dma_start3A_43] : memref<50176x32xf32, #tpu.memory_space<vmem_shared>> -> memref<400x32xf32, #tpu.memory_space<vmem_shared>>
      %dma_start3A_45 = arith.constant 0 : i32
      %dma_start3A_46 = arith.constant 0 : i32
      %dma_start3A_47 = tpu.memref_slice %arg12[%dma_start3A_45, %dma_start3A_46] : memref<400x32xf32, #tpu.memory_space<vmem>> -> memref<400x32xf32, #tpu.memory_space<vmem>>
      tpu.enqueue_dma source(%dma_start3A_47 : memref<400x32xf32, #tpu.memory_space<vmem>>) target(%dma_start3A_44 : memref<400x32xf32, #tpu.memory_space<vmem_shared>>) target_semaphore(%run_scoped3A : memref<!tpu.dma_semaphore, #tpu.memory_space<semaphore_mem>>)
      %dma_wait3A = arith.constant 0 : i32
      %dma_wait3A_48 = arith.constant 0 : i32
      %dma_wait3A_49 = tpu.memref_slice %arg12[%dma_wait3A, %dma_wait3A_48] : memref<400x32xf32, #tpu.memory_space<vmem>> -> memref<400x32xf32, #tpu.memory_space<vmem>>
      %dma_wait3A_50 = arith.constant 0 : i32
      %dma_wait3A_51 = tpu.memref_slice %arg7[%add3A_20, %dma_wait3A_50] : memref<50176x32xf32, #tpu.memory_space<vmem_shared>> -> memref<400x32xf32, #tpu.memory_space<vmem_shared>>
      %dma_wait3A_52 = arith.constant 0 : i32
      %dma_wait3A_53 = tpu.memref_slice %arg7[%add3A_20, %dma_wait3A_52] : memref<50176x32xf32, #tpu.memory_space<vmem_shared>> -> memref<400x32xf32, #tpu.memory_space<vmem_shared>>
      %dma_wait3A_54 = arith.constant 0 : i32
      %dma_wait3A_55 = arith.constant 0 : i32
      %dma_wait3A_56 = tpu.memref_slice %arg12[%dma_wait3A_54, %dma_wait3A_55] : memref<400x32xf32, #tpu.memory_space<vmem>> -> memref<400x32xf32, #tpu.memory_space<vmem>>
      tpu.wait_dma2 semaphore(%run_scoped3A : memref<!tpu.dma_semaphore, #tpu.memory_space<semaphore_mem>>) src(%dma_wait3A_56 : memref<400x32xf32, #tpu.memory_space<vmem>>) dst(%dma_wait3A_53 : memref<400x32xf32, #tpu.memory_space<vmem_shared>>)
      tpu.yield
    }) : () -> ()
    %add3A_21 = arith.constant 2800 : i32
    %add3A_22 = arith.addi %mul3A_7, %add3A_21 : i32
    "tpu.region"() ({
      %run_scoped3A = tpu.sem_alloc : memref<!tpu.dma_semaphore, #tpu.memory_space<semaphore_mem>>
      %dma_start3A = arith.constant 0 : i32
      %dma_start3A_39 = arith.constant 0 : i32
      %dma_start3A_40 = tpu.memref_slice %arg12[%dma_start3A, %dma_start3A_39] : memref<400x32xf32, #tpu.memory_space<vmem>> -> memref<336x32xf32, #tpu.memory_space<vmem>>
      %dma_start3A_41 = arith.constant 0 : i32
      %dma_start3A_42 = tpu.memref_slice %arg7[%add3A_22, %dma_start3A_41] : memref<50176x32xf32, #tpu.memory_space<vmem_shared>> -> memref<336x32xf32, #tpu.memory_space<vmem_shared>>
      %dma_start3A_43 = arith.constant 0 : i32
      %dma_start3A_44 = tpu.memref_slice %arg7[%add3A_22, %dma_start3A_43] : memref<50176x32xf32, #tpu.memory_space<vmem_shared>> -> memref<336x32xf32, #tpu.memory_space<vmem_shared>>
      %dma_start3A_45 = arith.constant 0 : i32
      %dma_start3A_46 = arith.constant 0 : i32
      %dma_start3A_47 = tpu.memref_slice %arg12[%dma_start3A_45, %dma_start3A_46] : memref<400x32xf32, #tpu.memory_space<vmem>> -> memref<336x32xf32, #tpu.memory_space<vmem>>
      tpu.enqueue_dma source(%dma_start3A_47 : memref<336x32xf32, #tpu.memory_space<vmem>>) target(%dma_start3A_44 : memref<336x32xf32, #tpu.memory_space<vmem_shared>>) target_semaphore(%run_scoped3A : memref<!tpu.dma_semaphore, #tpu.memory_space<semaphore_mem>>)
      %dma_wait3A = arith.constant 0 : i32
      %dma_wait3A_48 = arith.constant 0 : i32
      %dma_wait3A_49 = tpu.memref_slice %arg12[%dma_wait3A, %dma_wait3A_48] : memref<400x32xf32, #tpu.memory_space<vmem>> -> memref<336x32xf32, #tpu.memory_space<vmem>>
      %dma_wait3A_50 = arith.constant 0 : i32
      %dma_wait3A_51 = tpu.memref_slice %arg7[%add3A_22, %dma_wait3A_50] : memref<50176x32xf32, #tpu.memory_space<vmem_shared>> -> memref<336x32xf32, #tpu.memory_space<vmem_shared>>
      %dma_wait3A_52 = arith.constant 0 : i32
      %dma_wait3A_53 = tpu.memref_slice %arg7[%add3A_22, %dma_wait3A_52] : memref<50176x32xf32, #tpu.memory_space<vmem_shared>> -> memref<336x32xf32, #tpu.memory_space<vmem_shared>>
      %dma_wait3A_54 = arith.constant 0 : i32
      %dma_wait3A_55 = arith.constant 0 : i32
      %dma_wait3A_56 = tpu.memref_slice %arg12[%dma_wait3A_54, %dma_wait3A_55] : memref<400x32xf32, #tpu.memory_space<vmem>> -> memref<336x32xf32, #tpu.memory_space<vmem>>
      tpu.wait_dma2 semaphore(%run_scoped3A : memref<!tpu.dma_semaphore, #tpu.memory_space<semaphore_mem>>) src(%dma_wait3A_56 : memref<336x32xf32, #tpu.memory_space<vmem>>) dst(%dma_wait3A_53 : memref<336x32xf32, #tpu.memory_space<vmem_shared>>)
      tpu.yield
    }) : () -> ()
    %barrier3A = arith.constant 0 : index
    tpu.barrier barrier_id(%barrier3A)
    %mul3A_23 = arith.constant 2 : i32
    %mul3A_24 = arith.muli %mul3A_23, %arg0 : i32
    %broadcast_in_dim3A_25 = vector.broadcast %mul3A_24 : i32 to vector<16xi32>
    %mul3A_26 = arith.constant 2 : i32
    %mul3A_27 = arith.muli %mul3A_26, %arg0 : i32
    %add3A_28 = arith.constant 1 : i32
    %add3A_29 = arith.addi %mul3A_27, %add3A_28 : i32
    %broadcast_in_dim3A_30 = vector.broadcast %add3A_29 : i32 to vector<16xi32>
    %scan3A_31 = arith.constant 0 : i32
    %scan3A_32 = arith.constant 0 : i32
    %scan3A_33 = arith.constant 125 : i32
    %scan3A_34 = arith.addi %scan3A_32, %scan3A_33 : i32
    %scan3A_35 = arith.constant 1 : i32
    %scan3A_36 = scf.for %scan3A_39 = %scan3A_32 to %scan3A_34 step %scan3A_35 iter_args(%scan3A_40 = %scan3A_31) -> (i32)  : i32 {
      %mul3A_41 = arith.constant 125 : i32
      %mul3A_42 = arith.muli %arg1, %mul3A_41 : i32
      %add3A_43 = arith.addi %mul3A_42, %scan3A_39 : i32
      %mul3A_44 = arith.constant 400 : i32
      %mul3A_45 = arith.muli %add3A_43, %mul3A_44 : i32
      "tpu.region"() ({
        %run_scoped3A = tpu.sem_alloc : memref<!tpu.dma_semaphore, #tpu.memory_space<semaphore_mem>>
        %dma_start3A_66 = tpu.memref_slice %arg2[%mul3A_45] : memref<800000xi32, #tpu.memory_space<hbm>> -> memref<400xi32, #tpu.memory_space<hbm>>
        %dma_start3A_67 = tpu.memref_slice %arg2[%mul3A_45] : memref<800000xi32, #tpu.memory_space<hbm>> -> memref<400xi32, #tpu.memory_space<hbm>>
        tpu.enqueue_dma source(%dma_start3A_67 : memref<400xi32, #tpu.memory_space<hbm>>) target(%arg11 : memref<400xi32, #tpu.memory_space<vmem>>) target_semaphore(%run_scoped3A : memref<!tpu.dma_semaphore, #tpu.memory_space<semaphore_mem>>)
        %dma_wait3A_68 = tpu.memref_slice %arg2[%mul3A_45] : memref<800000xi32, #tpu.memory_space<hbm>> -> memref<400xi32, #tpu.memory_space<hbm>>
        %dma_wait3A_69 = tpu.memref_slice %arg2[%mul3A_45] : memref<800000xi32, #tpu.memory_space<hbm>> -> memref<400xi32, #tpu.memory_space<hbm>>
        tpu.wait_dma2 semaphore(%run_scoped3A : memref<!tpu.dma_semaphore, #tpu.memory_space<semaphore_mem>>) src(%dma_wait3A_69 : memref<400xi32, #tpu.memory_space<hbm>>) dst(%arg11 : memref<400xi32, #tpu.memory_space<vmem>>)
        tpu.yield
      }) : () -> ()
      "tpu.region"() ({
        %run_scoped3A = tpu.sem_alloc : memref<!tpu.dma_semaphore, #tpu.memory_space<semaphore_mem>>
        %dma_start3A_66 = tpu.memref_slice %arg3[%mul3A_45] : memref<800000xi32, #tpu.memory_space<hbm>> -> memref<400xi32, #tpu.memory_space<hbm>>
        %dma_start3A_67 = tpu.memref_slice %arg3[%mul3A_45] : memref<800000xi32, #tpu.memory_space<hbm>> -> memref<400xi32, #tpu.memory_space<hbm>>
        tpu.enqueue_dma source(%dma_start3A_67 : memref<400xi32, #tpu.memory_space<hbm>>) target(%arg8 : memref<400xi32, #tpu.memory_space<vmem>>) target_semaphore(%run_scoped3A : memref<!tpu.dma_semaphore, #tpu.memory_space<semaphore_mem>>)
        %dma_wait3A_68 = tpu.memref_slice %arg3[%mul3A_45] : memref<800000xi32, #tpu.memory_space<hbm>> -> memref<400xi32, #tpu.memory_space<hbm>>
        %dma_wait3A_69 = tpu.memref_slice %arg3[%mul3A_45] : memref<800000xi32, #tpu.memory_space<hbm>> -> memref<400xi32, #tpu.memory_space<hbm>>
        tpu.wait_dma2 semaphore(%run_scoped3A : memref<!tpu.dma_semaphore, #tpu.memory_space<semaphore_mem>>) src(%dma_wait3A_69 : memref<400xi32, #tpu.memory_space<hbm>>) dst(%arg8 : memref<400xi32, #tpu.memory_space<vmem>>)
        tpu.yield
      }) : () -> ()
      "tpu.region"() ({
        %run_scoped3A = tpu.sem_alloc : memref<!tpu.dma_semaphore, #tpu.memory_space<semaphore_mem>>
        %dma_start3A_66 = arith.constant 0 : i32
        %dma_start3A_67 = tpu.memref_slice %arg4[%mul3A_45, %dma_start3A_66] : memref<800000x8xf32, #tpu.memory_space<hbm>> -> memref<400x8xf32, #tpu.memory_space<hbm>>
        %dma_start3A_68 = arith.constant 0 : i32
        %dma_start3A_69 = tpu.memref_slice %arg4[%mul3A_45, %dma_start3A_68] : memref<800000x8xf32, #tpu.memory_space<hbm>> -> memref<400x8xf32, #tpu.memory_space<hbm>>
        tpu.enqueue_dma source(%dma_start3A_69 : memref<400x8xf32, #tpu.memory_space<hbm>>) target(%arg9 : memref<400x8xf32, #tpu.memory_space<vmem>>) target_semaphore(%run_scoped3A : memref<!tpu.dma_semaphore, #tpu.memory_space<semaphore_mem>>)
        %dma_wait3A_70 = arith.constant 0 : i32
        %dma_wait3A_71 = tpu.memref_slice %arg4[%mul3A_45, %dma_wait3A_70] : memref<800000x8xf32, #tpu.memory_space<hbm>> -> memref<400x8xf32, #tpu.memory_space<hbm>>
        %dma_wait3A_72 = arith.constant 0 : i32
        %dma_wait3A_73 = tpu.memref_slice %arg4[%mul3A_45, %dma_wait3A_72] : memref<800000x8xf32, #tpu.memory_space<hbm>> -> memref<400x8xf32, #tpu.memory_space<hbm>>
        tpu.wait_dma2 semaphore(%run_scoped3A : memref<!tpu.dma_semaphore, #tpu.memory_space<semaphore_mem>>) src(%dma_wait3A_73 : memref<400x8xf32, #tpu.memory_space<hbm>>) dst(%arg9 : memref<400x8xf32, #tpu.memory_space<vmem>>)
        tpu.yield
      }) : () -> ()
      %dma_start3A = arith.constant 0 : i32
      %dma_start3A_46 = arith.constant 0 : i32
      %dma_start3A_47 = tpu.memref_slice %arg5[%arg0, %dma_start3A, %dma_start3A_46] : memref<2x50176x32xf32, #tpu.memory_space<hbm>> -> memref<1x50176x32xf32, #tpu.memory_space<hbm>>
      %dma_start3A_48 = tpu.memref_squeeze %dma_start3A_47 : memref<1x50176x32xf32, #tpu.memory_space<hbm>> -> memref<50176x32xf32, #tpu.memory_space<hbm>>
      %dma_start3A_49 = arith.constant 0 : i32
      %dma_start3A_50 = arith.constant 0 : i32
      %dma_start3A_51 = tpu.memref_slice %dma_start3A_48[%dma_start3A_49, %dma_start3A_50] : memref<50176x32xf32, #tpu.memory_space<hbm>> -> memref<50176x32xf32, #tpu.memory_space<hbm>>
      tpu.enqueue_indirect_dma source(%dma_start3A_51 : memref<50176x32xf32, #tpu.memory_space<hbm>>) target(%arg12 : memref<400x32xf32, #tpu.memory_space<vmem>>) offsets(%arg11 : memref<400xi32, #tpu.memory_space<vmem>>) semaphore(%arg10 : memref<!tpu.dma_semaphore, #tpu.memory_space<semaphore_mem>>)
      %dma_wait3A = arith.constant 0 : i32
      %dma_wait3A_52 = arith.constant 0 : i32
      %dma_wait3A_53 = tpu.memref_slice %arg5[%arg0, %dma_wait3A, %dma_wait3A_52] : memref<2x50176x32xf32, #tpu.memory_space<hbm>> -> memref<1x50176x32xf32, #tpu.memory_space<hbm>>
      %dma_wait3A_54 = tpu.memref_squeeze %dma_wait3A_53 : memref<1x50176x32xf32, #tpu.memory_space<hbm>> -> memref<50176x32xf32, #tpu.memory_space<hbm>>
      %dma_wait3A_55 = arith.constant 0 : i32
      %dma_wait3A_56 = arith.constant 0 : i32
      %dma_wait3A_57 = tpu.memref_slice %dma_wait3A_54[%dma_wait3A_55, %dma_wait3A_56] : memref<50176x32xf32, #tpu.memory_space<hbm>> -> memref<50176x32xf32, #tpu.memory_space<hbm>>
      tpu.wait_indirect_dma semaphore(%arg10 : memref<!tpu.dma_semaphore, #tpu.memory_space<semaphore_mem>>) src(%dma_wait3A_57 : memref<50176x32xf32, #tpu.memory_space<hbm>>) dst(%arg12 : memref<400x32xf32, #tpu.memory_space<vmem>>)
      %scan3A_58 = arith.constant 0 : i32
      %scan3A_59 = arith.constant 0 : i32
      %scan3A_60 = arith.constant 50 : i32
      %scan3A_61 = arith.addi %scan3A_59, %scan3A_60 : i32
      %scan3A_62 = arith.constant 1 : i32
      %scan3A_63 = scf.for %scan3A_66 = %scan3A_59 to %scan3A_61 step %scan3A_62 iter_args(%scan3A_67 = %scan3A_58) -> (i32)  : i32 {
        %mul3A_68 = arith.constant 8 : i32
        %mul3A_69 = arith.muli %mul3A_68, %scan3A_66 : i32
        %add3A_70 = arith.constant 0 : i32
        %add3A_71 = arith.addi %mul3A_69, %add3A_70 : i32
        %broadcast_in_dim3A_72 = vector.broadcast %add3A_71 : i32 to vector<16xi32>
        %gather3A = tpu.vector_load_idx %arg9[%broadcast_in_dim3A_72, %broadcast_in_dim3A_25] : memref<400x8xf32, #tpu.memory_space<vmem>>[vector<16xi32>, vector<16xi32>], vector<16xf32>,
        %gather3A_73 = tpu.vector_load_idx %arg9[%broadcast_in_dim3A_72, %broadcast_in_dim3A_30] : memref<400x8xf32, #tpu.memory_space<vmem>>[vector<16xi32>, vector<16xi32>], vector<16xf32>,
        %get3A = arith.index_cast %add3A_71 : i32 to index
        %get3A_74 = arith.constant 0 : index
        %get3A_75 = tpu.vector_load %arg12[%get3A, %get3A_74] {strides = array<i32>} : memref<400x32xf32, #tpu.memory_space<vmem>>, vector<16xf32>,
        %mul3A_76 = arith.mulf %get3A_75, %gather3A : vector<16xf32>
        %swap3A = arith.index_cast %add3A_71 : i32 to index
        %swap3A_77 = arith.constant 0 : index
        %swap3A_78 = tpu.vector_load %arg12[%swap3A, %swap3A_77] {strides = array<i32>} : memref<400x32xf32, #tpu.memory_space<vmem>>, vector<16xf32>,
        tpu.vector_store %arg12[%swap3A, %swap3A_77], %mul3A_76 {strides = array<i32>} : memref<400x32xf32, #tpu.memory_space<vmem>>, vector<16xf32>,
        %get3A_79 = arith.index_cast %add3A_71 : i32 to index
        %get3A_80 = arith.constant 16 : index
        %get3A_81 = tpu.vector_load %arg12[%get3A_79, %get3A_80] {strides = array<i32>} : memref<400x32xf32, #tpu.memory_space<vmem>>, vector<16xf32>,
        %mul3A_82 = arith.mulf %get3A_81, %gather3A_73 : vector<16xf32>
        %swap3A_83 = arith.index_cast %add3A_71 : i32 to index
        %swap3A_84 = arith.constant 16 : index
        %swap3A_85 = tpu.vector_load %arg12[%swap3A_83, %swap3A_84] {strides = array<i32>} : memref<400x32xf32, #tpu.memory_space<vmem>>, vector<16xf32>,
        tpu.vector_store %arg12[%swap3A_83, %swap3A_84], %mul3A_82 {strides = array<i32>} : memref<400x32xf32, #tpu.memory_space<vmem>>, vector<16xf32>,
        %add3A_86 = arith.constant 1 : i32
        %add3A_87 = arith.addi %mul3A_69, %add3A_86 : i32
        %broadcast_in_dim3A_88 = vector.broadcast %add3A_87 : i32 to vector<16xi32>
        %gather3A_89 = tpu.vector_load_idx %arg9[%broadcast_in_dim3A_88, %broadcast_in_dim3A_25] : memref<400x8xf32, #tpu.memory_space<vmem>>[vector<16xi32>, vector<16xi32>], vector<16xf32>,
        %gather3A_90 = tpu.vector_load_idx %arg9[%broadcast_in_dim3A_88, %broadcast_in_dim3A_30] : memref<400x8xf32, #tpu.memory_space<vmem>>[vector<16xi32>, vector<16xi32>], vector<16xf32>,
        %get3A_91 = arith.index_cast %add3A_87 : i32 to index
        %get3A_92 = arith.constant 0 : index
        %get3A_93 = tpu.vector_load %arg12[%get3A_91, %get3A_92] {strides = array<i32>} : memref<400x32xf32, #tpu.memory_space<vmem>>, vector<16xf32>,
        %mul3A_94 = arith.mulf %get3A_93, %gather3A_89 : vector<16xf32>
        %swap3A_95 = arith.index_cast %add3A_87 : i32 to index
        %swap3A_96 = arith.constant 0 : index
        %swap3A_97 = tpu.vector_load %arg12[%swap3A_95, %swap3A_96] {strides = array<i32>} : memref<400x32xf32, #tpu.memory_space<vmem>>, vector<16xf32>,
        tpu.vector_store %arg12[%swap3A_95, %swap3A_96], %mul3A_94 {strides = array<i32>} : memref<400x32xf32, #tpu.memory_space<vmem>>, vector<16xf32>,
        %get3A_98 = arith.index_cast %add3A_87 : i32 to index
        %get3A_99 = arith.constant 16 : index
        %get3A_100 = tpu.vector_load %arg12[%get3A_98, %get3A_99] {strides = array<i32>} : memref<400x32xf32, #tpu.memory_space<vmem>>, vector<16xf32>,
        %mul3A_101 = arith.mulf %get3A_100, %gather3A_90 : vector<16xf32>
        %swap3A_102 = arith.index_cast %add3A_87 : i32 to index
        %swap3A_103 = arith.constant 16 : index
        %swap3A_104 = tpu.vector_load %arg12[%swap3A_102, %swap3A_103] {strides = array<i32>} : memref<400x32xf32, #tpu.memory_space<vmem>>, vector<16xf32>,
        tpu.vector_store %arg12[%swap3A_102, %swap3A_103], %mul3A_101 {strides = array<i32>} : memref<400x32xf32, #tpu.memory_space<vmem>>, vector<16xf32>,
        %add3A_105 = arith.constant 2 : i32
        %add3A_106 = arith.addi %mul3A_69, %add3A_105 : i32
        %broadcast_in_dim3A_107 = vector.broadcast %add3A_106 : i32 to vector<16xi32>
        %gather3A_108 = tpu.vector_load_idx %arg9[%broadcast_in_dim3A_107, %broadcast_in_dim3A_25] : memref<400x8xf32, #tpu.memory_space<vmem>>[vector<16xi32>, vector<16xi32>], vector<16xf32>,
        %gather3A_109 = tpu.vector_load_idx %arg9[%broadcast_in_dim3A_107, %broadcast_in_dim3A_30] : memref<400x8xf32, #tpu.memory_space<vmem>>[vector<16xi32>, vector<16xi32>], vector<16xf32>,
        %get3A_110 = arith.index_cast %add3A_106 : i32 to index
        %get3A_111 = arith.constant 0 : index
        %get3A_112 = tpu.vector_load %arg12[%get3A_110, %get3A_111] {strides = array<i32>} : memref<400x32xf32, #tpu.memory_space<vmem>>, vector<16xf32>,
        %mul3A_113 = arith.mulf %get3A_112, %gather3A_108 : vector<16xf32>
        %swap3A_114 = arith.index_cast %add3A_106 : i32 to index
        %swap3A_115 = arith.constant 0 : index
        %swap3A_116 = tpu.vector_load %arg12[%swap3A_114, %swap3A_115] {strides = array<i32>} : memref<400x32xf32, #tpu.memory_space<vmem>>, vector<16xf32>,
        tpu.vector_store %arg12[%swap3A_114, %swap3A_115], %mul3A_113 {strides = array<i32>} : memref<400x32xf32, #tpu.memory_space<vmem>>, vector<16xf32>,
        %get3A_117 = arith.index_cast %add3A_106 : i32 to index
        %get3A_118 = arith.constant 16 : index
        %get3A_119 = tpu.vector_load %arg12[%get3A_117, %get3A_118] {strides = array<i32>} : memref<400x32xf32, #tpu.memory_space<vmem>>, vector<16xf32>,
        %mul3A_120 = arith.mulf %get3A_119, %gather3A_109 : vector<16xf32>
        %swap3A_121 = arith.index_cast %add3A_106 : i32 to index
        %swap3A_122 = arith.constant 16 : index
        %swap3A_123 = tpu.vector_load %arg12[%swap3A_121, %swap3A_122] {strides = array<i32>} : memref<400x32xf32, #tpu.memory_space<vmem>>, vector<16xf32>,
        tpu.vector_store %arg12[%swap3A_121, %swap3A_122], %mul3A_120 {strides = array<i32>} : memref<400x32xf32, #tpu.memory_space<vmem>>, vector<16xf32>,
        %add3A_124 = arith.constant 3 : i32
        %add3A_125 = arith.addi %mul3A_69, %add3A_124 : i32
        %broadcast_in_dim3A_126 = vector.broadcast %add3A_125 : i32 to vector<16xi32>
        %gather3A_127 = tpu.vector_load_idx %arg9[%broadcast_in_dim3A_126, %broadcast_in_dim3A_25] : memref<400x8xf32, #tpu.memory_space<vmem>>[vector<16xi32>, vector<16xi32>], vector<16xf32>,
        %gather3A_128 = tpu.vector_load_idx %arg9[%broadcast_in_dim3A_126, %broadcast_in_dim3A_30] : memref<400x8xf32, #tpu.memory_space<vmem>>[vector<16xi32>, vector<16xi32>], vector<16xf32>,
        %get3A_129 = arith.index_cast %add3A_125 : i32 to index
        %get3A_130 = arith.constant 0 : index
        %get3A_131 = tpu.vector_load %arg12[%get3A_129, %get3A_130] {strides = array<i32>} : memref<400x32xf32, #tpu.memory_space<vmem>>, vector<16xf32>,
        %mul3A_132 = arith.mulf %get3A_131, %gather3A_127 : vector<16xf32>
        %swap3A_133 = arith.index_cast %add3A_125 : i32 to index
        %swap3A_134 = arith.constant 0 : index
        %swap3A_135 = tpu.vector_load %arg12[%swap3A_133, %swap3A_134] {strides = array<i32>} : memref<400x32xf32, #tpu.memory_space<vmem>>, vector<16xf32>,
        tpu.vector_store %arg12[%swap3A_133, %swap3A_134], %mul3A_132 {strides = array<i32>} : memref<400x32xf32, #tpu.memory_space<vmem>>, vector<16xf32>,
        %get3A_136 = arith.index_cast %add3A_125 : i32 to index
        %get3A_137 = arith.constant 16 : index
        %get3A_138 = tpu.vector_load %arg12[%get3A_136, %get3A_137] {strides = array<i32>} : memref<400x32xf32, #tpu.memory_space<vmem>>, vector<16xf32>,
        %mul3A_139 = arith.mulf %get3A_138, %gather3A_128 : vector<16xf32>
        %swap3A_140 = arith.index_cast %add3A_125 : i32 to index
        %swap3A_141 = arith.constant 16 : index
        %swap3A_142 = tpu.vector_load %arg12[%swap3A_140, %swap3A_141] {strides = array<i32>} : memref<400x32xf32, #tpu.memory_space<vmem>>, vector<16xf32>,
        tpu.vector_store %arg12[%swap3A_140, %swap3A_141], %mul3A_139 {strides = array<i32>} : memref<400x32xf32, #tpu.memory_space<vmem>>, vector<16xf32>,
        %add3A_143 = arith.constant 4 : i32
        %add3A_144 = arith.addi %mul3A_69, %add3A_143 : i32
        %broadcast_in_dim3A_145 = vector.broadcast %add3A_144 : i32 to vector<16xi32>
        %gather3A_146 = tpu.vector_load_idx %arg9[%broadcast_in_dim3A_145, %broadcast_in_dim3A_25] : memref<400x8xf32, #tpu.memory_space<vmem>>[vector<16xi32>, vector<16xi32>], vector<16xf32>,
        %gather3A_147 = tpu.vector_load_idx %arg9[%broadcast_in_dim3A_145, %broadcast_in_dim3A_30] : memref<400x8xf32, #tpu.memory_space<vmem>>[vector<16xi32>, vector<16xi32>], vector<16xf32>,
        %get3A_148 = arith.index_cast %add3A_144 : i32 to index
        %get3A_149 = arith.constant 0 : index
        %get3A_150 = tpu.vector_load %arg12[%get3A_148, %get3A_149] {strides = array<i32>} : memref<400x32xf32, #tpu.memory_space<vmem>>, vector<16xf32>,
        %mul3A_151 = arith.mulf %get3A_150, %gather3A_146 : vector<16xf32>
        %swap3A_152 = arith.index_cast %add3A_144 : i32 to index
        %swap3A_153 = arith.constant 0 : index
        %swap3A_154 = tpu.vector_load %arg12[%swap3A_152, %swap3A_153] {strides = array<i32>} : memref<400x32xf32, #tpu.memory_space<vmem>>, vector<16xf32>,
        tpu.vector_store %arg12[%swap3A_152, %swap3A_153], %mul3A_151 {strides = array<i32>} : memref<400x32xf32, #tpu.memory_space<vmem>>, vector<16xf32>,
        %get3A_155 = arith.index_cast %add3A_144 : i32 to index
        %get3A_156 = arith.constant 16 : index
        %get3A_157 = tpu.vector_load %arg12[%get3A_155, %get3A_156] {strides = array<i32>} : memref<400x32xf32, #tpu.memory_space<vmem>>, vector<16xf32>,
        %mul3A_158 = arith.mulf %get3A_157, %gather3A_147 : vector<16xf32>
        %swap3A_159 = arith.index_cast %add3A_144 : i32 to index
        %swap3A_160 = arith.constant 16 : index
        %swap3A_161 = tpu.vector_load %arg12[%swap3A_159, %swap3A_160] {strides = array<i32>} : memref<400x32xf32, #tpu.memory_space<vmem>>, vector<16xf32>,
        tpu.vector_store %arg12[%swap3A_159, %swap3A_160], %mul3A_158 {strides = array<i32>} : memref<400x32xf32, #tpu.memory_space<vmem>>, vector<16xf32>,
        %add3A_162 = arith.constant 5 : i32
        %add3A_163 = arith.addi %mul3A_69, %add3A_162 : i32
        %broadcast_in_dim3A_164 = vector.broadcast %add3A_163 : i32 to vector<16xi32>
        %gather3A_165 = tpu.vector_load_idx %arg9[%broadcast_in_dim3A_164, %broadcast_in_dim3A_25] : memref<400x8xf32, #tpu.memory_space<vmem>>[vector<16xi32>, vector<16xi32>], vector<16xf32>,
        %gather3A_166 = tpu.vector_load_idx %arg9[%broadcast_in_dim3A_164, %broadcast_in_dim3A_30] : memref<400x8xf32, #tpu.memory_space<vmem>>[vector<16xi32>, vector<16xi32>], vector<16xf32>,
        %get3A_167 = arith.index_cast %add3A_163 : i32 to index
        %get3A_168 = arith.constant 0 : index
        %get3A_169 = tpu.vector_load %arg12[%get3A_167, %get3A_168] {strides = array<i32>} : memref<400x32xf32, #tpu.memory_space<vmem>>, vector<16xf32>,
        %mul3A_170 = arith.mulf %get3A_169, %gather3A_165 : vector<16xf32>
        %swap3A_171 = arith.index_cast %add3A_163 : i32 to index
        %swap3A_172 = arith.constant 0 : index
        %swap3A_173 = tpu.vector_load %arg12[%swap3A_171, %swap3A_172] {strides = array<i32>} : memref<400x32xf32, #tpu.memory_space<vmem>>, vector<16xf32>,
        tpu.vector_store %arg12[%swap3A_171, %swap3A_172], %mul3A_170 {strides = array<i32>} : memref<400x32xf32, #tpu.memory_space<vmem>>, vector<16xf32>,
        %get3A_174 = arith.index_cast %add3A_163 : i32 to index
        %get3A_175 = arith.constant 16 : index
        %get3A_176 = tpu.vector_load %arg12[%get3A_174, %get3A_175] {strides = array<i32>} : memref<400x32xf32, #tpu.memory_space<vmem>>, vector<16xf32>,
        %mul3A_177 = arith.mulf %get3A_176, %gather3A_166 : vector<16xf32>
        %swap3A_178 = arith.index_cast %add3A_163 : i32 to index
        %swap3A_179 = arith.constant 16 : index
        %swap3A_180 = tpu.vector_load %arg12[%swap3A_178, %swap3A_179] {strides = array<i32>} : memref<400x32xf32, #tpu.memory_space<vmem>>, vector<16xf32>,
        tpu.vector_store %arg12[%swap3A_178, %swap3A_179], %mul3A_177 {strides = array<i32>} : memref<400x32xf32, #tpu.memory_space<vmem>>, vector<16xf32>,
        %add3A_181 = arith.constant 6 : i32
        %add3A_182 = arith.addi %mul3A_69, %add3A_181 : i32
        %broadcast_in_dim3A_183 = vector.broadcast %add3A_182 : i32 to vector<16xi32>
        %gather3A_184 = tpu.vector_load_idx %arg9[%broadcast_in_dim3A_183, %broadcast_in_dim3A_25] : memref<400x8xf32, #tpu.memory_space<vmem>>[vector<16xi32>, vector<16xi32>], vector<16xf32>,
        %gather3A_185 = tpu.vector_load_idx %arg9[%broadcast_in_dim3A_183, %broadcast_in_dim3A_30] : memref<400x8xf32, #tpu.memory_space<vmem>>[vector<16xi32>, vector<16xi32>], vector<16xf32>,
        %get3A_186 = arith.index_cast %add3A_182 : i32 to index
        %get3A_187 = arith.constant 0 : index
        %get3A_188 = tpu.vector_load %arg12[%get3A_186, %get3A_187] {strides = array<i32>} : memref<400x32xf32, #tpu.memory_space<vmem>>, vector<16xf32>,
        %mul3A_189 = arith.mulf %get3A_188, %gather3A_184 : vector<16xf32>
        %swap3A_190 = arith.index_cast %add3A_182 : i32 to index
        %swap3A_191 = arith.constant 0 : index
        %swap3A_192 = tpu.vector_load %arg12[%swap3A_190, %swap3A_191] {strides = array<i32>} : memref<400x32xf32, #tpu.memory_space<vmem>>, vector<16xf32>,
        tpu.vector_store %arg12[%swap3A_190, %swap3A_191], %mul3A_189 {strides = array<i32>} : memref<400x32xf32, #tpu.memory_space<vmem>>, vector<16xf32>,
        %get3A_193 = arith.index_cast %add3A_182 : i32 to index
        %get3A_194 = arith.constant 16 : index
        %get3A_195 = tpu.vector_load %arg12[%get3A_193, %get3A_194] {strides = array<i32>} : memref<400x32xf32, #tpu.memory_space<vmem>>, vector<16xf32>,
        %mul3A_196 = arith.mulf %get3A_195, %gather3A_185 : vector<16xf32>
        %swap3A_197 = arith.index_cast %add3A_182 : i32 to index
        %swap3A_198 = arith.constant 16 : index
        %swap3A_199 = tpu.vector_load %arg12[%swap3A_197, %swap3A_198] {strides = array<i32>} : memref<400x32xf32, #tpu.memory_space<vmem>>, vector<16xf32>,
        tpu.vector_store %arg12[%swap3A_197, %swap3A_198], %mul3A_196 {strides = array<i32>} : memref<400x32xf32, #tpu.memory_space<vmem>>, vector<16xf32>,
        %add3A_200 = arith.constant 7 : i32
        %add3A_201 = arith.addi %mul3A_69, %add3A_200 : i32
        %broadcast_in_dim3A_202 = vector.broadcast %add3A_201 : i32 to vector<16xi32>
        %gather3A_203 = tpu.vector_load_idx %arg9[%broadcast_in_dim3A_202, %broadcast_in_dim3A_25] : memref<400x8xf32, #tpu.memory_space<vmem>>[vector<16xi32>, vector<16xi32>], vector<16xf32>,
        %gather3A_204 = tpu.vector_load_idx %arg9[%broadcast_in_dim3A_202, %broadcast_in_dim3A_30] : memref<400x8xf32, #tpu.memory_space<vmem>>[vector<16xi32>, vector<16xi32>], vector<16xf32>,
        %get3A_205 = arith.index_cast %add3A_201 : i32 to index
        %get3A_206 = arith.constant 0 : index
        %get3A_207 = tpu.vector_load %arg12[%get3A_205, %get3A_206] {strides = array<i32>} : memref<400x32xf32, #tpu.memory_space<vmem>>, vector<16xf32>,
        %mul3A_208 = arith.mulf %get3A_207, %gather3A_203 : vector<16xf32>
        %swap3A_209 = arith.index_cast %add3A_201 : i32 to index
        %swap3A_210 = arith.constant 0 : index
        %swap3A_211 = tpu.vector_load %arg12[%swap3A_209, %swap3A_210] {strides = array<i32>} : memref<400x32xf32, #tpu.memory_space<vmem>>, vector<16xf32>,
        tpu.vector_store %arg12[%swap3A_209, %swap3A_210], %mul3A_208 {strides = array<i32>} : memref<400x32xf32, #tpu.memory_space<vmem>>, vector<16xf32>,
        %get3A_212 = arith.index_cast %add3A_201 : i32 to index
        %get3A_213 = arith.constant 16 : index
        %get3A_214 = tpu.vector_load %arg12[%get3A_212, %get3A_213] {strides = array<i32>} : memref<400x32xf32, #tpu.memory_space<vmem>>, vector<16xf32>,
        %mul3A_215 = arith.mulf %get3A_214, %gather3A_204 : vector<16xf32>
        %swap3A_216 = arith.index_cast %add3A_201 : i32 to index
        %swap3A_217 = arith.constant 16 : index
        %swap3A_218 = tpu.vector_load %arg12[%swap3A_216, %swap3A_217] {strides = array<i32>} : memref<400x32xf32, #tpu.memory_space<vmem>>, vector<16xf32>,
        tpu.vector_store %arg12[%swap3A_216, %swap3A_217], %mul3A_215 {strides = array<i32>} : memref<400x32xf32, #tpu.memory_space<vmem>>, vector<16xf32>,
        %scan3A_219 = arith.constant 0 : i32
        scf.yield %scan3A_219 : i32
      }
      %scan3A_64 = arith.constant 50 : i32
      "tpu.region"() ({
        %run_scoped3A = tpu.sem_alloc : memref<!tpu.dma_semaphore, #tpu.memory_space<semaphore_mem>>
        %dma_start3A_66 = arith.constant 0 : i32
        %dma_start3A_67 = arith.constant 0 : i32
        %dma_start3A_68 = tpu.memref_slice %arg7[%dma_start3A_66, %dma_start3A_67] : memref<50176x32xf32, #tpu.memory_space<vmem_shared>> -> memref<50176x32xf32, #tpu.memory_space<vmem_shared>>
        tpu.enqueue_indirect_dma source(%arg12 : memref<400x32xf32, #tpu.memory_space<vmem>>) target(%dma_start3A_68 : memref<50176x32xf32, #tpu.memory_space<vmem_shared>>) offsets(%arg8 : memref<400xi32, #tpu.memory_space<vmem>>) semaphore(%run_scoped3A : memref<!tpu.dma_semaphore, #tpu.memory_space<semaphore_mem>>) {add = true}
        %dma_wait3A_69 = arith.constant 0 : i32
        %dma_wait3A_70 = arith.constant 0 : i32
        %dma_wait3A_71 = tpu.memref_slice %arg7[%dma_wait3A_69, %dma_wait3A_70] : memref<50176x32xf32, #tpu.memory_space<vmem_shared>> -> memref<50176x32xf32, #tpu.memory_space<vmem_shared>>
        tpu.wait_indirect_dma semaphore(%run_scoped3A : memref<!tpu.dma_semaphore, #tpu.memory_space<semaphore_mem>>) src(%arg12 : memref<400x32xf32, #tpu.memory_space<vmem>>) dst(%dma_wait3A_71 : memref<50176x32xf32, #tpu.memory_space<vmem_shared>>)
        tpu.yield
      }) : () -> ()
      %scan3A_65 = arith.constant 0 : i32
      scf.yield %scan3A_65 : i32
    }
    %scan3A_37 = arith.constant 125 : i32
    %barrier3A_38 = arith.constant 0 : index
    tpu.barrier barrier_id(%barrier3A_38)
    "tpu.region"() ({
      %run_scoped3A = tpu.sem_alloc : memref<!tpu.dma_semaphore, #tpu.memory_space<semaphore_mem>>
      %dma_start3A = arith.constant 0 : i32
      %dma_start3A_39 = tpu.memref_slice %arg6[%arg0, %mul3A_7, %dma_start3A] : memref<2x50176x32xf32, #tpu.memory_space<hbm>> -> memref<1x3136x32xf32, #tpu.memory_space<hbm>>
      %dma_start3A_40 = tpu.memref_squeeze %dma_start3A_39 : memref<1x3136x32xf32, #tpu.memory_space<hbm>> -> memref<3136x32xf32, #tpu.memory_space<hbm>>
      %dma_start3A_41 = arith.constant 0 : i32
      %dma_start3A_42 = tpu.memref_slice %arg7[%mul3A_7, %dma_start3A_41] : memref<50176x32xf32, #tpu.memory_space<vmem_shared>> -> memref<3136x32xf32, #tpu.memory_space<vmem_shared>>
      tpu.enqueue_dma source(%dma_start3A_42 : memref<3136x32xf32, #tpu.memory_space<vmem_shared>>) target(%dma_start3A_40 : memref<3136x32xf32, #tpu.memory_space<hbm>>) target_semaphore(%run_scoped3A : memref<!tpu.dma_semaphore, #tpu.memory_space<semaphore_mem>>)
      %dma_wait3A = arith.constant 0 : i32
      %dma_wait3A_43 = tpu.memref_slice %arg6[%arg0, %mul3A_7, %dma_wait3A] : memref<2x50176x32xf32, #tpu.memory_space<hbm>> -> memref<1x3136x32xf32, #tpu.memory_space<hbm>>
      %dma_wait3A_44 = tpu.memref_squeeze %dma_wait3A_43 : memref<1x3136x32xf32, #tpu.memory_space<hbm>> -> memref<3136x32xf32, #tpu.memory_space<hbm>>
      %dma_wait3A_45 = arith.constant 0 : i32
      %dma_wait3A_46 = tpu.memref_slice %arg7[%mul3A_7, %dma_wait3A_45] : memref<50176x32xf32, #tpu.memory_space<vmem_shared>> -> memref<3136x32xf32, #tpu.memory_space<vmem_shared>>
      tpu.wait_dma2 semaphore(%run_scoped3A : memref<!tpu.dma_semaphore, #tpu.memory_space<semaphore_mem>>) src(%dma_wait3A_46 : memref<3136x32xf32, #tpu.memory_space<vmem_shared>>) dst(%dma_wait3A_44 : memref<3136x32xf32, #tpu.memory_space<hbm>>)
      tpu.yield
    }) : () -> ()
    return
  }
}

#map = affine_map<(d0, d1) -> (0)>
#map1 = affine_map<(d0, d1) -> (0, 0)>
#map2 = affine_map<(d0, d1) -> (0, 0, 0)>
module attributes {stable_mosaic.version = 14 : i64} {
  func.func @k(%arg0: i32, %arg1: i32, %arg2: memref<800000xi32, #tpu.memory_space<hbm>>, %arg3: memref<800000xi32, #tpu.memory_space<hbm>>, %arg4: memref<800000x8xf32, #tpu.memory_space<hbm>>, %arg5: memref<2x50176x32xf32, #tpu.memory_space<hbm>>, %arg6: memref<2x50176x32xf32, #tpu.memory_space<hbm>>, %arg7: memref<50176x32xf32, #tpu.memory_space<vmem_shared>>, %arg8: memref<400xi32, #tpu.memory_space<vmem>>, %arg9: memref<400x8xf32, #tpu.memory_space<vmem>>, %arg10: memref<!tpu.dma_semaphore, #tpu.memory_space<semaphore_mem>>, %arg11: memref<400xi32, #tpu.memory_space<vmem>>, %arg12: memref<400x32xf32, #tpu.memory_space<vmem>>) attributes {dimension_semantics = [#tpu.dimension_semantics<core_parallel>, #tpu.dimension_semantics<subcore_parallel>], iteration_bounds = array<i64: 2, 16>, scalar_prefetch = 0 : i64, scratch_operands = 6 : i64, tpu.core_type = #tpu.core_type<sc_vector_subcore>, window_params = [{transform_indices = #map}, {transform_indices = #map}, {transform_indices = #map1}, {transform_indices = #map2}, {transform_indices = #map2}]} {
    %broadcast_in_dim3A = arith.constant 0.000000e+00 : f32
    %broadcast_in_dim3A_0 = vector.broadcast %broadcast_in_dim3A : f32 to vector<16xf32>
    %scan3A = arith.constant 0 : i32
    %scan3A_1 = arith.constant 0 : i32
    %scan3A_2 = arith.constant 400 : i32
    %scan3A_3 = arith.addi %scan3A_1, %scan3A_2 : i32
    %scan3A_4 = arith.constant 1 : i32
    %scan3A_5 = scf.for %scan3A_39 = %scan3A_1 to %scan3A_3 step %scan3A_4 iter_args(%scan3A_40 = %scan3A) -> (i32)  : i32 {
      %swap3A = arith.index_cast %scan3A_39 : i32 to index
      %swap3A_41 = arith.constant 0 : index
      %swap3A_42 = tpu.vector_load %arg12[%swap3A, %swap3A_41] {strides = array<i32>} : memref<400x32xf32, #tpu.memory_space<vmem>>, vector<16xf32>,
      tpu.vector_store %arg12[%swap3A, %swap3A_41], %broadcast_in_dim3A_0 {strides = array<i32>} : memref<400x32xf32, #tpu.memory_space<vmem>>, vector<16xf32>,
      %swap3A_43 = arith.index_cast %scan3A_39 : i32 to index
      %swap3A_44 = arith.constant 16 : index
      %swap3A_45 = tpu.vector_load %arg12[%swap3A_43, %swap3A_44] {strides = array<i32>} : memref<400x32xf32, #tpu.memory_space<vmem>>, vector<16xf32>,
      tpu.vector_store %arg12[%swap3A_43, %swap3A_44], %broadcast_in_dim3A_0 {strides = array<i32>} : memref<400x32xf32, #tpu.memory_space<vmem>>, vector<16xf32>,
      %scan3A_46 = arith.constant 0 : i32
      scf.yield %scan3A_46 : i32
    }
    %scan3A_6 = arith.constant 400 : i32
    %mul3A = arith.constant 3136 : i32
    %mul3A_7 = arith.muli %arg1, %mul3A : i32
    %add3A = arith.constant 0 : i32
    %add3A_8 = arith.addi %mul3A_7, %add3A : i32
    "tpu.region"() ({
      %run_scoped3A = tpu.sem_alloc : memref<!tpu.dma_semaphore, #tpu.memory_space<semaphore_mem>>
      %dma_start3A = arith.constant 0 : i32
      %dma_start3A_39 = arith.constant 0 : i32
      %dma_start3A_40 = tpu.memref_slice %arg12[%dma_start3A, %dma_start3A_39] : memref<400x32xf32, #tpu.memory_space<vmem>> -> memref<400x32xf32, #tpu.memory_space<vmem>>
      %dma_start3A_41 = arith.constant 0 : i32
      %dma_start3A_42 = tpu.memref_slice %arg7[%add3A_8, %dma_start3A_41] : memref<50176x32xf32, #tpu.memory_space<vmem_shared>> -> memref<400x32xf32, #tpu.memory_space<vmem_shared>>
      %dma_start3A_43 = arith.constant 0 : i32
      %dma_start3A_44 = tpu.memref_slice %arg7[%add3A_8, %dma_start3A_43] : memref<50176x32xf32, #tpu.memory_space<vmem_shared>> -> memref<400x32xf32, #tpu.memory_space<vmem_shared>>
      %dma_start3A_45 = arith.constant 0 : i32
      %dma_start3A_46 = arith.constant 0 : i32
      %dma_start3A_47 = tpu.memref_slice %arg12[%dma_start3A_45, %dma_start3A_46] : memref<400x32xf32, #tpu.memory_space<vmem>> -> memref<400x32xf32, #tpu.memory_space<vmem>>
      tpu.enqueue_dma source(%dma_start3A_47 : memref<400x32xf32, #tpu.memory_space<vmem>>) target(%dma_start3A_44 : memref<400x32xf32, #tpu.memory_space<vmem_shared>>) target_semaphore(%run_scoped3A : memref<!tpu.dma_semaphore, #tpu.memory_space<semaphore_mem>>)
      %dma_wait3A = arith.constant 0 : i32
      %dma_wait3A_48 = arith.constant 0 : i32
      %dma_wait3A_49 = tpu.memref_slice %arg12[%dma_wait3A, %dma_wait3A_48] : memref<400x32xf32, #tpu.memory_space<vmem>> -> memref<400x32xf32, #tpu.memory_space<vmem>>
      %dma_wait3A_50 = arith.constant 0 : i32
      %dma_wait3A_51 = tpu.memref_slice %arg7[%add3A_8, %dma_wait3A_50] : memref<50176x32xf32, #tpu.memory_space<vmem_shared>> -> memref<400x32xf32, #tpu.memory_space<vmem_shared>>
      %dma_wait3A_52 = arith.constant 0 : i32
      %dma_wait3A_53 = tpu.memref_slice %arg7[%add3A_8, %dma_wait3A_52] : memref<50176x32xf32, #tpu.memory_space<vmem_shared>> -> memref<400x32xf32, #tpu.memory_space<vmem_shared>>
      %dma_wait3A_54 = arith.constant 0 : i32
      %dma_wait3A_55 = arith.constant 0 : i32
      %dma_wait3A_56 = tpu.memref_slice %arg12[%dma_wait3A_54, %dma_wait3A_55] : memref<400x32xf32, #tpu.memory_space<vmem>> -> memref<400x32xf32, #tpu.memory_space<vmem>>
      tpu.wait_dma2 semaphore(%run_scoped3A : memref<!tpu.dma_semaphore, #tpu.memory_space<semaphore_mem>>) src(%dma_wait3A_56 : memref<400x32xf32, #tpu.memory_space<vmem>>) dst(%dma_wait3A_53 : memref<400x32xf32, #tpu.memory_space<vmem_shared>>)
      tpu.yield
    }) : () -> ()
    %add3A_9 = arith.constant 400 : i32
    %add3A_10 = arith.addi %mul3A_7, %add3A_9 : i32
    "tpu.region"() ({
      %run_scoped3A = tpu.sem_alloc : memref<!tpu.dma_semaphore, #tpu.memory_space<semaphore_mem>>
      %dma_start3A = arith.constant 0 : i32
      %dma_start3A_39 = arith.constant 0 : i32
      %dma_start3A_40 = tpu.memref_slice %arg12[%dma_start3A, %dma_start3A_39] : memref<400x32xf32, #tpu.memory_space<vmem>> -> memref<400x32xf32, #tpu.memory_space<vmem>>
      %dma_start3A_41 = arith.constant 0 : i32
      %dma_start3A_42 = tpu.memref_slice %arg7[%add3A_10, %dma_start3A_41] : memref<50176x32xf32, #tpu.memory_space<vmem_shared>> -> memref<400x32xf32, #tpu.memory_space<vmem_shared>>
      %dma_start3A_43 = arith.constant 0 : i32
      %dma_start3A_44 = tpu.memref_slice %arg7[%add3A_10, %dma_start3A_43] : memref<50176x32xf32, #tpu.memory_space<vmem_shared>> -> memref<400x32xf32, #tpu.memory_space<vmem_shared>>
      %dma_start3A_45 = arith.constant 0 : i32
      %dma_start3A_46 = arith.constant 0 : i32
      %dma_start3A_47 = tpu.memref_slice %arg12[%dma_start3A_45, %dma_start3A_46] : memref<400x32xf32, #tpu.memory_space<vmem>> -> memref<400x32xf32, #tpu.memory_space<vmem>>
      tpu.enqueue_dma source(%dma_start3A_47 : memref<400x32xf32, #tpu.memory_space<vmem>>) target(%dma_start3A_44 : memref<400x32xf32, #tpu.memory_space<vmem_shared>>) target_semaphore(%run_scoped3A : memref<!tpu.dma_semaphore, #tpu.memory_space<semaphore_mem>>)
      %dma_wait3A = arith.constant 0 : i32
      %dma_wait3A_48 = arith.constant 0 : i32
      %dma_wait3A_49 = tpu.memref_slice %arg12[%dma_wait3A, %dma_wait3A_48] : memref<400x32xf32, #tpu.memory_space<vmem>> -> memref<400x32xf32, #tpu.memory_space<vmem>>
      %dma_wait3A_50 = arith.constant 0 : i32
      %dma_wait3A_51 = tpu.memref_slice %arg7[%add3A_10, %dma_wait3A_50] : memref<50176x32xf32, #tpu.memory_space<vmem_shared>> -> memref<400x32xf32, #tpu.memory_space<vmem_shared>>
      %dma_wait3A_52 = arith.constant 0 : i32
      %dma_wait3A_53 = tpu.memref_slice %arg7[%add3A_10, %dma_wait3A_52] : memref<50176x32xf32, #tpu.memory_space<vmem_shared>> -> memref<400x32xf32, #tpu.memory_space<vmem_shared>>
      %dma_wait3A_54 = arith.constant 0 : i32
      %dma_wait3A_55 = arith.constant 0 : i32
      %dma_wait3A_56 = tpu.memref_slice %arg12[%dma_wait3A_54, %dma_wait3A_55] : memref<400x32xf32, #tpu.memory_space<vmem>> -> memref<400x32xf32, #tpu.memory_space<vmem>>
      tpu.wait_dma2 semaphore(%run_scoped3A : memref<!tpu.dma_semaphore, #tpu.memory_space<semaphore_mem>>) src(%dma_wait3A_56 : memref<400x32xf32, #tpu.memory_space<vmem>>) dst(%dma_wait3A_53 : memref<400x32xf32, #tpu.memory_space<vmem_shared>>)
      tpu.yield
    }) : () -> ()
    %add3A_11 = arith.constant 800 : i32
    %add3A_12 = arith.addi %mul3A_7, %add3A_11 : i32
    "tpu.region"() ({
      %run_scoped3A = tpu.sem_alloc : memref<!tpu.dma_semaphore, #tpu.memory_space<semaphore_mem>>
      %dma_start3A = arith.constant 0 : i32
      %dma_start3A_39 = arith.constant 0 : i32
      %dma_start3A_40 = tpu.memref_slice %arg12[%dma_start3A, %dma_start3A_39] : memref<400x32xf32, #tpu.memory_space<vmem>> -> memref<400x32xf32, #tpu.memory_space<vmem>>
      %dma_start3A_41 = arith.constant 0 : i32
      %dma_start3A_42 = tpu.memref_slice %arg7[%add3A_12, %dma_start3A_41] : memref<50176x32xf32, #tpu.memory_space<vmem_shared>> -> memref<400x32xf32, #tpu.memory_space<vmem_shared>>
      %dma_start3A_43 = arith.constant 0 : i32
      %dma_start3A_44 = tpu.memref_slice %arg7[%add3A_12, %dma_start3A_43] : memref<50176x32xf32, #tpu.memory_space<vmem_shared>> -> memref<400x32xf32, #tpu.memory_space<vmem_shared>>
      %dma_start3A_45 = arith.constant 0 : i32
      %dma_start3A_46 = arith.constant 0 : i32
      %dma_start3A_47 = tpu.memref_slice %arg12[%dma_start3A_45, %dma_start3A_46] : memref<400x32xf32, #tpu.memory_space<vmem>> -> memref<400x32xf32, #tpu.memory_space<vmem>>
      tpu.enqueue_dma source(%dma_start3A_47 : memref<400x32xf32, #tpu.memory_space<vmem>>) target(%dma_start3A_44 : memref<400x32xf32, #tpu.memory_space<vmem_shared>>) target_semaphore(%run_scoped3A : memref<!tpu.dma_semaphore, #tpu.memory_space<semaphore_mem>>)
      %dma_wait3A = arith.constant 0 : i32
      %dma_wait3A_48 = arith.constant 0 : i32
      %dma_wait3A_49 = tpu.memref_slice %arg12[%dma_wait3A, %dma_wait3A_48] : memref<400x32xf32, #tpu.memory_space<vmem>> -> memref<400x32xf32, #tpu.memory_space<vmem>>
      %dma_wait3A_50 = arith.constant 0 : i32
      %dma_wait3A_51 = tpu.memref_slice %arg7[%add3A_12, %dma_wait3A_50] : memref<50176x32xf32, #tpu.memory_space<vmem_shared>> -> memref<400x32xf32, #tpu.memory_space<vmem_shared>>
      %dma_wait3A_52 = arith.constant 0 : i32
      %dma_wait3A_53 = tpu.memref_slice %arg7[%add3A_12, %dma_wait3A_52] : memref<50176x32xf32, #tpu.memory_space<vmem_shared>> -> memref<400x32xf32, #tpu.memory_space<vmem_shared>>
      %dma_wait3A_54 = arith.constant 0 : i32
      %dma_wait3A_55 = arith.constant 0 : i32
      %dma_wait3A_56 = tpu.memref_slice %arg12[%dma_wait3A_54, %dma_wait3A_55] : memref<400x32xf32, #tpu.memory_space<vmem>> -> memref<400x32xf32, #tpu.memory_space<vmem>>
      tpu.wait_dma2 semaphore(%run_scoped3A : memref<!tpu.dma_semaphore, #tpu.memory_space<semaphore_mem>>) src(%dma_wait3A_56 : memref<400x32xf32, #tpu.memory_space<vmem>>) dst(%dma_wait3A_53 : memref<400x32xf32, #tpu.memory_space<vmem_shared>>)
      tpu.yield
    }) : () -> ()
    %add3A_13 = arith.constant 1200 : i32
    %add3A_14 = arith.addi %mul3A_7, %add3A_13 : i32
    "tpu.region"() ({
      %run_scoped3A = tpu.sem_alloc : memref<!tpu.dma_semaphore, #tpu.memory_space<semaphore_mem>>
      %dma_start3A = arith.constant 0 : i32
      %dma_start3A_39 = arith.constant 0 : i32
      %dma_start3A_40 = tpu.memref_slice %arg12[%dma_start3A, %dma_start3A_39] : memref<400x32xf32, #tpu.memory_space<vmem>> -> memref<400x32xf32, #tpu.memory_space<vmem>>
      %dma_start3A_41 = arith.constant 0 : i32
      %dma_start3A_42 = tpu.memref_slice %arg7[%add3A_14, %dma_start3A_41] : memref<50176x32xf32, #tpu.memory_space<vmem_shared>> -> memref<400x32xf32, #tpu.memory_space<vmem_shared>>
      %dma_start3A_43 = arith.constant 0 : i32
      %dma_start3A_44 = tpu.memref_slice %arg7[%add3A_14, %dma_start3A_43] : memref<50176x32xf32, #tpu.memory_space<vmem_shared>> -> memref<400x32xf32, #tpu.memory_space<vmem_shared>>
      %dma_start3A_45 = arith.constant 0 : i32
      %dma_start3A_46 = arith.constant 0 : i32
      %dma_start3A_47 = tpu.memref_slice %arg12[%dma_start3A_45, %dma_start3A_46] : memref<400x32xf32, #tpu.memory_space<vmem>> -> memref<400x32xf32, #tpu.memory_space<vmem>>
      tpu.enqueue_dma source(%dma_start3A_47 : memref<400x32xf32, #tpu.memory_space<vmem>>) target(%dma_start3A_44 : memref<400x32xf32, #tpu.memory_space<vmem_shared>>) target_semaphore(%run_scoped3A : memref<!tpu.dma_semaphore, #tpu.memory_space<semaphore_mem>>)
      %dma_wait3A = arith.constant 0 : i32
      %dma_wait3A_48 = arith.constant 0 : i32
      %dma_wait3A_49 = tpu.memref_slice %arg12[%dma_wait3A, %dma_wait3A_48] : memref<400x32xf32, #tpu.memory_space<vmem>> -> memref<400x32xf32, #tpu.memory_space<vmem>>
      %dma_wait3A_50 = arith.constant 0 : i32
      %dma_wait3A_51 = tpu.memref_slice %arg7[%add3A_14, %dma_wait3A_50] : memref<50176x32xf32, #tpu.memory_space<vmem_shared>> -> memref<400x32xf32, #tpu.memory_space<vmem_shared>>
      %dma_wait3A_52 = arith.constant 0 : i32
      %dma_wait3A_53 = tpu.memref_slice %arg7[%add3A_14, %dma_wait3A_52] : memref<50176x32xf32, #tpu.memory_space<vmem_shared>> -> memref<400x32xf32, #tpu.memory_space<vmem_shared>>
      %dma_wait3A_54 = arith.constant 0 : i32
      %dma_wait3A_55 = arith.constant 0 : i32
      %dma_wait3A_56 = tpu.memref_slice %arg12[%dma_wait3A_54, %dma_wait3A_55] : memref<400x32xf32, #tpu.memory_space<vmem>> -> memref<400x32xf32, #tpu.memory_space<vmem>>
      tpu.wait_dma2 semaphore(%run_scoped3A : memref<!tpu.dma_semaphore, #tpu.memory_space<semaphore_mem>>) src(%dma_wait3A_56 : memref<400x32xf32, #tpu.memory_space<vmem>>) dst(%dma_wait3A_53 : memref<400x32xf32, #tpu.memory_space<vmem_shared>>)
      tpu.yield
    }) : () -> ()
    %add3A_15 = arith.constant 1600 : i32
    %add3A_16 = arith.addi %mul3A_7, %add3A_15 : i32
    "tpu.region"() ({
      %run_scoped3A = tpu.sem_alloc : memref<!tpu.dma_semaphore, #tpu.memory_space<semaphore_mem>>
      %dma_start3A = arith.constant 0 : i32
      %dma_start3A_39 = arith.constant 0 : i32
      %dma_start3A_40 = tpu.memref_slice %arg12[%dma_start3A, %dma_start3A_39] : memref<400x32xf32, #tpu.memory_space<vmem>> -> memref<400x32xf32, #tpu.memory_space<vmem>>
      %dma_start3A_41 = arith.constant 0 : i32
      %dma_start3A_42 = tpu.memref_slice %arg7[%add3A_16, %dma_start3A_41] : memref<50176x32xf32, #tpu.memory_space<vmem_shared>> -> memref<400x32xf32, #tpu.memory_space<vmem_shared>>
      %dma_start3A_43 = arith.constant 0 : i32
      %dma_start3A_44 = tpu.memref_slice %arg7[%add3A_16, %dma_start3A_43] : memref<50176x32xf32, #tpu.memory_space<vmem_shared>> -> memref<400x32xf32, #tpu.memory_space<vmem_shared>>
      %dma_start3A_45 = arith.constant 0 : i32
      %dma_start3A_46 = arith.constant 0 : i32
      %dma_start3A_47 = tpu.memref_slice %arg12[%dma_start3A_45, %dma_start3A_46] : memref<400x32xf32, #tpu.memory_space<vmem>> -> memref<400x32xf32, #tpu.memory_space<vmem>>
      tpu.enqueue_dma source(%dma_start3A_47 : memref<400x32xf32, #tpu.memory_space<vmem>>) target(%dma_start3A_44 : memref<400x32xf32, #tpu.memory_space<vmem_shared>>) target_semaphore(%run_scoped3A : memref<!tpu.dma_semaphore, #tpu.memory_space<semaphore_mem>>)
      %dma_wait3A = arith.constant 0 : i32
      %dma_wait3A_48 = arith.constant 0 : i32
      %dma_wait3A_49 = tpu.memref_slice %arg12[%dma_wait3A, %dma_wait3A_48] : memref<400x32xf32, #tpu.memory_space<vmem>> -> memref<400x32xf32, #tpu.memory_space<vmem>>
      %dma_wait3A_50 = arith.constant 0 : i32
      %dma_wait3A_51 = tpu.memref_slice %arg7[%add3A_16, %dma_wait3A_50] : memref<50176x32xf32, #tpu.memory_space<vmem_shared>> -> memref<400x32xf32, #tpu.memory_space<vmem_shared>>
      %dma_wait3A_52 = arith.constant 0 : i32
      %dma_wait3A_53 = tpu.memref_slice %arg7[%add3A_16, %dma_wait3A_52] : memref<50176x32xf32, #tpu.memory_space<vmem_shared>> -> memref<400x32xf32, #tpu.memory_space<vmem_shared>>
      %dma_wait3A_54 = arith.constant 0 : i32
      %dma_wait3A_55 = arith.constant 0 : i32
      %dma_wait3A_56 = tpu.memref_slice %arg12[%dma_wait3A_54, %dma_wait3A_55] : memref<400x32xf32, #tpu.memory_space<vmem>> -> memref<400x32xf32, #tpu.memory_space<vmem>>
      tpu.wait_dma2 semaphore(%run_scoped3A : memref<!tpu.dma_semaphore, #tpu.memory_space<semaphore_mem>>) src(%dma_wait3A_56 : memref<400x32xf32, #tpu.memory_space<vmem>>) dst(%dma_wait3A_53 : memref<400x32xf32, #tpu.memory_space<vmem_shared>>)
      tpu.yield
    }) : () -> ()
    %add3A_17 = arith.constant 2000 : i32
    %add3A_18 = arith.addi %mul3A_7, %add3A_17 : i32
    "tpu.region"() ({
      %run_scoped3A = tpu.sem_alloc : memref<!tpu.dma_semaphore, #tpu.memory_space<semaphore_mem>>
      %dma_start3A = arith.constant 0 : i32
      %dma_start3A_39 = arith.constant 0 : i32
      %dma_start3A_40 = tpu.memref_slice %arg12[%dma_start3A, %dma_start3A_39] : memref<400x32xf32, #tpu.memory_space<vmem>> -> memref<400x32xf32, #tpu.memory_space<vmem>>
      %dma_start3A_41 = arith.constant 0 : i32
      %dma_start3A_42 = tpu.memref_slice %arg7[%add3A_18, %dma_start3A_41] : memref<50176x32xf32, #tpu.memory_space<vmem_shared>> -> memref<400x32xf32, #tpu.memory_space<vmem_shared>>
      %dma_start3A_43 = arith.constant 0 : i32
      %dma_start3A_44 = tpu.memref_slice %arg7[%add3A_18, %dma_start3A_43] : memref<50176x32xf32, #tpu.memory_space<vmem_shared>> -> memref<400x32xf32, #tpu.memory_space<vmem_shared>>
      %dma_start3A_45 = arith.constant 0 : i32
      %dma_start3A_46 = arith.constant 0 : i32
      %dma_start3A_47 = tpu.memref_slice %arg12[%dma_start3A_45, %dma_start3A_46] : memref<400x32xf32, #tpu.memory_space<vmem>> -> memref<400x32xf32, #tpu.memory_space<vmem>>
      tpu.enqueue_dma source(%dma_start3A_47 : memref<400x32xf32, #tpu.memory_space<vmem>>) target(%dma_start3A_44 : memref<400x32xf32, #tpu.memory_space<vmem_shared>>) target_semaphore(%run_scoped3A : memref<!tpu.dma_semaphore, #tpu.memory_space<semaphore_mem>>)
      %dma_wait3A = arith.constant 0 : i32
      %dma_wait3A_48 = arith.constant 0 : i32
      %dma_wait3A_49 = tpu.memref_slice %arg12[%dma_wait3A, %dma_wait3A_48] : memref<400x32xf32, #tpu.memory_space<vmem>> -> memref<400x32xf32, #tpu.memory_space<vmem>>
      %dma_wait3A_50 = arith.constant 0 : i32
      %dma_wait3A_51 = tpu.memref_slice %arg7[%add3A_18, %dma_wait3A_50] : memref<50176x32xf32, #tpu.memory_space<vmem_shared>> -> memref<400x32xf32, #tpu.memory_space<vmem_shared>>
      %dma_wait3A_52 = arith.constant 0 : i32
      %dma_wait3A_53 = tpu.memref_slice %arg7[%add3A_18, %dma_wait3A_52] : memref<50176x32xf32, #tpu.memory_space<vmem_shared>> -> memref<400x32xf32, #tpu.memory_space<vmem_shared>>
      %dma_wait3A_54 = arith.constant 0 : i32
      %dma_wait3A_55 = arith.constant 0 : i32
      %dma_wait3A_56 = tpu.memref_slice %arg12[%dma_wait3A_54, %dma_wait3A_55] : memref<400x32xf32, #tpu.memory_space<vmem>> -> memref<400x32xf32, #tpu.memory_space<vmem>>
      tpu.wait_dma2 semaphore(%run_scoped3A : memref<!tpu.dma_semaphore, #tpu.memory_space<semaphore_mem>>) src(%dma_wait3A_56 : memref<400x32xf32, #tpu.memory_space<vmem>>) dst(%dma_wait3A_53 : memref<400x32xf32, #tpu.memory_space<vmem_shared>>)
      tpu.yield
    }) : () -> ()
    %add3A_19 = arith.constant 2400 : i32
    %add3A_20 = arith.addi %mul3A_7, %add3A_19 : i32
    "tpu.region"() ({
      %run_scoped3A = tpu.sem_alloc : memref<!tpu.dma_semaphore, #tpu.memory_space<semaphore_mem>>
      %dma_start3A = arith.constant 0 : i32
      %dma_start3A_39 = arith.constant 0 : i32
      %dma_start3A_40 = tpu.memref_slice %arg12[%dma_start3A, %dma_start3A_39] : memref<400x32xf32, #tpu.memory_space<vmem>> -> memref<400x32xf32, #tpu.memory_space<vmem>>
      %dma_start3A_41 = arith.constant 0 : i32
      %dma_start3A_42 = tpu.memref_slice %arg7[%add3A_20, %dma_start3A_41] : memref<50176x32xf32, #tpu.memory_space<vmem_shared>> -> memref<400x32xf32, #tpu.memory_space<vmem_shared>>
      %dma_start3A_43 = arith.constant 0 : i32
      %dma_start3A_44 = tpu.memref_slice %arg7[%add3A_20, %dma_start3A_43] : memref<50176x32xf32, #tpu.memory_space<vmem_shared>> -> memref<400x32xf32, #tpu.memory_space<vmem_shared>>
      %dma_start3A_45 = arith.constant 0 : i32
      %dma_start3A_46 = arith.constant 0 : i32
      %dma_start3A_47 = tpu.memref_slice %arg12[%dma_start3A_45, %dma_start3A_46] : memref<400x32xf32, #tpu.memory_space<vmem>> -> memref<400x32xf32, #tpu.memory_space<vmem>>
      tpu.enqueue_dma source(%dma_start3A_47 : memref<400x32xf32, #tpu.memory_space<vmem>>) target(%dma_start3A_44 : memref<400x32xf32, #tpu.memory_space<vmem_shared>>) target_semaphore(%run_scoped3A : memref<!tpu.dma_semaphore, #tpu.memory_space<semaphore_mem>>)
      %dma_wait3A = arith.constant 0 : i32
      %dma_wait3A_48 = arith.constant 0 : i32
      %dma_wait3A_49 = tpu.memref_slice %arg12[%dma_wait3A, %dma_wait3A_48] : memref<400x32xf32, #tpu.memory_space<vmem>> -> memref<400x32xf32, #tpu.memory_space<vmem>>
      %dma_wait3A_50 = arith.constant 0 : i32
      %dma_wait3A_51 = tpu.memref_slice %arg7[%add3A_20, %dma_wait3A_50] : memref<50176x32xf32, #tpu.memory_space<vmem_shared>> -> memref<400x32xf32, #tpu.memory_space<vmem_shared>>
      %dma_wait3A_52 = arith.constant 0 : i32
      %dma_wait3A_53 = tpu.memref_slice %arg7[%add3A_20, %dma_wait3A_52] : memref<50176x32xf32, #tpu.memory_space<vmem_shared>> -> memref<400x32xf32, #tpu.memory_space<vmem_shared>>
      %dma_wait3A_54 = arith.constant 0 : i32
      %dma_wait3A_55 = arith.constant 0 : i32
      %dma_wait3A_56 = tpu.memref_slice %arg12[%dma_wait3A_54, %dma_wait3A_55] : memref<400x32xf32, #tpu.memory_space<vmem>> -> memref<400x32xf32, #tpu.memory_space<vmem>>
      tpu.wait_dma2 semaphore(%run_scoped3A : memref<!tpu.dma_semaphore, #tpu.memory_space<semaphore_mem>>) src(%dma_wait3A_56 : memref<400x32xf32, #tpu.memory_space<vmem>>) dst(%dma_wait3A_53 : memref<400x32xf32, #tpu.memory_space<vmem_shared>>)
      tpu.yield
    }) : () -> ()
    %add3A_21 = arith.constant 2800 : i32
    %add3A_22 = arith.addi %mul3A_7, %add3A_21 : i32
    "tpu.region"() ({
      %run_scoped3A = tpu.sem_alloc : memref<!tpu.dma_semaphore, #tpu.memory_space<semaphore_mem>>
      %dma_start3A = arith.constant 0 : i32
      %dma_start3A_39 = arith.constant 0 : i32
      %dma_start3A_40 = tpu.memref_slice %arg12[%dma_start3A, %dma_start3A_39] : memref<400x32xf32, #tpu.memory_space<vmem>> -> memref<336x32xf32, #tpu.memory_space<vmem>>
      %dma_start3A_41 = arith.constant 0 : i32
      %dma_start3A_42 = tpu.memref_slice %arg7[%add3A_22, %dma_start3A_41] : memref<50176x32xf32, #tpu.memory_space<vmem_shared>> -> memref<336x32xf32, #tpu.memory_space<vmem_shared>>
      %dma_start3A_43 = arith.constant 0 : i32
      %dma_start3A_44 = tpu.memref_slice %arg7[%add3A_22, %dma_start3A_43] : memref<50176x32xf32, #tpu.memory_space<vmem_shared>> -> memref<336x32xf32, #tpu.memory_space<vmem_shared>>
      %dma_start3A_45 = arith.constant 0 : i32
      %dma_start3A_46 = arith.constant 0 : i32
      %dma_start3A_47 = tpu.memref_slice %arg12[%dma_start3A_45, %dma_start3A_46] : memref<400x32xf32, #tpu.memory_space<vmem>> -> memref<336x32xf32, #tpu.memory_space<vmem>>
      tpu.enqueue_dma source(%dma_start3A_47 : memref<336x32xf32, #tpu.memory_space<vmem>>) target(%dma_start3A_44 : memref<336x32xf32, #tpu.memory_space<vmem_shared>>) target_semaphore(%run_scoped3A : memref<!tpu.dma_semaphore, #tpu.memory_space<semaphore_mem>>)
      %dma_wait3A = arith.constant 0 : i32
      %dma_wait3A_48 = arith.constant 0 : i32
      %dma_wait3A_49 = tpu.memref_slice %arg12[%dma_wait3A, %dma_wait3A_48] : memref<400x32xf32, #tpu.memory_space<vmem>> -> memref<336x32xf32, #tpu.memory_space<vmem>>
      %dma_wait3A_50 = arith.constant 0 : i32
      %dma_wait3A_51 = tpu.memref_slice %arg7[%add3A_22, %dma_wait3A_50] : memref<50176x32xf32, #tpu.memory_space<vmem_shared>> -> memref<336x32xf32, #tpu.memory_space<vmem_shared>>
      %dma_wait3A_52 = arith.constant 0 : i32
      %dma_wait3A_53 = tpu.memref_slice %arg7[%add3A_22, %dma_wait3A_52] : memref<50176x32xf32, #tpu.memory_space<vmem_shared>> -> memref<336x32xf32, #tpu.memory_space<vmem_shared>>
      %dma_wait3A_54 = arith.constant 0 : i32
      %dma_wait3A_55 = arith.constant 0 : i32
      %dma_wait3A_56 = tpu.memref_slice %arg12[%dma_wait3A_54, %dma_wait3A_55] : memref<400x32xf32, #tpu.memory_space<vmem>> -> memref<336x32xf32, #tpu.memory_space<vmem>>
      tpu.wait_dma2 semaphore(%run_scoped3A : memref<!tpu.dma_semaphore, #tpu.memory_space<semaphore_mem>>) src(%dma_wait3A_56 : memref<336x32xf32, #tpu.memory_space<vmem>>) dst(%dma_wait3A_53 : memref<336x32xf32, #tpu.memory_space<vmem_shared>>)
      tpu.yield
    }) : () -> ()
    %barrier3A = arith.constant 0 : index
    tpu.barrier barrier_id(%barrier3A)
    %mul3A_23 = arith.constant 2 : i32
    %mul3A_24 = arith.muli %mul3A_23, %arg0 : i32
    %broadcast_in_dim3A_25 = vector.broadcast %mul3A_24 : i32 to vector<16xi32>
    %mul3A_26 = arith.constant 2 : i32
    %mul3A_27 = arith.muli %mul3A_26, %arg0 : i32
    %add3A_28 = arith.constant 1 : i32
    %add3A_29 = arith.addi %mul3A_27, %add3A_28 : i32
    %broadcast_in_dim3A_30 = vector.broadcast %add3A_29 : i32 to vector<16xi32>
    %scan3A_31 = arith.constant 0 : i32
    %scan3A_32 = arith.constant 0 : i32
    %scan3A_33 = arith.constant 125 : i32
    %scan3A_34 = arith.addi %scan3A_32, %scan3A_33 : i32
    %scan3A_35 = arith.constant 1 : i32
    %scan3A_36 = scf.for %scan3A_39 = %scan3A_32 to %scan3A_34 step %scan3A_35 iter_args(%scan3A_40 = %scan3A_31) -> (i32)  : i32 {
      %mul3A_41 = arith.constant 125 : i32
      %mul3A_42 = arith.muli %arg1, %mul3A_41 : i32
      %add3A_43 = arith.addi %mul3A_42, %scan3A_39 : i32
      %mul3A_44 = arith.constant 400 : i32
      %mul3A_45 = arith.muli %add3A_43, %mul3A_44 : i32
      "tpu.region"() ({
        %run_scoped3A = tpu.sem_alloc : memref<!tpu.dma_semaphore, #tpu.memory_space<semaphore_mem>>
        %dma_start3A_66 = tpu.memref_slice %arg2[%mul3A_45] : memref<800000xi32, #tpu.memory_space<hbm>> -> memref<400xi32, #tpu.memory_space<hbm>>
        %dma_start3A_67 = tpu.memref_slice %arg2[%mul3A_45] : memref<800000xi32, #tpu.memory_space<hbm>> -> memref<400xi32, #tpu.memory_space<hbm>>
        tpu.enqueue_dma source(%dma_start3A_67 : memref<400xi32, #tpu.memory_space<hbm>>) target(%arg11 : memref<400xi32, #tpu.memory_space<vmem>>) target_semaphore(%run_scoped3A : memref<!tpu.dma_semaphore, #tpu.memory_space<semaphore_mem>>)
        %dma_wait3A_68 = tpu.memref_slice %arg2[%mul3A_45] : memref<800000xi32, #tpu.memory_space<hbm>> -> memref<400xi32, #tpu.memory_space<hbm>>
        %dma_wait3A_69 = tpu.memref_slice %arg2[%mul3A_45] : memref<800000xi32, #tpu.memory_space<hbm>> -> memref<400xi32, #tpu.memory_space<hbm>>
        tpu.wait_dma2 semaphore(%run_scoped3A : memref<!tpu.dma_semaphore, #tpu.memory_space<semaphore_mem>>) src(%dma_wait3A_69 : memref<400xi32, #tpu.memory_space<hbm>>) dst(%arg11 : memref<400xi32, #tpu.memory_space<vmem>>)
        tpu.yield
      }) : () -> ()
      "tpu.region"() ({
        %run_scoped3A = tpu.sem_alloc : memref<!tpu.dma_semaphore, #tpu.memory_space<semaphore_mem>>
        %dma_start3A_66 = tpu.memref_slice %arg3[%mul3A_45] : memref<800000xi32, #tpu.memory_space<hbm>> -> memref<400xi32, #tpu.memory_space<hbm>>
        %dma_start3A_67 = tpu.memref_slice %arg3[%mul3A_45] : memref<800000xi32, #tpu.memory_space<hbm>> -> memref<400xi32, #tpu.memory_space<hbm>>
        tpu.enqueue_dma source(%dma_start3A_67 : memref<400xi32, #tpu.memory_space<hbm>>) target(%arg8 : memref<400xi32, #tpu.memory_space<vmem>>) target_semaphore(%run_scoped3A : memref<!tpu.dma_semaphore, #tpu.memory_space<semaphore_mem>>)
        %dma_wait3A_68 = tpu.memref_slice %arg3[%mul3A_45] : memref<800000xi32, #tpu.memory_space<hbm>> -> memref<400xi32, #tpu.memory_space<hbm>>
        %dma_wait3A_69 = tpu.memref_slice %arg3[%mul3A_45] : memref<800000xi32, #tpu.memory_space<hbm>> -> memref<400xi32, #tpu.memory_space<hbm>>
        tpu.wait_dma2 semaphore(%run_scoped3A : memref<!tpu.dma_semaphore, #tpu.memory_space<semaphore_mem>>) src(%dma_wait3A_69 : memref<400xi32, #tpu.memory_space<hbm>>) dst(%arg8 : memref<400xi32, #tpu.memory_space<vmem>>)
        tpu.yield
      }) : () -> ()
      "tpu.region"() ({
        %run_scoped3A = tpu.sem_alloc : memref<!tpu.dma_semaphore, #tpu.memory_space<semaphore_mem>>
        %dma_start3A_66 = arith.constant 0 : i32
        %dma_start3A_67 = tpu.memref_slice %arg4[%mul3A_45, %dma_start3A_66] : memref<800000x8xf32, #tpu.memory_space<hbm>> -> memref<400x8xf32, #tpu.memory_space<hbm>>
        %dma_start3A_68 = arith.constant 0 : i32
        %dma_start3A_69 = tpu.memref_slice %arg4[%mul3A_45, %dma_start3A_68] : memref<800000x8xf32, #tpu.memory_space<hbm>> -> memref<400x8xf32, #tpu.memory_space<hbm>>
        tpu.enqueue_dma source(%dma_start3A_69 : memref<400x8xf32, #tpu.memory_space<hbm>>) target(%arg9 : memref<400x8xf32, #tpu.memory_space<vmem>>) target_semaphore(%run_scoped3A : memref<!tpu.dma_semaphore, #tpu.memory_space<semaphore_mem>>)
        %dma_wait3A_70 = arith.constant 0 : i32
        %dma_wait3A_71 = tpu.memref_slice %arg4[%mul3A_45, %dma_wait3A_70] : memref<800000x8xf32, #tpu.memory_space<hbm>> -> memref<400x8xf32, #tpu.memory_space<hbm>>
        %dma_wait3A_72 = arith.constant 0 : i32
        %dma_wait3A_73 = tpu.memref_slice %arg4[%mul3A_45, %dma_wait3A_72] : memref<800000x8xf32, #tpu.memory_space<hbm>> -> memref<400x8xf32, #tpu.memory_space<hbm>>
        tpu.wait_dma2 semaphore(%run_scoped3A : memref<!tpu.dma_semaphore, #tpu.memory_space<semaphore_mem>>) src(%dma_wait3A_73 : memref<400x8xf32, #tpu.memory_space<hbm>>) dst(%arg9 : memref<400x8xf32, #tpu.memory_space<vmem>>)
        tpu.yield
      }) : () -> ()
      %dma_start3A = arith.constant 0 : i32
      %dma_start3A_46 = arith.constant 0 : i32
      %dma_start3A_47 = tpu.memref_slice %arg5[%arg0, %dma_start3A, %dma_start3A_46] : memref<2x50176x32xf32, #tpu.memory_space<hbm>> -> memref<1x50176x32xf32, #tpu.memory_space<hbm>>
      %dma_start3A_48 = tpu.memref_squeeze %dma_start3A_47 : memref<1x50176x32xf32, #tpu.memory_space<hbm>> -> memref<50176x32xf32, #tpu.memory_space<hbm>>
      %dma_start3A_49 = arith.constant 0 : i32
      %dma_start3A_50 = arith.constant 0 : i32
      %dma_start3A_51 = tpu.memref_slice %dma_start3A_48[%dma_start3A_49, %dma_start3A_50] : memref<50176x32xf32, #tpu.memory_space<hbm>> -> memref<50176x32xf32, #tpu.memory_space<hbm>>
      tpu.enqueue_indirect_dma source(%dma_start3A_51 : memref<50176x32xf32, #tpu.memory_space<hbm>>) target(%arg12 : memref<400x32xf32, #tpu.memory_space<vmem>>) offsets(%arg11 : memref<400xi32, #tpu.memory_space<vmem>>) semaphore(%arg10 : memref<!tpu.dma_semaphore, #tpu.memory_space<semaphore_mem>>)
      %dma_wait3A = arith.constant 0 : i32
      %dma_wait3A_52 = arith.constant 0 : i32
      %dma_wait3A_53 = tpu.memref_slice %arg5[%arg0, %dma_wait3A, %dma_wait3A_52] : memref<2x50176x32xf32, #tpu.memory_space<hbm>> -> memref<1x50176x32xf32, #tpu.memory_space<hbm>>
      %dma_wait3A_54 = tpu.memref_squeeze %dma_wait3A_53 : memref<1x50176x32xf32, #tpu.memory_space<hbm>> -> memref<50176x32xf32, #tpu.memory_space<hbm>>
      %dma_wait3A_55 = arith.constant 0 : i32
      %dma_wait3A_56 = arith.constant 0 : i32
      %dma_wait3A_57 = tpu.memref_slice %dma_wait3A_54[%dma_wait3A_55, %dma_wait3A_56] : memref<50176x32xf32, #tpu.memory_space<hbm>> -> memref<50176x32xf32, #tpu.memory_space<hbm>>
      tpu.wait_indirect_dma semaphore(%arg10 : memref<!tpu.dma_semaphore, #tpu.memory_space<semaphore_mem>>) src(%dma_wait3A_57 : memref<50176x32xf32, #tpu.memory_space<hbm>>) dst(%arg12 : memref<400x32xf32, #tpu.memory_space<vmem>>)
      %scan3A_58 = arith.constant 0 : i32
      %scan3A_59 = arith.constant 0 : i32
      %scan3A_60 = arith.constant 50 : i32
      %scan3A_61 = arith.addi %scan3A_59, %scan3A_60 : i32
      %scan3A_62 = arith.constant 1 : i32
      %scan3A_63 = scf.for %scan3A_66 = %scan3A_59 to %scan3A_61 step %scan3A_62 iter_args(%scan3A_67 = %scan3A_58) -> (i32)  : i32 {
        %mul3A_68 = arith.constant 8 : i32
        %mul3A_69 = arith.muli %mul3A_68, %scan3A_66 : i32
        %add3A_70 = arith.constant 0 : i32
        %add3A_71 = arith.addi %mul3A_69, %add3A_70 : i32
        %broadcast_in_dim3A_72 = vector.broadcast %add3A_71 : i32 to vector<16xi32>
        %gather3A = tpu.vector_load_idx %arg9[%broadcast_in_dim3A_72, %broadcast_in_dim3A_25] : memref<400x8xf32, #tpu.memory_space<vmem>>[vector<16xi32>, vector<16xi32>], vector<16xf32>,
        %gather3A_73 = tpu.vector_load_idx %arg9[%broadcast_in_dim3A_72, %broadcast_in_dim3A_30] : memref<400x8xf32, #tpu.memory_space<vmem>>[vector<16xi32>, vector<16xi32>], vector<16xf32>,
        %get3A = arith.index_cast %add3A_71 : i32 to index
        %get3A_74 = arith.constant 0 : index
        %get3A_75 = tpu.vector_load %arg12[%get3A, %get3A_74] {strides = array<i32>} : memref<400x32xf32, #tpu.memory_space<vmem>>, vector<16xf32>,
        %mul3A_76 = arith.mulf %get3A_75, %gather3A : vector<16xf32>
        %swap3A = arith.index_cast %add3A_71 : i32 to index
        %swap3A_77 = arith.constant 0 : index
        %swap3A_78 = tpu.vector_load %arg12[%swap3A, %swap3A_77] {strides = array<i32>} : memref<400x32xf32, #tpu.memory_space<vmem>>, vector<16xf32>,
        tpu.vector_store %arg12[%swap3A, %swap3A_77], %mul3A_76 {strides = array<i32>} : memref<400x32xf32, #tpu.memory_space<vmem>>, vector<16xf32>,
        %get3A_79 = arith.index_cast %add3A_71 : i32 to index
        %get3A_80 = arith.constant 16 : index
        %get3A_81 = tpu.vector_load %arg12[%get3A_79, %get3A_80] {strides = array<i32>} : memref<400x32xf32, #tpu.memory_space<vmem>>, vector<16xf32>,
        %mul3A_82 = arith.mulf %get3A_81, %gather3A_73 : vector<16xf32>
        %swap3A_83 = arith.index_cast %add3A_71 : i32 to index
        %swap3A_84 = arith.constant 16 : index
        %swap3A_85 = tpu.vector_load %arg12[%swap3A_83, %swap3A_84] {strides = array<i32>} : memref<400x32xf32, #tpu.memory_space<vmem>>, vector<16xf32>,
        tpu.vector_store %arg12[%swap3A_83, %swap3A_84], %mul3A_82 {strides = array<i32>} : memref<400x32xf32, #tpu.memory_space<vmem>>, vector<16xf32>,
        %add3A_86 = arith.constant 1 : i32
        %add3A_87 = arith.addi %mul3A_69, %add3A_86 : i32
        %broadcast_in_dim3A_88 = vector.broadcast %add3A_87 : i32 to vector<16xi32>
        %gather3A_89 = tpu.vector_load_idx %arg9[%broadcast_in_dim3A_88, %broadcast_in_dim3A_25] : memref<400x8xf32, #tpu.memory_space<vmem>>[vector<16xi32>, vector<16xi32>], vector<16xf32>,
        %gather3A_90 = tpu.vector_load_idx %arg9[%broadcast_in_dim3A_88, %broadcast_in_dim3A_30] : memref<400x8xf32, #tpu.memory_space<vmem>>[vector<16xi32>, vector<16xi32>], vector<16xf32>,
        %get3A_91 = arith.index_cast %add3A_87 : i32 to index
        %get3A_92 = arith.constant 0 : index
        %get3A_93 = tpu.vector_load %arg12[%get3A_91, %get3A_92] {strides = array<i32>} : memref<400x32xf32, #tpu.memory_space<vmem>>, vector<16xf32>,
        %mul3A_94 = arith.mulf %get3A_93, %gather3A_89 : vector<16xf32>
        %swap3A_95 = arith.index_cast %add3A_87 : i32 to index
        %swap3A_96 = arith.constant 0 : index
        %swap3A_97 = tpu.vector_load %arg12[%swap3A_95, %swap3A_96] {strides = array<i32>} : memref<400x32xf32, #tpu.memory_space<vmem>>, vector<16xf32>,
        tpu.vector_store %arg12[%swap3A_95, %swap3A_96], %mul3A_94 {strides = array<i32>} : memref<400x32xf32, #tpu.memory_space<vmem>>, vector<16xf32>,
        %get3A_98 = arith.index_cast %add3A_87 : i32 to index
        %get3A_99 = arith.constant 16 : index
        %get3A_100 = tpu.vector_load %arg12[%get3A_98, %get3A_99] {strides = array<i32>} : memref<400x32xf32, #tpu.memory_space<vmem>>, vector<16xf32>,
        %mul3A_101 = arith.mulf %get3A_100, %gather3A_90 : vector<16xf32>
        %swap3A_102 = arith.index_cast %add3A_87 : i32 to index
        %swap3A_103 = arith.constant 16 : index
        %swap3A_104 = tpu.vector_load %arg12[%swap3A_102, %swap3A_103] {strides = array<i32>} : memref<400x32xf32, #tpu.memory_space<vmem>>, vector<16xf32>,
        tpu.vector_store %arg12[%swap3A_102, %swap3A_103], %mul3A_101 {strides = array<i32>} : memref<400x32xf32, #tpu.memory_space<vmem>>, vector<16xf32>,
        %add3A_105 = arith.constant 2 : i32
        %add3A_106 = arith.addi %mul3A_69, %add3A_105 : i32
        %broadcast_in_dim3A_107 = vector.broadcast %add3A_106 : i32 to vector<16xi32>
        %gather3A_108 = tpu.vector_load_idx %arg9[%broadcast_in_dim3A_107, %broadcast_in_dim3A_25] : memref<400x8xf32, #tpu.memory_space<vmem>>[vector<16xi32>, vector<16xi32>], vector<16xf32>,
        %gather3A_109 = tpu.vector_load_idx %arg9[%broadcast_in_dim3A_107, %broadcast_in_dim3A_30] : memref<400x8xf32, #tpu.memory_space<vmem>>[vector<16xi32>, vector<16xi32>], vector<16xf32>,
        %get3A_110 = arith.index_cast %add3A_106 : i32 to index
        %get3A_111 = arith.constant 0 : index
        %get3A_112 = tpu.vector_load %arg12[%get3A_110, %get3A_111] {strides = array<i32>} : memref<400x32xf32, #tpu.memory_space<vmem>>, vector<16xf32>,
        %mul3A_113 = arith.mulf %get3A_112, %gather3A_108 : vector<16xf32>
        %swap3A_114 = arith.index_cast %add3A_106 : i32 to index
        %swap3A_115 = arith.constant 0 : index
        %swap3A_116 = tpu.vector_load %arg12[%swap3A_114, %swap3A_115] {strides = array<i32>} : memref<400x32xf32, #tpu.memory_space<vmem>>, vector<16xf32>,
        tpu.vector_store %arg12[%swap3A_114, %swap3A_115], %mul3A_113 {strides = array<i32>} : memref<400x32xf32, #tpu.memory_space<vmem>>, vector<16xf32>,
        %get3A_117 = arith.index_cast %add3A_106 : i32 to index
        %get3A_118 = arith.constant 16 : index
        %get3A_119 = tpu.vector_load %arg12[%get3A_117, %get3A_118] {strides = array<i32>} : memref<400x32xf32, #tpu.memory_space<vmem>>, vector<16xf32>,
        %mul3A_120 = arith.mulf %get3A_119, %gather3A_109 : vector<16xf32>
        %swap3A_121 = arith.index_cast %add3A_106 : i32 to index
        %swap3A_122 = arith.constant 16 : index
        %swap3A_123 = tpu.vector_load %arg12[%swap3A_121, %swap3A_122] {strides = array<i32>} : memref<400x32xf32, #tpu.memory_space<vmem>>, vector<16xf32>,
        tpu.vector_store %arg12[%swap3A_121, %swap3A_122], %mul3A_120 {strides = array<i32>} : memref<400x32xf32, #tpu.memory_space<vmem>>, vector<16xf32>,
        %add3A_124 = arith.constant 3 : i32
        %add3A_125 = arith.addi %mul3A_69, %add3A_124 : i32
        %broadcast_in_dim3A_126 = vector.broadcast %add3A_125 : i32 to vector<16xi32>
        %gather3A_127 = tpu.vector_load_idx %arg9[%broadcast_in_dim3A_126, %broadcast_in_dim3A_25] : memref<400x8xf32, #tpu.memory_space<vmem>>[vector<16xi32>, vector<16xi32>], vector<16xf32>,
        %gather3A_128 = tpu.vector_load_idx %arg9[%broadcast_in_dim3A_126, %broadcast_in_dim3A_30] : memref<400x8xf32, #tpu.memory_space<vmem>>[vector<16xi32>, vector<16xi32>], vector<16xf32>,
        %get3A_129 = arith.index_cast %add3A_125 : i32 to index
        %get3A_130 = arith.constant 0 : index
        %get3A_131 = tpu.vector_load %arg12[%get3A_129, %get3A_130] {strides = array<i32>} : memref<400x32xf32, #tpu.memory_space<vmem>>, vector<16xf32>,
        %mul3A_132 = arith.mulf %get3A_131, %gather3A_127 : vector<16xf32>
        %swap3A_133 = arith.index_cast %add3A_125 : i32 to index
        %swap3A_134 = arith.constant 0 : index
        %swap3A_135 = tpu.vector_load %arg12[%swap3A_133, %swap3A_134] {strides = array<i32>} : memref<400x32xf32, #tpu.memory_space<vmem>>, vector<16xf32>,
        tpu.vector_store %arg12[%swap3A_133, %swap3A_134], %mul3A_132 {strides = array<i32>} : memref<400x32xf32, #tpu.memory_space<vmem>>, vector<16xf32>,
        %get3A_136 = arith.index_cast %add3A_125 : i32 to index
        %get3A_137 = arith.constant 16 : index
        %get3A_138 = tpu.vector_load %arg12[%get3A_136, %get3A_137] {strides = array<i32>} : memref<400x32xf32, #tpu.memory_space<vmem>>, vector<16xf32>,
        %mul3A_139 = arith.mulf %get3A_138, %gather3A_128 : vector<16xf32>
        %swap3A_140 = arith.index_cast %add3A_125 : i32 to index
        %swap3A_141 = arith.constant 16 : index
        %swap3A_142 = tpu.vector_load %arg12[%swap3A_140, %swap3A_141] {strides = array<i32>} : memref<400x32xf32, #tpu.memory_space<vmem>>, vector<16xf32>,
        tpu.vector_store %arg12[%swap3A_140, %swap3A_141], %mul3A_139 {strides = array<i32>} : memref<400x32xf32, #tpu.memory_space<vmem>>, vector<16xf32>,
        %add3A_143 = arith.constant 4 : i32
        %add3A_144 = arith.addi %mul3A_69, %add3A_143 : i32
        %broadcast_in_dim3A_145 = vector.broadcast %add3A_144 : i32 to vector<16xi32>
        %gather3A_146 = tpu.vector_load_idx %arg9[%broadcast_in_dim3A_145, %broadcast_in_dim3A_25] : memref<400x8xf32, #tpu.memory_space<vmem>>[vector<16xi32>, vector<16xi32>], vector<16xf32>,
        %gather3A_147 = tpu.vector_load_idx %arg9[%broadcast_in_dim3A_145, %broadcast_in_dim3A_30] : memref<400x8xf32, #tpu.memory_space<vmem>>[vector<16xi32>, vector<16xi32>], vector<16xf32>,
        %get3A_148 = arith.index_cast %add3A_144 : i32 to index
        %get3A_149 = arith.constant 0 : index
        %get3A_150 = tpu.vector_load %arg12[%get3A_148, %get3A_149] {strides = array<i32>} : memref<400x32xf32, #tpu.memory_space<vmem>>, vector<16xf32>,
        %mul3A_151 = arith.mulf %get3A_150, %gather3A_146 : vector<16xf32>
        %swap3A_152 = arith.index_cast %add3A_144 : i32 to index
        %swap3A_153 = arith.constant 0 : index
        %swap3A_154 = tpu.vector_load %arg12[%swap3A_152, %swap3A_153] {strides = array<i32>} : memref<400x32xf32, #tpu.memory_space<vmem>>, vector<16xf32>,
        tpu.vector_store %arg12[%swap3A_152, %swap3A_153], %mul3A_151 {strides = array<i32>} : memref<400x32xf32, #tpu.memory_space<vmem>>, vector<16xf32>,
        %get3A_155 = arith.index_cast %add3A_144 : i32 to index
        %get3A_156 = arith.constant 16 : index
        %get3A_157 = tpu.vector_load %arg12[%get3A_155, %get3A_156] {strides = array<i32>} : memref<400x32xf32, #tpu.memory_space<vmem>>, vector<16xf32>,
        %mul3A_158 = arith.mulf %get3A_157, %gather3A_147 : vector<16xf32>
        %swap3A_159 = arith.index_cast %add3A_144 : i32 to index
        %swap3A_160 = arith.constant 16 : index
        %swap3A_161 = tpu.vector_load %arg12[%swap3A_159, %swap3A_160] {strides = array<i32>} : memref<400x32xf32, #tpu.memory_space<vmem>>, vector<16xf32>,
        tpu.vector_store %arg12[%swap3A_159, %swap3A_160], %mul3A_158 {strides = array<i32>} : memref<400x32xf32, #tpu.memory_space<vmem>>, vector<16xf32>,
        %add3A_162 = arith.constant 5 : i32
        %add3A_163 = arith.addi %mul3A_69, %add3A_162 : i32
        %broadcast_in_dim3A_164 = vector.broadcast %add3A_163 : i32 to vector<16xi32>
        %gather3A_165 = tpu.vector_load_idx %arg9[%broadcast_in_dim3A_164, %broadcast_in_dim3A_25] : memref<400x8xf32, #tpu.memory_space<vmem>>[vector<16xi32>, vector<16xi32>], vector<16xf32>,
        %gather3A_166 = tpu.vector_load_idx %arg9[%broadcast_in_dim3A_164, %broadcast_in_dim3A_30] : memref<400x8xf32, #tpu.memory_space<vmem>>[vector<16xi32>, vector<16xi32>], vector<16xf32>,
        %get3A_167 = arith.index_cast %add3A_163 : i32 to index
        %get3A_168 = arith.constant 0 : index
        %get3A_169 = tpu.vector_load %arg12[%get3A_167, %get3A_168] {strides = array<i32>} : memref<400x32xf32, #tpu.memory_space<vmem>>, vector<16xf32>,
        %mul3A_170 = arith.mulf %get3A_169, %gather3A_165 : vector<16xf32>
        %swap3A_171 = arith.index_cast %add3A_163 : i32 to index
        %swap3A_172 = arith.constant 0 : index
        %swap3A_173 = tpu.vector_load %arg12[%swap3A_171, %swap3A_172] {strides = array<i32>} : memref<400x32xf32, #tpu.memory_space<vmem>>, vector<16xf32>,
        tpu.vector_store %arg12[%swap3A_171, %swap3A_172], %mul3A_170 {strides = array<i32>} : memref<400x32xf32, #tpu.memory_space<vmem>>, vector<16xf32>,
        %get3A_174 = arith.index_cast %add3A_163 : i32 to index
        %get3A_175 = arith.constant 16 : index
        %get3A_176 = tpu.vector_load %arg12[%get3A_174, %get3A_175] {strides = array<i32>} : memref<400x32xf32, #tpu.memory_space<vmem>>, vector<16xf32>,
        %mul3A_177 = arith.mulf %get3A_176, %gather3A_166 : vector<16xf32>
        %swap3A_178 = arith.index_cast %add3A_163 : i32 to index
        %swap3A_179 = arith.constant 16 : index
        %swap3A_180 = tpu.vector_load %arg12[%swap3A_178, %swap3A_179] {strides = array<i32>} : memref<400x32xf32, #tpu.memory_space<vmem>>, vector<16xf32>,
        tpu.vector_store %arg12[%swap3A_178, %swap3A_179], %mul3A_177 {strides = array<i32>} : memref<400x32xf32, #tpu.memory_space<vmem>>, vector<16xf32>,
        %add3A_181 = arith.constant 6 : i32
        %add3A_182 = arith.addi %mul3A_69, %add3A_181 : i32
        %broadcast_in_dim3A_183 = vector.broadcast %add3A_182 : i32 to vector<16xi32>
        %gather3A_184 = tpu.vector_load_idx %arg9[%broadcast_in_dim3A_183, %broadcast_in_dim3A_25] : memref<400x8xf32, #tpu.memory_space<vmem>>[vector<16xi32>, vector<16xi32>], vector<16xf32>,
        %gather3A_185 = tpu.vector_load_idx %arg9[%broadcast_in_dim3A_183, %broadcast_in_dim3A_30] : memref<400x8xf32, #tpu.memory_space<vmem>>[vector<16xi32>, vector<16xi32>], vector<16xf32>,
        %get3A_186 = arith.index_cast %add3A_182 : i32 to index
        %get3A_187 = arith.constant 0 : index
        %get3A_188 = tpu.vector_load %arg12[%get3A_186, %get3A_187] {strides = array<i32>} : memref<400x32xf32, #tpu.memory_space<vmem>>, vector<16xf32>,
        %mul3A_189 = arith.mulf %get3A_188, %gather3A_184 : vector<16xf32>
        %swap3A_190 = arith.index_cast %add3A_182 : i32 to index
        %swap3A_191 = arith.constant 0 : index
        %swap3A_192 = tpu.vector_load %arg12[%swap3A_190, %swap3A_191] {strides = array<i32>} : memref<400x32xf32, #tpu.memory_space<vmem>>, vector<16xf32>,
        tpu.vector_store %arg12[%swap3A_190, %swap3A_191], %mul3A_189 {strides = array<i32>} : memref<400x32xf32, #tpu.memory_space<vmem>>, vector<16xf32>,
        %get3A_193 = arith.index_cast %add3A_182 : i32 to index
        %get3A_194 = arith.constant 16 : index
        %get3A_195 = tpu.vector_load %arg12[%get3A_193, %get3A_194] {strides = array<i32>} : memref<400x32xf32, #tpu.memory_space<vmem>>, vector<16xf32>,
        %mul3A_196 = arith.mulf %get3A_195, %gather3A_185 : vector<16xf32>
        %swap3A_197 = arith.index_cast %add3A_182 : i32 to index
        %swap3A_198 = arith.constant 16 : index
        %swap3A_199 = tpu.vector_load %arg12[%swap3A_197, %swap3A_198] {strides = array<i32>} : memref<400x32xf32, #tpu.memory_space<vmem>>, vector<16xf32>,
        tpu.vector_store %arg12[%swap3A_197, %swap3A_198], %mul3A_196 {strides = array<i32>} : memref<400x32xf32, #tpu.memory_space<vmem>>, vector<16xf32>,
        %add3A_200 = arith.constant 7 : i32
        %add3A_201 = arith.addi %mul3A_69, %add3A_200 : i32
        %broadcast_in_dim3A_202 = vector.broadcast %add3A_201 : i32 to vector<16xi32>
        %gather3A_203 = tpu.vector_load_idx %arg9[%broadcast_in_dim3A_202, %broadcast_in_dim3A_25] : memref<400x8xf32, #tpu.memory_space<vmem>>[vector<16xi32>, vector<16xi32>], vector<16xf32>,
        %gather3A_204 = tpu.vector_load_idx %arg9[%broadcast_in_dim3A_202, %broadcast_in_dim3A_30] : memref<400x8xf32, #tpu.memory_space<vmem>>[vector<16xi32>, vector<16xi32>], vector<16xf32>,
        %get3A_205 = arith.index_cast %add3A_201 : i32 to index
        %get3A_206 = arith.constant 0 : index
        %get3A_207 = tpu.vector_load %arg12[%get3A_205, %get3A_206] {strides = array<i32>} : memref<400x32xf32, #tpu.memory_space<vmem>>, vector<16xf32>,
        %mul3A_208 = arith.mulf %get3A_207, %gather3A_203 : vector<16xf32>
        %swap3A_209 = arith.index_cast %add3A_201 : i32 to index
        %swap3A_210 = arith.constant 0 : index
        %swap3A_211 = tpu.vector_load %arg12[%swap3A_209, %swap3A_210] {strides = array<i32>} : memref<400x32xf32, #tpu.memory_space<vmem>>, vector<16xf32>,
        tpu.vector_store %arg12[%swap3A_209, %swap3A_210], %mul3A_208 {strides = array<i32>} : memref<400x32xf32, #tpu.memory_space<vmem>>, vector<16xf32>,
        %get3A_212 = arith.index_cast %add3A_201 : i32 to index
        %get3A_213 = arith.constant 16 : index
        %get3A_214 = tpu.vector_load %arg12[%get3A_212, %get3A_213] {strides = array<i32>} : memref<400x32xf32, #tpu.memory_space<vmem>>, vector<16xf32>,
        %mul3A_215 = arith.mulf %get3A_214, %gather3A_204 : vector<16xf32>
        %swap3A_216 = arith.index_cast %add3A_201 : i32 to index
        %swap3A_217 = arith.constant 16 : index
        %swap3A_218 = tpu.vector_load %arg12[%swap3A_216, %swap3A_217] {strides = array<i32>} : memref<400x32xf32, #tpu.memory_space<vmem>>, vector<16xf32>,
        tpu.vector_store %arg12[%swap3A_216, %swap3A_217], %mul3A_215 {strides = array<i32>} : memref<400x32xf32, #tpu.memory_space<vmem>>, vector<16xf32>,
        %scan3A_219 = arith.constant 0 : i32
        scf.yield %scan3A_219 : i32
      }
      %scan3A_64 = arith.constant 50 : i32
      "tpu.region"() ({
        %run_scoped3A = tpu.sem_alloc : memref<!tpu.dma_semaphore, #tpu.memory_space<semaphore_mem>>
        %dma_start3A_66 = arith.constant 0 : i32
        %dma_start3A_67 = arith.constant 0 : i32
        %dma_start3A_68 = tpu.memref_slice %arg7[%dma_start3A_66, %dma_start3A_67] : memref<50176x32xf32, #tpu.memory_space<vmem_shared>> -> memref<50176x32xf32, #tpu.memory_space<vmem_shared>>
        tpu.enqueue_indirect_dma source(%arg12 : memref<400x32xf32, #tpu.memory_space<vmem>>) target(%dma_start3A_68 : memref<50176x32xf32, #tpu.memory_space<vmem_shared>>) offsets(%arg8 : memref<400xi32, #tpu.memory_space<vmem>>) semaphore(%run_scoped3A : memref<!tpu.dma_semaphore, #tpu.memory_space<semaphore_mem>>) {add = true}
        %dma_wait3A_69 = arith.constant 0 : i32
        %dma_wait3A_70 = arith.constant 0 : i32
        %dma_wait3A_71 = tpu.memref_slice %arg7[%dma_wait3A_69, %dma_wait3A_70] : memref<50176x32xf32, #tpu.memory_space<vmem_shared>> -> memref<50176x32xf32, #tpu.memory_space<vmem_shared>>
        tpu.wait_indirect_dma semaphore(%run_scoped3A : memref<!tpu.dma_semaphore, #tpu.memory_space<semaphore_mem>>) src(%arg12 : memref<400x32xf32, #tpu.memory_space<vmem>>) dst(%dma_wait3A_71 : memref<50176x32xf32, #tpu.memory_space<vmem_shared>>)
        tpu.yield
      }) : () -> ()
      %scan3A_65 = arith.constant 0 : i32
      scf.yield %scan3A_65 : i32
    }
    %scan3A_37 = arith.constant 125 : i32
    %barrier3A_38 = arith.constant 0 : index
    tpu.barrier barrier_id(%barrier3A_38)
    "tpu.region"() ({
      %run_scoped3A = tpu.sem_alloc : memref<!tpu.dma_semaphore, #tpu.memory_space<semaphore_mem>>
      %dma_start3A = arith.constant 0 : i32
      %dma_start3A_39 = tpu.memref_slice %arg6[%arg0, %mul3A_7, %dma_start3A] : memref<2x50176x32xf32, #tpu.memory_space<hbm>> -> memref<1x3136x32xf32, #tpu.memory_space<hbm>>
      %dma_start3A_40 = tpu.memref_squeeze %dma_start3A_39 : memref<1x3136x32xf32, #tpu.memory_space<hbm>> -> memref<3136x32xf32, #tpu.memory_space<hbm>>
      %dma_start3A_41 = arith.constant 0 : i32
      %dma_start3A_42 = tpu.memref_slice %arg7[%mul3A_7, %dma_start3A_41] : memref<50176x32xf32, #tpu.memory_space<vmem_shared>> -> memref<3136x32xf32, #tpu.memory_space<vmem_shared>>
      tpu.enqueue_dma source(%dma_start3A_42 : memref<3136x32xf32, #tpu.memory_space<vmem_shared>>) target(%dma_start3A_40 : memref<3136x32xf32, #tpu.memory_space<hbm>>) target_semaphore(%run_scoped3A : memref<!tpu.dma_semaphore, #tpu.memory_space<semaphore_mem>>)
      %dma_wait3A = arith.constant 0 : i32
      %dma_wait3A_43 = tpu.memref_slice %arg6[%arg0, %mul3A_7, %dma_wait3A] : memref<2x50176x32xf32, #tpu.memory_space<hbm>> -> memref<1x3136x32xf32, #tpu.memory_space<hbm>>
      %dma_wait3A_44 = tpu.memref_squeeze %dma_wait3A_43 : memref<1x3136x32xf32, #tpu.memory_space<hbm>> -> memref<3136x32xf32, #tpu.memory_space<hbm>>
      %dma_wait3A_45 = arith.constant 0 : i32
      %dma_wait3A_46 = tpu.memref_slice %arg7[%mul3A_7, %dma_wait3A_45] : memref<50176x32xf32, #tpu.memory_space<vmem_shared>> -> memref<3136x32xf32, #tpu.memory_space<vmem_shared>>
      tpu.wait_dma2 semaphore(%run_scoped3A : memref<!tpu.dma_semaphore, #tpu.memory_space<semaphore_mem>>) src(%dma_wait3A_46 : memref<3136x32xf32, #tpu.memory_space<vmem_shared>>) dst(%dma_wait3A_44 : memref<3136x32xf32, #tpu.memory_space<hbm>>)
      tpu.yield
    }) : () -> ()
    return
  }
}

#map = affine_map<(d0, d1) -> (0)>
#map1 = affine_map<(d0, d1) -> (0, 0)>
#map2 = affine_map<(d0, d1) -> (0, 0, 0)>
module attributes {stable_mosaic.version = 14 : i64} {
  func.func @k(%arg0: i32, %arg1: i32, %arg2: memref<800000xi32, #tpu.memory_space<hbm>>, %arg3: memref<800000xi32, #tpu.memory_space<hbm>>, %arg4: memref<50176x8xf32, #tpu.memory_space<hbm>>, %arg5: memref<50176x8xf32, #tpu.memory_space<hbm>>, %arg6: memref<3200000xf32, #tpu.memory_space<hbm>>, %arg7: memref<16xf32, #tpu.memory_space<hbm>>, %arg8: memref<800000x8xf32, #tpu.memory_space<hbm>>, %arg9: memref<2x50176x8xf32, #tpu.memory_space<hbm>>, %arg10: memref<50176x8xf32, #tpu.memory_space<vmem_shared>>, %arg11: memref<16xf32, #tpu.memory_space<vmem>>, %arg12: memref<1000x8xf32, #tpu.memory_space<vmem>>, %arg13: memref<4000xf32, #tpu.memory_space<vmem>>, %arg14: memref<1000x8xf32, #tpu.memory_space<vmem>>, %arg15: memref<1000xi32, #tpu.memory_space<vmem>>, %arg16: memref<1000x8xf32, #tpu.memory_space<vmem>>, %arg17: memref<!tpu.dma_semaphore, #tpu.memory_space<semaphore_mem>>, %arg18: memref<!tpu.dma_semaphore, #tpu.memory_space<semaphore_mem>>, %arg19: memref<1000xi32, #tpu.memory_space<vmem>>) attributes {dimension_semantics = [#tpu.dimension_semantics<core_parallel>, #tpu.dimension_semantics<subcore_parallel>], iteration_bounds = array<i64: 2, 16>, scalar_prefetch = 0 : i64, scratch_operands = 10 : i64, tpu.core_type = #tpu.core_type<sc_vector_subcore>, window_params = [{transform_indices = #map}, {transform_indices = #map}, {transform_indices = #map1}, {transform_indices = #map1}, {transform_indices = #map}, {transform_indices = #map}, {transform_indices = #map1}, {transform_indices = #map2}]} {
    %broadcast_in_dim3A = arith.constant 0.000000e+00 : f32
    %broadcast_in_dim3A_0 = vector.broadcast %broadcast_in_dim3A : f32 to vector<16xf32>
    %iota3A = tpu.iota {dimensions = array<i32: 0>} : vector<16xi32>
    %shift_right_logical3A = arith.constant 2 : i32
    %shift_right_logical3A_1 = vector.broadcast %shift_right_logical3A : i32 to vector<16xi32>
    %shift_right_logical3A_2 = arith.shrui %iota3A, %shift_right_logical3A_1 : vector<16xi32>
    %and3A = arith.constant 3 : i32
    %and3A_3 = vector.broadcast %and3A : i32 to vector<16xi32>
    %and3A_4 = arith.andi %iota3A, %and3A_3 : vector<16xi32>
    %shift_right_logical3A_5 = arith.constant 3 : i32
    %shift_right_logical3A_6 = vector.broadcast %shift_right_logical3A_5 : i32 to vector<16xi32>
    %shift_right_logical3A_7 = arith.shrui %iota3A, %shift_right_logical3A_6 : vector<16xi32>
    %and3A_8 = arith.constant 7 : i32
    %and3A_9 = vector.broadcast %and3A_8 : i32 to vector<16xi32>
    %and3A_10 = arith.andi %iota3A, %and3A_9 : vector<16xi32>
    %scan3A = arith.constant 0 : i32
    %scan3A_11 = arith.constant 0 : i32
    %scan3A_12 = arith.constant 500 : i32
    %scan3A_13 = arith.addi %scan3A_11, %scan3A_12 : i32
    %scan3A_14 = arith.constant 1 : i32
    %scan3A_15 = scf.for %scan3A_32 = %scan3A_11 to %scan3A_13 step %scan3A_14 iter_args(%scan3A_33 = %scan3A) -> (i32)  : i32 {
      %mul3A_34 = arith.constant 2 : i32
      %mul3A_35 = arith.muli %mul3A_34, %scan3A_32 : i32
      %add3A_36 = vector.broadcast %mul3A_35 : i32 to vector<16xi32>
      %add3A_37 = arith.addi %shift_right_logical3A_7, %add3A_36 : vector<16xi32>
      tpu.vector_store_idx %arg16[%add3A_37, %and3A_10], %broadcast_in_dim3A_0 : memref<1000x8xf32, #tpu.memory_space<vmem>>[vector<16xi32>, vector<16xi32>], vector<16xf32>,
      %scan3A_38 = arith.constant 0 : i32
      scf.yield %scan3A_38 : i32
    }
    %scan3A_16 = arith.constant 500 : i32
    %mul3A = arith.constant 3136 : i32
    %mul3A_17 = arith.muli %arg1, %mul3A : i32
    "tpu.region"() ({
      %run_scoped3A = tpu.sem_alloc : memref<!tpu.dma_semaphore, #tpu.memory_space<semaphore_mem>>
      %dma_start3A = arith.constant 0 : i32
      %dma_start3A_32 = arith.constant 0 : i32
      %dma_start3A_33 = tpu.memref_slice %arg16[%dma_start3A, %dma_start3A_32] : memref<1000x8xf32, #tpu.memory_space<vmem>> -> memref<1000x8xf32, #tpu.memory_space<vmem>>
      %dma_start3A_34 = arith.constant 0 : i32
      %dma_start3A_35 = tpu.memref_slice %arg10[%mul3A_17, %dma_start3A_34] : memref<50176x8xf32, #tpu.memory_space<vmem_shared>> -> memref<1000x8xf32, #tpu.memory_space<vmem_shared>>
      %dma_start3A_36 = arith.constant 0 : i32
      %dma_start3A_37 = tpu.memref_slice %arg10[%mul3A_17, %dma_start3A_36] : memref<50176x8xf32, #tpu.memory_space<vmem_shared>> -> memref<1000x8xf32, #tpu.memory_space<vmem_shared>>
      %dma_start3A_38 = arith.constant 0 : i32
      %dma_start3A_39 = arith.constant 0 : i32
      %dma_start3A_40 = tpu.memref_slice %arg16[%dma_start3A_38, %dma_start3A_39] : memref<1000x8xf32, #tpu.memory_space<vmem>> -> memref<1000x8xf32, #tpu.memory_space<vmem>>
      tpu.enqueue_dma source(%dma_start3A_40 : memref<1000x8xf32, #tpu.memory_space<vmem>>) target(%dma_start3A_37 : memref<1000x8xf32, #tpu.memory_space<vmem_shared>>) target_semaphore(%run_scoped3A : memref<!tpu.dma_semaphore, #tpu.memory_space<semaphore_mem>>)
      %dma_wait3A = arith.constant 0 : i32
      %dma_wait3A_41 = arith.constant 0 : i32
      %dma_wait3A_42 = tpu.memref_slice %arg16[%dma_wait3A, %dma_wait3A_41] : memref<1000x8xf32, #tpu.memory_space<vmem>> -> memref<1000x8xf32, #tpu.memory_space<vmem>>
      %dma_wait3A_43 = arith.constant 0 : i32
      %dma_wait3A_44 = tpu.memref_slice %arg10[%mul3A_17, %dma_wait3A_43] : memref<50176x8xf32, #tpu.memory_space<vmem_shared>> -> memref<1000x8xf32, #tpu.memory_space<vmem_shared>>
      %dma_wait3A_45 = arith.constant 0 : i32
      %dma_wait3A_46 = tpu.memref_slice %arg10[%mul3A_17, %dma_wait3A_45] : memref<50176x8xf32, #tpu.memory_space<vmem_shared>> -> memref<1000x8xf32, #tpu.memory_space<vmem_shared>>
      %dma_wait3A_47 = arith.constant 0 : i32
      %dma_wait3A_48 = arith.constant 0 : i32
      %dma_wait3A_49 = tpu.memref_slice %arg16[%dma_wait3A_47, %dma_wait3A_48] : memref<1000x8xf32, #tpu.memory_space<vmem>> -> memref<1000x8xf32, #tpu.memory_space<vmem>>
      tpu.wait_dma2 semaphore(%run_scoped3A : memref<!tpu.dma_semaphore, #tpu.memory_space<semaphore_mem>>) src(%dma_wait3A_49 : memref<1000x8xf32, #tpu.memory_space<vmem>>) dst(%dma_wait3A_46 : memref<1000x8xf32, #tpu.memory_space<vmem_shared>>)
      tpu.yield
    }) : () -> ()
    %add3A = arith.constant 1000 : i32
    %add3A_18 = arith.addi %mul3A_17, %add3A : i32
    "tpu.region"() ({
      %run_scoped3A = tpu.sem_alloc : memref<!tpu.dma_semaphore, #tpu.memory_space<semaphore_mem>>
      %dma_start3A = arith.constant 0 : i32
      %dma_start3A_32 = arith.constant 0 : i32
      %dma_start3A_33 = tpu.memref_slice %arg16[%dma_start3A, %dma_start3A_32] : memref<1000x8xf32, #tpu.memory_space<vmem>> -> memref<1000x8xf32, #tpu.memory_space<vmem>>
      %dma_start3A_34 = arith.constant 0 : i32
      %dma_start3A_35 = tpu.memref_slice %arg10[%add3A_18, %dma_start3A_34] : memref<50176x8xf32, #tpu.memory_space<vmem_shared>> -> memref<1000x8xf32, #tpu.memory_space<vmem_shared>>
      %dma_start3A_36 = arith.constant 0 : i32
      %dma_start3A_37 = tpu.memref_slice %arg10[%add3A_18, %dma_start3A_36] : memref<50176x8xf32, #tpu.memory_space<vmem_shared>> -> memref<1000x8xf32, #tpu.memory_space<vmem_shared>>
      %dma_start3A_38 = arith.constant 0 : i32
      %dma_start3A_39 = arith.constant 0 : i32
      %dma_start3A_40 = tpu.memref_slice %arg16[%dma_start3A_38, %dma_start3A_39] : memref<1000x8xf32, #tpu.memory_space<vmem>> -> memref<1000x8xf32, #tpu.memory_space<vmem>>
      tpu.enqueue_dma source(%dma_start3A_40 : memref<1000x8xf32, #tpu.memory_space<vmem>>) target(%dma_start3A_37 : memref<1000x8xf32, #tpu.memory_space<vmem_shared>>) target_semaphore(%run_scoped3A : memref<!tpu.dma_semaphore, #tpu.memory_space<semaphore_mem>>)
      %dma_wait3A = arith.constant 0 : i32
      %dma_wait3A_41 = arith.constant 0 : i32
      %dma_wait3A_42 = tpu.memref_slice %arg16[%dma_wait3A, %dma_wait3A_41] : memref<1000x8xf32, #tpu.memory_space<vmem>> -> memref<1000x8xf32, #tpu.memory_space<vmem>>
      %dma_wait3A_43 = arith.constant 0 : i32
      %dma_wait3A_44 = tpu.memref_slice %arg10[%add3A_18, %dma_wait3A_43] : memref<50176x8xf32, #tpu.memory_space<vmem_shared>> -> memref<1000x8xf32, #tpu.memory_space<vmem_shared>>
      %dma_wait3A_45 = arith.constant 0 : i32
      %dma_wait3A_46 = tpu.memref_slice %arg10[%add3A_18, %dma_wait3A_45] : memref<50176x8xf32, #tpu.memory_space<vmem_shared>> -> memref<1000x8xf32, #tpu.memory_space<vmem_shared>>
      %dma_wait3A_47 = arith.constant 0 : i32
      %dma_wait3A_48 = arith.constant 0 : i32
      %dma_wait3A_49 = tpu.memref_slice %arg16[%dma_wait3A_47, %dma_wait3A_48] : memref<1000x8xf32, #tpu.memory_space<vmem>> -> memref<1000x8xf32, #tpu.memory_space<vmem>>
      tpu.wait_dma2 semaphore(%run_scoped3A : memref<!tpu.dma_semaphore, #tpu.memory_space<semaphore_mem>>) src(%dma_wait3A_49 : memref<1000x8xf32, #tpu.memory_space<vmem>>) dst(%dma_wait3A_46 : memref<1000x8xf32, #tpu.memory_space<vmem_shared>>)
      tpu.yield
    }) : () -> ()
    %add3A_19 = arith.constant 2000 : i32
    %add3A_20 = arith.addi %mul3A_17, %add3A_19 : i32
    "tpu.region"() ({
      %run_scoped3A = tpu.sem_alloc : memref<!tpu.dma_semaphore, #tpu.memory_space<semaphore_mem>>
      %dma_start3A = arith.constant 0 : i32
      %dma_start3A_32 = arith.constant 0 : i32
      %dma_start3A_33 = tpu.memref_slice %arg16[%dma_start3A, %dma_start3A_32] : memref<1000x8xf32, #tpu.memory_space<vmem>> -> memref<1000x8xf32, #tpu.memory_space<vmem>>
      %dma_start3A_34 = arith.constant 0 : i32
      %dma_start3A_35 = tpu.memref_slice %arg10[%add3A_20, %dma_start3A_34] : memref<50176x8xf32, #tpu.memory_space<vmem_shared>> -> memref<1000x8xf32, #tpu.memory_space<vmem_shared>>
      %dma_start3A_36 = arith.constant 0 : i32
      %dma_start3A_37 = tpu.memref_slice %arg10[%add3A_20, %dma_start3A_36] : memref<50176x8xf32, #tpu.memory_space<vmem_shared>> -> memref<1000x8xf32, #tpu.memory_space<vmem_shared>>
      %dma_start3A_38 = arith.constant 0 : i32
      %dma_start3A_39 = arith.constant 0 : i32
      %dma_start3A_40 = tpu.memref_slice %arg16[%dma_start3A_38, %dma_start3A_39] : memref<1000x8xf32, #tpu.memory_space<vmem>> -> memref<1000x8xf32, #tpu.memory_space<vmem>>
      tpu.enqueue_dma source(%dma_start3A_40 : memref<1000x8xf32, #tpu.memory_space<vmem>>) target(%dma_start3A_37 : memref<1000x8xf32, #tpu.memory_space<vmem_shared>>) target_semaphore(%run_scoped3A : memref<!tpu.dma_semaphore, #tpu.memory_space<semaphore_mem>>)
      %dma_wait3A = arith.constant 0 : i32
      %dma_wait3A_41 = arith.constant 0 : i32
      %dma_wait3A_42 = tpu.memref_slice %arg16[%dma_wait3A, %dma_wait3A_41] : memref<1000x8xf32, #tpu.memory_space<vmem>> -> memref<1000x8xf32, #tpu.memory_space<vmem>>
      %dma_wait3A_43 = arith.constant 0 : i32
      %dma_wait3A_44 = tpu.memref_slice %arg10[%add3A_20, %dma_wait3A_43] : memref<50176x8xf32, #tpu.memory_space<vmem_shared>> -> memref<1000x8xf32, #tpu.memory_space<vmem_shared>>
      %dma_wait3A_45 = arith.constant 0 : i32
      %dma_wait3A_46 = tpu.memref_slice %arg10[%add3A_20, %dma_wait3A_45] : memref<50176x8xf32, #tpu.memory_space<vmem_shared>> -> memref<1000x8xf32, #tpu.memory_space<vmem_shared>>
      %dma_wait3A_47 = arith.constant 0 : i32
      %dma_wait3A_48 = arith.constant 0 : i32
      %dma_wait3A_49 = tpu.memref_slice %arg16[%dma_wait3A_47, %dma_wait3A_48] : memref<1000x8xf32, #tpu.memory_space<vmem>> -> memref<1000x8xf32, #tpu.memory_space<vmem>>
      tpu.wait_dma2 semaphore(%run_scoped3A : memref<!tpu.dma_semaphore, #tpu.memory_space<semaphore_mem>>) src(%dma_wait3A_49 : memref<1000x8xf32, #tpu.memory_space<vmem>>) dst(%dma_wait3A_46 : memref<1000x8xf32, #tpu.memory_space<vmem_shared>>)
      tpu.yield
    }) : () -> ()
    %add3A_21 = arith.constant 3000 : i32
    %add3A_22 = arith.addi %mul3A_17, %add3A_21 : i32
    "tpu.region"() ({
      %run_scoped3A = tpu.sem_alloc : memref<!tpu.dma_semaphore, #tpu.memory_space<semaphore_mem>>
      %dma_start3A = arith.constant 0 : i32
      %dma_start3A_32 = arith.constant 0 : i32
      %dma_start3A_33 = tpu.memref_slice %arg16[%dma_start3A, %dma_start3A_32] : memref<1000x8xf32, #tpu.memory_space<vmem>> -> memref<136x8xf32, #tpu.memory_space<vmem>>
      %dma_start3A_34 = arith.constant 0 : i32
      %dma_start3A_35 = tpu.memref_slice %arg10[%add3A_22, %dma_start3A_34] : memref<50176x8xf32, #tpu.memory_space<vmem_shared>> -> memref<136x8xf32, #tpu.memory_space<vmem_shared>>
      %dma_start3A_36 = arith.constant 0 : i32
      %dma_start3A_37 = tpu.memref_slice %arg10[%add3A_22, %dma_start3A_36] : memref<50176x8xf32, #tpu.memory_space<vmem_shared>> -> memref<136x8xf32, #tpu.memory_space<vmem_shared>>
      %dma_start3A_38 = arith.constant 0 : i32
      %dma_start3A_39 = arith.constant 0 : i32
      %dma_start3A_40 = tpu.memref_slice %arg16[%dma_start3A_38, %dma_start3A_39] : memref<1000x8xf32, #tpu.memory_space<vmem>> -> memref<136x8xf32, #tpu.memory_space<vmem>>
      tpu.enqueue_dma source(%dma_start3A_40 : memref<136x8xf32, #tpu.memory_space<vmem>>) target(%dma_start3A_37 : memref<136x8xf32, #tpu.memory_space<vmem_shared>>) target_semaphore(%run_scoped3A : memref<!tpu.dma_semaphore, #tpu.memory_space<semaphore_mem>>)
      %dma_wait3A = arith.constant 0 : i32
      %dma_wait3A_41 = arith.constant 0 : i32
      %dma_wait3A_42 = tpu.memref_slice %arg16[%dma_wait3A, %dma_wait3A_41] : memref<1000x8xf32, #tpu.memory_space<vmem>> -> memref<136x8xf32, #tpu.memory_space<vmem>>
      %dma_wait3A_43 = arith.constant 0 : i32
      %dma_wait3A_44 = tpu.memref_slice %arg10[%add3A_22, %dma_wait3A_43] : memref<50176x8xf32, #tpu.memory_space<vmem_shared>> -> memref<136x8xf32, #tpu.memory_space<vmem_shared>>
      %dma_wait3A_45 = arith.constant 0 : i32
      %dma_wait3A_46 = tpu.memref_slice %arg10[%add3A_22, %dma_wait3A_45] : memref<50176x8xf32, #tpu.memory_space<vmem_shared>> -> memref<136x8xf32, #tpu.memory_space<vmem_shared>>
      %dma_wait3A_47 = arith.constant 0 : i32
      %dma_wait3A_48 = arith.constant 0 : i32
      %dma_wait3A_49 = tpu.memref_slice %arg16[%dma_wait3A_47, %dma_wait3A_48] : memref<1000x8xf32, #tpu.memory_space<vmem>> -> memref<136x8xf32, #tpu.memory_space<vmem>>
      tpu.wait_dma2 semaphore(%run_scoped3A : memref<!tpu.dma_semaphore, #tpu.memory_space<semaphore_mem>>) src(%dma_wait3A_49 : memref<136x8xf32, #tpu.memory_space<vmem>>) dst(%dma_wait3A_46 : memref<136x8xf32, #tpu.memory_space<vmem_shared>>)
      tpu.yield
    }) : () -> ()
    %barrier3A = arith.constant 0 : index
    tpu.barrier barrier_id(%barrier3A)
    "tpu.region"() ({
      %run_scoped3A = tpu.sem_alloc : memref<!tpu.dma_semaphore, #tpu.memory_space<semaphore_mem>>
      tpu.enqueue_dma source(%arg7 : memref<16xf32, #tpu.memory_space<hbm>>) target(%arg11 : memref<16xf32, #tpu.memory_space<vmem>>) target_semaphore(%run_scoped3A : memref<!tpu.dma_semaphore, #tpu.memory_space<semaphore_mem>>)
      tpu.wait_dma2 semaphore(%run_scoped3A : memref<!tpu.dma_semaphore, #tpu.memory_space<semaphore_mem>>) src(%arg7 : memref<16xf32, #tpu.memory_space<hbm>>) dst(%arg11 : memref<16xf32, #tpu.memory_space<vmem>>)
      tpu.yield
    }) : () -> ()
    %get3A = arith.constant 0 : index
    %get3A_23 = tpu.vector_load %arg11[%get3A] {strides = array<i32>} : memref<16xf32, #tpu.memory_space<vmem>>, vector<16xf32>,
    %scan3A_24 = arith.constant 0 : i32
    %scan3A_25 = arith.constant 0 : i32
    %scan3A_26 = arith.constant 25 : i32
    %scan3A_27 = arith.addi %scan3A_25, %scan3A_26 : i32
    %scan3A_28 = arith.constant 1 : i32
    %scan3A_29 = scf.for %scan3A_32 = %scan3A_25 to %scan3A_27 step %scan3A_28 iter_args(%scan3A_33 = %scan3A_24) -> (i32)  : i32 {
      %mul3A_34 = arith.constant 16 : i32
      %mul3A_35 = arith.muli %arg0, %mul3A_34 : i32
      %add3A_36 = arith.addi %mul3A_35, %arg1 : i32
      %mul3A_37 = arith.constant 25 : i32
      %mul3A_38 = arith.muli %add3A_36, %mul3A_37 : i32
      %add3A_39 = arith.addi %mul3A_38, %scan3A_32 : i32
      %mul3A_40 = arith.constant 1000 : i32
      %mul3A_41 = arith.muli %add3A_39, %mul3A_40 : i32
      "tpu.region"() ({
        %run_scoped3A = tpu.sem_alloc : memref<!tpu.dma_semaphore, #tpu.memory_space<semaphore_mem>>
        %dma_start3A_62 = tpu.memref_slice %arg2[%mul3A_41] : memref<800000xi32, #tpu.memory_space<hbm>> -> memref<1000xi32, #tpu.memory_space<hbm>>
        %dma_start3A_63 = tpu.memref_slice %arg2[%mul3A_41] : memref<800000xi32, #tpu.memory_space<hbm>> -> memref<1000xi32, #tpu.memory_space<hbm>>
        tpu.enqueue_dma source(%dma_start3A_63 : memref<1000xi32, #tpu.memory_space<hbm>>) target(%arg19 : memref<1000xi32, #tpu.memory_space<vmem>>) target_semaphore(%run_scoped3A : memref<!tpu.dma_semaphore, #tpu.memory_space<semaphore_mem>>)
        %dma_wait3A_64 = tpu.memref_slice %arg2[%mul3A_41] : memref<800000xi32, #tpu.memory_space<hbm>> -> memref<1000xi32, #tpu.memory_space<hbm>>
        %dma_wait3A_65 = tpu.memref_slice %arg2[%mul3A_41] : memref<800000xi32, #tpu.memory_space<hbm>> -> memref<1000xi32, #tpu.memory_space<hbm>>
        tpu.wait_dma2 semaphore(%run_scoped3A : memref<!tpu.dma_semaphore, #tpu.memory_space<semaphore_mem>>) src(%dma_wait3A_65 : memref<1000xi32, #tpu.memory_space<hbm>>) dst(%arg19 : memref<1000xi32, #tpu.memory_space<vmem>>)
        tpu.yield
      }) : () -> ()
      "tpu.region"() ({
        %run_scoped3A = tpu.sem_alloc : memref<!tpu.dma_semaphore, #tpu.memory_space<semaphore_mem>>
        %dma_start3A_62 = tpu.memref_slice %arg3[%mul3A_41] : memref<800000xi32, #tpu.memory_space<hbm>> -> memref<1000xi32, #tpu.memory_space<hbm>>
        %dma_start3A_63 = tpu.memref_slice %arg3[%mul3A_41] : memref<800000xi32, #tpu.memory_space<hbm>> -> memref<1000xi32, #tpu.memory_space<hbm>>
        tpu.enqueue_dma source(%dma_start3A_63 : memref<1000xi32, #tpu.memory_space<hbm>>) target(%arg15 : memref<1000xi32, #tpu.memory_space<vmem>>) target_semaphore(%run_scoped3A : memref<!tpu.dma_semaphore, #tpu.memory_space<semaphore_mem>>)
        %dma_wait3A_64 = tpu.memref_slice %arg3[%mul3A_41] : memref<800000xi32, #tpu.memory_space<hbm>> -> memref<1000xi32, #tpu.memory_space<hbm>>
        %dma_wait3A_65 = tpu.memref_slice %arg3[%mul3A_41] : memref<800000xi32, #tpu.memory_space<hbm>> -> memref<1000xi32, #tpu.memory_space<hbm>>
        tpu.wait_dma2 semaphore(%run_scoped3A : memref<!tpu.dma_semaphore, #tpu.memory_space<semaphore_mem>>) src(%dma_wait3A_65 : memref<1000xi32, #tpu.memory_space<hbm>>) dst(%arg15 : memref<1000xi32, #tpu.memory_space<vmem>>)
        tpu.yield
      }) : () -> ()
      %mul3A_42 = arith.constant 4 : i32
      %mul3A_43 = arith.muli %mul3A_41, %mul3A_42 : i32
      "tpu.region"() ({
        %run_scoped3A = tpu.sem_alloc : memref<!tpu.dma_semaphore, #tpu.memory_space<semaphore_mem>>
        %dma_start3A_62 = tpu.memref_slice %arg6[%mul3A_43] : memref<3200000xf32, #tpu.memory_space<hbm>> -> memref<4000xf32, #tpu.memory_space<hbm>>
        %dma_start3A_63 = tpu.memref_slice %arg6[%mul3A_43] : memref<3200000xf32, #tpu.memory_space<hbm>> -> memref<4000xf32, #tpu.memory_space<hbm>>
        tpu.enqueue_dma source(%dma_start3A_63 : memref<4000xf32, #tpu.memory_space<hbm>>) target(%arg13 : memref<4000xf32, #tpu.memory_space<vmem>>) target_semaphore(%run_scoped3A : memref<!tpu.dma_semaphore, #tpu.memory_space<semaphore_mem>>)
        %dma_wait3A_64 = tpu.memref_slice %arg6[%mul3A_43] : memref<3200000xf32, #tpu.memory_space<hbm>> -> memref<4000xf32, #tpu.memory_space<hbm>>
        %dma_wait3A_65 = tpu.memref_slice %arg6[%mul3A_43] : memref<3200000xf32, #tpu.memory_space<hbm>> -> memref<4000xf32, #tpu.memory_space<hbm>>
        tpu.wait_dma2 semaphore(%run_scoped3A : memref<!tpu.dma_semaphore, #tpu.memory_space<semaphore_mem>>) src(%dma_wait3A_65 : memref<4000xf32, #tpu.memory_space<hbm>>) dst(%arg13 : memref<4000xf32, #tpu.memory_space<vmem>>)
        tpu.yield
      }) : () -> ()
      %dma_start3A = arith.constant 0 : i32
      %dma_start3A_44 = arith.constant 0 : i32
      %dma_start3A_45 = tpu.memref_slice %arg4[%dma_start3A, %dma_start3A_44] : memref<50176x8xf32, #tpu.memory_space<hbm>> -> memref<50176x8xf32, #tpu.memory_space<hbm>>
      tpu.enqueue_indirect_dma source(%dma_start3A_45 : memref<50176x8xf32, #tpu.memory_space<hbm>>) target(%arg14 : memref<1000x8xf32, #tpu.memory_space<vmem>>) offsets(%arg19 : memref<1000xi32, #tpu.memory_space<vmem>>) semaphore(%arg17 : memref<!tpu.dma_semaphore, #tpu.memory_space<semaphore_mem>>)
      %dma_start3A_46 = arith.constant 0 : i32
      %dma_start3A_47 = arith.constant 0 : i32
      %dma_start3A_48 = tpu.memref_slice %arg5[%dma_start3A_46, %dma_start3A_47] : memref<50176x8xf32, #tpu.memory_space<hbm>> -> memref<50176x8xf32, #tpu.memory_space<hbm>>
      tpu.enqueue_indirect_dma source(%dma_start3A_48 : memref<50176x8xf32, #tpu.memory_space<hbm>>) target(%arg12 : memref<1000x8xf32, #tpu.memory_space<vmem>>) offsets(%arg15 : memref<1000xi32, #tpu.memory_space<vmem>>) semaphore(%arg18 : memref<!tpu.dma_semaphore, #tpu.memory_space<semaphore_mem>>)
      %dma_wait3A = arith.constant 0 : i32
      %dma_wait3A_49 = arith.constant 0 : i32
      %dma_wait3A_50 = tpu.memref_slice %arg4[%dma_wait3A, %dma_wait3A_49] : memref<50176x8xf32, #tpu.memory_space<hbm>> -> memref<50176x8xf32, #tpu.memory_space<hbm>>
      tpu.wait_indirect_dma semaphore(%arg17 : memref<!tpu.dma_semaphore, #tpu.memory_space<semaphore_mem>>) src(%dma_wait3A_50 : memref<50176x8xf32, #tpu.memory_space<hbm>>) dst(%arg14 : memref<1000x8xf32, #tpu.memory_space<vmem>>)
      %dma_wait3A_51 = arith.constant 0 : i32
      %dma_wait3A_52 = arith.constant 0 : i32
      %dma_wait3A_53 = tpu.memref_slice %arg5[%dma_wait3A_51, %dma_wait3A_52] : memref<50176x8xf32, #tpu.memory_space<hbm>> -> memref<50176x8xf32, #tpu.memory_space<hbm>>
      tpu.wait_indirect_dma semaphore(%arg18 : memref<!tpu.dma_semaphore, #tpu.memory_space<semaphore_mem>>) src(%dma_wait3A_53 : memref<50176x8xf32, #tpu.memory_space<hbm>>) dst(%arg12 : memref<1000x8xf32, #tpu.memory_space<vmem>>)
      %scan3A_54 = arith.constant 0 : i32
      %scan3A_55 = arith.constant 0 : i32
      %scan3A_56 = arith.constant 125 : i32
      %scan3A_57 = arith.addi %scan3A_55, %scan3A_56 : i32
      %scan3A_58 = arith.constant 1 : i32
      %scan3A_59 = scf.for %scan3A_62 = %scan3A_55 to %scan3A_57 step %scan3A_58 iter_args(%scan3A_63 = %scan3A_54) -> (i32)  : i32 {
        %mul3A_64 = arith.constant 2 : i32
        %mul3A_65 = arith.muli %mul3A_64, %scan3A_62 : i32
        %add3A_66 = arith.constant 0 : i32
        %add3A_67 = arith.addi %mul3A_65, %add3A_66 : i32
        %mul3A_68 = arith.constant 4 : i32
        %mul3A_69 = arith.muli %mul3A_68, %add3A_67 : i32
        %add3A_70 = vector.broadcast %mul3A_69 : i32 to vector<16xi32>
        %add3A_71 = arith.addi %shift_right_logical3A_2, %add3A_70 : vector<16xi32>
        %gather3A = tpu.vector_load_idx %arg14[%add3A_71, %and3A_4] : memref<1000x8xf32, #tpu.memory_space<vmem>>[vector<16xi32>, vector<16xi32>], vector<16xf32>,
        %gather3A_72 = tpu.vector_load_idx %arg12[%add3A_71, %and3A_4] : memref<1000x8xf32, #tpu.memory_space<vmem>>[vector<16xi32>, vector<16xi32>], vector<16xf32>,
        %add3A_73 = arith.addf %gather3A, %gather3A_72 : vector<16xf32>
        %mul3A_74 = arith.constant 16 : i32
        %mul3A_75 = arith.muli %add3A_67, %mul3A_74 : i32
        %get3A_76 = arith.index_cast %mul3A_75 : i32 to index
        %get3A_77 = tpu.vector_load %arg13[%get3A_76] {strides = array<i32>} : memref<4000xf32, #tpu.memory_space<vmem>>, vector<16xf32>,
        %add3A_78 = arith.addf %add3A_73, %get3A_77 : vector<16xf32>
        %gt3A = arith.constant 0.000000e+00 : f32
        %gt3A_79 = vector.broadcast %gt3A : f32 to vector<16xf32>
        %gt3A_80 = arith.cmpf ogt, %add3A_78, %gt3A_79 : vector<16xf32>
        %mul3A_81 = arith.constant 2.000000e-01 : f32
        %mul3A_82 = vector.broadcast %mul3A_81 : f32 to vector<16xf32>
        %mul3A_83 = arith.mulf %mul3A_82, %add3A_78 : vector<16xf32>
        %select_n3A = arith.select %gt3A_80, %add3A_78, %mul3A_83 : vector<16xi1>, vector<16xf32>
        %sub3A = arith.subf %select_n3A, %get3A_23 : vector<16xf32>
        %exp3A = math.exp %sub3A : vector<16xf32>
        tpu.vector_store_idx %arg16[%add3A_71, %and3A_4], %exp3A : memref<1000x8xf32, #tpu.memory_space<vmem>>[vector<16xi32>, vector<16xi32>], vector<16xf32>,
        %mul3A_84 = arith.constant 2 : i32
        %mul3A_85 = arith.muli %mul3A_84, %scan3A_62 : i32
        %add3A_86 = arith.constant 1 : i32
        %add3A_87 = arith.addi %mul3A_85, %add3A_86 : i32
        %mul3A_88 = arith.constant 4 : i32
        %mul3A_89 = arith.muli %mul3A_88, %add3A_87 : i32
        %add3A_90 = vector.broadcast %mul3A_89 : i32 to vector<16xi32>
        %add3A_91 = arith.addi %shift_right_logical3A_2, %add3A_90 : vector<16xi32>
        %gather3A_92 = tpu.vector_load_idx %arg14[%add3A_91, %and3A_4] : memref<1000x8xf32, #tpu.memory_space<vmem>>[vector<16xi32>, vector<16xi32>], vector<16xf32>,
        %gather3A_93 = tpu.vector_load_idx %arg12[%add3A_91, %and3A_4] : memref<1000x8xf32, #tpu.memory_space<vmem>>[vector<16xi32>, vector<16xi32>], vector<16xf32>,
        %add3A_94 = arith.addf %gather3A_92, %gather3A_93 : vector<16xf32>
        %mul3A_95 = arith.constant 16 : i32
        %mul3A_96 = arith.muli %add3A_87, %mul3A_95 : i32
        %get3A_97 = arith.index_cast %mul3A_96 : i32 to index
        %get3A_98 = tpu.vector_load %arg13[%get3A_97] {strides = array<i32>} : memref<4000xf32, #tpu.memory_space<vmem>>, vector<16xf32>,
        %add3A_99 = arith.addf %add3A_94, %get3A_98 : vector<16xf32>
        %gt3A_100 = arith.constant 0.000000e+00 : f32
        %gt3A_101 = vector.broadcast %gt3A_100 : f32 to vector<16xf32>
        %gt3A_102 = arith.cmpf ogt, %add3A_99, %gt3A_101 : vector<16xf32>
        %mul3A_103 = arith.constant 2.000000e-01 : f32
        %mul3A_104 = vector.broadcast %mul3A_103 : f32 to vector<16xf32>
        %mul3A_105 = arith.mulf %mul3A_104, %add3A_99 : vector<16xf32>
        %select_n3A_106 = arith.select %gt3A_102, %add3A_99, %mul3A_105 : vector<16xi1>, vector<16xf32>
        %sub3A_107 = arith.subf %select_n3A_106, %get3A_23 : vector<16xf32>
        %exp3A_108 = math.exp %sub3A_107 : vector<16xf32>
        tpu.vector_store_idx %arg16[%add3A_91, %and3A_4], %exp3A_108 : memref<1000x8xf32, #tpu.memory_space<vmem>>[vector<16xi32>, vector<16xi32>], vector<16xf32>,
        %scan3A_109 = arith.constant 0 : i32
        scf.yield %scan3A_109 : i32
      }
      %scan3A_60 = arith.constant 125 : i32
      "tpu.region"() ({
        %run_scoped3A = tpu.sem_alloc : memref<!tpu.dma_semaphore, #tpu.memory_space<semaphore_mem>>
        %dma_start3A_62 = arith.constant 0 : i32
        %dma_start3A_63 = arith.constant 0 : i32
        %dma_start3A_64 = tpu.memref_slice %arg10[%dma_start3A_62, %dma_start3A_63] : memref<50176x8xf32, #tpu.memory_space<vmem_shared>> -> memref<50176x8xf32, #tpu.memory_space<vmem_shared>>
        tpu.enqueue_indirect_dma source(%arg16 : memref<1000x8xf32, #tpu.memory_space<vmem>>) target(%dma_start3A_64 : memref<50176x8xf32, #tpu.memory_space<vmem_shared>>) offsets(%arg15 : memref<1000xi32, #tpu.memory_space<vmem>>) semaphore(%run_scoped3A : memref<!tpu.dma_semaphore, #tpu.memory_space<semaphore_mem>>) {add = true}
        %dma_wait3A_65 = arith.constant 0 : i32
        %dma_wait3A_66 = arith.constant 0 : i32
        %dma_wait3A_67 = tpu.memref_slice %arg10[%dma_wait3A_65, %dma_wait3A_66] : memref<50176x8xf32, #tpu.memory_space<vmem_shared>> -> memref<50176x8xf32, #tpu.memory_space<vmem_shared>>
        tpu.wait_indirect_dma semaphore(%run_scoped3A : memref<!tpu.dma_semaphore, #tpu.memory_space<semaphore_mem>>) src(%arg16 : memref<1000x8xf32, #tpu.memory_space<vmem>>) dst(%dma_wait3A_67 : memref<50176x8xf32, #tpu.memory_space<vmem_shared>>)
        tpu.yield
      }) : () -> ()
      "tpu.region"() ({
        %run_scoped3A = tpu.sem_alloc : memref<!tpu.dma_semaphore, #tpu.memory_space<semaphore_mem>>
        %dma_start3A_62 = arith.constant 0 : i32
        %dma_start3A_63 = tpu.memref_slice %arg8[%mul3A_41, %dma_start3A_62] : memref<800000x8xf32, #tpu.memory_space<hbm>> -> memref<1000x8xf32, #tpu.memory_space<hbm>>
        %dma_start3A_64 = arith.constant 0 : i32
        %dma_start3A_65 = tpu.memref_slice %arg8[%mul3A_41, %dma_start3A_64] : memref<800000x8xf32, #tpu.memory_space<hbm>> -> memref<1000x8xf32, #tpu.memory_space<hbm>>
        tpu.enqueue_dma source(%arg16 : memref<1000x8xf32, #tpu.memory_space<vmem>>) target(%dma_start3A_65 : memref<1000x8xf32, #tpu.memory_space<hbm>>) target_semaphore(%run_scoped3A : memref<!tpu.dma_semaphore, #tpu.memory_space<semaphore_mem>>)
        %dma_wait3A_66 = arith.constant 0 : i32
        %dma_wait3A_67 = tpu.memref_slice %arg8[%mul3A_41, %dma_wait3A_66] : memref<800000x8xf32, #tpu.memory_space<hbm>> -> memref<1000x8xf32, #tpu.memory_space<hbm>>
        %dma_wait3A_68 = arith.constant 0 : i32
        %dma_wait3A_69 = tpu.memref_slice %arg8[%mul3A_41, %dma_wait3A_68] : memref<800000x8xf32, #tpu.memory_space<hbm>> -> memref<1000x8xf32, #tpu.memory_space<hbm>>
        tpu.wait_dma2 semaphore(%run_scoped3A : memref<!tpu.dma_semaphore, #tpu.memory_space<semaphore_mem>>) src(%arg16 : memref<1000x8xf32, #tpu.memory_space<vmem>>) dst(%dma_wait3A_69 : memref<1000x8xf32, #tpu.memory_space<hbm>>)
        tpu.yield
      }) : () -> ()
      %scan3A_61 = arith.constant 0 : i32
      scf.yield %scan3A_61 : i32
    }
    %scan3A_30 = arith.constant 25 : i32
    %barrier3A_31 = arith.constant 0 : index
    tpu.barrier barrier_id(%barrier3A_31)
    "tpu.region"() ({
      %run_scoped3A = tpu.sem_alloc : memref<!tpu.dma_semaphore, #tpu.memory_space<semaphore_mem>>
      %dma_start3A = arith.constant 0 : i32
      %dma_start3A_32 = tpu.memref_slice %arg9[%arg0, %mul3A_17, %dma_start3A] : memref<2x50176x8xf32, #tpu.memory_space<hbm>> -> memref<1x3136x8xf32, #tpu.memory_space<hbm>>
      %dma_start3A_33 = tpu.memref_squeeze %dma_start3A_32 : memref<1x3136x8xf32, #tpu.memory_space<hbm>> -> memref<3136x8xf32, #tpu.memory_space<hbm>>
      %dma_start3A_34 = arith.constant 0 : i32
      %dma_start3A_35 = tpu.memref_slice %arg10[%mul3A_17, %dma_start3A_34] : memref<50176x8xf32, #tpu.memory_space<vmem_shared>> -> memref<3136x8xf32, #tpu.memory_space<vmem_shared>>
      tpu.enqueue_dma source(%dma_start3A_35 : memref<3136x8xf32, #tpu.memory_space<vmem_shared>>) target(%dma_start3A_33 : memref<3136x8xf32, #tpu.memory_space<hbm>>) target_semaphore(%run_scoped3A : memref<!tpu.dma_semaphore, #tpu.memory_space<semaphore_mem>>)
      %dma_wait3A = arith.constant 0 : i32
      %dma_wait3A_36 = tpu.memref_slice %arg9[%arg0, %mul3A_17, %dma_wait3A] : memref<2x50176x8xf32, #tpu.memory_space<hbm>> -> memref<1x3136x8xf32, #tpu.memory_space<hbm>>
      %dma_wait3A_37 = tpu.memref_squeeze %dma_wait3A_36 : memref<1x3136x8xf32, #tpu.memory_space<hbm>> -> memref<3136x8xf32, #tpu.memory_space<hbm>>
      %dma_wait3A_38 = arith.constant 0 : i32
      %dma_wait3A_39 = tpu.memref_slice %arg10[%mul3A_17, %dma_wait3A_38] : memref<50176x8xf32, #tpu.memory_space<vmem_shared>> -> memref<3136x8xf32, #tpu.memory_space<vmem_shared>>
      tpu.wait_dma2 semaphore(%run_scoped3A : memref<!tpu.dma_semaphore, #tpu.memory_space<semaphore_mem>>) src(%dma_wait3A_39 : memref<3136x8xf32, #tpu.memory_space<vmem_shared>>) dst(%dma_wait3A_37 : memref<3136x8xf32, #tpu.memory_space<hbm>>)
      tpu.yield
    }) : () -> ()
    return
  }
}

#map = affine_map<(d0, d1) -> (0)>
#map1 = affine_map<(d0, d1) -> (0, 0)>
#map2 = affine_map<(d0, d1) -> (0, 0, 0)>
module attributes {stable_mosaic.version = 14 : i64} {
  func.func @k(%arg0: i32, %arg1: i32, %arg2: memref<800000xi32, #tpu.memory_space<hbm>>, %arg3: memref<800000xi32, #tpu.memory_space<hbm>>, %arg4: memref<50176x8xf32, #tpu.memory_space<hbm>>, %arg5: memref<50176x8xf32, #tpu.memory_space<hbm>>, %arg6: memref<3200000xf32, #tpu.memory_space<hbm>>, %arg7: memref<16xf32, #tpu.memory_space<hbm>>, %arg8: memref<800000x8xf32, #tpu.memory_space<hbm>>, %arg9: memref<2x50176x8xf32, #tpu.memory_space<hbm>>, %arg10: memref<50176x8xf32, #tpu.memory_space<vmem_shared>>, %arg11: memref<16xf32, #tpu.memory_space<vmem>>, %arg12: memref<1000x8xf32, #tpu.memory_space<vmem>>, %arg13: memref<4000xf32, #tpu.memory_space<vmem>>, %arg14: memref<1000x8xf32, #tpu.memory_space<vmem>>, %arg15: memref<1000xi32, #tpu.memory_space<vmem>>, %arg16: memref<1000x8xf32, #tpu.memory_space<vmem>>, %arg17: memref<!tpu.dma_semaphore, #tpu.memory_space<semaphore_mem>>, %arg18: memref<!tpu.dma_semaphore, #tpu.memory_space<semaphore_mem>>, %arg19: memref<1000xi32, #tpu.memory_space<vmem>>) attributes {dimension_semantics = [#tpu.dimension_semantics<core_parallel>, #tpu.dimension_semantics<subcore_parallel>], iteration_bounds = array<i64: 2, 16>, scalar_prefetch = 0 : i64, scratch_operands = 10 : i64, tpu.core_type = #tpu.core_type<sc_vector_subcore>, window_params = [{transform_indices = #map}, {transform_indices = #map}, {transform_indices = #map1}, {transform_indices = #map1}, {transform_indices = #map}, {transform_indices = #map}, {transform_indices = #map1}, {transform_indices = #map2}]} {
    %broadcast_in_dim3A = arith.constant 0.000000e+00 : f32
    %broadcast_in_dim3A_0 = vector.broadcast %broadcast_in_dim3A : f32 to vector<16xf32>
    %iota3A = tpu.iota {dimensions = array<i32: 0>} : vector<16xi32>
    %shift_right_logical3A = arith.constant 2 : i32
    %shift_right_logical3A_1 = vector.broadcast %shift_right_logical3A : i32 to vector<16xi32>
    %shift_right_logical3A_2 = arith.shrui %iota3A, %shift_right_logical3A_1 : vector<16xi32>
    %and3A = arith.constant 3 : i32
    %and3A_3 = vector.broadcast %and3A : i32 to vector<16xi32>
    %and3A_4 = arith.andi %iota3A, %and3A_3 : vector<16xi32>
    %shift_right_logical3A_5 = arith.constant 3 : i32
    %shift_right_logical3A_6 = vector.broadcast %shift_right_logical3A_5 : i32 to vector<16xi32>
    %shift_right_logical3A_7 = arith.shrui %iota3A, %shift_right_logical3A_6 : vector<16xi32>
    %and3A_8 = arith.constant 7 : i32
    %and3A_9 = vector.broadcast %and3A_8 : i32 to vector<16xi32>
    %and3A_10 = arith.andi %iota3A, %and3A_9 : vector<16xi32>
    %scan3A = arith.constant 0 : i32
    %scan3A_11 = arith.constant 0 : i32
    %scan3A_12 = arith.constant 500 : i32
    %scan3A_13 = arith.addi %scan3A_11, %scan3A_12 : i32
    %scan3A_14 = arith.constant 1 : i32
    %scan3A_15 = scf.for %scan3A_32 = %scan3A_11 to %scan3A_13 step %scan3A_14 iter_args(%scan3A_33 = %scan3A) -> (i32)  : i32 {
      %mul3A_34 = arith.constant 2 : i32
      %mul3A_35 = arith.muli %mul3A_34, %scan3A_32 : i32
      %add3A_36 = vector.broadcast %mul3A_35 : i32 to vector<16xi32>
      %add3A_37 = arith.addi %shift_right_logical3A_7, %add3A_36 : vector<16xi32>
      tpu.vector_store_idx %arg16[%add3A_37, %and3A_10], %broadcast_in_dim3A_0 : memref<1000x8xf32, #tpu.memory_space<vmem>>[vector<16xi32>, vector<16xi32>], vector<16xf32>,
      %scan3A_38 = arith.constant 0 : i32
      scf.yield %scan3A_38 : i32
    }
    %scan3A_16 = arith.constant 500 : i32
    %mul3A = arith.constant 3136 : i32
    %mul3A_17 = arith.muli %arg1, %mul3A : i32
    "tpu.region"() ({
      %run_scoped3A = tpu.sem_alloc : memref<!tpu.dma_semaphore, #tpu.memory_space<semaphore_mem>>
      %dma_start3A = arith.constant 0 : i32
      %dma_start3A_32 = arith.constant 0 : i32
      %dma_start3A_33 = tpu.memref_slice %arg16[%dma_start3A, %dma_start3A_32] : memref<1000x8xf32, #tpu.memory_space<vmem>> -> memref<1000x8xf32, #tpu.memory_space<vmem>>
      %dma_start3A_34 = arith.constant 0 : i32
      %dma_start3A_35 = tpu.memref_slice %arg10[%mul3A_17, %dma_start3A_34] : memref<50176x8xf32, #tpu.memory_space<vmem_shared>> -> memref<1000x8xf32, #tpu.memory_space<vmem_shared>>
      %dma_start3A_36 = arith.constant 0 : i32
      %dma_start3A_37 = tpu.memref_slice %arg10[%mul3A_17, %dma_start3A_36] : memref<50176x8xf32, #tpu.memory_space<vmem_shared>> -> memref<1000x8xf32, #tpu.memory_space<vmem_shared>>
      %dma_start3A_38 = arith.constant 0 : i32
      %dma_start3A_39 = arith.constant 0 : i32
      %dma_start3A_40 = tpu.memref_slice %arg16[%dma_start3A_38, %dma_start3A_39] : memref<1000x8xf32, #tpu.memory_space<vmem>> -> memref<1000x8xf32, #tpu.memory_space<vmem>>
      tpu.enqueue_dma source(%dma_start3A_40 : memref<1000x8xf32, #tpu.memory_space<vmem>>) target(%dma_start3A_37 : memref<1000x8xf32, #tpu.memory_space<vmem_shared>>) target_semaphore(%run_scoped3A : memref<!tpu.dma_semaphore, #tpu.memory_space<semaphore_mem>>)
      %dma_wait3A = arith.constant 0 : i32
      %dma_wait3A_41 = arith.constant 0 : i32
      %dma_wait3A_42 = tpu.memref_slice %arg16[%dma_wait3A, %dma_wait3A_41] : memref<1000x8xf32, #tpu.memory_space<vmem>> -> memref<1000x8xf32, #tpu.memory_space<vmem>>
      %dma_wait3A_43 = arith.constant 0 : i32
      %dma_wait3A_44 = tpu.memref_slice %arg10[%mul3A_17, %dma_wait3A_43] : memref<50176x8xf32, #tpu.memory_space<vmem_shared>> -> memref<1000x8xf32, #tpu.memory_space<vmem_shared>>
      %dma_wait3A_45 = arith.constant 0 : i32
      %dma_wait3A_46 = tpu.memref_slice %arg10[%mul3A_17, %dma_wait3A_45] : memref<50176x8xf32, #tpu.memory_space<vmem_shared>> -> memref<1000x8xf32, #tpu.memory_space<vmem_shared>>
      %dma_wait3A_47 = arith.constant 0 : i32
      %dma_wait3A_48 = arith.constant 0 : i32
      %dma_wait3A_49 = tpu.memref_slice %arg16[%dma_wait3A_47, %dma_wait3A_48] : memref<1000x8xf32, #tpu.memory_space<vmem>> -> memref<1000x8xf32, #tpu.memory_space<vmem>>
      tpu.wait_dma2 semaphore(%run_scoped3A : memref<!tpu.dma_semaphore, #tpu.memory_space<semaphore_mem>>) src(%dma_wait3A_49 : memref<1000x8xf32, #tpu.memory_space<vmem>>) dst(%dma_wait3A_46 : memref<1000x8xf32, #tpu.memory_space<vmem_shared>>)
      tpu.yield
    }) : () -> ()
    %add3A = arith.constant 1000 : i32
    %add3A_18 = arith.addi %mul3A_17, %add3A : i32
    "tpu.region"() ({
      %run_scoped3A = tpu.sem_alloc : memref<!tpu.dma_semaphore, #tpu.memory_space<semaphore_mem>>
      %dma_start3A = arith.constant 0 : i32
      %dma_start3A_32 = arith.constant 0 : i32
      %dma_start3A_33 = tpu.memref_slice %arg16[%dma_start3A, %dma_start3A_32] : memref<1000x8xf32, #tpu.memory_space<vmem>> -> memref<1000x8xf32, #tpu.memory_space<vmem>>
      %dma_start3A_34 = arith.constant 0 : i32
      %dma_start3A_35 = tpu.memref_slice %arg10[%add3A_18, %dma_start3A_34] : memref<50176x8xf32, #tpu.memory_space<vmem_shared>> -> memref<1000x8xf32, #tpu.memory_space<vmem_shared>>
      %dma_start3A_36 = arith.constant 0 : i32
      %dma_start3A_37 = tpu.memref_slice %arg10[%add3A_18, %dma_start3A_36] : memref<50176x8xf32, #tpu.memory_space<vmem_shared>> -> memref<1000x8xf32, #tpu.memory_space<vmem_shared>>
      %dma_start3A_38 = arith.constant 0 : i32
      %dma_start3A_39 = arith.constant 0 : i32
      %dma_start3A_40 = tpu.memref_slice %arg16[%dma_start3A_38, %dma_start3A_39] : memref<1000x8xf32, #tpu.memory_space<vmem>> -> memref<1000x8xf32, #tpu.memory_space<vmem>>
      tpu.enqueue_dma source(%dma_start3A_40 : memref<1000x8xf32, #tpu.memory_space<vmem>>) target(%dma_start3A_37 : memref<1000x8xf32, #tpu.memory_space<vmem_shared>>) target_semaphore(%run_scoped3A : memref<!tpu.dma_semaphore, #tpu.memory_space<semaphore_mem>>)
      %dma_wait3A = arith.constant 0 : i32
      %dma_wait3A_41 = arith.constant 0 : i32
      %dma_wait3A_42 = tpu.memref_slice %arg16[%dma_wait3A, %dma_wait3A_41] : memref<1000x8xf32, #tpu.memory_space<vmem>> -> memref<1000x8xf32, #tpu.memory_space<vmem>>
      %dma_wait3A_43 = arith.constant 0 : i32
      %dma_wait3A_44 = tpu.memref_slice %arg10[%add3A_18, %dma_wait3A_43] : memref<50176x8xf32, #tpu.memory_space<vmem_shared>> -> memref<1000x8xf32, #tpu.memory_space<vmem_shared>>
      %dma_wait3A_45 = arith.constant 0 : i32
      %dma_wait3A_46 = tpu.memref_slice %arg10[%add3A_18, %dma_wait3A_45] : memref<50176x8xf32, #tpu.memory_space<vmem_shared>> -> memref<1000x8xf32, #tpu.memory_space<vmem_shared>>
      %dma_wait3A_47 = arith.constant 0 : i32
      %dma_wait3A_48 = arith.constant 0 : i32
      %dma_wait3A_49 = tpu.memref_slice %arg16[%dma_wait3A_47, %dma_wait3A_48] : memref<1000x8xf32, #tpu.memory_space<vmem>> -> memref<1000x8xf32, #tpu.memory_space<vmem>>
      tpu.wait_dma2 semaphore(%run_scoped3A : memref<!tpu.dma_semaphore, #tpu.memory_space<semaphore_mem>>) src(%dma_wait3A_49 : memref<1000x8xf32, #tpu.memory_space<vmem>>) dst(%dma_wait3A_46 : memref<1000x8xf32, #tpu.memory_space<vmem_shared>>)
      tpu.yield
    }) : () -> ()
    %add3A_19 = arith.constant 2000 : i32
    %add3A_20 = arith.addi %mul3A_17, %add3A_19 : i32
    "tpu.region"() ({
      %run_scoped3A = tpu.sem_alloc : memref<!tpu.dma_semaphore, #tpu.memory_space<semaphore_mem>>
      %dma_start3A = arith.constant 0 : i32
      %dma_start3A_32 = arith.constant 0 : i32
      %dma_start3A_33 = tpu.memref_slice %arg16[%dma_start3A, %dma_start3A_32] : memref<1000x8xf32, #tpu.memory_space<vmem>> -> memref<1000x8xf32, #tpu.memory_space<vmem>>
      %dma_start3A_34 = arith.constant 0 : i32
      %dma_start3A_35 = tpu.memref_slice %arg10[%add3A_20, %dma_start3A_34] : memref<50176x8xf32, #tpu.memory_space<vmem_shared>> -> memref<1000x8xf32, #tpu.memory_space<vmem_shared>>
      %dma_start3A_36 = arith.constant 0 : i32
      %dma_start3A_37 = tpu.memref_slice %arg10[%add3A_20, %dma_start3A_36] : memref<50176x8xf32, #tpu.memory_space<vmem_shared>> -> memref<1000x8xf32, #tpu.memory_space<vmem_shared>>
      %dma_start3A_38 = arith.constant 0 : i32
      %dma_start3A_39 = arith.constant 0 : i32
      %dma_start3A_40 = tpu.memref_slice %arg16[%dma_start3A_38, %dma_start3A_39] : memref<1000x8xf32, #tpu.memory_space<vmem>> -> memref<1000x8xf32, #tpu.memory_space<vmem>>
      tpu.enqueue_dma source(%dma_start3A_40 : memref<1000x8xf32, #tpu.memory_space<vmem>>) target(%dma_start3A_37 : memref<1000x8xf32, #tpu.memory_space<vmem_shared>>) target_semaphore(%run_scoped3A : memref<!tpu.dma_semaphore, #tpu.memory_space<semaphore_mem>>)
      %dma_wait3A = arith.constant 0 : i32
      %dma_wait3A_41 = arith.constant 0 : i32
      %dma_wait3A_42 = tpu.memref_slice %arg16[%dma_wait3A, %dma_wait3A_41] : memref<1000x8xf32, #tpu.memory_space<vmem>> -> memref<1000x8xf32, #tpu.memory_space<vmem>>
      %dma_wait3A_43 = arith.constant 0 : i32
      %dma_wait3A_44 = tpu.memref_slice %arg10[%add3A_20, %dma_wait3A_43] : memref<50176x8xf32, #tpu.memory_space<vmem_shared>> -> memref<1000x8xf32, #tpu.memory_space<vmem_shared>>
      %dma_wait3A_45 = arith.constant 0 : i32
      %dma_wait3A_46 = tpu.memref_slice %arg10[%add3A_20, %dma_wait3A_45] : memref<50176x8xf32, #tpu.memory_space<vmem_shared>> -> memref<1000x8xf32, #tpu.memory_space<vmem_shared>>
      %dma_wait3A_47 = arith.constant 0 : i32
      %dma_wait3A_48 = arith.constant 0 : i32
      %dma_wait3A_49 = tpu.memref_slice %arg16[%dma_wait3A_47, %dma_wait3A_48] : memref<1000x8xf32, #tpu.memory_space<vmem>> -> memref<1000x8xf32, #tpu.memory_space<vmem>>
      tpu.wait_dma2 semaphore(%run_scoped3A : memref<!tpu.dma_semaphore, #tpu.memory_space<semaphore_mem>>) src(%dma_wait3A_49 : memref<1000x8xf32, #tpu.memory_space<vmem>>) dst(%dma_wait3A_46 : memref<1000x8xf32, #tpu.memory_space<vmem_shared>>)
      tpu.yield
    }) : () -> ()
    %add3A_21 = arith.constant 3000 : i32
    %add3A_22 = arith.addi %mul3A_17, %add3A_21 : i32
    "tpu.region"() ({
      %run_scoped3A = tpu.sem_alloc : memref<!tpu.dma_semaphore, #tpu.memory_space<semaphore_mem>>
      %dma_start3A = arith.constant 0 : i32
      %dma_start3A_32 = arith.constant 0 : i32
      %dma_start3A_33 = tpu.memref_slice %arg16[%dma_start3A, %dma_start3A_32] : memref<1000x8xf32, #tpu.memory_space<vmem>> -> memref<136x8xf32, #tpu.memory_space<vmem>>
      %dma_start3A_34 = arith.constant 0 : i32
      %dma_start3A_35 = tpu.memref_slice %arg10[%add3A_22, %dma_start3A_34] : memref<50176x8xf32, #tpu.memory_space<vmem_shared>> -> memref<136x8xf32, #tpu.memory_space<vmem_shared>>
      %dma_start3A_36 = arith.constant 0 : i32
      %dma_start3A_37 = tpu.memref_slice %arg10[%add3A_22, %dma_start3A_36] : memref<50176x8xf32, #tpu.memory_space<vmem_shared>> -> memref<136x8xf32, #tpu.memory_space<vmem_shared>>
      %dma_start3A_38 = arith.constant 0 : i32
      %dma_start3A_39 = arith.constant 0 : i32
      %dma_start3A_40 = tpu.memref_slice %arg16[%dma_start3A_38, %dma_start3A_39] : memref<1000x8xf32, #tpu.memory_space<vmem>> -> memref<136x8xf32, #tpu.memory_space<vmem>>
      tpu.enqueue_dma source(%dma_start3A_40 : memref<136x8xf32, #tpu.memory_space<vmem>>) target(%dma_start3A_37 : memref<136x8xf32, #tpu.memory_space<vmem_shared>>) target_semaphore(%run_scoped3A : memref<!tpu.dma_semaphore, #tpu.memory_space<semaphore_mem>>)
      %dma_wait3A = arith.constant 0 : i32
      %dma_wait3A_41 = arith.constant 0 : i32
      %dma_wait3A_42 = tpu.memref_slice %arg16[%dma_wait3A, %dma_wait3A_41] : memref<1000x8xf32, #tpu.memory_space<vmem>> -> memref<136x8xf32, #tpu.memory_space<vmem>>
      %dma_wait3A_43 = arith.constant 0 : i32
      %dma_wait3A_44 = tpu.memref_slice %arg10[%add3A_22, %dma_wait3A_43] : memref<50176x8xf32, #tpu.memory_space<vmem_shared>> -> memref<136x8xf32, #tpu.memory_space<vmem_shared>>
      %dma_wait3A_45 = arith.constant 0 : i32
      %dma_wait3A_46 = tpu.memref_slice %arg10[%add3A_22, %dma_wait3A_45] : memref<50176x8xf32, #tpu.memory_space<vmem_shared>> -> memref<136x8xf32, #tpu.memory_space<vmem_shared>>
      %dma_wait3A_47 = arith.constant 0 : i32
      %dma_wait3A_48 = arith.constant 0 : i32
      %dma_wait3A_49 = tpu.memref_slice %arg16[%dma_wait3A_47, %dma_wait3A_48] : memref<1000x8xf32, #tpu.memory_space<vmem>> -> memref<136x8xf32, #tpu.memory_space<vmem>>
      tpu.wait_dma2 semaphore(%run_scoped3A : memref<!tpu.dma_semaphore, #tpu.memory_space<semaphore_mem>>) src(%dma_wait3A_49 : memref<136x8xf32, #tpu.memory_space<vmem>>) dst(%dma_wait3A_46 : memref<136x8xf32, #tpu.memory_space<vmem_shared>>)
      tpu.yield
    }) : () -> ()
    %barrier3A = arith.constant 0 : index
    tpu.barrier barrier_id(%barrier3A)
    "tpu.region"() ({
      %run_scoped3A = tpu.sem_alloc : memref<!tpu.dma_semaphore, #tpu.memory_space<semaphore_mem>>
      tpu.enqueue_dma source(%arg7 : memref<16xf32, #tpu.memory_space<hbm>>) target(%arg11 : memref<16xf32, #tpu.memory_space<vmem>>) target_semaphore(%run_scoped3A : memref<!tpu.dma_semaphore, #tpu.memory_space<semaphore_mem>>)
      tpu.wait_dma2 semaphore(%run_scoped3A : memref<!tpu.dma_semaphore, #tpu.memory_space<semaphore_mem>>) src(%arg7 : memref<16xf32, #tpu.memory_space<hbm>>) dst(%arg11 : memref<16xf32, #tpu.memory_space<vmem>>)
      tpu.yield
    }) : () -> ()
    %get3A = arith.constant 0 : index
    %get3A_23 = tpu.vector_load %arg11[%get3A] {strides = array<i32>} : memref<16xf32, #tpu.memory_space<vmem>>, vector<16xf32>,
    %scan3A_24 = arith.constant 0 : i32
    %scan3A_25 = arith.constant 0 : i32
    %scan3A_26 = arith.constant 25 : i32
    %scan3A_27 = arith.addi %scan3A_25, %scan3A_26 : i32
    %scan3A_28 = arith.constant 1 : i32
    %scan3A_29 = scf.for %scan3A_32 = %scan3A_25 to %scan3A_27 step %scan3A_28 iter_args(%scan3A_33 = %scan3A_24) -> (i32)  : i32 {
      %mul3A_34 = arith.constant 16 : i32
      %mul3A_35 = arith.muli %arg0, %mul3A_34 : i32
      %add3A_36 = arith.addi %mul3A_35, %arg1 : i32
      %mul3A_37 = arith.constant 25 : i32
      %mul3A_38 = arith.muli %add3A_36, %mul3A_37 : i32
      %add3A_39 = arith.addi %mul3A_38, %scan3A_32 : i32
      %mul3A_40 = arith.constant 1000 : i32
      %mul3A_41 = arith.muli %add3A_39, %mul3A_40 : i32
      "tpu.region"() ({
        %run_scoped3A = tpu.sem_alloc : memref<!tpu.dma_semaphore, #tpu.memory_space<semaphore_mem>>
        %dma_start3A_62 = tpu.memref_slice %arg2[%mul3A_41] : memref<800000xi32, #tpu.memory_space<hbm>> -> memref<1000xi32, #tpu.memory_space<hbm>>
        %dma_start3A_63 = tpu.memref_slice %arg2[%mul3A_41] : memref<800000xi32, #tpu.memory_space<hbm>> -> memref<1000xi32, #tpu.memory_space<hbm>>
        tpu.enqueue_dma source(%dma_start3A_63 : memref<1000xi32, #tpu.memory_space<hbm>>) target(%arg19 : memref<1000xi32, #tpu.memory_space<vmem>>) target_semaphore(%run_scoped3A : memref<!tpu.dma_semaphore, #tpu.memory_space<semaphore_mem>>)
        %dma_wait3A_64 = tpu.memref_slice %arg2[%mul3A_41] : memref<800000xi32, #tpu.memory_space<hbm>> -> memref<1000xi32, #tpu.memory_space<hbm>>
        %dma_wait3A_65 = tpu.memref_slice %arg2[%mul3A_41] : memref<800000xi32, #tpu.memory_space<hbm>> -> memref<1000xi32, #tpu.memory_space<hbm>>
        tpu.wait_dma2 semaphore(%run_scoped3A : memref<!tpu.dma_semaphore, #tpu.memory_space<semaphore_mem>>) src(%dma_wait3A_65 : memref<1000xi32, #tpu.memory_space<hbm>>) dst(%arg19 : memref<1000xi32, #tpu.memory_space<vmem>>)
        tpu.yield
      }) : () -> ()
      "tpu.region"() ({
        %run_scoped3A = tpu.sem_alloc : memref<!tpu.dma_semaphore, #tpu.memory_space<semaphore_mem>>
        %dma_start3A_62 = tpu.memref_slice %arg3[%mul3A_41] : memref<800000xi32, #tpu.memory_space<hbm>> -> memref<1000xi32, #tpu.memory_space<hbm>>
        %dma_start3A_63 = tpu.memref_slice %arg3[%mul3A_41] : memref<800000xi32, #tpu.memory_space<hbm>> -> memref<1000xi32, #tpu.memory_space<hbm>>
        tpu.enqueue_dma source(%dma_start3A_63 : memref<1000xi32, #tpu.memory_space<hbm>>) target(%arg15 : memref<1000xi32, #tpu.memory_space<vmem>>) target_semaphore(%run_scoped3A : memref<!tpu.dma_semaphore, #tpu.memory_space<semaphore_mem>>)
        %dma_wait3A_64 = tpu.memref_slice %arg3[%mul3A_41] : memref<800000xi32, #tpu.memory_space<hbm>> -> memref<1000xi32, #tpu.memory_space<hbm>>
        %dma_wait3A_65 = tpu.memref_slice %arg3[%mul3A_41] : memref<800000xi32, #tpu.memory_space<hbm>> -> memref<1000xi32, #tpu.memory_space<hbm>>
        tpu.wait_dma2 semaphore(%run_scoped3A : memref<!tpu.dma_semaphore, #tpu.memory_space<semaphore_mem>>) src(%dma_wait3A_65 : memref<1000xi32, #tpu.memory_space<hbm>>) dst(%arg15 : memref<1000xi32, #tpu.memory_space<vmem>>)
        tpu.yield
      }) : () -> ()
      %mul3A_42 = arith.constant 4 : i32
      %mul3A_43 = arith.muli %mul3A_41, %mul3A_42 : i32
      "tpu.region"() ({
        %run_scoped3A = tpu.sem_alloc : memref<!tpu.dma_semaphore, #tpu.memory_space<semaphore_mem>>
        %dma_start3A_62 = tpu.memref_slice %arg6[%mul3A_43] : memref<3200000xf32, #tpu.memory_space<hbm>> -> memref<4000xf32, #tpu.memory_space<hbm>>
        %dma_start3A_63 = tpu.memref_slice %arg6[%mul3A_43] : memref<3200000xf32, #tpu.memory_space<hbm>> -> memref<4000xf32, #tpu.memory_space<hbm>>
        tpu.enqueue_dma source(%dma_start3A_63 : memref<4000xf32, #tpu.memory_space<hbm>>) target(%arg13 : memref<4000xf32, #tpu.memory_space<vmem>>) target_semaphore(%run_scoped3A : memref<!tpu.dma_semaphore, #tpu.memory_space<semaphore_mem>>)
        %dma_wait3A_64 = tpu.memref_slice %arg6[%mul3A_43] : memref<3200000xf32, #tpu.memory_space<hbm>> -> memref<4000xf32, #tpu.memory_space<hbm>>
        %dma_wait3A_65 = tpu.memref_slice %arg6[%mul3A_43] : memref<3200000xf32, #tpu.memory_space<hbm>> -> memref<4000xf32, #tpu.memory_space<hbm>>
        tpu.wait_dma2 semaphore(%run_scoped3A : memref<!tpu.dma_semaphore, #tpu.memory_space<semaphore_mem>>) src(%dma_wait3A_65 : memref<4000xf32, #tpu.memory_space<hbm>>) dst(%arg13 : memref<4000xf32, #tpu.memory_space<vmem>>)
        tpu.yield
      }) : () -> ()
      %dma_start3A = arith.constant 0 : i32
      %dma_start3A_44 = arith.constant 0 : i32
      %dma_start3A_45 = tpu.memref_slice %arg4[%dma_start3A, %dma_start3A_44] : memref<50176x8xf32, #tpu.memory_space<hbm>> -> memref<50176x8xf32, #tpu.memory_space<hbm>>
      tpu.enqueue_indirect_dma source(%dma_start3A_45 : memref<50176x8xf32, #tpu.memory_space<hbm>>) target(%arg14 : memref<1000x8xf32, #tpu.memory_space<vmem>>) offsets(%arg19 : memref<1000xi32, #tpu.memory_space<vmem>>) semaphore(%arg17 : memref<!tpu.dma_semaphore, #tpu.memory_space<semaphore_mem>>)
      %dma_start3A_46 = arith.constant 0 : i32
      %dma_start3A_47 = arith.constant 0 : i32
      %dma_start3A_48 = tpu.memref_slice %arg5[%dma_start3A_46, %dma_start3A_47] : memref<50176x8xf32, #tpu.memory_space<hbm>> -> memref<50176x8xf32, #tpu.memory_space<hbm>>
      tpu.enqueue_indirect_dma source(%dma_start3A_48 : memref<50176x8xf32, #tpu.memory_space<hbm>>) target(%arg12 : memref<1000x8xf32, #tpu.memory_space<vmem>>) offsets(%arg15 : memref<1000xi32, #tpu.memory_space<vmem>>) semaphore(%arg18 : memref<!tpu.dma_semaphore, #tpu.memory_space<semaphore_mem>>)
      %dma_wait3A = arith.constant 0 : i32
      %dma_wait3A_49 = arith.constant 0 : i32
      %dma_wait3A_50 = tpu.memref_slice %arg4[%dma_wait3A, %dma_wait3A_49] : memref<50176x8xf32, #tpu.memory_space<hbm>> -> memref<50176x8xf32, #tpu.memory_space<hbm>>
      tpu.wait_indirect_dma semaphore(%arg17 : memref<!tpu.dma_semaphore, #tpu.memory_space<semaphore_mem>>) src(%dma_wait3A_50 : memref<50176x8xf32, #tpu.memory_space<hbm>>) dst(%arg14 : memref<1000x8xf32, #tpu.memory_space<vmem>>)
      %dma_wait3A_51 = arith.constant 0 : i32
      %dma_wait3A_52 = arith.constant 0 : i32
      %dma_wait3A_53 = tpu.memref_slice %arg5[%dma_wait3A_51, %dma_wait3A_52] : memref<50176x8xf32, #tpu.memory_space<hbm>> -> memref<50176x8xf32, #tpu.memory_space<hbm>>
      tpu.wait_indirect_dma semaphore(%arg18 : memref<!tpu.dma_semaphore, #tpu.memory_space<semaphore_mem>>) src(%dma_wait3A_53 : memref<50176x8xf32, #tpu.memory_space<hbm>>) dst(%arg12 : memref<1000x8xf32, #tpu.memory_space<vmem>>)
      %scan3A_54 = arith.constant 0 : i32
      %scan3A_55 = arith.constant 0 : i32
      %scan3A_56 = arith.constant 125 : i32
      %scan3A_57 = arith.addi %scan3A_55, %scan3A_56 : i32
      %scan3A_58 = arith.constant 1 : i32
      %scan3A_59 = scf.for %scan3A_62 = %scan3A_55 to %scan3A_57 step %scan3A_58 iter_args(%scan3A_63 = %scan3A_54) -> (i32)  : i32 {
        %mul3A_64 = arith.constant 2 : i32
        %mul3A_65 = arith.muli %mul3A_64, %scan3A_62 : i32
        %add3A_66 = arith.constant 0 : i32
        %add3A_67 = arith.addi %mul3A_65, %add3A_66 : i32
        %mul3A_68 = arith.constant 4 : i32
        %mul3A_69 = arith.muli %mul3A_68, %add3A_67 : i32
        %add3A_70 = vector.broadcast %mul3A_69 : i32 to vector<16xi32>
        %add3A_71 = arith.addi %shift_right_logical3A_2, %add3A_70 : vector<16xi32>
        %gather3A = tpu.vector_load_idx %arg14[%add3A_71, %and3A_4] : memref<1000x8xf32, #tpu.memory_space<vmem>>[vector<16xi32>, vector<16xi32>], vector<16xf32>,
        %gather3A_72 = tpu.vector_load_idx %arg12[%add3A_71, %and3A_4] : memref<1000x8xf32, #tpu.memory_space<vmem>>[vector<16xi32>, vector<16xi32>], vector<16xf32>,
        %add3A_73 = arith.addf %gather3A, %gather3A_72 : vector<16xf32>
        %mul3A_74 = arith.constant 16 : i32
        %mul3A_75 = arith.muli %add3A_67, %mul3A_74 : i32
        %get3A_76 = arith.index_cast %mul3A_75 : i32 to index
        %get3A_77 = tpu.vector_load %arg13[%get3A_76] {strides = array<i32>} : memref<4000xf32, #tpu.memory_space<vmem>>, vector<16xf32>,
        %add3A_78 = arith.addf %add3A_73, %get3A_77 : vector<16xf32>
        %gt3A = arith.constant 0.000000e+00 : f32
        %gt3A_79 = vector.broadcast %gt3A : f32 to vector<16xf32>
        %gt3A_80 = arith.cmpf ogt, %add3A_78, %gt3A_79 : vector<16xf32>
        %mul3A_81 = arith.constant 2.000000e-01 : f32
        %mul3A_82 = vector.broadcast %mul3A_81 : f32 to vector<16xf32>
        %mul3A_83 = arith.mulf %mul3A_82, %add3A_78 : vector<16xf32>
        %select_n3A = arith.select %gt3A_80, %add3A_78, %mul3A_83 : vector<16xi1>, vector<16xf32>
        %sub3A = arith.subf %select_n3A, %get3A_23 : vector<16xf32>
        %exp3A = math.exp %sub3A : vector<16xf32>
        tpu.vector_store_idx %arg16[%add3A_71, %and3A_4], %exp3A : memref<1000x8xf32, #tpu.memory_space<vmem>>[vector<16xi32>, vector<16xi32>], vector<16xf32>,
        %mul3A_84 = arith.constant 2 : i32
        %mul3A_85 = arith.muli %mul3A_84, %scan3A_62 : i32
        %add3A_86 = arith.constant 1 : i32
        %add3A_87 = arith.addi %mul3A_85, %add3A_86 : i32
        %mul3A_88 = arith.constant 4 : i32
        %mul3A_89 = arith.muli %mul3A_88, %add3A_87 : i32
        %add3A_90 = vector.broadcast %mul3A_89 : i32 to vector<16xi32>
        %add3A_91 = arith.addi %shift_right_logical3A_2, %add3A_90 : vector<16xi32>
        %gather3A_92 = tpu.vector_load_idx %arg14[%add3A_91, %and3A_4] : memref<1000x8xf32, #tpu.memory_space<vmem>>[vector<16xi32>, vector<16xi32>], vector<16xf32>,
        %gather3A_93 = tpu.vector_load_idx %arg12[%add3A_91, %and3A_4] : memref<1000x8xf32, #tpu.memory_space<vmem>>[vector<16xi32>, vector<16xi32>], vector<16xf32>,
        %add3A_94 = arith.addf %gather3A_92, %gather3A_93 : vector<16xf32>
        %mul3A_95 = arith.constant 16 : i32
        %mul3A_96 = arith.muli %add3A_87, %mul3A_95 : i32
        %get3A_97 = arith.index_cast %mul3A_96 : i32 to index
        %get3A_98 = tpu.vector_load %arg13[%get3A_97] {strides = array<i32>} : memref<4000xf32, #tpu.memory_space<vmem>>, vector<16xf32>,
        %add3A_99 = arith.addf %add3A_94, %get3A_98 : vector<16xf32>
        %gt3A_100 = arith.constant 0.000000e+00 : f32
        %gt3A_101 = vector.broadcast %gt3A_100 : f32 to vector<16xf32>
        %gt3A_102 = arith.cmpf ogt, %add3A_99, %gt3A_101 : vector<16xf32>
        %mul3A_103 = arith.constant 2.000000e-01 : f32
        %mul3A_104 = vector.broadcast %mul3A_103 : f32 to vector<16xf32>
        %mul3A_105 = arith.mulf %mul3A_104, %add3A_99 : vector<16xf32>
        %select_n3A_106 = arith.select %gt3A_102, %add3A_99, %mul3A_105 : vector<16xi1>, vector<16xf32>
        %sub3A_107 = arith.subf %select_n3A_106, %get3A_23 : vector<16xf32>
        %exp3A_108 = math.exp %sub3A_107 : vector<16xf32>
        tpu.vector_store_idx %arg16[%add3A_91, %and3A_4], %exp3A_108 : memref<1000x8xf32, #tpu.memory_space<vmem>>[vector<16xi32>, vector<16xi32>], vector<16xf32>,
        %scan3A_109 = arith.constant 0 : i32
        scf.yield %scan3A_109 : i32
      }
      %scan3A_60 = arith.constant 125 : i32
      "tpu.region"() ({
        %run_scoped3A = tpu.sem_alloc : memref<!tpu.dma_semaphore, #tpu.memory_space<semaphore_mem>>
        %dma_start3A_62 = arith.constant 0 : i32
        %dma_start3A_63 = arith.constant 0 : i32
        %dma_start3A_64 = tpu.memref_slice %arg10[%dma_start3A_62, %dma_start3A_63] : memref<50176x8xf32, #tpu.memory_space<vmem_shared>> -> memref<50176x8xf32, #tpu.memory_space<vmem_shared>>
        tpu.enqueue_indirect_dma source(%arg16 : memref<1000x8xf32, #tpu.memory_space<vmem>>) target(%dma_start3A_64 : memref<50176x8xf32, #tpu.memory_space<vmem_shared>>) offsets(%arg15 : memref<1000xi32, #tpu.memory_space<vmem>>) semaphore(%run_scoped3A : memref<!tpu.dma_semaphore, #tpu.memory_space<semaphore_mem>>) {add = true}
        %dma_wait3A_65 = arith.constant 0 : i32
        %dma_wait3A_66 = arith.constant 0 : i32
        %dma_wait3A_67 = tpu.memref_slice %arg10[%dma_wait3A_65, %dma_wait3A_66] : memref<50176x8xf32, #tpu.memory_space<vmem_shared>> -> memref<50176x8xf32, #tpu.memory_space<vmem_shared>>
        tpu.wait_indirect_dma semaphore(%run_scoped3A : memref<!tpu.dma_semaphore, #tpu.memory_space<semaphore_mem>>) src(%arg16 : memref<1000x8xf32, #tpu.memory_space<vmem>>) dst(%dma_wait3A_67 : memref<50176x8xf32, #tpu.memory_space<vmem_shared>>)
        tpu.yield
      }) : () -> ()
      "tpu.region"() ({
        %run_scoped3A = tpu.sem_alloc : memref<!tpu.dma_semaphore, #tpu.memory_space<semaphore_mem>>
        %dma_start3A_62 = arith.constant 0 : i32
        %dma_start3A_63 = tpu.memref_slice %arg8[%mul3A_41, %dma_start3A_62] : memref<800000x8xf32, #tpu.memory_space<hbm>> -> memref<1000x8xf32, #tpu.memory_space<hbm>>
        %dma_start3A_64 = arith.constant 0 : i32
        %dma_start3A_65 = tpu.memref_slice %arg8[%mul3A_41, %dma_start3A_64] : memref<800000x8xf32, #tpu.memory_space<hbm>> -> memref<1000x8xf32, #tpu.memory_space<hbm>>
        tpu.enqueue_dma source(%arg16 : memref<1000x8xf32, #tpu.memory_space<vmem>>) target(%dma_start3A_65 : memref<1000x8xf32, #tpu.memory_space<hbm>>) target_semaphore(%run_scoped3A : memref<!tpu.dma_semaphore, #tpu.memory_space<semaphore_mem>>)
        %dma_wait3A_66 = arith.constant 0 : i32
        %dma_wait3A_67 = tpu.memref_slice %arg8[%mul3A_41, %dma_wait3A_66] : memref<800000x8xf32, #tpu.memory_space<hbm>> -> memref<1000x8xf32, #tpu.memory_space<hbm>>
        %dma_wait3A_68 = arith.constant 0 : i32
        %dma_wait3A_69 = tpu.memref_slice %arg8[%mul3A_41, %dma_wait3A_68] : memref<800000x8xf32, #tpu.memory_space<hbm>> -> memref<1000x8xf32, #tpu.memory_space<hbm>>
        tpu.wait_dma2 semaphore(%run_scoped3A : memref<!tpu.dma_semaphore, #tpu.memory_space<semaphore_mem>>) src(%arg16 : memref<1000x8xf32, #tpu.memory_space<vmem>>) dst(%dma_wait3A_69 : memref<1000x8xf32, #tpu.memory_space<hbm>>)
        tpu.yield
      }) : () -> ()
      %scan3A_61 = arith.constant 0 : i32
      scf.yield %scan3A_61 : i32
    }
    %scan3A_30 = arith.constant 25 : i32
    %barrier3A_31 = arith.constant 0 : index
    tpu.barrier barrier_id(%barrier3A_31)
    "tpu.region"() ({
      %run_scoped3A = tpu.sem_alloc : memref<!tpu.dma_semaphore, #tpu.memory_space<semaphore_mem>>
      %dma_start3A = arith.constant 0 : i32
      %dma_start3A_32 = tpu.memref_slice %arg9[%arg0, %mul3A_17, %dma_start3A] : memref<2x50176x8xf32, #tpu.memory_space<hbm>> -> memref<1x3136x8xf32, #tpu.memory_space<hbm>>
      %dma_start3A_33 = tpu.memref_squeeze %dma_start3A_32 : memref<1x3136x8xf32, #tpu.memory_space<hbm>> -> memref<3136x8xf32, #tpu.memory_space<hbm>>
      %dma_start3A_34 = arith.constant 0 : i32
      %dma_start3A_35 = tpu.memref_slice %arg10[%mul3A_17, %dma_start3A_34] : memref<50176x8xf32, #tpu.memory_space<vmem_shared>> -> memref<3136x8xf32, #tpu.memory_space<vmem_shared>>
      tpu.enqueue_dma source(%dma_start3A_35 : memref<3136x8xf32, #tpu.memory_space<vmem_shared>>) target(%dma_start3A_33 : memref<3136x8xf32, #tpu.memory_space<hbm>>) target_semaphore(%run_scoped3A : memref<!tpu.dma_semaphore, #tpu.memory_space<semaphore_mem>>)
      %dma_wait3A = arith.constant 0 : i32
      %dma_wait3A_36 = tpu.memref_slice %arg9[%arg0, %mul3A_17, %dma_wait3A] : memref<2x50176x8xf32, #tpu.memory_space<hbm>> -> memref<1x3136x8xf32, #tpu.memory_space<hbm>>
      %dma_wait3A_37 = tpu.memref_squeeze %dma_wait3A_36 : memref<1x3136x8xf32, #tpu.memory_space<hbm>> -> memref<3136x8xf32, #tpu.memory_space<hbm>>
      %dma_wait3A_38 = arith.constant 0 : i32
      %dma_wait3A_39 = tpu.memref_slice %arg10[%mul3A_17, %dma_wait3A_38] : memref<50176x8xf32, #tpu.memory_space<vmem_shared>> -> memref<3136x8xf32, #tpu.memory_space<vmem_shared>>
      tpu.wait_dma2 semaphore(%run_scoped3A : memref<!tpu.dma_semaphore, #tpu.memory_space<semaphore_mem>>) src(%dma_wait3A_39 : memref<3136x8xf32, #tpu.memory_space<vmem_shared>>) dst(%dma_wait3A_37 : memref<3136x8xf32, #tpu.memory_space<hbm>>)
      tpu.yield
    }) : () -> ()
    return
  }
}

#map = affine_map<(d0, d1) -> (0)>
#map1 = affine_map<(d0, d1) -> (0, 0)>
#map2 = affine_map<(d0, d1) -> (0, 0, 0)>
module attributes {stable_mosaic.version = 14 : i64} {
  func.func @k(%arg0: i32, %arg1: i32, %arg2: memref<800000xi32, #tpu.memory_space<hbm>>, %arg3: memref<800000xi32, #tpu.memory_space<hbm>>, %arg4: memref<50176x8xf32, #tpu.memory_space<hbm>>, %arg5: memref<50176x8xf32, #tpu.memory_space<hbm>>, %arg6: memref<3200000xf32, #tpu.memory_space<hbm>>, %arg7: memref<16xf32, #tpu.memory_space<hbm>>, %arg8: memref<800000x8xf32, #tpu.memory_space<hbm>>, %arg9: memref<2x50176x8xf32, #tpu.memory_space<hbm>>, %arg10: memref<50176x8xf32, #tpu.memory_space<vmem_shared>>, %arg11: memref<16xf32, #tpu.memory_space<vmem>>, %arg12: memref<1000x8xf32, #tpu.memory_space<vmem>>, %arg13: memref<4000xf32, #tpu.memory_space<vmem>>, %arg14: memref<1000x8xf32, #tpu.memory_space<vmem>>, %arg15: memref<1000xi32, #tpu.memory_space<vmem>>, %arg16: memref<1000x8xf32, #tpu.memory_space<vmem>>, %arg17: memref<!tpu.dma_semaphore, #tpu.memory_space<semaphore_mem>>, %arg18: memref<!tpu.dma_semaphore, #tpu.memory_space<semaphore_mem>>, %arg19: memref<1000xi32, #tpu.memory_space<vmem>>) attributes {dimension_semantics = [#tpu.dimension_semantics<core_parallel>, #tpu.dimension_semantics<subcore_parallel>], iteration_bounds = array<i64: 2, 16>, scalar_prefetch = 0 : i64, scratch_operands = 10 : i64, tpu.core_type = #tpu.core_type<sc_vector_subcore>, window_params = [{transform_indices = #map}, {transform_indices = #map}, {transform_indices = #map1}, {transform_indices = #map1}, {transform_indices = #map}, {transform_indices = #map}, {transform_indices = #map1}, {transform_indices = #map2}]} {
    %broadcast_in_dim3A = arith.constant 0.000000e+00 : f32
    %broadcast_in_dim3A_0 = vector.broadcast %broadcast_in_dim3A : f32 to vector<16xf32>
    %iota3A = tpu.iota {dimensions = array<i32: 0>} : vector<16xi32>
    %shift_right_logical3A = arith.constant 2 : i32
    %shift_right_logical3A_1 = vector.broadcast %shift_right_logical3A : i32 to vector<16xi32>
    %shift_right_logical3A_2 = arith.shrui %iota3A, %shift_right_logical3A_1 : vector<16xi32>
    %and3A = arith.constant 3 : i32
    %and3A_3 = vector.broadcast %and3A : i32 to vector<16xi32>
    %and3A_4 = arith.andi %iota3A, %and3A_3 : vector<16xi32>
    %shift_right_logical3A_5 = arith.constant 3 : i32
    %shift_right_logical3A_6 = vector.broadcast %shift_right_logical3A_5 : i32 to vector<16xi32>
    %shift_right_logical3A_7 = arith.shrui %iota3A, %shift_right_logical3A_6 : vector<16xi32>
    %and3A_8 = arith.constant 7 : i32
    %and3A_9 = vector.broadcast %and3A_8 : i32 to vector<16xi32>
    %and3A_10 = arith.andi %iota3A, %and3A_9 : vector<16xi32>
    %scan3A = arith.constant 0 : i32
    %scan3A_11 = arith.constant 0 : i32
    %scan3A_12 = arith.constant 500 : i32
    %scan3A_13 = arith.addi %scan3A_11, %scan3A_12 : i32
    %scan3A_14 = arith.constant 1 : i32
    %scan3A_15 = scf.for %scan3A_32 = %scan3A_11 to %scan3A_13 step %scan3A_14 iter_args(%scan3A_33 = %scan3A) -> (i32)  : i32 {
      %mul3A_34 = arith.constant 2 : i32
      %mul3A_35 = arith.muli %mul3A_34, %scan3A_32 : i32
      %add3A_36 = vector.broadcast %mul3A_35 : i32 to vector<16xi32>
      %add3A_37 = arith.addi %shift_right_logical3A_7, %add3A_36 : vector<16xi32>
      tpu.vector_store_idx %arg16[%add3A_37, %and3A_10], %broadcast_in_dim3A_0 : memref<1000x8xf32, #tpu.memory_space<vmem>>[vector<16xi32>, vector<16xi32>], vector<16xf32>,
      %scan3A_38 = arith.constant 0 : i32
      scf.yield %scan3A_38 : i32
    }
    %scan3A_16 = arith.constant 500 : i32
    %mul3A = arith.constant 3136 : i32
    %mul3A_17 = arith.muli %arg1, %mul3A : i32
    "tpu.region"() ({
      %run_scoped3A = tpu.sem_alloc : memref<!tpu.dma_semaphore, #tpu.memory_space<semaphore_mem>>
      %dma_start3A = arith.constant 0 : i32
      %dma_start3A_32 = arith.constant 0 : i32
      %dma_start3A_33 = tpu.memref_slice %arg16[%dma_start3A, %dma_start3A_32] : memref<1000x8xf32, #tpu.memory_space<vmem>> -> memref<1000x8xf32, #tpu.memory_space<vmem>>
      %dma_start3A_34 = arith.constant 0 : i32
      %dma_start3A_35 = tpu.memref_slice %arg10[%mul3A_17, %dma_start3A_34] : memref<50176x8xf32, #tpu.memory_space<vmem_shared>> -> memref<1000x8xf32, #tpu.memory_space<vmem_shared>>
      %dma_start3A_36 = arith.constant 0 : i32
      %dma_start3A_37 = tpu.memref_slice %arg10[%mul3A_17, %dma_start3A_36] : memref<50176x8xf32, #tpu.memory_space<vmem_shared>> -> memref<1000x8xf32, #tpu.memory_space<vmem_shared>>
      %dma_start3A_38 = arith.constant 0 : i32
      %dma_start3A_39 = arith.constant 0 : i32
      %dma_start3A_40 = tpu.memref_slice %arg16[%dma_start3A_38, %dma_start3A_39] : memref<1000x8xf32, #tpu.memory_space<vmem>> -> memref<1000x8xf32, #tpu.memory_space<vmem>>
      tpu.enqueue_dma source(%dma_start3A_40 : memref<1000x8xf32, #tpu.memory_space<vmem>>) target(%dma_start3A_37 : memref<1000x8xf32, #tpu.memory_space<vmem_shared>>) target_semaphore(%run_scoped3A : memref<!tpu.dma_semaphore, #tpu.memory_space<semaphore_mem>>)
      %dma_wait3A = arith.constant 0 : i32
      %dma_wait3A_41 = arith.constant 0 : i32
      %dma_wait3A_42 = tpu.memref_slice %arg16[%dma_wait3A, %dma_wait3A_41] : memref<1000x8xf32, #tpu.memory_space<vmem>> -> memref<1000x8xf32, #tpu.memory_space<vmem>>
      %dma_wait3A_43 = arith.constant 0 : i32
      %dma_wait3A_44 = tpu.memref_slice %arg10[%mul3A_17, %dma_wait3A_43] : memref<50176x8xf32, #tpu.memory_space<vmem_shared>> -> memref<1000x8xf32, #tpu.memory_space<vmem_shared>>
      %dma_wait3A_45 = arith.constant 0 : i32
      %dma_wait3A_46 = tpu.memref_slice %arg10[%mul3A_17, %dma_wait3A_45] : memref<50176x8xf32, #tpu.memory_space<vmem_shared>> -> memref<1000x8xf32, #tpu.memory_space<vmem_shared>>
      %dma_wait3A_47 = arith.constant 0 : i32
      %dma_wait3A_48 = arith.constant 0 : i32
      %dma_wait3A_49 = tpu.memref_slice %arg16[%dma_wait3A_47, %dma_wait3A_48] : memref<1000x8xf32, #tpu.memory_space<vmem>> -> memref<1000x8xf32, #tpu.memory_space<vmem>>
      tpu.wait_dma2 semaphore(%run_scoped3A : memref<!tpu.dma_semaphore, #tpu.memory_space<semaphore_mem>>) src(%dma_wait3A_49 : memref<1000x8xf32, #tpu.memory_space<vmem>>) dst(%dma_wait3A_46 : memref<1000x8xf32, #tpu.memory_space<vmem_shared>>)
      tpu.yield
    }) : () -> ()
    %add3A = arith.constant 1000 : i32
    %add3A_18 = arith.addi %mul3A_17, %add3A : i32
    "tpu.region"() ({
      %run_scoped3A = tpu.sem_alloc : memref<!tpu.dma_semaphore, #tpu.memory_space<semaphore_mem>>
      %dma_start3A = arith.constant 0 : i32
      %dma_start3A_32 = arith.constant 0 : i32
      %dma_start3A_33 = tpu.memref_slice %arg16[%dma_start3A, %dma_start3A_32] : memref<1000x8xf32, #tpu.memory_space<vmem>> -> memref<1000x8xf32, #tpu.memory_space<vmem>>
      %dma_start3A_34 = arith.constant 0 : i32
      %dma_start3A_35 = tpu.memref_slice %arg10[%add3A_18, %dma_start3A_34] : memref<50176x8xf32, #tpu.memory_space<vmem_shared>> -> memref<1000x8xf32, #tpu.memory_space<vmem_shared>>
      %dma_start3A_36 = arith.constant 0 : i32
      %dma_start3A_37 = tpu.memref_slice %arg10[%add3A_18, %dma_start3A_36] : memref<50176x8xf32, #tpu.memory_space<vmem_shared>> -> memref<1000x8xf32, #tpu.memory_space<vmem_shared>>
      %dma_start3A_38 = arith.constant 0 : i32
      %dma_start3A_39 = arith.constant 0 : i32
      %dma_start3A_40 = tpu.memref_slice %arg16[%dma_start3A_38, %dma_start3A_39] : memref<1000x8xf32, #tpu.memory_space<vmem>> -> memref<1000x8xf32, #tpu.memory_space<vmem>>
      tpu.enqueue_dma source(%dma_start3A_40 : memref<1000x8xf32, #tpu.memory_space<vmem>>) target(%dma_start3A_37 : memref<1000x8xf32, #tpu.memory_space<vmem_shared>>) target_semaphore(%run_scoped3A : memref<!tpu.dma_semaphore, #tpu.memory_space<semaphore_mem>>)
      %dma_wait3A = arith.constant 0 : i32
      %dma_wait3A_41 = arith.constant 0 : i32
      %dma_wait3A_42 = tpu.memref_slice %arg16[%dma_wait3A, %dma_wait3A_41] : memref<1000x8xf32, #tpu.memory_space<vmem>> -> memref<1000x8xf32, #tpu.memory_space<vmem>>
      %dma_wait3A_43 = arith.constant 0 : i32
      %dma_wait3A_44 = tpu.memref_slice %arg10[%add3A_18, %dma_wait3A_43] : memref<50176x8xf32, #tpu.memory_space<vmem_shared>> -> memref<1000x8xf32, #tpu.memory_space<vmem_shared>>
      %dma_wait3A_45 = arith.constant 0 : i32
      %dma_wait3A_46 = tpu.memref_slice %arg10[%add3A_18, %dma_wait3A_45] : memref<50176x8xf32, #tpu.memory_space<vmem_shared>> -> memref<1000x8xf32, #tpu.memory_space<vmem_shared>>
      %dma_wait3A_47 = arith.constant 0 : i32
      %dma_wait3A_48 = arith.constant 0 : i32
      %dma_wait3A_49 = tpu.memref_slice %arg16[%dma_wait3A_47, %dma_wait3A_48] : memref<1000x8xf32, #tpu.memory_space<vmem>> -> memref<1000x8xf32, #tpu.memory_space<vmem>>
      tpu.wait_dma2 semaphore(%run_scoped3A : memref<!tpu.dma_semaphore, #tpu.memory_space<semaphore_mem>>) src(%dma_wait3A_49 : memref<1000x8xf32, #tpu.memory_space<vmem>>) dst(%dma_wait3A_46 : memref<1000x8xf32, #tpu.memory_space<vmem_shared>>)
      tpu.yield
    }) : () -> ()
    %add3A_19 = arith.constant 2000 : i32
    %add3A_20 = arith.addi %mul3A_17, %add3A_19 : i32
    "tpu.region"() ({
      %run_scoped3A = tpu.sem_alloc : memref<!tpu.dma_semaphore, #tpu.memory_space<semaphore_mem>>
      %dma_start3A = arith.constant 0 : i32
      %dma_start3A_32 = arith.constant 0 : i32
      %dma_start3A_33 = tpu.memref_slice %arg16[%dma_start3A, %dma_start3A_32] : memref<1000x8xf32, #tpu.memory_space<vmem>> -> memref<1000x8xf32, #tpu.memory_space<vmem>>
      %dma_start3A_34 = arith.constant 0 : i32
      %dma_start3A_35 = tpu.memref_slice %arg10[%add3A_20, %dma_start3A_34] : memref<50176x8xf32, #tpu.memory_space<vmem_shared>> -> memref<1000x8xf32, #tpu.memory_space<vmem_shared>>
      %dma_start3A_36 = arith.constant 0 : i32
      %dma_start3A_37 = tpu.memref_slice %arg10[%add3A_20, %dma_start3A_36] : memref<50176x8xf32, #tpu.memory_space<vmem_shared>> -> memref<1000x8xf32, #tpu.memory_space<vmem_shared>>
      %dma_start3A_38 = arith.constant 0 : i32
      %dma_start3A_39 = arith.constant 0 : i32
      %dma_start3A_40 = tpu.memref_slice %arg16[%dma_start3A_38, %dma_start3A_39] : memref<1000x8xf32, #tpu.memory_space<vmem>> -> memref<1000x8xf32, #tpu.memory_space<vmem>>
      tpu.enqueue_dma source(%dma_start3A_40 : memref<1000x8xf32, #tpu.memory_space<vmem>>) target(%dma_start3A_37 : memref<1000x8xf32, #tpu.memory_space<vmem_shared>>) target_semaphore(%run_scoped3A : memref<!tpu.dma_semaphore, #tpu.memory_space<semaphore_mem>>)
      %dma_wait3A = arith.constant 0 : i32
      %dma_wait3A_41 = arith.constant 0 : i32
      %dma_wait3A_42 = tpu.memref_slice %arg16[%dma_wait3A, %dma_wait3A_41] : memref<1000x8xf32, #tpu.memory_space<vmem>> -> memref<1000x8xf32, #tpu.memory_space<vmem>>
      %dma_wait3A_43 = arith.constant 0 : i32
      %dma_wait3A_44 = tpu.memref_slice %arg10[%add3A_20, %dma_wait3A_43] : memref<50176x8xf32, #tpu.memory_space<vmem_shared>> -> memref<1000x8xf32, #tpu.memory_space<vmem_shared>>
      %dma_wait3A_45 = arith.constant 0 : i32
      %dma_wait3A_46 = tpu.memref_slice %arg10[%add3A_20, %dma_wait3A_45] : memref<50176x8xf32, #tpu.memory_space<vmem_shared>> -> memref<1000x8xf32, #tpu.memory_space<vmem_shared>>
      %dma_wait3A_47 = arith.constant 0 : i32
      %dma_wait3A_48 = arith.constant 0 : i32
      %dma_wait3A_49 = tpu.memref_slice %arg16[%dma_wait3A_47, %dma_wait3A_48] : memref<1000x8xf32, #tpu.memory_space<vmem>> -> memref<1000x8xf32, #tpu.memory_space<vmem>>
      tpu.wait_dma2 semaphore(%run_scoped3A : memref<!tpu.dma_semaphore, #tpu.memory_space<semaphore_mem>>) src(%dma_wait3A_49 : memref<1000x8xf32, #tpu.memory_space<vmem>>) dst(%dma_wait3A_46 : memref<1000x8xf32, #tpu.memory_space<vmem_shared>>)
      tpu.yield
    }) : () -> ()
    %add3A_21 = arith.constant 3000 : i32
    %add3A_22 = arith.addi %mul3A_17, %add3A_21 : i32
    "tpu.region"() ({
      %run_scoped3A = tpu.sem_alloc : memref<!tpu.dma_semaphore, #tpu.memory_space<semaphore_mem>>
      %dma_start3A = arith.constant 0 : i32
      %dma_start3A_32 = arith.constant 0 : i32
      %dma_start3A_33 = tpu.memref_slice %arg16[%dma_start3A, %dma_start3A_32] : memref<1000x8xf32, #tpu.memory_space<vmem>> -> memref<136x8xf32, #tpu.memory_space<vmem>>
      %dma_start3A_34 = arith.constant 0 : i32
      %dma_start3A_35 = tpu.memref_slice %arg10[%add3A_22, %dma_start3A_34] : memref<50176x8xf32, #tpu.memory_space<vmem_shared>> -> memref<136x8xf32, #tpu.memory_space<vmem_shared>>
      %dma_start3A_36 = arith.constant 0 : i32
      %dma_start3A_37 = tpu.memref_slice %arg10[%add3A_22, %dma_start3A_36] : memref<50176x8xf32, #tpu.memory_space<vmem_shared>> -> memref<136x8xf32, #tpu.memory_space<vmem_shared>>
      %dma_start3A_38 = arith.constant 0 : i32
      %dma_start3A_39 = arith.constant 0 : i32
      %dma_start3A_40 = tpu.memref_slice %arg16[%dma_start3A_38, %dma_start3A_39] : memref<1000x8xf32, #tpu.memory_space<vmem>> -> memref<136x8xf32, #tpu.memory_space<vmem>>
      tpu.enqueue_dma source(%dma_start3A_40 : memref<136x8xf32, #tpu.memory_space<vmem>>) target(%dma_start3A_37 : memref<136x8xf32, #tpu.memory_space<vmem_shared>>) target_semaphore(%run_scoped3A : memref<!tpu.dma_semaphore, #tpu.memory_space<semaphore_mem>>)
      %dma_wait3A = arith.constant 0 : i32
      %dma_wait3A_41 = arith.constant 0 : i32
      %dma_wait3A_42 = tpu.memref_slice %arg16[%dma_wait3A, %dma_wait3A_41] : memref<1000x8xf32, #tpu.memory_space<vmem>> -> memref<136x8xf32, #tpu.memory_space<vmem>>
      %dma_wait3A_43 = arith.constant 0 : i32
      %dma_wait3A_44 = tpu.memref_slice %arg10[%add3A_22, %dma_wait3A_43] : memref<50176x8xf32, #tpu.memory_space<vmem_shared>> -> memref<136x8xf32, #tpu.memory_space<vmem_shared>>
      %dma_wait3A_45 = arith.constant 0 : i32
      %dma_wait3A_46 = tpu.memref_slice %arg10[%add3A_22, %dma_wait3A_45] : memref<50176x8xf32, #tpu.memory_space<vmem_shared>> -> memref<136x8xf32, #tpu.memory_space<vmem_shared>>
      %dma_wait3A_47 = arith.constant 0 : i32
      %dma_wait3A_48 = arith.constant 0 : i32
      %dma_wait3A_49 = tpu.memref_slice %arg16[%dma_wait3A_47, %dma_wait3A_48] : memref<1000x8xf32, #tpu.memory_space<vmem>> -> memref<136x8xf32, #tpu.memory_space<vmem>>
      tpu.wait_dma2 semaphore(%run_scoped3A : memref<!tpu.dma_semaphore, #tpu.memory_space<semaphore_mem>>) src(%dma_wait3A_49 : memref<136x8xf32, #tpu.memory_space<vmem>>) dst(%dma_wait3A_46 : memref<136x8xf32, #tpu.memory_space<vmem_shared>>)
      tpu.yield
    }) : () -> ()
    %barrier3A = arith.constant 0 : index
    tpu.barrier barrier_id(%barrier3A)
    "tpu.region"() ({
      %run_scoped3A = tpu.sem_alloc : memref<!tpu.dma_semaphore, #tpu.memory_space<semaphore_mem>>
      tpu.enqueue_dma source(%arg7 : memref<16xf32, #tpu.memory_space<hbm>>) target(%arg11 : memref<16xf32, #tpu.memory_space<vmem>>) target_semaphore(%run_scoped3A : memref<!tpu.dma_semaphore, #tpu.memory_space<semaphore_mem>>)
      tpu.wait_dma2 semaphore(%run_scoped3A : memref<!tpu.dma_semaphore, #tpu.memory_space<semaphore_mem>>) src(%arg7 : memref<16xf32, #tpu.memory_space<hbm>>) dst(%arg11 : memref<16xf32, #tpu.memory_space<vmem>>)
      tpu.yield
    }) : () -> ()
    %get3A = arith.constant 0 : index
    %get3A_23 = tpu.vector_load %arg11[%get3A] {strides = array<i32>} : memref<16xf32, #tpu.memory_space<vmem>>, vector<16xf32>,
    %scan3A_24 = arith.constant 0 : i32
    %scan3A_25 = arith.constant 0 : i32
    %scan3A_26 = arith.constant 25 : i32
    %scan3A_27 = arith.addi %scan3A_25, %scan3A_26 : i32
    %scan3A_28 = arith.constant 1 : i32
    %scan3A_29 = scf.for %scan3A_32 = %scan3A_25 to %scan3A_27 step %scan3A_28 iter_args(%scan3A_33 = %scan3A_24) -> (i32)  : i32 {
      %mul3A_34 = arith.constant 16 : i32
      %mul3A_35 = arith.muli %arg0, %mul3A_34 : i32
      %add3A_36 = arith.addi %mul3A_35, %arg1 : i32
      %mul3A_37 = arith.constant 25 : i32
      %mul3A_38 = arith.muli %add3A_36, %mul3A_37 : i32
      %add3A_39 = arith.addi %mul3A_38, %scan3A_32 : i32
      %mul3A_40 = arith.constant 1000 : i32
      %mul3A_41 = arith.muli %add3A_39, %mul3A_40 : i32
      "tpu.region"() ({
        %run_scoped3A = tpu.sem_alloc : memref<!tpu.dma_semaphore, #tpu.memory_space<semaphore_mem>>
        %dma_start3A_62 = tpu.memref_slice %arg2[%mul3A_41] : memref<800000xi32, #tpu.memory_space<hbm>> -> memref<1000xi32, #tpu.memory_space<hbm>>
        %dma_start3A_63 = tpu.memref_slice %arg2[%mul3A_41] : memref<800000xi32, #tpu.memory_space<hbm>> -> memref<1000xi32, #tpu.memory_space<hbm>>
        tpu.enqueue_dma source(%dma_start3A_63 : memref<1000xi32, #tpu.memory_space<hbm>>) target(%arg19 : memref<1000xi32, #tpu.memory_space<vmem>>) target_semaphore(%run_scoped3A : memref<!tpu.dma_semaphore, #tpu.memory_space<semaphore_mem>>)
        %dma_wait3A_64 = tpu.memref_slice %arg2[%mul3A_41] : memref<800000xi32, #tpu.memory_space<hbm>> -> memref<1000xi32, #tpu.memory_space<hbm>>
        %dma_wait3A_65 = tpu.memref_slice %arg2[%mul3A_41] : memref<800000xi32, #tpu.memory_space<hbm>> -> memref<1000xi32, #tpu.memory_space<hbm>>
        tpu.wait_dma2 semaphore(%run_scoped3A : memref<!tpu.dma_semaphore, #tpu.memory_space<semaphore_mem>>) src(%dma_wait3A_65 : memref<1000xi32, #tpu.memory_space<hbm>>) dst(%arg19 : memref<1000xi32, #tpu.memory_space<vmem>>)
        tpu.yield
      }) : () -> ()
      "tpu.region"() ({
        %run_scoped3A = tpu.sem_alloc : memref<!tpu.dma_semaphore, #tpu.memory_space<semaphore_mem>>
        %dma_start3A_62 = tpu.memref_slice %arg3[%mul3A_41] : memref<800000xi32, #tpu.memory_space<hbm>> -> memref<1000xi32, #tpu.memory_space<hbm>>
        %dma_start3A_63 = tpu.memref_slice %arg3[%mul3A_41] : memref<800000xi32, #tpu.memory_space<hbm>> -> memref<1000xi32, #tpu.memory_space<hbm>>
        tpu.enqueue_dma source(%dma_start3A_63 : memref<1000xi32, #tpu.memory_space<hbm>>) target(%arg15 : memref<1000xi32, #tpu.memory_space<vmem>>) target_semaphore(%run_scoped3A : memref<!tpu.dma_semaphore, #tpu.memory_space<semaphore_mem>>)
        %dma_wait3A_64 = tpu.memref_slice %arg3[%mul3A_41] : memref<800000xi32, #tpu.memory_space<hbm>> -> memref<1000xi32, #tpu.memory_space<hbm>>
        %dma_wait3A_65 = tpu.memref_slice %arg3[%mul3A_41] : memref<800000xi32, #tpu.memory_space<hbm>> -> memref<1000xi32, #tpu.memory_space<hbm>>
        tpu.wait_dma2 semaphore(%run_scoped3A : memref<!tpu.dma_semaphore, #tpu.memory_space<semaphore_mem>>) src(%dma_wait3A_65 : memref<1000xi32, #tpu.memory_space<hbm>>) dst(%arg15 : memref<1000xi32, #tpu.memory_space<vmem>>)
        tpu.yield
      }) : () -> ()
      %mul3A_42 = arith.constant 4 : i32
      %mul3A_43 = arith.muli %mul3A_41, %mul3A_42 : i32
      "tpu.region"() ({
        %run_scoped3A = tpu.sem_alloc : memref<!tpu.dma_semaphore, #tpu.memory_space<semaphore_mem>>
        %dma_start3A_62 = tpu.memref_slice %arg6[%mul3A_43] : memref<3200000xf32, #tpu.memory_space<hbm>> -> memref<4000xf32, #tpu.memory_space<hbm>>
        %dma_start3A_63 = tpu.memref_slice %arg6[%mul3A_43] : memref<3200000xf32, #tpu.memory_space<hbm>> -> memref<4000xf32, #tpu.memory_space<hbm>>
        tpu.enqueue_dma source(%dma_start3A_63 : memref<4000xf32, #tpu.memory_space<hbm>>) target(%arg13 : memref<4000xf32, #tpu.memory_space<vmem>>) target_semaphore(%run_scoped3A : memref<!tpu.dma_semaphore, #tpu.memory_space<semaphore_mem>>)
        %dma_wait3A_64 = tpu.memref_slice %arg6[%mul3A_43] : memref<3200000xf32, #tpu.memory_space<hbm>> -> memref<4000xf32, #tpu.memory_space<hbm>>
        %dma_wait3A_65 = tpu.memref_slice %arg6[%mul3A_43] : memref<3200000xf32, #tpu.memory_space<hbm>> -> memref<4000xf32, #tpu.memory_space<hbm>>
        tpu.wait_dma2 semaphore(%run_scoped3A : memref<!tpu.dma_semaphore, #tpu.memory_space<semaphore_mem>>) src(%dma_wait3A_65 : memref<4000xf32, #tpu.memory_space<hbm>>) dst(%arg13 : memref<4000xf32, #tpu.memory_space<vmem>>)
        tpu.yield
      }) : () -> ()
      %dma_start3A = arith.constant 0 : i32
      %dma_start3A_44 = arith.constant 0 : i32
      %dma_start3A_45 = tpu.memref_slice %arg4[%dma_start3A, %dma_start3A_44] : memref<50176x8xf32, #tpu.memory_space<hbm>> -> memref<50176x8xf32, #tpu.memory_space<hbm>>
      tpu.enqueue_indirect_dma source(%dma_start3A_45 : memref<50176x8xf32, #tpu.memory_space<hbm>>) target(%arg14 : memref<1000x8xf32, #tpu.memory_space<vmem>>) offsets(%arg19 : memref<1000xi32, #tpu.memory_space<vmem>>) semaphore(%arg17 : memref<!tpu.dma_semaphore, #tpu.memory_space<semaphore_mem>>)
      %dma_start3A_46 = arith.constant 0 : i32
      %dma_start3A_47 = arith.constant 0 : i32
      %dma_start3A_48 = tpu.memref_slice %arg5[%dma_start3A_46, %dma_start3A_47] : memref<50176x8xf32, #tpu.memory_space<hbm>> -> memref<50176x8xf32, #tpu.memory_space<hbm>>
      tpu.enqueue_indirect_dma source(%dma_start3A_48 : memref<50176x8xf32, #tpu.memory_space<hbm>>) target(%arg12 : memref<1000x8xf32, #tpu.memory_space<vmem>>) offsets(%arg15 : memref<1000xi32, #tpu.memory_space<vmem>>) semaphore(%arg18 : memref<!tpu.dma_semaphore, #tpu.memory_space<semaphore_mem>>)
      %dma_wait3A = arith.constant 0 : i32
      %dma_wait3A_49 = arith.constant 0 : i32
      %dma_wait3A_50 = tpu.memref_slice %arg4[%dma_wait3A, %dma_wait3A_49] : memref<50176x8xf32, #tpu.memory_space<hbm>> -> memref<50176x8xf32, #tpu.memory_space<hbm>>
      tpu.wait_indirect_dma semaphore(%arg17 : memref<!tpu.dma_semaphore, #tpu.memory_space<semaphore_mem>>) src(%dma_wait3A_50 : memref<50176x8xf32, #tpu.memory_space<hbm>>) dst(%arg14 : memref<1000x8xf32, #tpu.memory_space<vmem>>)
      %dma_wait3A_51 = arith.constant 0 : i32
      %dma_wait3A_52 = arith.constant 0 : i32
      %dma_wait3A_53 = tpu.memref_slice %arg5[%dma_wait3A_51, %dma_wait3A_52] : memref<50176x8xf32, #tpu.memory_space<hbm>> -> memref<50176x8xf32, #tpu.memory_space<hbm>>
      tpu.wait_indirect_dma semaphore(%arg18 : memref<!tpu.dma_semaphore, #tpu.memory_space<semaphore_mem>>) src(%dma_wait3A_53 : memref<50176x8xf32, #tpu.memory_space<hbm>>) dst(%arg12 : memref<1000x8xf32, #tpu.memory_space<vmem>>)
      %scan3A_54 = arith.constant 0 : i32
      %scan3A_55 = arith.constant 0 : i32
      %scan3A_56 = arith.constant 125 : i32
      %scan3A_57 = arith.addi %scan3A_55, %scan3A_56 : i32
      %scan3A_58 = arith.constant 1 : i32
      %scan3A_59 = scf.for %scan3A_62 = %scan3A_55 to %scan3A_57 step %scan3A_58 iter_args(%scan3A_63 = %scan3A_54) -> (i32)  : i32 {
        %mul3A_64 = arith.constant 2 : i32
        %mul3A_65 = arith.muli %mul3A_64, %scan3A_62 : i32
        %add3A_66 = arith.constant 0 : i32
        %add3A_67 = arith.addi %mul3A_65, %add3A_66 : i32
        %mul3A_68 = arith.constant 4 : i32
        %mul3A_69 = arith.muli %mul3A_68, %add3A_67 : i32
        %add3A_70 = vector.broadcast %mul3A_69 : i32 to vector<16xi32>
        %add3A_71 = arith.addi %shift_right_logical3A_2, %add3A_70 : vector<16xi32>
        %gather3A = tpu.vector_load_idx %arg14[%add3A_71, %and3A_4] : memref<1000x8xf32, #tpu.memory_space<vmem>>[vector<16xi32>, vector<16xi32>], vector<16xf32>,
        %gather3A_72 = tpu.vector_load_idx %arg12[%add3A_71, %and3A_4] : memref<1000x8xf32, #tpu.memory_space<vmem>>[vector<16xi32>, vector<16xi32>], vector<16xf32>,
        %add3A_73 = arith.addf %gather3A, %gather3A_72 : vector<16xf32>
        %mul3A_74 = arith.constant 16 : i32
        %mul3A_75 = arith.muli %add3A_67, %mul3A_74 : i32
        %get3A_76 = arith.index_cast %mul3A_75 : i32 to index
        %get3A_77 = tpu.vector_load %arg13[%get3A_76] {strides = array<i32>} : memref<4000xf32, #tpu.memory_space<vmem>>, vector<16xf32>,
        %add3A_78 = arith.addf %add3A_73, %get3A_77 : vector<16xf32>
        %gt3A = arith.constant 0.000000e+00 : f32
        %gt3A_79 = vector.broadcast %gt3A : f32 to vector<16xf32>
        %gt3A_80 = arith.cmpf ogt, %add3A_78, %gt3A_79 : vector<16xf32>
        %mul3A_81 = arith.constant 2.000000e-01 : f32
        %mul3A_82 = vector.broadcast %mul3A_81 : f32 to vector<16xf32>
        %mul3A_83 = arith.mulf %mul3A_82, %add3A_78 : vector<16xf32>
        %select_n3A = arith.select %gt3A_80, %add3A_78, %mul3A_83 : vector<16xi1>, vector<16xf32>
        %sub3A = arith.subf %select_n3A, %get3A_23 : vector<16xf32>
        %exp3A = math.exp %sub3A : vector<16xf32>
        tpu.vector_store_idx %arg16[%add3A_71, %and3A_4], %exp3A : memref<1000x8xf32, #tpu.memory_space<vmem>>[vector<16xi32>, vector<16xi32>], vector<16xf32>,
        %mul3A_84 = arith.constant 2 : i32
        %mul3A_85 = arith.muli %mul3A_84, %scan3A_62 : i32
        %add3A_86 = arith.constant 1 : i32
        %add3A_87 = arith.addi %mul3A_85, %add3A_86 : i32
        %mul3A_88 = arith.constant 4 : i32
        %mul3A_89 = arith.muli %mul3A_88, %add3A_87 : i32
        %add3A_90 = vector.broadcast %mul3A_89 : i32 to vector<16xi32>
        %add3A_91 = arith.addi %shift_right_logical3A_2, %add3A_90 : vector<16xi32>
        %gather3A_92 = tpu.vector_load_idx %arg14[%add3A_91, %and3A_4] : memref<1000x8xf32, #tpu.memory_space<vmem>>[vector<16xi32>, vector<16xi32>], vector<16xf32>,
        %gather3A_93 = tpu.vector_load_idx %arg12[%add3A_91, %and3A_4] : memref<1000x8xf32, #tpu.memory_space<vmem>>[vector<16xi32>, vector<16xi32>], vector<16xf32>,
        %add3A_94 = arith.addf %gather3A_92, %gather3A_93 : vector<16xf32>
        %mul3A_95 = arith.constant 16 : i32
        %mul3A_96 = arith.muli %add3A_87, %mul3A_95 : i32
        %get3A_97 = arith.index_cast %mul3A_96 : i32 to index
        %get3A_98 = tpu.vector_load %arg13[%get3A_97] {strides = array<i32>} : memref<4000xf32, #tpu.memory_space<vmem>>, vector<16xf32>,
        %add3A_99 = arith.addf %add3A_94, %get3A_98 : vector<16xf32>
        %gt3A_100 = arith.constant 0.000000e+00 : f32
        %gt3A_101 = vector.broadcast %gt3A_100 : f32 to vector<16xf32>
        %gt3A_102 = arith.cmpf ogt, %add3A_99, %gt3A_101 : vector<16xf32>
        %mul3A_103 = arith.constant 2.000000e-01 : f32
        %mul3A_104 = vector.broadcast %mul3A_103 : f32 to vector<16xf32>
        %mul3A_105 = arith.mulf %mul3A_104, %add3A_99 : vector<16xf32>
        %select_n3A_106 = arith.select %gt3A_102, %add3A_99, %mul3A_105 : vector<16xi1>, vector<16xf32>
        %sub3A_107 = arith.subf %select_n3A_106, %get3A_23 : vector<16xf32>
        %exp3A_108 = math.exp %sub3A_107 : vector<16xf32>
        tpu.vector_store_idx %arg16[%add3A_91, %and3A_4], %exp3A_108 : memref<1000x8xf32, #tpu.memory_space<vmem>>[vector<16xi32>, vector<16xi32>], vector<16xf32>,
        %scan3A_109 = arith.constant 0 : i32
        scf.yield %scan3A_109 : i32
      }
      %scan3A_60 = arith.constant 125 : i32
      "tpu.region"() ({
        %run_scoped3A = tpu.sem_alloc : memref<!tpu.dma_semaphore, #tpu.memory_space<semaphore_mem>>
        %dma_start3A_62 = arith.constant 0 : i32
        %dma_start3A_63 = arith.constant 0 : i32
        %dma_start3A_64 = tpu.memref_slice %arg10[%dma_start3A_62, %dma_start3A_63] : memref<50176x8xf32, #tpu.memory_space<vmem_shared>> -> memref<50176x8xf32, #tpu.memory_space<vmem_shared>>
        tpu.enqueue_indirect_dma source(%arg16 : memref<1000x8xf32, #tpu.memory_space<vmem>>) target(%dma_start3A_64 : memref<50176x8xf32, #tpu.memory_space<vmem_shared>>) offsets(%arg15 : memref<1000xi32, #tpu.memory_space<vmem>>) semaphore(%run_scoped3A : memref<!tpu.dma_semaphore, #tpu.memory_space<semaphore_mem>>) {add = true}
        %dma_wait3A_65 = arith.constant 0 : i32
        %dma_wait3A_66 = arith.constant 0 : i32
        %dma_wait3A_67 = tpu.memref_slice %arg10[%dma_wait3A_65, %dma_wait3A_66] : memref<50176x8xf32, #tpu.memory_space<vmem_shared>> -> memref<50176x8xf32, #tpu.memory_space<vmem_shared>>
        tpu.wait_indirect_dma semaphore(%run_scoped3A : memref<!tpu.dma_semaphore, #tpu.memory_space<semaphore_mem>>) src(%arg16 : memref<1000x8xf32, #tpu.memory_space<vmem>>) dst(%dma_wait3A_67 : memref<50176x8xf32, #tpu.memory_space<vmem_shared>>)
        tpu.yield
      }) : () -> ()
      "tpu.region"() ({
        %run_scoped3A = tpu.sem_alloc : memref<!tpu.dma_semaphore, #tpu.memory_space<semaphore_mem>>
        %dma_start3A_62 = arith.constant 0 : i32
        %dma_start3A_63 = tpu.memref_slice %arg8[%mul3A_41, %dma_start3A_62] : memref<800000x8xf32, #tpu.memory_space<hbm>> -> memref<1000x8xf32, #tpu.memory_space<hbm>>
        %dma_start3A_64 = arith.constant 0 : i32
        %dma_start3A_65 = tpu.memref_slice %arg8[%mul3A_41, %dma_start3A_64] : memref<800000x8xf32, #tpu.memory_space<hbm>> -> memref<1000x8xf32, #tpu.memory_space<hbm>>
        tpu.enqueue_dma source(%arg16 : memref<1000x8xf32, #tpu.memory_space<vmem>>) target(%dma_start3A_65 : memref<1000x8xf32, #tpu.memory_space<hbm>>) target_semaphore(%run_scoped3A : memref<!tpu.dma_semaphore, #tpu.memory_space<semaphore_mem>>)
        %dma_wait3A_66 = arith.constant 0 : i32
        %dma_wait3A_67 = tpu.memref_slice %arg8[%mul3A_41, %dma_wait3A_66] : memref<800000x8xf32, #tpu.memory_space<hbm>> -> memref<1000x8xf32, #tpu.memory_space<hbm>>
        %dma_wait3A_68 = arith.constant 0 : i32
        %dma_wait3A_69 = tpu.memref_slice %arg8[%mul3A_41, %dma_wait3A_68] : memref<800000x8xf32, #tpu.memory_space<hbm>> -> memref<1000x8xf32, #tpu.memory_space<hbm>>
        tpu.wait_dma2 semaphore(%run_scoped3A : memref<!tpu.dma_semaphore, #tpu.memory_space<semaphore_mem>>) src(%arg16 : memref<1000x8xf32, #tpu.memory_space<vmem>>) dst(%dma_wait3A_69 : memref<1000x8xf32, #tpu.memory_space<hbm>>)
        tpu.yield
      }) : () -> ()
      %scan3A_61 = arith.constant 0 : i32
      scf.yield %scan3A_61 : i32
    }
    %scan3A_30 = arith.constant 25 : i32
    %barrier3A_31 = arith.constant 0 : index
    tpu.barrier barrier_id(%barrier3A_31)
    "tpu.region"() ({
      %run_scoped3A = tpu.sem_alloc : memref<!tpu.dma_semaphore, #tpu.memory_space<semaphore_mem>>
      %dma_start3A = arith.constant 0 : i32
      %dma_start3A_32 = tpu.memref_slice %arg9[%arg0, %mul3A_17, %dma_start3A] : memref<2x50176x8xf32, #tpu.memory_space<hbm>> -> memref<1x3136x8xf32, #tpu.memory_space<hbm>>
      %dma_start3A_33 = tpu.memref_squeeze %dma_start3A_32 : memref<1x3136x8xf32, #tpu.memory_space<hbm>> -> memref<3136x8xf32, #tpu.memory_space<hbm>>
      %dma_start3A_34 = arith.constant 0 : i32
      %dma_start3A_35 = tpu.memref_slice %arg10[%mul3A_17, %dma_start3A_34] : memref<50176x8xf32, #tpu.memory_space<vmem_shared>> -> memref<3136x8xf32, #tpu.memory_space<vmem_shared>>
      tpu.enqueue_dma source(%dma_start3A_35 : memref<3136x8xf32, #tpu.memory_space<vmem_shared>>) target(%dma_start3A_33 : memref<3136x8xf32, #tpu.memory_space<hbm>>) target_semaphore(%run_scoped3A : memref<!tpu.dma_semaphore, #tpu.memory_space<semaphore_mem>>)
      %dma_wait3A = arith.constant 0 : i32
      %dma_wait3A_36 = tpu.memref_slice %arg9[%arg0, %mul3A_17, %dma_wait3A] : memref<2x50176x8xf32, #tpu.memory_space<hbm>> -> memref<1x3136x8xf32, #tpu.memory_space<hbm>>
      %dma_wait3A_37 = tpu.memref_squeeze %dma_wait3A_36 : memref<1x3136x8xf32, #tpu.memory_space<hbm>> -> memref<3136x8xf32, #tpu.memory_space<hbm>>
      %dma_wait3A_38 = arith.constant 0 : i32
      %dma_wait3A_39 = tpu.memref_slice %arg10[%mul3A_17, %dma_wait3A_38] : memref<50176x8xf32, #tpu.memory_space<vmem_shared>> -> memref<3136x8xf32, #tpu.memory_space<vmem_shared>>
      tpu.wait_dma2 semaphore(%run_scoped3A : memref<!tpu.dma_semaphore, #tpu.memory_space<semaphore_mem>>) src(%dma_wait3A_39 : memref<3136x8xf32, #tpu.memory_space<vmem_shared>>) dst(%dma_wait3A_37 : memref<3136x8xf32, #tpu.memory_space<hbm>>)
      tpu.yield
    }) : () -> ()
    return
  }
}

#map = affine_map<(d0, d1) -> (0)>
#map1 = affine_map<(d0, d1) -> (0, 0)>
#map2 = affine_map<(d0, d1) -> (0, 0, 0)>
module attributes {stable_mosaic.version = 14 : i64} {
  func.func @k(%arg0: i32, %arg1: i32, %arg2: memref<800000xi32, #tpu.memory_space<hbm>>, %arg3: memref<800000xi32, #tpu.memory_space<hbm>>, %arg4: memref<800000x8xf32, #tpu.memory_space<hbm>>, %arg5: memref<2x50176x32xf32, #tpu.memory_space<hbm>>, %arg6: memref<2x50176x32xf32, #tpu.memory_space<hbm>>, %arg7: memref<50176x32xf32, #tpu.memory_space<vmem_shared>>, %arg8: memref<400xi32, #tpu.memory_space<vmem>>, %arg9: memref<400x8xf32, #tpu.memory_space<vmem>>, %arg10: memref<!tpu.dma_semaphore, #tpu.memory_space<semaphore_mem>>, %arg11: memref<400xi32, #tpu.memory_space<vmem>>, %arg12: memref<400x32xf32, #tpu.memory_space<vmem>>) attributes {dimension_semantics = [#tpu.dimension_semantics<core_parallel>, #tpu.dimension_semantics<subcore_parallel>], iteration_bounds = array<i64: 2, 16>, scalar_prefetch = 0 : i64, scratch_operands = 6 : i64, tpu.core_type = #tpu.core_type<sc_vector_subcore>, window_params = [{transform_indices = #map}, {transform_indices = #map}, {transform_indices = #map1}, {transform_indices = #map2}, {transform_indices = #map2}]} {
    %broadcast_in_dim3A = arith.constant 0.000000e+00 : f32
    %broadcast_in_dim3A_0 = vector.broadcast %broadcast_in_dim3A : f32 to vector<16xf32>
    %scan3A = arith.constant 0 : i32
    %scan3A_1 = arith.constant 0 : i32
    %scan3A_2 = arith.constant 400 : i32
    %scan3A_3 = arith.addi %scan3A_1, %scan3A_2 : i32
    %scan3A_4 = arith.constant 1 : i32
    %scan3A_5 = scf.for %scan3A_39 = %scan3A_1 to %scan3A_3 step %scan3A_4 iter_args(%scan3A_40 = %scan3A) -> (i32)  : i32 {
      %swap3A = arith.index_cast %scan3A_39 : i32 to index
      %swap3A_41 = arith.constant 0 : index
      %swap3A_42 = tpu.vector_load %arg12[%swap3A, %swap3A_41] {strides = array<i32>} : memref<400x32xf32, #tpu.memory_space<vmem>>, vector<16xf32>,
      tpu.vector_store %arg12[%swap3A, %swap3A_41], %broadcast_in_dim3A_0 {strides = array<i32>} : memref<400x32xf32, #tpu.memory_space<vmem>>, vector<16xf32>,
      %swap3A_43 = arith.index_cast %scan3A_39 : i32 to index
      %swap3A_44 = arith.constant 16 : index
      %swap3A_45 = tpu.vector_load %arg12[%swap3A_43, %swap3A_44] {strides = array<i32>} : memref<400x32xf32, #tpu.memory_space<vmem>>, vector<16xf32>,
      tpu.vector_store %arg12[%swap3A_43, %swap3A_44], %broadcast_in_dim3A_0 {strides = array<i32>} : memref<400x32xf32, #tpu.memory_space<vmem>>, vector<16xf32>,
      %scan3A_46 = arith.constant 0 : i32
      scf.yield %scan3A_46 : i32
    }
    %scan3A_6 = arith.constant 400 : i32
    %mul3A = arith.constant 3136 : i32
    %mul3A_7 = arith.muli %arg1, %mul3A : i32
    %add3A = arith.constant 0 : i32
    %add3A_8 = arith.addi %mul3A_7, %add3A : i32
    "tpu.region"() ({
      %run_scoped3A = tpu.sem_alloc : memref<!tpu.dma_semaphore, #tpu.memory_space<semaphore_mem>>
      %dma_start3A = arith.constant 0 : i32
      %dma_start3A_39 = arith.constant 0 : i32
      %dma_start3A_40 = tpu.memref_slice %arg12[%dma_start3A, %dma_start3A_39] : memref<400x32xf32, #tpu.memory_space<vmem>> -> memref<400x32xf32, #tpu.memory_space<vmem>>
      %dma_start3A_41 = arith.constant 0 : i32
      %dma_start3A_42 = tpu.memref_slice %arg7[%add3A_8, %dma_start3A_41] : memref<50176x32xf32, #tpu.memory_space<vmem_shared>> -> memref<400x32xf32, #tpu.memory_space<vmem_shared>>
      %dma_start3A_43 = arith.constant 0 : i32
      %dma_start3A_44 = tpu.memref_slice %arg7[%add3A_8, %dma_start3A_43] : memref<50176x32xf32, #tpu.memory_space<vmem_shared>> -> memref<400x32xf32, #tpu.memory_space<vmem_shared>>
      %dma_start3A_45 = arith.constant 0 : i32
      %dma_start3A_46 = arith.constant 0 : i32
      %dma_start3A_47 = tpu.memref_slice %arg12[%dma_start3A_45, %dma_start3A_46] : memref<400x32xf32, #tpu.memory_space<vmem>> -> memref<400x32xf32, #tpu.memory_space<vmem>>
      tpu.enqueue_dma source(%dma_start3A_47 : memref<400x32xf32, #tpu.memory_space<vmem>>) target(%dma_start3A_44 : memref<400x32xf32, #tpu.memory_space<vmem_shared>>) target_semaphore(%run_scoped3A : memref<!tpu.dma_semaphore, #tpu.memory_space<semaphore_mem>>)
      %dma_wait3A = arith.constant 0 : i32
      %dma_wait3A_48 = arith.constant 0 : i32
      %dma_wait3A_49 = tpu.memref_slice %arg12[%dma_wait3A, %dma_wait3A_48] : memref<400x32xf32, #tpu.memory_space<vmem>> -> memref<400x32xf32, #tpu.memory_space<vmem>>
      %dma_wait3A_50 = arith.constant 0 : i32
      %dma_wait3A_51 = tpu.memref_slice %arg7[%add3A_8, %dma_wait3A_50] : memref<50176x32xf32, #tpu.memory_space<vmem_shared>> -> memref<400x32xf32, #tpu.memory_space<vmem_shared>>
      %dma_wait3A_52 = arith.constant 0 : i32
      %dma_wait3A_53 = tpu.memref_slice %arg7[%add3A_8, %dma_wait3A_52] : memref<50176x32xf32, #tpu.memory_space<vmem_shared>> -> memref<400x32xf32, #tpu.memory_space<vmem_shared>>
      %dma_wait3A_54 = arith.constant 0 : i32
      %dma_wait3A_55 = arith.constant 0 : i32
      %dma_wait3A_56 = tpu.memref_slice %arg12[%dma_wait3A_54, %dma_wait3A_55] : memref<400x32xf32, #tpu.memory_space<vmem>> -> memref<400x32xf32, #tpu.memory_space<vmem>>
      tpu.wait_dma2 semaphore(%run_scoped3A : memref<!tpu.dma_semaphore, #tpu.memory_space<semaphore_mem>>) src(%dma_wait3A_56 : memref<400x32xf32, #tpu.memory_space<vmem>>) dst(%dma_wait3A_53 : memref<400x32xf32, #tpu.memory_space<vmem_shared>>)
      tpu.yield
    }) : () -> ()
    %add3A_9 = arith.constant 400 : i32
    %add3A_10 = arith.addi %mul3A_7, %add3A_9 : i32
    "tpu.region"() ({
      %run_scoped3A = tpu.sem_alloc : memref<!tpu.dma_semaphore, #tpu.memory_space<semaphore_mem>>
      %dma_start3A = arith.constant 0 : i32
      %dma_start3A_39 = arith.constant 0 : i32
      %dma_start3A_40 = tpu.memref_slice %arg12[%dma_start3A, %dma_start3A_39] : memref<400x32xf32, #tpu.memory_space<vmem>> -> memref<400x32xf32, #tpu.memory_space<vmem>>
      %dma_start3A_41 = arith.constant 0 : i32
      %dma_start3A_42 = tpu.memref_slice %arg7[%add3A_10, %dma_start3A_41] : memref<50176x32xf32, #tpu.memory_space<vmem_shared>> -> memref<400x32xf32, #tpu.memory_space<vmem_shared>>
      %dma_start3A_43 = arith.constant 0 : i32
      %dma_start3A_44 = tpu.memref_slice %arg7[%add3A_10, %dma_start3A_43] : memref<50176x32xf32, #tpu.memory_space<vmem_shared>> -> memref<400x32xf32, #tpu.memory_space<vmem_shared>>
      %dma_start3A_45 = arith.constant 0 : i32
      %dma_start3A_46 = arith.constant 0 : i32
      %dma_start3A_47 = tpu.memref_slice %arg12[%dma_start3A_45, %dma_start3A_46] : memref<400x32xf32, #tpu.memory_space<vmem>> -> memref<400x32xf32, #tpu.memory_space<vmem>>
      tpu.enqueue_dma source(%dma_start3A_47 : memref<400x32xf32, #tpu.memory_space<vmem>>) target(%dma_start3A_44 : memref<400x32xf32, #tpu.memory_space<vmem_shared>>) target_semaphore(%run_scoped3A : memref<!tpu.dma_semaphore, #tpu.memory_space<semaphore_mem>>)
      %dma_wait3A = arith.constant 0 : i32
      %dma_wait3A_48 = arith.constant 0 : i32
      %dma_wait3A_49 = tpu.memref_slice %arg12[%dma_wait3A, %dma_wait3A_48] : memref<400x32xf32, #tpu.memory_space<vmem>> -> memref<400x32xf32, #tpu.memory_space<vmem>>
      %dma_wait3A_50 = arith.constant 0 : i32
      %dma_wait3A_51 = tpu.memref_slice %arg7[%add3A_10, %dma_wait3A_50] : memref<50176x32xf32, #tpu.memory_space<vmem_shared>> -> memref<400x32xf32, #tpu.memory_space<vmem_shared>>
      %dma_wait3A_52 = arith.constant 0 : i32
      %dma_wait3A_53 = tpu.memref_slice %arg7[%add3A_10, %dma_wait3A_52] : memref<50176x32xf32, #tpu.memory_space<vmem_shared>> -> memref<400x32xf32, #tpu.memory_space<vmem_shared>>
      %dma_wait3A_54 = arith.constant 0 : i32
      %dma_wait3A_55 = arith.constant 0 : i32
      %dma_wait3A_56 = tpu.memref_slice %arg12[%dma_wait3A_54, %dma_wait3A_55] : memref<400x32xf32, #tpu.memory_space<vmem>> -> memref<400x32xf32, #tpu.memory_space<vmem>>
      tpu.wait_dma2 semaphore(%run_scoped3A : memref<!tpu.dma_semaphore, #tpu.memory_space<semaphore_mem>>) src(%dma_wait3A_56 : memref<400x32xf32, #tpu.memory_space<vmem>>) dst(%dma_wait3A_53 : memref<400x32xf32, #tpu.memory_space<vmem_shared>>)
      tpu.yield
    }) : () -> ()
    %add3A_11 = arith.constant 800 : i32
    %add3A_12 = arith.addi %mul3A_7, %add3A_11 : i32
    "tpu.region"() ({
      %run_scoped3A = tpu.sem_alloc : memref<!tpu.dma_semaphore, #tpu.memory_space<semaphore_mem>>
      %dma_start3A = arith.constant 0 : i32
      %dma_start3A_39 = arith.constant 0 : i32
      %dma_start3A_40 = tpu.memref_slice %arg12[%dma_start3A, %dma_start3A_39] : memref<400x32xf32, #tpu.memory_space<vmem>> -> memref<400x32xf32, #tpu.memory_space<vmem>>
      %dma_start3A_41 = arith.constant 0 : i32
      %dma_start3A_42 = tpu.memref_slice %arg7[%add3A_12, %dma_start3A_41] : memref<50176x32xf32, #tpu.memory_space<vmem_shared>> -> memref<400x32xf32, #tpu.memory_space<vmem_shared>>
      %dma_start3A_43 = arith.constant 0 : i32
      %dma_start3A_44 = tpu.memref_slice %arg7[%add3A_12, %dma_start3A_43] : memref<50176x32xf32, #tpu.memory_space<vmem_shared>> -> memref<400x32xf32, #tpu.memory_space<vmem_shared>>
      %dma_start3A_45 = arith.constant 0 : i32
      %dma_start3A_46 = arith.constant 0 : i32
      %dma_start3A_47 = tpu.memref_slice %arg12[%dma_start3A_45, %dma_start3A_46] : memref<400x32xf32, #tpu.memory_space<vmem>> -> memref<400x32xf32, #tpu.memory_space<vmem>>
      tpu.enqueue_dma source(%dma_start3A_47 : memref<400x32xf32, #tpu.memory_space<vmem>>) target(%dma_start3A_44 : memref<400x32xf32, #tpu.memory_space<vmem_shared>>) target_semaphore(%run_scoped3A : memref<!tpu.dma_semaphore, #tpu.memory_space<semaphore_mem>>)
      %dma_wait3A = arith.constant 0 : i32
      %dma_wait3A_48 = arith.constant 0 : i32
      %dma_wait3A_49 = tpu.memref_slice %arg12[%dma_wait3A, %dma_wait3A_48] : memref<400x32xf32, #tpu.memory_space<vmem>> -> memref<400x32xf32, #tpu.memory_space<vmem>>
      %dma_wait3A_50 = arith.constant 0 : i32
      %dma_wait3A_51 = tpu.memref_slice %arg7[%add3A_12, %dma_wait3A_50] : memref<50176x32xf32, #tpu.memory_space<vmem_shared>> -> memref<400x32xf32, #tpu.memory_space<vmem_shared>>
      %dma_wait3A_52 = arith.constant 0 : i32
      %dma_wait3A_53 = tpu.memref_slice %arg7[%add3A_12, %dma_wait3A_52] : memref<50176x32xf32, #tpu.memory_space<vmem_shared>> -> memref<400x32xf32, #tpu.memory_space<vmem_shared>>
      %dma_wait3A_54 = arith.constant 0 : i32
      %dma_wait3A_55 = arith.constant 0 : i32
      %dma_wait3A_56 = tpu.memref_slice %arg12[%dma_wait3A_54, %dma_wait3A_55] : memref<400x32xf32, #tpu.memory_space<vmem>> -> memref<400x32xf32, #tpu.memory_space<vmem>>
      tpu.wait_dma2 semaphore(%run_scoped3A : memref<!tpu.dma_semaphore, #tpu.memory_space<semaphore_mem>>) src(%dma_wait3A_56 : memref<400x32xf32, #tpu.memory_space<vmem>>) dst(%dma_wait3A_53 : memref<400x32xf32, #tpu.memory_space<vmem_shared>>)
      tpu.yield
    }) : () -> ()
    %add3A_13 = arith.constant 1200 : i32
    %add3A_14 = arith.addi %mul3A_7, %add3A_13 : i32
    "tpu.region"() ({
      %run_scoped3A = tpu.sem_alloc : memref<!tpu.dma_semaphore, #tpu.memory_space<semaphore_mem>>
      %dma_start3A = arith.constant 0 : i32
      %dma_start3A_39 = arith.constant 0 : i32
      %dma_start3A_40 = tpu.memref_slice %arg12[%dma_start3A, %dma_start3A_39] : memref<400x32xf32, #tpu.memory_space<vmem>> -> memref<400x32xf32, #tpu.memory_space<vmem>>
      %dma_start3A_41 = arith.constant 0 : i32
      %dma_start3A_42 = tpu.memref_slice %arg7[%add3A_14, %dma_start3A_41] : memref<50176x32xf32, #tpu.memory_space<vmem_shared>> -> memref<400x32xf32, #tpu.memory_space<vmem_shared>>
      %dma_start3A_43 = arith.constant 0 : i32
      %dma_start3A_44 = tpu.memref_slice %arg7[%add3A_14, %dma_start3A_43] : memref<50176x32xf32, #tpu.memory_space<vmem_shared>> -> memref<400x32xf32, #tpu.memory_space<vmem_shared>>
      %dma_start3A_45 = arith.constant 0 : i32
      %dma_start3A_46 = arith.constant 0 : i32
      %dma_start3A_47 = tpu.memref_slice %arg12[%dma_start3A_45, %dma_start3A_46] : memref<400x32xf32, #tpu.memory_space<vmem>> -> memref<400x32xf32, #tpu.memory_space<vmem>>
      tpu.enqueue_dma source(%dma_start3A_47 : memref<400x32xf32, #tpu.memory_space<vmem>>) target(%dma_start3A_44 : memref<400x32xf32, #tpu.memory_space<vmem_shared>>) target_semaphore(%run_scoped3A : memref<!tpu.dma_semaphore, #tpu.memory_space<semaphore_mem>>)
      %dma_wait3A = arith.constant 0 : i32
      %dma_wait3A_48 = arith.constant 0 : i32
      %dma_wait3A_49 = tpu.memref_slice %arg12[%dma_wait3A, %dma_wait3A_48] : memref<400x32xf32, #tpu.memory_space<vmem>> -> memref<400x32xf32, #tpu.memory_space<vmem>>
      %dma_wait3A_50 = arith.constant 0 : i32
      %dma_wait3A_51 = tpu.memref_slice %arg7[%add3A_14, %dma_wait3A_50] : memref<50176x32xf32, #tpu.memory_space<vmem_shared>> -> memref<400x32xf32, #tpu.memory_space<vmem_shared>>
      %dma_wait3A_52 = arith.constant 0 : i32
      %dma_wait3A_53 = tpu.memref_slice %arg7[%add3A_14, %dma_wait3A_52] : memref<50176x32xf32, #tpu.memory_space<vmem_shared>> -> memref<400x32xf32, #tpu.memory_space<vmem_shared>>
      %dma_wait3A_54 = arith.constant 0 : i32
      %dma_wait3A_55 = arith.constant 0 : i32
      %dma_wait3A_56 = tpu.memref_slice %arg12[%dma_wait3A_54, %dma_wait3A_55] : memref<400x32xf32, #tpu.memory_space<vmem>> -> memref<400x32xf32, #tpu.memory_space<vmem>>
      tpu.wait_dma2 semaphore(%run_scoped3A : memref<!tpu.dma_semaphore, #tpu.memory_space<semaphore_mem>>) src(%dma_wait3A_56 : memref<400x32xf32, #tpu.memory_space<vmem>>) dst(%dma_wait3A_53 : memref<400x32xf32, #tpu.memory_space<vmem_shared>>)
      tpu.yield
    }) : () -> ()
    %add3A_15 = arith.constant 1600 : i32
    %add3A_16 = arith.addi %mul3A_7, %add3A_15 : i32
    "tpu.region"() ({
      %run_scoped3A = tpu.sem_alloc : memref<!tpu.dma_semaphore, #tpu.memory_space<semaphore_mem>>
      %dma_start3A = arith.constant 0 : i32
      %dma_start3A_39 = arith.constant 0 : i32
      %dma_start3A_40 = tpu.memref_slice %arg12[%dma_start3A, %dma_start3A_39] : memref<400x32xf32, #tpu.memory_space<vmem>> -> memref<400x32xf32, #tpu.memory_space<vmem>>
      %dma_start3A_41 = arith.constant 0 : i32
      %dma_start3A_42 = tpu.memref_slice %arg7[%add3A_16, %dma_start3A_41] : memref<50176x32xf32, #tpu.memory_space<vmem_shared>> -> memref<400x32xf32, #tpu.memory_space<vmem_shared>>
      %dma_start3A_43 = arith.constant 0 : i32
      %dma_start3A_44 = tpu.memref_slice %arg7[%add3A_16, %dma_start3A_43] : memref<50176x32xf32, #tpu.memory_space<vmem_shared>> -> memref<400x32xf32, #tpu.memory_space<vmem_shared>>
      %dma_start3A_45 = arith.constant 0 : i32
      %dma_start3A_46 = arith.constant 0 : i32
      %dma_start3A_47 = tpu.memref_slice %arg12[%dma_start3A_45, %dma_start3A_46] : memref<400x32xf32, #tpu.memory_space<vmem>> -> memref<400x32xf32, #tpu.memory_space<vmem>>
      tpu.enqueue_dma source(%dma_start3A_47 : memref<400x32xf32, #tpu.memory_space<vmem>>) target(%dma_start3A_44 : memref<400x32xf32, #tpu.memory_space<vmem_shared>>) target_semaphore(%run_scoped3A : memref<!tpu.dma_semaphore, #tpu.memory_space<semaphore_mem>>)
      %dma_wait3A = arith.constant 0 : i32
      %dma_wait3A_48 = arith.constant 0 : i32
      %dma_wait3A_49 = tpu.memref_slice %arg12[%dma_wait3A, %dma_wait3A_48] : memref<400x32xf32, #tpu.memory_space<vmem>> -> memref<400x32xf32, #tpu.memory_space<vmem>>
      %dma_wait3A_50 = arith.constant 0 : i32
      %dma_wait3A_51 = tpu.memref_slice %arg7[%add3A_16, %dma_wait3A_50] : memref<50176x32xf32, #tpu.memory_space<vmem_shared>> -> memref<400x32xf32, #tpu.memory_space<vmem_shared>>
      %dma_wait3A_52 = arith.constant 0 : i32
      %dma_wait3A_53 = tpu.memref_slice %arg7[%add3A_16, %dma_wait3A_52] : memref<50176x32xf32, #tpu.memory_space<vmem_shared>> -> memref<400x32xf32, #tpu.memory_space<vmem_shared>>
      %dma_wait3A_54 = arith.constant 0 : i32
      %dma_wait3A_55 = arith.constant 0 : i32
      %dma_wait3A_56 = tpu.memref_slice %arg12[%dma_wait3A_54, %dma_wait3A_55] : memref<400x32xf32, #tpu.memory_space<vmem>> -> memref<400x32xf32, #tpu.memory_space<vmem>>
      tpu.wait_dma2 semaphore(%run_scoped3A : memref<!tpu.dma_semaphore, #tpu.memory_space<semaphore_mem>>) src(%dma_wait3A_56 : memref<400x32xf32, #tpu.memory_space<vmem>>) dst(%dma_wait3A_53 : memref<400x32xf32, #tpu.memory_space<vmem_shared>>)
      tpu.yield
    }) : () -> ()
    %add3A_17 = arith.constant 2000 : i32
    %add3A_18 = arith.addi %mul3A_7, %add3A_17 : i32
    "tpu.region"() ({
      %run_scoped3A = tpu.sem_alloc : memref<!tpu.dma_semaphore, #tpu.memory_space<semaphore_mem>>
      %dma_start3A = arith.constant 0 : i32
      %dma_start3A_39 = arith.constant 0 : i32
      %dma_start3A_40 = tpu.memref_slice %arg12[%dma_start3A, %dma_start3A_39] : memref<400x32xf32, #tpu.memory_space<vmem>> -> memref<400x32xf32, #tpu.memory_space<vmem>>
      %dma_start3A_41 = arith.constant 0 : i32
      %dma_start3A_42 = tpu.memref_slice %arg7[%add3A_18, %dma_start3A_41] : memref<50176x32xf32, #tpu.memory_space<vmem_shared>> -> memref<400x32xf32, #tpu.memory_space<vmem_shared>>
      %dma_start3A_43 = arith.constant 0 : i32
      %dma_start3A_44 = tpu.memref_slice %arg7[%add3A_18, %dma_start3A_43] : memref<50176x32xf32, #tpu.memory_space<vmem_shared>> -> memref<400x32xf32, #tpu.memory_space<vmem_shared>>
      %dma_start3A_45 = arith.constant 0 : i32
      %dma_start3A_46 = arith.constant 0 : i32
      %dma_start3A_47 = tpu.memref_slice %arg12[%dma_start3A_45, %dma_start3A_46] : memref<400x32xf32, #tpu.memory_space<vmem>> -> memref<400x32xf32, #tpu.memory_space<vmem>>
      tpu.enqueue_dma source(%dma_start3A_47 : memref<400x32xf32, #tpu.memory_space<vmem>>) target(%dma_start3A_44 : memref<400x32xf32, #tpu.memory_space<vmem_shared>>) target_semaphore(%run_scoped3A : memref<!tpu.dma_semaphore, #tpu.memory_space<semaphore_mem>>)
      %dma_wait3A = arith.constant 0 : i32
      %dma_wait3A_48 = arith.constant 0 : i32
      %dma_wait3A_49 = tpu.memref_slice %arg12[%dma_wait3A, %dma_wait3A_48] : memref<400x32xf32, #tpu.memory_space<vmem>> -> memref<400x32xf32, #tpu.memory_space<vmem>>
      %dma_wait3A_50 = arith.constant 0 : i32
      %dma_wait3A_51 = tpu.memref_slice %arg7[%add3A_18, %dma_wait3A_50] : memref<50176x32xf32, #tpu.memory_space<vmem_shared>> -> memref<400x32xf32, #tpu.memory_space<vmem_shared>>
      %dma_wait3A_52 = arith.constant 0 : i32
      %dma_wait3A_53 = tpu.memref_slice %arg7[%add3A_18, %dma_wait3A_52] : memref<50176x32xf32, #tpu.memory_space<vmem_shared>> -> memref<400x32xf32, #tpu.memory_space<vmem_shared>>
      %dma_wait3A_54 = arith.constant 0 : i32
      %dma_wait3A_55 = arith.constant 0 : i32
      %dma_wait3A_56 = tpu.memref_slice %arg12[%dma_wait3A_54, %dma_wait3A_55] : memref<400x32xf32, #tpu.memory_space<vmem>> -> memref<400x32xf32, #tpu.memory_space<vmem>>
      tpu.wait_dma2 semaphore(%run_scoped3A : memref<!tpu.dma_semaphore, #tpu.memory_space<semaphore_mem>>) src(%dma_wait3A_56 : memref<400x32xf32, #tpu.memory_space<vmem>>) dst(%dma_wait3A_53 : memref<400x32xf32, #tpu.memory_space<vmem_shared>>)
      tpu.yield
    }) : () -> ()
    %add3A_19 = arith.constant 2400 : i32
    %add3A_20 = arith.addi %mul3A_7, %add3A_19 : i32
    "tpu.region"() ({
      %run_scoped3A = tpu.sem_alloc : memref<!tpu.dma_semaphore, #tpu.memory_space<semaphore_mem>>
      %dma_start3A = arith.constant 0 : i32
      %dma_start3A_39 = arith.constant 0 : i32
      %dma_start3A_40 = tpu.memref_slice %arg12[%dma_start3A, %dma_start3A_39] : memref<400x32xf32, #tpu.memory_space<vmem>> -> memref<400x32xf32, #tpu.memory_space<vmem>>
      %dma_start3A_41 = arith.constant 0 : i32
      %dma_start3A_42 = tpu.memref_slice %arg7[%add3A_20, %dma_start3A_41] : memref<50176x32xf32, #tpu.memory_space<vmem_shared>> -> memref<400x32xf32, #tpu.memory_space<vmem_shared>>
      %dma_start3A_43 = arith.constant 0 : i32
      %dma_start3A_44 = tpu.memref_slice %arg7[%add3A_20, %dma_start3A_43] : memref<50176x32xf32, #tpu.memory_space<vmem_shared>> -> memref<400x32xf32, #tpu.memory_space<vmem_shared>>
      %dma_start3A_45 = arith.constant 0 : i32
      %dma_start3A_46 = arith.constant 0 : i32
      %dma_start3A_47 = tpu.memref_slice %arg12[%dma_start3A_45, %dma_start3A_46] : memref<400x32xf32, #tpu.memory_space<vmem>> -> memref<400x32xf32, #tpu.memory_space<vmem>>
      tpu.enqueue_dma source(%dma_start3A_47 : memref<400x32xf32, #tpu.memory_space<vmem>>) target(%dma_start3A_44 : memref<400x32xf32, #tpu.memory_space<vmem_shared>>) target_semaphore(%run_scoped3A : memref<!tpu.dma_semaphore, #tpu.memory_space<semaphore_mem>>)
      %dma_wait3A = arith.constant 0 : i32
      %dma_wait3A_48 = arith.constant 0 : i32
      %dma_wait3A_49 = tpu.memref_slice %arg12[%dma_wait3A, %dma_wait3A_48] : memref<400x32xf32, #tpu.memory_space<vmem>> -> memref<400x32xf32, #tpu.memory_space<vmem>>
      %dma_wait3A_50 = arith.constant 0 : i32
      %dma_wait3A_51 = tpu.memref_slice %arg7[%add3A_20, %dma_wait3A_50] : memref<50176x32xf32, #tpu.memory_space<vmem_shared>> -> memref<400x32xf32, #tpu.memory_space<vmem_shared>>
      %dma_wait3A_52 = arith.constant 0 : i32
      %dma_wait3A_53 = tpu.memref_slice %arg7[%add3A_20, %dma_wait3A_52] : memref<50176x32xf32, #tpu.memory_space<vmem_shared>> -> memref<400x32xf32, #tpu.memory_space<vmem_shared>>
      %dma_wait3A_54 = arith.constant 0 : i32
      %dma_wait3A_55 = arith.constant 0 : i32
      %dma_wait3A_56 = tpu.memref_slice %arg12[%dma_wait3A_54, %dma_wait3A_55] : memref<400x32xf32, #tpu.memory_space<vmem>> -> memref<400x32xf32, #tpu.memory_space<vmem>>
      tpu.wait_dma2 semaphore(%run_scoped3A : memref<!tpu.dma_semaphore, #tpu.memory_space<semaphore_mem>>) src(%dma_wait3A_56 : memref<400x32xf32, #tpu.memory_space<vmem>>) dst(%dma_wait3A_53 : memref<400x32xf32, #tpu.memory_space<vmem_shared>>)
      tpu.yield
    }) : () -> ()
    %add3A_21 = arith.constant 2800 : i32
    %add3A_22 = arith.addi %mul3A_7, %add3A_21 : i32
    "tpu.region"() ({
      %run_scoped3A = tpu.sem_alloc : memref<!tpu.dma_semaphore, #tpu.memory_space<semaphore_mem>>
      %dma_start3A = arith.constant 0 : i32
      %dma_start3A_39 = arith.constant 0 : i32
      %dma_start3A_40 = tpu.memref_slice %arg12[%dma_start3A, %dma_start3A_39] : memref<400x32xf32, #tpu.memory_space<vmem>> -> memref<336x32xf32, #tpu.memory_space<vmem>>
      %dma_start3A_41 = arith.constant 0 : i32
      %dma_start3A_42 = tpu.memref_slice %arg7[%add3A_22, %dma_start3A_41] : memref<50176x32xf32, #tpu.memory_space<vmem_shared>> -> memref<336x32xf32, #tpu.memory_space<vmem_shared>>
      %dma_start3A_43 = arith.constant 0 : i32
      %dma_start3A_44 = tpu.memref_slice %arg7[%add3A_22, %dma_start3A_43] : memref<50176x32xf32, #tpu.memory_space<vmem_shared>> -> memref<336x32xf32, #tpu.memory_space<vmem_shared>>
      %dma_start3A_45 = arith.constant 0 : i32
      %dma_start3A_46 = arith.constant 0 : i32
      %dma_start3A_47 = tpu.memref_slice %arg12[%dma_start3A_45, %dma_start3A_46] : memref<400x32xf32, #tpu.memory_space<vmem>> -> memref<336x32xf32, #tpu.memory_space<vmem>>
      tpu.enqueue_dma source(%dma_start3A_47 : memref<336x32xf32, #tpu.memory_space<vmem>>) target(%dma_start3A_44 : memref<336x32xf32, #tpu.memory_space<vmem_shared>>) target_semaphore(%run_scoped3A : memref<!tpu.dma_semaphore, #tpu.memory_space<semaphore_mem>>)
      %dma_wait3A = arith.constant 0 : i32
      %dma_wait3A_48 = arith.constant 0 : i32
      %dma_wait3A_49 = tpu.memref_slice %arg12[%dma_wait3A, %dma_wait3A_48] : memref<400x32xf32, #tpu.memory_space<vmem>> -> memref<336x32xf32, #tpu.memory_space<vmem>>
      %dma_wait3A_50 = arith.constant 0 : i32
      %dma_wait3A_51 = tpu.memref_slice %arg7[%add3A_22, %dma_wait3A_50] : memref<50176x32xf32, #tpu.memory_space<vmem_shared>> -> memref<336x32xf32, #tpu.memory_space<vmem_shared>>
      %dma_wait3A_52 = arith.constant 0 : i32
      %dma_wait3A_53 = tpu.memref_slice %arg7[%add3A_22, %dma_wait3A_52] : memref<50176x32xf32, #tpu.memory_space<vmem_shared>> -> memref<336x32xf32, #tpu.memory_space<vmem_shared>>
      %dma_wait3A_54 = arith.constant 0 : i32
      %dma_wait3A_55 = arith.constant 0 : i32
      %dma_wait3A_56 = tpu.memref_slice %arg12[%dma_wait3A_54, %dma_wait3A_55] : memref<400x32xf32, #tpu.memory_space<vmem>> -> memref<336x32xf32, #tpu.memory_space<vmem>>
      tpu.wait_dma2 semaphore(%run_scoped3A : memref<!tpu.dma_semaphore, #tpu.memory_space<semaphore_mem>>) src(%dma_wait3A_56 : memref<336x32xf32, #tpu.memory_space<vmem>>) dst(%dma_wait3A_53 : memref<336x32xf32, #tpu.memory_space<vmem_shared>>)
      tpu.yield
    }) : () -> ()
    %barrier3A = arith.constant 0 : index
    tpu.barrier barrier_id(%barrier3A)
    %mul3A_23 = arith.constant 2 : i32
    %mul3A_24 = arith.muli %mul3A_23, %arg0 : i32
    %broadcast_in_dim3A_25 = vector.broadcast %mul3A_24 : i32 to vector<16xi32>
    %mul3A_26 = arith.constant 2 : i32
    %mul3A_27 = arith.muli %mul3A_26, %arg0 : i32
    %add3A_28 = arith.constant 1 : i32
    %add3A_29 = arith.addi %mul3A_27, %add3A_28 : i32
    %broadcast_in_dim3A_30 = vector.broadcast %add3A_29 : i32 to vector<16xi32>
    %scan3A_31 = arith.constant 0 : i32
    %scan3A_32 = arith.constant 0 : i32
    %scan3A_33 = arith.constant 125 : i32
    %scan3A_34 = arith.addi %scan3A_32, %scan3A_33 : i32
    %scan3A_35 = arith.constant 1 : i32
    %scan3A_36 = scf.for %scan3A_39 = %scan3A_32 to %scan3A_34 step %scan3A_35 iter_args(%scan3A_40 = %scan3A_31) -> (i32)  : i32 {
      %mul3A_41 = arith.constant 125 : i32
      %mul3A_42 = arith.muli %arg1, %mul3A_41 : i32
      %add3A_43 = arith.addi %mul3A_42, %scan3A_39 : i32
      %mul3A_44 = arith.constant 400 : i32
      %mul3A_45 = arith.muli %add3A_43, %mul3A_44 : i32
      "tpu.region"() ({
        %run_scoped3A = tpu.sem_alloc : memref<!tpu.dma_semaphore, #tpu.memory_space<semaphore_mem>>
        %dma_start3A_66 = tpu.memref_slice %arg2[%mul3A_45] : memref<800000xi32, #tpu.memory_space<hbm>> -> memref<400xi32, #tpu.memory_space<hbm>>
        %dma_start3A_67 = tpu.memref_slice %arg2[%mul3A_45] : memref<800000xi32, #tpu.memory_space<hbm>> -> memref<400xi32, #tpu.memory_space<hbm>>
        tpu.enqueue_dma source(%dma_start3A_67 : memref<400xi32, #tpu.memory_space<hbm>>) target(%arg11 : memref<400xi32, #tpu.memory_space<vmem>>) target_semaphore(%run_scoped3A : memref<!tpu.dma_semaphore, #tpu.memory_space<semaphore_mem>>)
        %dma_wait3A_68 = tpu.memref_slice %arg2[%mul3A_45] : memref<800000xi32, #tpu.memory_space<hbm>> -> memref<400xi32, #tpu.memory_space<hbm>>
        %dma_wait3A_69 = tpu.memref_slice %arg2[%mul3A_45] : memref<800000xi32, #tpu.memory_space<hbm>> -> memref<400xi32, #tpu.memory_space<hbm>>
        tpu.wait_dma2 semaphore(%run_scoped3A : memref<!tpu.dma_semaphore, #tpu.memory_space<semaphore_mem>>) src(%dma_wait3A_69 : memref<400xi32, #tpu.memory_space<hbm>>) dst(%arg11 : memref<400xi32, #tpu.memory_space<vmem>>)
        tpu.yield
      }) : () -> ()
      "tpu.region"() ({
        %run_scoped3A = tpu.sem_alloc : memref<!tpu.dma_semaphore, #tpu.memory_space<semaphore_mem>>
        %dma_start3A_66 = tpu.memref_slice %arg3[%mul3A_45] : memref<800000xi32, #tpu.memory_space<hbm>> -> memref<400xi32, #tpu.memory_space<hbm>>
        %dma_start3A_67 = tpu.memref_slice %arg3[%mul3A_45] : memref<800000xi32, #tpu.memory_space<hbm>> -> memref<400xi32, #tpu.memory_space<hbm>>
        tpu.enqueue_dma source(%dma_start3A_67 : memref<400xi32, #tpu.memory_space<hbm>>) target(%arg8 : memref<400xi32, #tpu.memory_space<vmem>>) target_semaphore(%run_scoped3A : memref<!tpu.dma_semaphore, #tpu.memory_space<semaphore_mem>>)
        %dma_wait3A_68 = tpu.memref_slice %arg3[%mul3A_45] : memref<800000xi32, #tpu.memory_space<hbm>> -> memref<400xi32, #tpu.memory_space<hbm>>
        %dma_wait3A_69 = tpu.memref_slice %arg3[%mul3A_45] : memref<800000xi32, #tpu.memory_space<hbm>> -> memref<400xi32, #tpu.memory_space<hbm>>
        tpu.wait_dma2 semaphore(%run_scoped3A : memref<!tpu.dma_semaphore, #tpu.memory_space<semaphore_mem>>) src(%dma_wait3A_69 : memref<400xi32, #tpu.memory_space<hbm>>) dst(%arg8 : memref<400xi32, #tpu.memory_space<vmem>>)
        tpu.yield
      }) : () -> ()
      "tpu.region"() ({
        %run_scoped3A = tpu.sem_alloc : memref<!tpu.dma_semaphore, #tpu.memory_space<semaphore_mem>>
        %dma_start3A_66 = arith.constant 0 : i32
        %dma_start3A_67 = tpu.memref_slice %arg4[%mul3A_45, %dma_start3A_66] : memref<800000x8xf32, #tpu.memory_space<hbm>> -> memref<400x8xf32, #tpu.memory_space<hbm>>
        %dma_start3A_68 = arith.constant 0 : i32
        %dma_start3A_69 = tpu.memref_slice %arg4[%mul3A_45, %dma_start3A_68] : memref<800000x8xf32, #tpu.memory_space<hbm>> -> memref<400x8xf32, #tpu.memory_space<hbm>>
        tpu.enqueue_dma source(%dma_start3A_69 : memref<400x8xf32, #tpu.memory_space<hbm>>) target(%arg9 : memref<400x8xf32, #tpu.memory_space<vmem>>) target_semaphore(%run_scoped3A : memref<!tpu.dma_semaphore, #tpu.memory_space<semaphore_mem>>)
        %dma_wait3A_70 = arith.constant 0 : i32
        %dma_wait3A_71 = tpu.memref_slice %arg4[%mul3A_45, %dma_wait3A_70] : memref<800000x8xf32, #tpu.memory_space<hbm>> -> memref<400x8xf32, #tpu.memory_space<hbm>>
        %dma_wait3A_72 = arith.constant 0 : i32
        %dma_wait3A_73 = tpu.memref_slice %arg4[%mul3A_45, %dma_wait3A_72] : memref<800000x8xf32, #tpu.memory_space<hbm>> -> memref<400x8xf32, #tpu.memory_space<hbm>>
        tpu.wait_dma2 semaphore(%run_scoped3A : memref<!tpu.dma_semaphore, #tpu.memory_space<semaphore_mem>>) src(%dma_wait3A_73 : memref<400x8xf32, #tpu.memory_space<hbm>>) dst(%arg9 : memref<400x8xf32, #tpu.memory_space<vmem>>)
        tpu.yield
      }) : () -> ()
      %dma_start3A = arith.constant 0 : i32
      %dma_start3A_46 = arith.constant 0 : i32
      %dma_start3A_47 = tpu.memref_slice %arg5[%arg0, %dma_start3A, %dma_start3A_46] : memref<2x50176x32xf32, #tpu.memory_space<hbm>> -> memref<1x50176x32xf32, #tpu.memory_space<hbm>>
      %dma_start3A_48 = tpu.memref_squeeze %dma_start3A_47 : memref<1x50176x32xf32, #tpu.memory_space<hbm>> -> memref<50176x32xf32, #tpu.memory_space<hbm>>
      %dma_start3A_49 = arith.constant 0 : i32
      %dma_start3A_50 = arith.constant 0 : i32
      %dma_start3A_51 = tpu.memref_slice %dma_start3A_48[%dma_start3A_49, %dma_start3A_50] : memref<50176x32xf32, #tpu.memory_space<hbm>> -> memref<50176x32xf32, #tpu.memory_space<hbm>>
      tpu.enqueue_indirect_dma source(%dma_start3A_51 : memref<50176x32xf32, #tpu.memory_space<hbm>>) target(%arg12 : memref<400x32xf32, #tpu.memory_space<vmem>>) offsets(%arg11 : memref<400xi32, #tpu.memory_space<vmem>>) semaphore(%arg10 : memref<!tpu.dma_semaphore, #tpu.memory_space<semaphore_mem>>)
      %dma_wait3A = arith.constant 0 : i32
      %dma_wait3A_52 = arith.constant 0 : i32
      %dma_wait3A_53 = tpu.memref_slice %arg5[%arg0, %dma_wait3A, %dma_wait3A_52] : memref<2x50176x32xf32, #tpu.memory_space<hbm>> -> memref<1x50176x32xf32, #tpu.memory_space<hbm>>
      %dma_wait3A_54 = tpu.memref_squeeze %dma_wait3A_53 : memref<1x50176x32xf32, #tpu.memory_space<hbm>> -> memref<50176x32xf32, #tpu.memory_space<hbm>>
      %dma_wait3A_55 = arith.constant 0 : i32
      %dma_wait3A_56 = arith.constant 0 : i32
      %dma_wait3A_57 = tpu.memref_slice %dma_wait3A_54[%dma_wait3A_55, %dma_wait3A_56] : memref<50176x32xf32, #tpu.memory_space<hbm>> -> memref<50176x32xf32, #tpu.memory_space<hbm>>
      tpu.wait_indirect_dma semaphore(%arg10 : memref<!tpu.dma_semaphore, #tpu.memory_space<semaphore_mem>>) src(%dma_wait3A_57 : memref<50176x32xf32, #tpu.memory_space<hbm>>) dst(%arg12 : memref<400x32xf32, #tpu.memory_space<vmem>>)
      %scan3A_58 = arith.constant 0 : i32
      %scan3A_59 = arith.constant 0 : i32
      %scan3A_60 = arith.constant 50 : i32
      %scan3A_61 = arith.addi %scan3A_59, %scan3A_60 : i32
      %scan3A_62 = arith.constant 1 : i32
      %scan3A_63 = scf.for %scan3A_66 = %scan3A_59 to %scan3A_61 step %scan3A_62 iter_args(%scan3A_67 = %scan3A_58) -> (i32)  : i32 {
        %mul3A_68 = arith.constant 8 : i32
        %mul3A_69 = arith.muli %mul3A_68, %scan3A_66 : i32
        %add3A_70 = arith.constant 0 : i32
        %add3A_71 = arith.addi %mul3A_69, %add3A_70 : i32
        %broadcast_in_dim3A_72 = vector.broadcast %add3A_71 : i32 to vector<16xi32>
        %gather3A = tpu.vector_load_idx %arg9[%broadcast_in_dim3A_72, %broadcast_in_dim3A_25] : memref<400x8xf32, #tpu.memory_space<vmem>>[vector<16xi32>, vector<16xi32>], vector<16xf32>,
        %gather3A_73 = tpu.vector_load_idx %arg9[%broadcast_in_dim3A_72, %broadcast_in_dim3A_30] : memref<400x8xf32, #tpu.memory_space<vmem>>[vector<16xi32>, vector<16xi32>], vector<16xf32>,
        %get3A = arith.index_cast %add3A_71 : i32 to index
        %get3A_74 = arith.constant 0 : index
        %get3A_75 = tpu.vector_load %arg12[%get3A, %get3A_74] {strides = array<i32>} : memref<400x32xf32, #tpu.memory_space<vmem>>, vector<16xf32>,
        %mul3A_76 = arith.mulf %get3A_75, %gather3A : vector<16xf32>
        %swap3A = arith.index_cast %add3A_71 : i32 to index
        %swap3A_77 = arith.constant 0 : index
        %swap3A_78 = tpu.vector_load %arg12[%swap3A, %swap3A_77] {strides = array<i32>} : memref<400x32xf32, #tpu.memory_space<vmem>>, vector<16xf32>,
        tpu.vector_store %arg12[%swap3A, %swap3A_77], %mul3A_76 {strides = array<i32>} : memref<400x32xf32, #tpu.memory_space<vmem>>, vector<16xf32>,
        %get3A_79 = arith.index_cast %add3A_71 : i32 to index
        %get3A_80 = arith.constant 16 : index
        %get3A_81 = tpu.vector_load %arg12[%get3A_79, %get3A_80] {strides = array<i32>} : memref<400x32xf32, #tpu.memory_space<vmem>>, vector<16xf32>,
        %mul3A_82 = arith.mulf %get3A_81, %gather3A_73 : vector<16xf32>
        %swap3A_83 = arith.index_cast %add3A_71 : i32 to index
        %swap3A_84 = arith.constant 16 : index
        %swap3A_85 = tpu.vector_load %arg12[%swap3A_83, %swap3A_84] {strides = array<i32>} : memref<400x32xf32, #tpu.memory_space<vmem>>, vector<16xf32>,
        tpu.vector_store %arg12[%swap3A_83, %swap3A_84], %mul3A_82 {strides = array<i32>} : memref<400x32xf32, #tpu.memory_space<vmem>>, vector<16xf32>,
        %add3A_86 = arith.constant 1 : i32
        %add3A_87 = arith.addi %mul3A_69, %add3A_86 : i32
        %broadcast_in_dim3A_88 = vector.broadcast %add3A_87 : i32 to vector<16xi32>
        %gather3A_89 = tpu.vector_load_idx %arg9[%broadcast_in_dim3A_88, %broadcast_in_dim3A_25] : memref<400x8xf32, #tpu.memory_space<vmem>>[vector<16xi32>, vector<16xi32>], vector<16xf32>,
        %gather3A_90 = tpu.vector_load_idx %arg9[%broadcast_in_dim3A_88, %broadcast_in_dim3A_30] : memref<400x8xf32, #tpu.memory_space<vmem>>[vector<16xi32>, vector<16xi32>], vector<16xf32>,
        %get3A_91 = arith.index_cast %add3A_87 : i32 to index
        %get3A_92 = arith.constant 0 : index
        %get3A_93 = tpu.vector_load %arg12[%get3A_91, %get3A_92] {strides = array<i32>} : memref<400x32xf32, #tpu.memory_space<vmem>>, vector<16xf32>,
        %mul3A_94 = arith.mulf %get3A_93, %gather3A_89 : vector<16xf32>
        %swap3A_95 = arith.index_cast %add3A_87 : i32 to index
        %swap3A_96 = arith.constant 0 : index
        %swap3A_97 = tpu.vector_load %arg12[%swap3A_95, %swap3A_96] {strides = array<i32>} : memref<400x32xf32, #tpu.memory_space<vmem>>, vector<16xf32>,
        tpu.vector_store %arg12[%swap3A_95, %swap3A_96], %mul3A_94 {strides = array<i32>} : memref<400x32xf32, #tpu.memory_space<vmem>>, vector<16xf32>,
        %get3A_98 = arith.index_cast %add3A_87 : i32 to index
        %get3A_99 = arith.constant 16 : index
        %get3A_100 = tpu.vector_load %arg12[%get3A_98, %get3A_99] {strides = array<i32>} : memref<400x32xf32, #tpu.memory_space<vmem>>, vector<16xf32>,
        %mul3A_101 = arith.mulf %get3A_100, %gather3A_90 : vector<16xf32>
        %swap3A_102 = arith.index_cast %add3A_87 : i32 to index
        %swap3A_103 = arith.constant 16 : index
        %swap3A_104 = tpu.vector_load %arg12[%swap3A_102, %swap3A_103] {strides = array<i32>} : memref<400x32xf32, #tpu.memory_space<vmem>>, vector<16xf32>,
        tpu.vector_store %arg12[%swap3A_102, %swap3A_103], %mul3A_101 {strides = array<i32>} : memref<400x32xf32, #tpu.memory_space<vmem>>, vector<16xf32>,
        %add3A_105 = arith.constant 2 : i32
        %add3A_106 = arith.addi %mul3A_69, %add3A_105 : i32
        %broadcast_in_dim3A_107 = vector.broadcast %add3A_106 : i32 to vector<16xi32>
        %gather3A_108 = tpu.vector_load_idx %arg9[%broadcast_in_dim3A_107, %broadcast_in_dim3A_25] : memref<400x8xf32, #tpu.memory_space<vmem>>[vector<16xi32>, vector<16xi32>], vector<16xf32>,
        %gather3A_109 = tpu.vector_load_idx %arg9[%broadcast_in_dim3A_107, %broadcast_in_dim3A_30] : memref<400x8xf32, #tpu.memory_space<vmem>>[vector<16xi32>, vector<16xi32>], vector<16xf32>,
        %get3A_110 = arith.index_cast %add3A_106 : i32 to index
        %get3A_111 = arith.constant 0 : index
        %get3A_112 = tpu.vector_load %arg12[%get3A_110, %get3A_111] {strides = array<i32>} : memref<400x32xf32, #tpu.memory_space<vmem>>, vector<16xf32>,
        %mul3A_113 = arith.mulf %get3A_112, %gather3A_108 : vector<16xf32>
        %swap3A_114 = arith.index_cast %add3A_106 : i32 to index
        %swap3A_115 = arith.constant 0 : index
        %swap3A_116 = tpu.vector_load %arg12[%swap3A_114, %swap3A_115] {strides = array<i32>} : memref<400x32xf32, #tpu.memory_space<vmem>>, vector<16xf32>,
        tpu.vector_store %arg12[%swap3A_114, %swap3A_115], %mul3A_113 {strides = array<i32>} : memref<400x32xf32, #tpu.memory_space<vmem>>, vector<16xf32>,
        %get3A_117 = arith.index_cast %add3A_106 : i32 to index
        %get3A_118 = arith.constant 16 : index
        %get3A_119 = tpu.vector_load %arg12[%get3A_117, %get3A_118] {strides = array<i32>} : memref<400x32xf32, #tpu.memory_space<vmem>>, vector<16xf32>,
        %mul3A_120 = arith.mulf %get3A_119, %gather3A_109 : vector<16xf32>
        %swap3A_121 = arith.index_cast %add3A_106 : i32 to index
        %swap3A_122 = arith.constant 16 : index
        %swap3A_123 = tpu.vector_load %arg12[%swap3A_121, %swap3A_122] {strides = array<i32>} : memref<400x32xf32, #tpu.memory_space<vmem>>, vector<16xf32>,
        tpu.vector_store %arg12[%swap3A_121, %swap3A_122], %mul3A_120 {strides = array<i32>} : memref<400x32xf32, #tpu.memory_space<vmem>>, vector<16xf32>,
        %add3A_124 = arith.constant 3 : i32
        %add3A_125 = arith.addi %mul3A_69, %add3A_124 : i32
        %broadcast_in_dim3A_126 = vector.broadcast %add3A_125 : i32 to vector<16xi32>
        %gather3A_127 = tpu.vector_load_idx %arg9[%broadcast_in_dim3A_126, %broadcast_in_dim3A_25] : memref<400x8xf32, #tpu.memory_space<vmem>>[vector<16xi32>, vector<16xi32>], vector<16xf32>,
        %gather3A_128 = tpu.vector_load_idx %arg9[%broadcast_in_dim3A_126, %broadcast_in_dim3A_30] : memref<400x8xf32, #tpu.memory_space<vmem>>[vector<16xi32>, vector<16xi32>], vector<16xf32>,
        %get3A_129 = arith.index_cast %add3A_125 : i32 to index
        %get3A_130 = arith.constant 0 : index
        %get3A_131 = tpu.vector_load %arg12[%get3A_129, %get3A_130] {strides = array<i32>} : memref<400x32xf32, #tpu.memory_space<vmem>>, vector<16xf32>,
        %mul3A_132 = arith.mulf %get3A_131, %gather3A_127 : vector<16xf32>
        %swap3A_133 = arith.index_cast %add3A_125 : i32 to index
        %swap3A_134 = arith.constant 0 : index
        %swap3A_135 = tpu.vector_load %arg12[%swap3A_133, %swap3A_134] {strides = array<i32>} : memref<400x32xf32, #tpu.memory_space<vmem>>, vector<16xf32>,
        tpu.vector_store %arg12[%swap3A_133, %swap3A_134], %mul3A_132 {strides = array<i32>} : memref<400x32xf32, #tpu.memory_space<vmem>>, vector<16xf32>,
        %get3A_136 = arith.index_cast %add3A_125 : i32 to index
        %get3A_137 = arith.constant 16 : index
        %get3A_138 = tpu.vector_load %arg12[%get3A_136, %get3A_137] {strides = array<i32>} : memref<400x32xf32, #tpu.memory_space<vmem>>, vector<16xf32>,
        %mul3A_139 = arith.mulf %get3A_138, %gather3A_128 : vector<16xf32>
        %swap3A_140 = arith.index_cast %add3A_125 : i32 to index
        %swap3A_141 = arith.constant 16 : index
        %swap3A_142 = tpu.vector_load %arg12[%swap3A_140, %swap3A_141] {strides = array<i32>} : memref<400x32xf32, #tpu.memory_space<vmem>>, vector<16xf32>,
        tpu.vector_store %arg12[%swap3A_140, %swap3A_141], %mul3A_139 {strides = array<i32>} : memref<400x32xf32, #tpu.memory_space<vmem>>, vector<16xf32>,
        %add3A_143 = arith.constant 4 : i32
        %add3A_144 = arith.addi %mul3A_69, %add3A_143 : i32
        %broadcast_in_dim3A_145 = vector.broadcast %add3A_144 : i32 to vector<16xi32>
        %gather3A_146 = tpu.vector_load_idx %arg9[%broadcast_in_dim3A_145, %broadcast_in_dim3A_25] : memref<400x8xf32, #tpu.memory_space<vmem>>[vector<16xi32>, vector<16xi32>], vector<16xf32>,
        %gather3A_147 = tpu.vector_load_idx %arg9[%broadcast_in_dim3A_145, %broadcast_in_dim3A_30] : memref<400x8xf32, #tpu.memory_space<vmem>>[vector<16xi32>, vector<16xi32>], vector<16xf32>,
        %get3A_148 = arith.index_cast %add3A_144 : i32 to index
        %get3A_149 = arith.constant 0 : index
        %get3A_150 = tpu.vector_load %arg12[%get3A_148, %get3A_149] {strides = array<i32>} : memref<400x32xf32, #tpu.memory_space<vmem>>, vector<16xf32>,
        %mul3A_151 = arith.mulf %get3A_150, %gather3A_146 : vector<16xf32>
        %swap3A_152 = arith.index_cast %add3A_144 : i32 to index
        %swap3A_153 = arith.constant 0 : index
        %swap3A_154 = tpu.vector_load %arg12[%swap3A_152, %swap3A_153] {strides = array<i32>} : memref<400x32xf32, #tpu.memory_space<vmem>>, vector<16xf32>,
        tpu.vector_store %arg12[%swap3A_152, %swap3A_153], %mul3A_151 {strides = array<i32>} : memref<400x32xf32, #tpu.memory_space<vmem>>, vector<16xf32>,
        %get3A_155 = arith.index_cast %add3A_144 : i32 to index
        %get3A_156 = arith.constant 16 : index
        %get3A_157 = tpu.vector_load %arg12[%get3A_155, %get3A_156] {strides = array<i32>} : memref<400x32xf32, #tpu.memory_space<vmem>>, vector<16xf32>,
        %mul3A_158 = arith.mulf %get3A_157, %gather3A_147 : vector<16xf32>
        %swap3A_159 = arith.index_cast %add3A_144 : i32 to index
        %swap3A_160 = arith.constant 16 : index
        %swap3A_161 = tpu.vector_load %arg12[%swap3A_159, %swap3A_160] {strides = array<i32>} : memref<400x32xf32, #tpu.memory_space<vmem>>, vector<16xf32>,
        tpu.vector_store %arg12[%swap3A_159, %swap3A_160], %mul3A_158 {strides = array<i32>} : memref<400x32xf32, #tpu.memory_space<vmem>>, vector<16xf32>,
        %add3A_162 = arith.constant 5 : i32
        %add3A_163 = arith.addi %mul3A_69, %add3A_162 : i32
        %broadcast_in_dim3A_164 = vector.broadcast %add3A_163 : i32 to vector<16xi32>
        %gather3A_165 = tpu.vector_load_idx %arg9[%broadcast_in_dim3A_164, %broadcast_in_dim3A_25] : memref<400x8xf32, #tpu.memory_space<vmem>>[vector<16xi32>, vector<16xi32>], vector<16xf32>,
        %gather3A_166 = tpu.vector_load_idx %arg9[%broadcast_in_dim3A_164, %broadcast_in_dim3A_30] : memref<400x8xf32, #tpu.memory_space<vmem>>[vector<16xi32>, vector<16xi32>], vector<16xf32>,
        %get3A_167 = arith.index_cast %add3A_163 : i32 to index
        %get3A_168 = arith.constant 0 : index
        %get3A_169 = tpu.vector_load %arg12[%get3A_167, %get3A_168] {strides = array<i32>} : memref<400x32xf32, #tpu.memory_space<vmem>>, vector<16xf32>,
        %mul3A_170 = arith.mulf %get3A_169, %gather3A_165 : vector<16xf32>
        %swap3A_171 = arith.index_cast %add3A_163 : i32 to index
        %swap3A_172 = arith.constant 0 : index
        %swap3A_173 = tpu.vector_load %arg12[%swap3A_171, %swap3A_172] {strides = array<i32>} : memref<400x32xf32, #tpu.memory_space<vmem>>, vector<16xf32>,
        tpu.vector_store %arg12[%swap3A_171, %swap3A_172], %mul3A_170 {strides = array<i32>} : memref<400x32xf32, #tpu.memory_space<vmem>>, vector<16xf32>,
        %get3A_174 = arith.index_cast %add3A_163 : i32 to index
        %get3A_175 = arith.constant 16 : index
        %get3A_176 = tpu.vector_load %arg12[%get3A_174, %get3A_175] {strides = array<i32>} : memref<400x32xf32, #tpu.memory_space<vmem>>, vector<16xf32>,
        %mul3A_177 = arith.mulf %get3A_176, %gather3A_166 : vector<16xf32>
        %swap3A_178 = arith.index_cast %add3A_163 : i32 to index
        %swap3A_179 = arith.constant 16 : index
        %swap3A_180 = tpu.vector_load %arg12[%swap3A_178, %swap3A_179] {strides = array<i32>} : memref<400x32xf32, #tpu.memory_space<vmem>>, vector<16xf32>,
        tpu.vector_store %arg12[%swap3A_178, %swap3A_179], %mul3A_177 {strides = array<i32>} : memref<400x32xf32, #tpu.memory_space<vmem>>, vector<16xf32>,
        %add3A_181 = arith.constant 6 : i32
        %add3A_182 = arith.addi %mul3A_69, %add3A_181 : i32
        %broadcast_in_dim3A_183 = vector.broadcast %add3A_182 : i32 to vector<16xi32>
        %gather3A_184 = tpu.vector_load_idx %arg9[%broadcast_in_dim3A_183, %broadcast_in_dim3A_25] : memref<400x8xf32, #tpu.memory_space<vmem>>[vector<16xi32>, vector<16xi32>], vector<16xf32>,
        %gather3A_185 = tpu.vector_load_idx %arg9[%broadcast_in_dim3A_183, %broadcast_in_dim3A_30] : memref<400x8xf32, #tpu.memory_space<vmem>>[vector<16xi32>, vector<16xi32>], vector<16xf32>,
        %get3A_186 = arith.index_cast %add3A_182 : i32 to index
        %get3A_187 = arith.constant 0 : index
        %get3A_188 = tpu.vector_load %arg12[%get3A_186, %get3A_187] {strides = array<i32>} : memref<400x32xf32, #tpu.memory_space<vmem>>, vector<16xf32>,
        %mul3A_189 = arith.mulf %get3A_188, %gather3A_184 : vector<16xf32>
        %swap3A_190 = arith.index_cast %add3A_182 : i32 to index
        %swap3A_191 = arith.constant 0 : index
        %swap3A_192 = tpu.vector_load %arg12[%swap3A_190, %swap3A_191] {strides = array<i32>} : memref<400x32xf32, #tpu.memory_space<vmem>>, vector<16xf32>,
        tpu.vector_store %arg12[%swap3A_190, %swap3A_191], %mul3A_189 {strides = array<i32>} : memref<400x32xf32, #tpu.memory_space<vmem>>, vector<16xf32>,
        %get3A_193 = arith.index_cast %add3A_182 : i32 to index
        %get3A_194 = arith.constant 16 : index
        %get3A_195 = tpu.vector_load %arg12[%get3A_193, %get3A_194] {strides = array<i32>} : memref<400x32xf32, #tpu.memory_space<vmem>>, vector<16xf32>,
        %mul3A_196 = arith.mulf %get3A_195, %gather3A_185 : vector<16xf32>
        %swap3A_197 = arith.index_cast %add3A_182 : i32 to index
        %swap3A_198 = arith.constant 16 : index
        %swap3A_199 = tpu.vector_load %arg12[%swap3A_197, %swap3A_198] {strides = array<i32>} : memref<400x32xf32, #tpu.memory_space<vmem>>, vector<16xf32>,
        tpu.vector_store %arg12[%swap3A_197, %swap3A_198], %mul3A_196 {strides = array<i32>} : memref<400x32xf32, #tpu.memory_space<vmem>>, vector<16xf32>,
        %add3A_200 = arith.constant 7 : i32
        %add3A_201 = arith.addi %mul3A_69, %add3A_200 : i32
        %broadcast_in_dim3A_202 = vector.broadcast %add3A_201 : i32 to vector<16xi32>
        %gather3A_203 = tpu.vector_load_idx %arg9[%broadcast_in_dim3A_202, %broadcast_in_dim3A_25] : memref<400x8xf32, #tpu.memory_space<vmem>>[vector<16xi32>, vector<16xi32>], vector<16xf32>,
        %gather3A_204 = tpu.vector_load_idx %arg9[%broadcast_in_dim3A_202, %broadcast_in_dim3A_30] : memref<400x8xf32, #tpu.memory_space<vmem>>[vector<16xi32>, vector<16xi32>], vector<16xf32>,
        %get3A_205 = arith.index_cast %add3A_201 : i32 to index
        %get3A_206 = arith.constant 0 : index
        %get3A_207 = tpu.vector_load %arg12[%get3A_205, %get3A_206] {strides = array<i32>} : memref<400x32xf32, #tpu.memory_space<vmem>>, vector<16xf32>,
        %mul3A_208 = arith.mulf %get3A_207, %gather3A_203 : vector<16xf32>
        %swap3A_209 = arith.index_cast %add3A_201 : i32 to index
        %swap3A_210 = arith.constant 0 : index
        %swap3A_211 = tpu.vector_load %arg12[%swap3A_209, %swap3A_210] {strides = array<i32>} : memref<400x32xf32, #tpu.memory_space<vmem>>, vector<16xf32>,
        tpu.vector_store %arg12[%swap3A_209, %swap3A_210], %mul3A_208 {strides = array<i32>} : memref<400x32xf32, #tpu.memory_space<vmem>>, vector<16xf32>,
        %get3A_212 = arith.index_cast %add3A_201 : i32 to index
        %get3A_213 = arith.constant 16 : index
        %get3A_214 = tpu.vector_load %arg12[%get3A_212, %get3A_213] {strides = array<i32>} : memref<400x32xf32, #tpu.memory_space<vmem>>, vector<16xf32>,
        %mul3A_215 = arith.mulf %get3A_214, %gather3A_204 : vector<16xf32>
        %swap3A_216 = arith.index_cast %add3A_201 : i32 to index
        %swap3A_217 = arith.constant 16 : index
        %swap3A_218 = tpu.vector_load %arg12[%swap3A_216, %swap3A_217] {strides = array<i32>} : memref<400x32xf32, #tpu.memory_space<vmem>>, vector<16xf32>,
        tpu.vector_store %arg12[%swap3A_216, %swap3A_217], %mul3A_215 {strides = array<i32>} : memref<400x32xf32, #tpu.memory_space<vmem>>, vector<16xf32>,
        %scan3A_219 = arith.constant 0 : i32
        scf.yield %scan3A_219 : i32
      }
      %scan3A_64 = arith.constant 50 : i32
      "tpu.region"() ({
        %run_scoped3A = tpu.sem_alloc : memref<!tpu.dma_semaphore, #tpu.memory_space<semaphore_mem>>
        %dma_start3A_66 = arith.constant 0 : i32
        %dma_start3A_67 = arith.constant 0 : i32
        %dma_start3A_68 = tpu.memref_slice %arg7[%dma_start3A_66, %dma_start3A_67] : memref<50176x32xf32, #tpu.memory_space<vmem_shared>> -> memref<50176x32xf32, #tpu.memory_space<vmem_shared>>
        tpu.enqueue_indirect_dma source(%arg12 : memref<400x32xf32, #tpu.memory_space<vmem>>) target(%dma_start3A_68 : memref<50176x32xf32, #tpu.memory_space<vmem_shared>>) offsets(%arg8 : memref<400xi32, #tpu.memory_space<vmem>>) semaphore(%run_scoped3A : memref<!tpu.dma_semaphore, #tpu.memory_space<semaphore_mem>>) {add = true}
        %dma_wait3A_69 = arith.constant 0 : i32
        %dma_wait3A_70 = arith.constant 0 : i32
        %dma_wait3A_71 = tpu.memref_slice %arg7[%dma_wait3A_69, %dma_wait3A_70] : memref<50176x32xf32, #tpu.memory_space<vmem_shared>> -> memref<50176x32xf32, #tpu.memory_space<vmem_shared>>
        tpu.wait_indirect_dma semaphore(%run_scoped3A : memref<!tpu.dma_semaphore, #tpu.memory_space<semaphore_mem>>) src(%arg12 : memref<400x32xf32, #tpu.memory_space<vmem>>) dst(%dma_wait3A_71 : memref<50176x32xf32, #tpu.memory_space<vmem_shared>>)
        tpu.yield
      }) : () -> ()
      %scan3A_65 = arith.constant 0 : i32
      scf.yield %scan3A_65 : i32
    }
    %scan3A_37 = arith.constant 125 : i32
    %barrier3A_38 = arith.constant 0 : index
    tpu.barrier barrier_id(%barrier3A_38)
    "tpu.region"() ({
      %run_scoped3A = tpu.sem_alloc : memref<!tpu.dma_semaphore, #tpu.memory_space<semaphore_mem>>
      %dma_start3A = arith.constant 0 : i32
      %dma_start3A_39 = tpu.memref_slice %arg6[%arg0, %mul3A_7, %dma_start3A] : memref<2x50176x32xf32, #tpu.memory_space<hbm>> -> memref<1x3136x32xf32, #tpu.memory_space<hbm>>
      %dma_start3A_40 = tpu.memref_squeeze %dma_start3A_39 : memref<1x3136x32xf32, #tpu.memory_space<hbm>> -> memref<3136x32xf32, #tpu.memory_space<hbm>>
      %dma_start3A_41 = arith.constant 0 : i32
      %dma_start3A_42 = tpu.memref_slice %arg7[%mul3A_7, %dma_start3A_41] : memref<50176x32xf32, #tpu.memory_space<vmem_shared>> -> memref<3136x32xf32, #tpu.memory_space<vmem_shared>>
      tpu.enqueue_dma source(%dma_start3A_42 : memref<3136x32xf32, #tpu.memory_space<vmem_shared>>) target(%dma_start3A_40 : memref<3136x32xf32, #tpu.memory_space<hbm>>) target_semaphore(%run_scoped3A : memref<!tpu.dma_semaphore, #tpu.memory_space<semaphore_mem>>)
      %dma_wait3A = arith.constant 0 : i32
      %dma_wait3A_43 = tpu.memref_slice %arg6[%arg0, %mul3A_7, %dma_wait3A] : memref<2x50176x32xf32, #tpu.memory_space<hbm>> -> memref<1x3136x32xf32, #tpu.memory_space<hbm>>
      %dma_wait3A_44 = tpu.memref_squeeze %dma_wait3A_43 : memref<1x3136x32xf32, #tpu.memory_space<hbm>> -> memref<3136x32xf32, #tpu.memory_space<hbm>>
      %dma_wait3A_45 = arith.constant 0 : i32
      %dma_wait3A_46 = tpu.memref_slice %arg7[%mul3A_7, %dma_wait3A_45] : memref<50176x32xf32, #tpu.memory_space<vmem_shared>> -> memref<3136x32xf32, #tpu.memory_space<vmem_shared>>
      tpu.wait_dma2 semaphore(%run_scoped3A : memref<!tpu.dma_semaphore, #tpu.memory_space<semaphore_mem>>) src(%dma_wait3A_46 : memref<3136x32xf32, #tpu.memory_space<vmem_shared>>) dst(%dma_wait3A_44 : memref<3136x32xf32, #tpu.memory_space<hbm>>)
      tpu.yield
    }) : () -> ()
    return
  }
}

#map = affine_map<(d0, d1) -> (0, 0)>
#map1 = affine_map<(d0, d1) -> (0)>
#map2 = affine_map<(d0, d1) -> (0, 0, 0)>
module attributes {stable_mosaic.version = 14 : i64} {
  func.func @k(%arg0: i32, %arg1: i32, %arg2: memref<50000x64xf32, #tpu.memory_space<hbm>>, %arg3: memref<50000xi32, #tpu.memory_space<hbm>>, %arg4: memref<2x1024x64xf32, #tpu.memory_space<hbm>>, %arg5: memref<1024x64xf32, #tpu.memory_space<vmem_shared>>, %arg6: memref<400xi32, #tpu.memory_space<vmem>>, %arg7: memref<400x64xf32, #tpu.memory_space<vmem>>) attributes {dimension_semantics = [#tpu.dimension_semantics<core_parallel>, #tpu.dimension_semantics<subcore_parallel>], iteration_bounds = array<i64: 2, 16>, scalar_prefetch = 0 : i64, scratch_operands = 3 : i64, tpu.core_type = #tpu.core_type<sc_vector_subcore>, window_params = [{transform_indices = #map}, {transform_indices = #map1}, {transform_indices = #map2}]} {
    %mul3A = arith.constant 16 : i32
    %mul3A_0 = arith.muli %arg0, %mul3A : i32
    %add3A = arith.addi %mul3A_0, %arg1 : i32
    %broadcast_in_dim3A = arith.constant 0.000000e+00 : f32
    %broadcast_in_dim3A_1 = vector.broadcast %broadcast_in_dim3A : f32 to vector<16xf32>
    %scan3A = arith.constant 0 : i32
    %scan3A_2 = arith.constant 0 : i32
    %scan3A_3 = arith.constant 400 : i32
    %scan3A_4 = arith.addi %scan3A_2, %scan3A_3 : i32
    %scan3A_5 = arith.constant 1 : i32
    %scan3A_6 = scf.for %scan3A_30 = %scan3A_2 to %scan3A_4 step %scan3A_5 iter_args(%scan3A_31 = %scan3A) -> (i32)  : i32 {
      %swap3A = arith.index_cast %scan3A_30 : i32 to index
      %swap3A_32 = arith.constant 0 : index
      %swap3A_33 = tpu.vector_load %arg7[%swap3A, %swap3A_32] {strides = array<i32>} : memref<400x64xf32, #tpu.memory_space<vmem>>, vector<16xf32>,
      tpu.vector_store %arg7[%swap3A, %swap3A_32], %broadcast_in_dim3A_1 {strides = array<i32>} : memref<400x64xf32, #tpu.memory_space<vmem>>, vector<16xf32>,
      %swap3A_34 = arith.index_cast %scan3A_30 : i32 to index
      %swap3A_35 = arith.constant 16 : index
      %swap3A_36 = tpu.vector_load %arg7[%swap3A_34, %swap3A_35] {strides = array<i32>} : memref<400x64xf32, #tpu.memory_space<vmem>>, vector<16xf32>,
      tpu.vector_store %arg7[%swap3A_34, %swap3A_35], %broadcast_in_dim3A_1 {strides = array<i32>} : memref<400x64xf32, #tpu.memory_space<vmem>>, vector<16xf32>,
      %swap3A_37 = arith.index_cast %scan3A_30 : i32 to index
      %swap3A_38 = arith.constant 32 : index
      %swap3A_39 = tpu.vector_load %arg7[%swap3A_37, %swap3A_38] {strides = array<i32>} : memref<400x64xf32, #tpu.memory_space<vmem>>, vector<16xf32>,
      tpu.vector_store %arg7[%swap3A_37, %swap3A_38], %broadcast_in_dim3A_1 {strides = array<i32>} : memref<400x64xf32, #tpu.memory_space<vmem>>, vector<16xf32>,
      %swap3A_40 = arith.index_cast %scan3A_30 : i32 to index
      %swap3A_41 = arith.constant 48 : index
      %swap3A_42 = tpu.vector_load %arg7[%swap3A_40, %swap3A_41] {strides = array<i32>} : memref<400x64xf32, #tpu.memory_space<vmem>>, vector<16xf32>,
      tpu.vector_store %arg7[%swap3A_40, %swap3A_41], %broadcast_in_dim3A_1 {strides = array<i32>} : memref<400x64xf32, #tpu.memory_space<vmem>>, vector<16xf32>,
      %scan3A_43 = arith.constant 0 : i32
      scf.yield %scan3A_43 : i32
    }
    %scan3A_7 = arith.constant 400 : i32
    %mul3A_8 = arith.constant 64 : i32
    %mul3A_9 = arith.muli %arg1, %mul3A_8 : i32
    "tpu.region"() ({
      %run_scoped3A = tpu.sem_alloc : memref<!tpu.dma_semaphore, #tpu.memory_space<semaphore_mem>>
      %dma_start3A = arith.constant 0 : i32
      %dma_start3A_30 = arith.constant 0 : i32
      %dma_start3A_31 = tpu.memref_slice %arg7[%dma_start3A, %dma_start3A_30] : memref<400x64xf32, #tpu.memory_space<vmem>> -> memref<64x64xf32, #tpu.memory_space<vmem>>
      %dma_start3A_32 = arith.constant 0 : i32
      %dma_start3A_33 = tpu.memref_slice %arg5[%mul3A_9, %dma_start3A_32] : memref<1024x64xf32, #tpu.memory_space<vmem_shared>> -> memref<64x64xf32, #tpu.memory_space<vmem_shared>>
      %dma_start3A_34 = arith.constant 0 : i32
      %dma_start3A_35 = tpu.memref_slice %arg5[%mul3A_9, %dma_start3A_34] : memref<1024x64xf32, #tpu.memory_space<vmem_shared>> -> memref<64x64xf32, #tpu.memory_space<vmem_shared>>
      %dma_start3A_36 = arith.constant 0 : i32
      %dma_start3A_37 = arith.constant 0 : i32
      %dma_start3A_38 = tpu.memref_slice %arg7[%dma_start3A_36, %dma_start3A_37] : memref<400x64xf32, #tpu.memory_space<vmem>> -> memref<64x64xf32, #tpu.memory_space<vmem>>
      tpu.enqueue_dma source(%dma_start3A_38 : memref<64x64xf32, #tpu.memory_space<vmem>>) target(%dma_start3A_35 : memref<64x64xf32, #tpu.memory_space<vmem_shared>>) target_semaphore(%run_scoped3A : memref<!tpu.dma_semaphore, #tpu.memory_space<semaphore_mem>>)
      %dma_wait3A = arith.constant 0 : i32
      %dma_wait3A_39 = arith.constant 0 : i32
      %dma_wait3A_40 = tpu.memref_slice %arg7[%dma_wait3A, %dma_wait3A_39] : memref<400x64xf32, #tpu.memory_space<vmem>> -> memref<64x64xf32, #tpu.memory_space<vmem>>
      %dma_wait3A_41 = arith.constant 0 : i32
      %dma_wait3A_42 = tpu.memref_slice %arg5[%mul3A_9, %dma_wait3A_41] : memref<1024x64xf32, #tpu.memory_space<vmem_shared>> -> memref<64x64xf32, #tpu.memory_space<vmem_shared>>
      %dma_wait3A_43 = arith.constant 0 : i32
      %dma_wait3A_44 = tpu.memref_slice %arg5[%mul3A_9, %dma_wait3A_43] : memref<1024x64xf32, #tpu.memory_space<vmem_shared>> -> memref<64x64xf32, #tpu.memory_space<vmem_shared>>
      %dma_wait3A_45 = arith.constant 0 : i32
      %dma_wait3A_46 = arith.constant 0 : i32
      %dma_wait3A_47 = tpu.memref_slice %arg7[%dma_wait3A_45, %dma_wait3A_46] : memref<400x64xf32, #tpu.memory_space<vmem>> -> memref<64x64xf32, #tpu.memory_space<vmem>>
      tpu.wait_dma2 semaphore(%run_scoped3A : memref<!tpu.dma_semaphore, #tpu.memory_space<semaphore_mem>>) src(%dma_wait3A_47 : memref<64x64xf32, #tpu.memory_space<vmem>>) dst(%dma_wait3A_44 : memref<64x64xf32, #tpu.memory_space<vmem_shared>>)
      tpu.yield
    }) : () -> ()
    %barrier3A = arith.constant 0 : index
    tpu.barrier barrier_id(%barrier3A)
    %lt3A = arith.constant 29 : i32
    %lt3A_10 = arith.cmpi slt, %add3A, %lt3A : i32
    %jit3A = arith.constant 1 : i32
    %jit3A_11 = arith.constant 0 : i32
    %select_n3A = arith.select %lt3A_10, %jit3A, %jit3A_11 : i32
    %add3A_12 = arith.constant 3 : i32
    %add3A_13 = arith.addi %add3A_12, %select_n3A : i32
    %while3A = arith.constant 0 : i32
    %while3A_14 = arith.constant 0 : i32
    %while3A_15 = arith.subi %add3A_13, %while3A : i32
    %while3A_16 = arith.addi %while3A, %while3A_15 : i32
    %while3A_17 = arith.constant 1 : i32
    %while3A_18 = arith.divsi %while3A_15, %while3A_17 : i32
    %while3A_19 = arith.muli %while3A_18, %while3A_17 : i32
    %while3A_20 = arith.addi %while3A, %while3A_19 : i32
    %while3A_21 = arith.constant 1 : i32
    %while3A_22 = scf.for %while3A_30 = %while3A to %while3A_20 step %while3A_21 iter_args(%while3A_31 = %while3A_14) -> (i32)  : i32 {
      %mul3A_32 = arith.constant 32 : i32
      %mul3A_33 = arith.muli %while3A_30, %mul3A_32 : i32
      %add3A_34 = arith.addi %mul3A_33, %add3A : i32
      %mul3A_35 = arith.constant 400 : i32
      %mul3A_36 = arith.muli %add3A_34, %mul3A_35 : i32
      "tpu.region"() ({
        %run_scoped3A = tpu.sem_alloc : memref<!tpu.dma_semaphore, #tpu.memory_space<semaphore_mem>>
        %dma_start3A = tpu.memref_slice %arg3[%mul3A_36] : memref<50000xi32, #tpu.memory_space<hbm>> -> memref<400xi32, #tpu.memory_space<hbm>>
        %dma_start3A_38 = tpu.memref_slice %arg3[%mul3A_36] : memref<50000xi32, #tpu.memory_space<hbm>> -> memref<400xi32, #tpu.memory_space<hbm>>
        tpu.enqueue_dma source(%dma_start3A_38 : memref<400xi32, #tpu.memory_space<hbm>>) target(%arg6 : memref<400xi32, #tpu.memory_space<vmem>>) target_semaphore(%run_scoped3A : memref<!tpu.dma_semaphore, #tpu.memory_space<semaphore_mem>>)
        %dma_wait3A = tpu.memref_slice %arg3[%mul3A_36] : memref<50000xi32, #tpu.memory_space<hbm>> -> memref<400xi32, #tpu.memory_space<hbm>>
        %dma_wait3A_39 = tpu.memref_slice %arg3[%mul3A_36] : memref<50000xi32, #tpu.memory_space<hbm>> -> memref<400xi32, #tpu.memory_space<hbm>>
        tpu.wait_dma2 semaphore(%run_scoped3A : memref<!tpu.dma_semaphore, #tpu.memory_space<semaphore_mem>>) src(%dma_wait3A_39 : memref<400xi32, #tpu.memory_space<hbm>>) dst(%arg6 : memref<400xi32, #tpu.memory_space<vmem>>)
        tpu.yield
      }) : () -> ()
      "tpu.region"() ({
        %run_scoped3A = tpu.sem_alloc : memref<!tpu.dma_semaphore, #tpu.memory_space<semaphore_mem>>
        %dma_start3A = arith.constant 0 : i32
        %dma_start3A_38 = tpu.memref_slice %arg2[%mul3A_36, %dma_start3A] : memref<50000x64xf32, #tpu.memory_space<hbm>> -> memref<400x64xf32, #tpu.memory_space<hbm>>
        %dma_start3A_39 = arith.constant 0 : i32
        %dma_start3A_40 = tpu.memref_slice %arg2[%mul3A_36, %dma_start3A_39] : memref<50000x64xf32, #tpu.memory_space<hbm>> -> memref<400x64xf32, #tpu.memory_space<hbm>>
        tpu.enqueue_dma source(%dma_start3A_40 : memref<400x64xf32, #tpu.memory_space<hbm>>) target(%arg7 : memref<400x64xf32, #tpu.memory_space<vmem>>) target_semaphore(%run_scoped3A : memref<!tpu.dma_semaphore, #tpu.memory_space<semaphore_mem>>)
        %dma_wait3A = arith.constant 0 : i32
        %dma_wait3A_41 = tpu.memref_slice %arg2[%mul3A_36, %dma_wait3A] : memref<50000x64xf32, #tpu.memory_space<hbm>> -> memref<400x64xf32, #tpu.memory_space<hbm>>
        %dma_wait3A_42 = arith.constant 0 : i32
        %dma_wait3A_43 = tpu.memref_slice %arg2[%mul3A_36, %dma_wait3A_42] : memref<50000x64xf32, #tpu.memory_space<hbm>> -> memref<400x64xf32, #tpu.memory_space<hbm>>
        tpu.wait_dma2 semaphore(%run_scoped3A : memref<!tpu.dma_semaphore, #tpu.memory_space<semaphore_mem>>) src(%dma_wait3A_43 : memref<400x64xf32, #tpu.memory_space<hbm>>) dst(%arg7 : memref<400x64xf32, #tpu.memory_space<vmem>>)
        tpu.yield
      }) : () -> ()
      "tpu.region"() ({
        %run_scoped3A = tpu.sem_alloc : memref<!tpu.dma_semaphore, #tpu.memory_space<semaphore_mem>>
        %dma_start3A = arith.constant 0 : i32
        %dma_start3A_38 = arith.constant 0 : i32
        %dma_start3A_39 = tpu.memref_slice %arg5[%dma_start3A, %dma_start3A_38] : memref<1024x64xf32, #tpu.memory_space<vmem_shared>> -> memref<1024x64xf32, #tpu.memory_space<vmem_shared>>
        tpu.enqueue_indirect_dma source(%arg7 : memref<400x64xf32, #tpu.memory_space<vmem>>) target(%dma_start3A_39 : memref<1024x64xf32, #tpu.memory_space<vmem_shared>>) offsets(%arg6 : memref<400xi32, #tpu.memory_space<vmem>>) semaphore(%run_scoped3A : memref<!tpu.dma_semaphore, #tpu.memory_space<semaphore_mem>>) {add = true}
        %dma_wait3A = arith.constant 0 : i32
        %dma_wait3A_40 = arith.constant 0 : i32
        %dma_wait3A_41 = tpu.memref_slice %arg5[%dma_wait3A, %dma_wait3A_40] : memref<1024x64xf32, #tpu.memory_space<vmem_shared>> -> memref<1024x64xf32, #tpu.memory_space<vmem_shared>>
        tpu.wait_indirect_dma semaphore(%run_scoped3A : memref<!tpu.dma_semaphore, #tpu.memory_space<semaphore_mem>>) src(%arg7 : memref<400x64xf32, #tpu.memory_space<vmem>>) dst(%dma_wait3A_41 : memref<1024x64xf32, #tpu.memory_space<vmem_shared>>)
        tpu.yield
      }) : () -> ()
      %while3A_37 = arith.constant 0 : i32
      scf.yield %while3A_37 : i32
    }
    %while3A_23 = arith.constant 1 : i32
    %while3A_24 = scf.for %while3A_30 = %while3A_20 to %while3A_16 step %while3A_23 iter_args(%while3A_31 = %while3A_22) -> (i32)  : i32 {
      %mul3A_32 = arith.constant 32 : i32
      %mul3A_33 = arith.muli %while3A_30, %mul3A_32 : i32
      %add3A_34 = arith.addi %mul3A_33, %add3A : i32
      %mul3A_35 = arith.constant 400 : i32
      %mul3A_36 = arith.muli %add3A_34, %mul3A_35 : i32
      "tpu.region"() ({
        %run_scoped3A = tpu.sem_alloc : memref<!tpu.dma_semaphore, #tpu.memory_space<semaphore_mem>>
        %dma_start3A = tpu.memref_slice %arg3[%mul3A_36] : memref<50000xi32, #tpu.memory_space<hbm>> -> memref<400xi32, #tpu.memory_space<hbm>>
        %dma_start3A_38 = tpu.memref_slice %arg3[%mul3A_36] : memref<50000xi32, #tpu.memory_space<hbm>> -> memref<400xi32, #tpu.memory_space<hbm>>
        tpu.enqueue_dma source(%dma_start3A_38 : memref<400xi32, #tpu.memory_space<hbm>>) target(%arg6 : memref<400xi32, #tpu.memory_space<vmem>>) target_semaphore(%run_scoped3A : memref<!tpu.dma_semaphore, #tpu.memory_space<semaphore_mem>>)
        %dma_wait3A = tpu.memref_slice %arg3[%mul3A_36] : memref<50000xi32, #tpu.memory_space<hbm>> -> memref<400xi32, #tpu.memory_space<hbm>>
        %dma_wait3A_39 = tpu.memref_slice %arg3[%mul3A_36] : memref<50000xi32, #tpu.memory_space<hbm>> -> memref<400xi32, #tpu.memory_space<hbm>>
        tpu.wait_dma2 semaphore(%run_scoped3A : memref<!tpu.dma_semaphore, #tpu.memory_space<semaphore_mem>>) src(%dma_wait3A_39 : memref<400xi32, #tpu.memory_space<hbm>>) dst(%arg6 : memref<400xi32, #tpu.memory_space<vmem>>)
        tpu.yield
      }) : () -> ()
      "tpu.region"() ({
        %run_scoped3A = tpu.sem_alloc : memref<!tpu.dma_semaphore, #tpu.memory_space<semaphore_mem>>
        %dma_start3A = arith.constant 0 : i32
        %dma_start3A_38 = tpu.memref_slice %arg2[%mul3A_36, %dma_start3A] : memref<50000x64xf32, #tpu.memory_space<hbm>> -> memref<400x64xf32, #tpu.memory_space<hbm>>
        %dma_start3A_39 = arith.constant 0 : i32
        %dma_start3A_40 = tpu.memref_slice %arg2[%mul3A_36, %dma_start3A_39] : memref<50000x64xf32, #tpu.memory_space<hbm>> -> memref<400x64xf32, #tpu.memory_space<hbm>>
        tpu.enqueue_dma source(%dma_start3A_40 : memref<400x64xf32, #tpu.memory_space<hbm>>) target(%arg7 : memref<400x64xf32, #tpu.memory_space<vmem>>) target_semaphore(%run_scoped3A : memref<!tpu.dma_semaphore, #tpu.memory_space<semaphore_mem>>)
        %dma_wait3A = arith.constant 0 : i32
        %dma_wait3A_41 = tpu.memref_slice %arg2[%mul3A_36, %dma_wait3A] : memref<50000x64xf32, #tpu.memory_space<hbm>> -> memref<400x64xf32, #tpu.memory_space<hbm>>
        %dma_wait3A_42 = arith.constant 0 : i32
        %dma_wait3A_43 = tpu.memref_slice %arg2[%mul3A_36, %dma_wait3A_42] : memref<50000x64xf32, #tpu.memory_space<hbm>> -> memref<400x64xf32, #tpu.memory_space<hbm>>
        tpu.wait_dma2 semaphore(%run_scoped3A : memref<!tpu.dma_semaphore, #tpu.memory_space<semaphore_mem>>) src(%dma_wait3A_43 : memref<400x64xf32, #tpu.memory_space<hbm>>) dst(%arg7 : memref<400x64xf32, #tpu.memory_space<vmem>>)
        tpu.yield
      }) : () -> ()
      "tpu.region"() ({
        %run_scoped3A = tpu.sem_alloc : memref<!tpu.dma_semaphore, #tpu.memory_space<semaphore_mem>>
        %dma_start3A = arith.constant 0 : i32
        %dma_start3A_38 = arith.constant 0 : i32
        %dma_start3A_39 = tpu.memref_slice %arg5[%dma_start3A, %dma_start3A_38] : memref<1024x64xf32, #tpu.memory_space<vmem_shared>> -> memref<1024x64xf32, #tpu.memory_space<vmem_shared>>
        tpu.enqueue_indirect_dma source(%arg7 : memref<400x64xf32, #tpu.memory_space<vmem>>) target(%dma_start3A_39 : memref<1024x64xf32, #tpu.memory_space<vmem_shared>>) offsets(%arg6 : memref<400xi32, #tpu.memory_space<vmem>>) semaphore(%run_scoped3A : memref<!tpu.dma_semaphore, #tpu.memory_space<semaphore_mem>>) {add = true}
        %dma_wait3A = arith.constant 0 : i32
        %dma_wait3A_40 = arith.constant 0 : i32
        %dma_wait3A_41 = tpu.memref_slice %arg5[%dma_wait3A, %dma_wait3A_40] : memref<1024x64xf32, #tpu.memory_space<vmem_shared>> -> memref<1024x64xf32, #tpu.memory_space<vmem_shared>>
        tpu.wait_indirect_dma semaphore(%run_scoped3A : memref<!tpu.dma_semaphore, #tpu.memory_space<semaphore_mem>>) src(%arg7 : memref<400x64xf32, #tpu.memory_space<vmem>>) dst(%dma_wait3A_41 : memref<1024x64xf32, #tpu.memory_space<vmem_shared>>)
        tpu.yield
      }) : () -> ()
      %while3A_37 = arith.constant 0 : i32
      scf.yield %while3A_37 : i32
    }
    %barrier3A_25 = arith.constant 0 : index
    tpu.barrier barrier_id(%barrier3A_25)
    %mul3A_26 = arith.constant 64 : i32
    %mul3A_27 = arith.muli %arg1, %mul3A_26 : i32
    %mul3A_28 = arith.constant 64 : i32
    %mul3A_29 = arith.muli %arg1, %mul3A_28 : i32
    "tpu.region"() ({
      %run_scoped3A = tpu.sem_alloc : memref<!tpu.dma_semaphore, #tpu.memory_space<semaphore_mem>>
      %dma_start3A = arith.constant 0 : i32
      %dma_start3A_30 = tpu.memref_slice %arg4[%arg0, %mul3A_29, %dma_start3A] : memref<2x1024x64xf32, #tpu.memory_space<hbm>> -> memref<1x64x64xf32, #tpu.memory_space<hbm>>
      %dma_start3A_31 = tpu.memref_squeeze %dma_start3A_30 : memref<1x64x64xf32, #tpu.memory_space<hbm>> -> memref<64x64xf32, #tpu.memory_space<hbm>>
      %dma_start3A_32 = arith.constant 0 : i32
      %dma_start3A_33 = tpu.memref_slice %arg5[%mul3A_27, %dma_start3A_32] : memref<1024x64xf32, #tpu.memory_space<vmem_shared>> -> memref<64x64xf32, #tpu.memory_space<vmem_shared>>
      tpu.enqueue_dma source(%dma_start3A_33 : memref<64x64xf32, #tpu.memory_space<vmem_shared>>) target(%dma_start3A_31 : memref<64x64xf32, #tpu.memory_space<hbm>>) target_semaphore(%run_scoped3A : memref<!tpu.dma_semaphore, #tpu.memory_space<semaphore_mem>>)
      %dma_wait3A = arith.constant 0 : i32
      %dma_wait3A_34 = tpu.memref_slice %arg4[%arg0, %mul3A_29, %dma_wait3A] : memref<2x1024x64xf32, #tpu.memory_space<hbm>> -> memref<1x64x64xf32, #tpu.memory_space<hbm>>
      %dma_wait3A_35 = tpu.memref_squeeze %dma_wait3A_34 : memref<1x64x64xf32, #tpu.memory_space<hbm>> -> memref<64x64xf32, #tpu.memory_space<hbm>>
      %dma_wait3A_36 = arith.constant 0 : i32
      %dma_wait3A_37 = tpu.memref_slice %arg5[%mul3A_27, %dma_wait3A_36] : memref<1024x64xf32, #tpu.memory_space<vmem_shared>> -> memref<64x64xf32, #tpu.memory_space<vmem_shared>>
      tpu.wait_dma2 semaphore(%run_scoped3A : memref<!tpu.dma_semaphore, #tpu.memory_space<semaphore_mem>>) src(%dma_wait3A_37 : memref<64x64xf32, #tpu.memory_space<vmem_shared>>) dst(%dma_wait3A_35 : memref<64x64xf32, #tpu.memory_space<hbm>>)
      tpu.yield
    }) : () -> ()
    return
  }
}

module attributes {stable_mosaic.version = 14 : i64} {
  func.func @_nodeA_body(%arg0: i32, %arg1: memref<2000x32xf32, #tpu.memory_space<vmem>>, %arg2: memref<2000x32xf32, #tpu.memory_space<vmem>>, %arg3: memref<2000x4xf32, #tpu.memory_space<vmem>>, %arg4: memref<2000x32xf32, #tpu.memory_space<vmem>>, %arg5: memref<2000x32xf32, #tpu.memory_space<vmem>>, %arg6: memref<2000x4xf32, #tpu.memory_space<vmem>>, %arg7: memref<1x64xf32, #tpu.memory_space<vmem>>, %arg8: memref<2000x64xf32, #tpu.memory_space<vmem>>, %arg9: memref<1x2x64xf32, #tpu.memory_space<vmem>>) attributes {dimension_semantics = [#tpu.dimension_semantics<arbitrary>], iteration_bounds = array<i64: 25>, scalar_prefetch = 0 : i64, scratch_operands = 0 : i64, tpu.core_type = #tpu.core_type<tc>, window_params = [{transform_indices = @transform_0, window_bounds = array<i64: 2000, 32>}, {transform_indices = @transform_1, window_bounds = array<i64: 2000, 32>}, {transform_indices = @transform_2, window_bounds = array<i64: 2000, 4>}, {transform_indices = @transform_3, window_bounds = array<i64: 2000, 32>}, {transform_indices = @transform_4, window_bounds = array<i64: 2000, 32>}, {transform_indices = @transform_5, window_bounds = array<i64: 2000, 4>}, {pipeline_mode = #tpu.pipeline_mode<synchronous>, transform_indices = @transform_6, window_bounds = array<i64: 1, 64>}, {transform_indices = @transform_7, window_bounds = array<i64: 2000, 64>}, {transform_indices = @transform_8, window_bounds = array<i64: 1, 2, 64>}]} {
    %get3A = arith.constant 0 : index
    %get3A_0 = arith.constant 0 : index
    %get3A_1 = vector.load %arg1[%get3A, %get3A_0] : memref<2000x32xf32, #tpu.memory_space<vmem>>, vector<2000x32xf32>
    %get3A_2 = arith.constant 0 : index
    %get3A_3 = arith.constant 0 : index
    %get3A_4 = vector.load %arg2[%get3A_2, %get3A_3] : memref<2000x32xf32, #tpu.memory_space<vmem>>, vector<2000x32xf32>
    %get3A_5 = arith.constant 0 : index
    %get3A_6 = arith.constant 0 : index
    %get3A_7 = vector.load %arg3[%get3A_5, %get3A_6] : memref<2000x4xf32, #tpu.memory_space<vmem>>, vector<2000x4xf32>
    %get3A_8 = arith.constant 0 : index
    %get3A_9 = arith.constant 0 : index
    %get3A_10 = vector.load %arg6[%get3A_8, %get3A_9] : memref<2000x4xf32, #tpu.memory_space<vmem>>, vector<2000x4xf32>
    %add3A = arith.constant 1.000000e-16 : f32
    %add3A_11 = vector.broadcast %add3A : f32 to vector<2000x4xf32>
    %add3A_12 = arith.addf %get3A_7, %add3A_11 : vector<2000x4xf32>
    %div3A = arith.constant 1.000000e+00 : f32
    %div3A_13 = vector.broadcast %div3A : f32 to vector<2000x4xf32>
    %div3A_14 = arith.divf %div3A_13, %add3A_12 : vector<2000x4xf32>
    %get3A_15 = arith.constant 0 : index
    %get3A_16 = arith.constant 0 : index
    %get3A_17 = vector.load %arg4[%get3A_15, %get3A_16] : memref<2000x32xf32, #tpu.memory_space<vmem>>, vector<2000x32xf32>
    %slice3A = vector.extract_strided_slice %get3A_10 {offsets = [0, 0], sizes = [2000, 2], strides = [1, 1]} : vector<2000x4xf32> to vector<2000x2xf32>
    %broadcast_in_dim3A = vector.shape_cast %slice3A : vector<2000x2xf32> to vector<2000x2x1xf32>
    %broadcast_in_dim3A_18 = vector.shape_cast %broadcast_in_dim3A : vector<2000x2x1xf32> to vector<2000x2x1xf32>
    %broadcast_in_dim3A_19 = vector.broadcast %broadcast_in_dim3A_18 : vector<2000x2x1xf32> to vector<2000x2x16xf32>
    %reshape3A = vector.shape_cast %broadcast_in_dim3A_19 : vector<2000x2x16xf32> to vector<2000x32xf32>
    %mul3A = arith.mulf %get3A_17, %reshape3A : vector<2000x32xf32>
    %add3A_20 = arith.addf %get3A_1, %mul3A : vector<2000x32xf32>
    %slice3A_21 = vector.extract_strided_slice %div3A_14 {offsets = [0, 0], sizes = [2000, 2], strides = [1, 1]} : vector<2000x4xf32> to vector<2000x2xf32>
    %broadcast_in_dim3A_22 = vector.shape_cast %slice3A_21 : vector<2000x2xf32> to vector<2000x2x1xf32>
    %broadcast_in_dim3A_23 = vector.shape_cast %broadcast_in_dim3A_22 : vector<2000x2x1xf32> to vector<2000x2x1xf32>
    %broadcast_in_dim3A_24 = vector.broadcast %broadcast_in_dim3A_23 : vector<2000x2x1xf32> to vector<2000x2x16xf32>
    %reshape3A_25 = vector.shape_cast %broadcast_in_dim3A_24 : vector<2000x2x16xf32> to vector<2000x32xf32>
    %mul3A_26 = arith.mulf %add3A_20, %reshape3A_25 : vector<2000x32xf32>
    %get3A_27 = arith.constant 0 : index
    %get3A_28 = arith.constant 0 : index
    %get3A_29 = vector.load %arg5[%get3A_27, %get3A_28] : memref<2000x32xf32, #tpu.memory_space<vmem>>, vector<2000x32xf32>
    %slice3A_30 = vector.extract_strided_slice %get3A_10 {offsets = [0, 2], sizes = [2000, 2], strides = [1, 1]} : vector<2000x4xf32> to vector<2000x2xf32>
    %broadcast_in_dim3A_31 = vector.shape_cast %slice3A_30 : vector<2000x2xf32> to vector<2000x2x1xf32>
    %broadcast_in_dim3A_32 = vector.shape_cast %broadcast_in_dim3A_31 : vector<2000x2x1xf32> to vector<2000x2x1xf32>
    %broadcast_in_dim3A_33 = vector.broadcast %broadcast_in_dim3A_32 : vector<2000x2x1xf32> to vector<2000x2x16xf32>
    %reshape3A_34 = vector.shape_cast %broadcast_in_dim3A_33 : vector<2000x2x16xf32> to vector<2000x32xf32>
    %mul3A_35 = arith.mulf %get3A_29, %reshape3A_34 : vector<2000x32xf32>
    %add3A_36 = arith.addf %get3A_4, %mul3A_35 : vector<2000x32xf32>
    %slice3A_37 = vector.extract_strided_slice %div3A_14 {offsets = [0, 2], sizes = [2000, 2], strides = [1, 1]} : vector<2000x4xf32> to vector<2000x2xf32>
    %broadcast_in_dim3A_38 = vector.shape_cast %slice3A_37 : vector<2000x2xf32> to vector<2000x2x1xf32>
    %broadcast_in_dim3A_39 = vector.shape_cast %broadcast_in_dim3A_38 : vector<2000x2x1xf32> to vector<2000x2x1xf32>
    %broadcast_in_dim3A_40 = vector.broadcast %broadcast_in_dim3A_39 : vector<2000x2x1xf32> to vector<2000x2x16xf32>
    %reshape3A_41 = vector.shape_cast %broadcast_in_dim3A_40 : vector<2000x2x16xf32> to vector<2000x32xf32>
    %mul3A_42 = arith.mulf %add3A_36, %reshape3A_41 : vector<2000x32xf32>
    %concatenate3A = tpu.concatenate %mul3A_26, %mul3A_42 in 1 : vector<2000x32xf32>, vector<2000x32xf32> -> vector<2000x64xf32>
    %get3A_43 = arith.constant 0 : index
    %get3A_44 = arith.constant 0 : index
    %get3A_45 = vector.load %arg7[%get3A_43, %get3A_44] : memref<1x64xf32, #tpu.memory_space<vmem>>, vector<1x64xf32>
    %add3A_46 = vector.broadcast %get3A_45 : vector<1x64xf32> to vector<2000x64xf32>
    %add3A_47 = arith.addf %concatenate3A, %add3A_46 : vector<2000x64xf32>
    %swap3A = arith.constant 0 : index
    %swap3A_48 = arith.constant 0 : index
    %swap3A_49 = vector.load %arg8[%swap3A, %swap3A_48] : memref<2000x64xf32, #tpu.memory_space<vmem>>, vector<2000x64xf32>
    tpu.vector_store %arg8[%swap3A, %swap3A_48], %add3A_47 {strides = array<i32>} : memref<2000x64xf32, #tpu.memory_space<vmem>>, vector<2000x64xf32>,
    %reduce_sum3A = arith.constant dense<0.000000e+00> : vector<64xf32>
    %reduce_sum3A_50 = vector.multi_reduction <add>, %add3A_47, %reduce_sum3A [0] : vector<2000x64xf32> to vector<64xf32>
    %swap3A_51 = arith.constant 0 : index
    %swap3A_52 = arith.constant 0 : index
    %swap3A_53 = arith.constant 0 : index
    %swap3A_54 = vector.load %arg9[%swap3A_51, %swap3A_52, %swap3A_53] : memref<1x2x64xf32, #tpu.memory_space<vmem>>, vector<1x1x64xf32>
    %swap3A_55 = vector.shape_cast %swap3A_54 : vector<1x1x64xf32> to vector<64xf32>
    %swap3A_56 = vector.shape_cast %reduce_sum3A_50 : vector<64xf32> to vector<1x1x64xf32>
    tpu.vector_store %arg9[%swap3A_51, %swap3A_52, %swap3A_53], %swap3A_56 {strides = array<i32>} : memref<1x2x64xf32, #tpu.memory_space<vmem>>, vector<1x1x64xf32>,
    %mul3A_57 = arith.mulf %add3A_47, %add3A_47 : vector<2000x64xf32>
    %reduce_sum3A_58 = arith.constant dense<0.000000e+00> : vector<64xf32>
    %reduce_sum3A_59 = vector.multi_reduction <add>, %mul3A_57, %reduce_sum3A_58 [0] : vector<2000x64xf32> to vector<64xf32>
    %swap3A_60 = arith.constant 0 : index
    %swap3A_61 = arith.constant 1 : index
    %swap3A_62 = arith.constant 0 : index
    %swap3A_63 = vector.load %arg9[%swap3A_60, %swap3A_61, %swap3A_62] : memref<1x2x64xf32, #tpu.memory_space<vmem>>, vector<1x1x64xf32>
    %swap3A_64 = vector.shape_cast %swap3A_63 : vector<1x1x64xf32> to vector<64xf32>
    %swap3A_65 = vector.shape_cast %reduce_sum3A_59 : vector<64xf32> to vector<1x1x64xf32>
    tpu.vector_store %arg9[%swap3A_60, %swap3A_61, %swap3A_62], %swap3A_65 {strides = array<i32>} : memref<1x2x64xf32, #tpu.memory_space<vmem>>, vector<1x1x64xf32>,
    return
  }
  func.func @transform_0(%arg0: i32) -> (i32, i32) {
    %c0_i32 = arith.constant 0 : i32
    %c0_i32_0 = arith.constant 0 : i32
    return %arg0, %c0_i32 : i32, i32
  }
  func.func @transform_1(%arg0: i32) -> (i32, i32) {
    %c0_i32 = arith.constant 0 : i32
    %c0_i32_0 = arith.constant 0 : i32
    return %arg0, %c0_i32 : i32, i32
  }
  func.func @transform_2(%arg0: i32) -> (i32, i32) {
    %c0_i32 = arith.constant 0 : i32
    %c0_i32_0 = arith.constant 0 : i32
    return %arg0, %c0_i32 : i32, i32
  }
  func.func @transform_3(%arg0: i32) -> (i32, i32) {
    %c0_i32 = arith.constant 0 : i32
    %c0_i32_0 = arith.constant 0 : i32
    return %arg0, %c0_i32 : i32, i32
  }
  func.func @transform_4(%arg0: i32) -> (i32, i32) {
    %c0_i32 = arith.constant 0 : i32
    %c0_i32_0 = arith.constant 0 : i32
    return %arg0, %c0_i32 : i32, i32
  }
  func.func @transform_5(%arg0: i32) -> (i32, i32) {
    %c0_i32 = arith.constant 0 : i32
    %c0_i32_0 = arith.constant 0 : i32
    return %arg0, %c0_i32 : i32, i32
  }
  func.func @transform_6(%arg0: i32) -> (i32, i32) {
    %c0_i32 = arith.constant 0 : i32
    %c0_i32_0 = arith.constant 0 : i32
    %c0_i32_1 = arith.constant 0 : i32
    return %c0_i32, %c0_i32_0 : i32, i32
  }
  func.func @transform_7(%arg0: i32) -> (i32, i32) {
    %c0_i32 = arith.constant 0 : i32
    %c0_i32_0 = arith.constant 0 : i32
    return %arg0, %c0_i32 : i32, i32
  }
  func.func @transform_8(%arg0: i32) -> (i32, i32, i32) {
    %c0_i32 = arith.constant 0 : i32
    %c0_i32_0 = arith.constant 0 : i32
    %c0_i32_1 = arith.constant 0 : i32
    return %arg0, %c0_i32, %c0_i32_0 : i32, i32, i32
  }
}

module attributes {stable_mosaic.version = 14 : i64} {
  func.func @_nodeB_body(%arg0: i32, %arg1: memref<2000x64xf32, #tpu.memory_space<vmem>>, %arg2: memref<1x64xf32, #tpu.memory_space<vmem>>, %arg3: memref<1x64xf32, #tpu.memory_space<vmem>>, %arg4: memref<64x72xf32, #tpu.memory_space<vmem>>, %arg5: memref<2000x64xf32, #tpu.memory_space<vmem>>, %arg6: memref<2000x32xf32, #tpu.memory_space<vmem>>, %arg7: memref<2000x32xf32, #tpu.memory_space<vmem>>, %arg8: memref<2000x4xf32, #tpu.memory_space<vmem>>, %arg9: memref<2000x4xf32, #tpu.memory_space<vmem>>) attributes {dimension_semantics = [#tpu.dimension_semantics<arbitrary>], iteration_bounds = array<i64: 25>, scalar_prefetch = 0 : i64, scratch_operands = 0 : i64, tpu.core_type = #tpu.core_type<tc>, window_params = [{transform_indices = @transform_0, window_bounds = array<i64: 2000, 64>}, {pipeline_mode = #tpu.pipeline_mode<synchronous>, transform_indices = @transform_1, window_bounds = array<i64: 1, 64>}, {pipeline_mode = #tpu.pipeline_mode<synchronous>, transform_indices = @transform_2, window_bounds = array<i64: 1, 64>}, {pipeline_mode = #tpu.pipeline_mode<synchronous>, transform_indices = @transform_3, window_bounds = array<i64: 64, 72>}, {transform_indices = @transform_4, window_bounds = array<i64: 2000, 64>}, {transform_indices = @transform_5, window_bounds = array<i64: 2000, 32>}, {transform_indices = @transform_6, window_bounds = array<i64: 2000, 32>}, {transform_indices = @transform_7, window_bounds = array<i64: 2000, 4>}, {transform_indices = @transform_8, window_bounds = array<i64: 2000, 4>}]} {
    %get3A = arith.constant 0 : index
    %get3A_0 = arith.constant 0 : index
    %get3A_1 = vector.load %arg1[%get3A, %get3A_0] : memref<2000x64xf32, #tpu.memory_space<vmem>>, vector<2000x64xf32>
    %get3A_2 = arith.constant 0 : index
    %get3A_3 = arith.constant 0 : index
    %get3A_4 = vector.load %arg2[%get3A_2, %get3A_3] : memref<1x64xf32, #tpu.memory_space<vmem>>, vector<1x64xf32>
    %mul3A = vector.broadcast %get3A_4 : vector<1x64xf32> to vector<2000x64xf32>
    %mul3A_5 = arith.mulf %get3A_1, %mul3A : vector<2000x64xf32>
    %get3A_6 = arith.constant 0 : index
    %get3A_7 = arith.constant 0 : index
    %get3A_8 = vector.load %arg3[%get3A_6, %get3A_7] : memref<1x64xf32, #tpu.memory_space<vmem>>, vector<1x64xf32>
    %add3A = vector.broadcast %get3A_8 : vector<1x64xf32> to vector<2000x64xf32>
    %add3A_9 = arith.addf %mul3A_5, %add3A : vector<2000x64xf32>
    %max3A = arith.constant 0.000000e+00 : f32
    %max3A_10 = vector.broadcast %max3A : f32 to vector<2000x64xf32>
    %max3A_11 = arith.maximumf %add3A_9, %max3A_10 : vector<2000x64xf32>
    %swap3A = arith.constant 0 : index
    %swap3A_12 = arith.constant 0 : index
    %swap3A_13 = vector.load %arg5[%swap3A, %swap3A_12] : memref<2000x64xf32, #tpu.memory_space<vmem>>, vector<2000x64xf32>
    tpu.vector_store %arg5[%swap3A, %swap3A_12], %max3A_11 {strides = array<i32>} : memref<2000x64xf32, #tpu.memory_space<vmem>>, vector<2000x64xf32>,
    %get3A_14 = arith.constant 0 : index
    %get3A_15 = arith.constant 0 : index
    %get3A_16 = vector.load %arg4[%get3A_14, %get3A_15] : memref<64x72xf32, #tpu.memory_space<vmem>>, vector<64x72xf32>
    %dot_general3A = arith.constant dense<0.000000e+00> : vector<2000x72xf32>
    %dot_general3A_17 = tpu.matmul %max3A_11, %get3A_16, %dot_general3A {dimension_numbers = #tpu.dot_dimension_numbers<[1], [0], [0], [1], [0, 0, 1, 1], [], []>, transpose_lhs_hint = false} : vector<2000x64xf32>, vector<64x72xf32>, vector<2000x72xf32> -> vector<2000x72xf32>
    %slice3A = vector.extract_strided_slice %dot_general3A_17 {offsets = [0, 0], sizes = [2000, 32], strides = [1, 1]} : vector<2000x72xf32> to vector<2000x32xf32>
    %swap3A_18 = arith.constant 0 : index
    %swap3A_19 = arith.constant 0 : index
    %swap3A_20 = vector.load %arg6[%swap3A_18, %swap3A_19] : memref<2000x32xf32, #tpu.memory_space<vmem>>, vector<2000x32xf32>
    tpu.vector_store %arg6[%swap3A_18, %swap3A_19], %slice3A {strides = array<i32>} : memref<2000x32xf32, #tpu.memory_space<vmem>>, vector<2000x32xf32>,
    %slice3A_21 = vector.extract_strided_slice %dot_general3A_17 {offsets = [0, 32], sizes = [2000, 32], strides = [1, 1]} : vector<2000x72xf32> to vector<2000x32xf32>
    %swap3A_22 = arith.constant 0 : index
    %swap3A_23 = arith.constant 0 : index
    %swap3A_24 = vector.load %arg7[%swap3A_22, %swap3A_23] : memref<2000x32xf32, #tpu.memory_space<vmem>>, vector<2000x32xf32>
    tpu.vector_store %arg7[%swap3A_22, %swap3A_23], %slice3A_21 {strides = array<i32>} : memref<2000x32xf32, #tpu.memory_space<vmem>>, vector<2000x32xf32>,
    %slice3A_25 = vector.extract_strided_slice %dot_general3A_17 {offsets = [0, 64], sizes = [2000, 4], strides = [1, 1]} : vector<2000x72xf32> to vector<2000x4xf32>
    %swap3A_26 = arith.constant 0 : index
    %swap3A_27 = arith.constant 0 : index
    %swap3A_28 = vector.load %arg8[%swap3A_26, %swap3A_27] : memref<2000x4xf32, #tpu.memory_space<vmem>>, vector<2000x4xf32>
    tpu.vector_store %arg8[%swap3A_26, %swap3A_27], %slice3A_25 {strides = array<i32>} : memref<2000x4xf32, #tpu.memory_space<vmem>>, vector<2000x4xf32>,
    %slice3A_29 = vector.extract_strided_slice %dot_general3A_17 {offsets = [0, 68], sizes = [2000, 4], strides = [1, 1]} : vector<2000x72xf32> to vector<2000x4xf32>
    %swap3A_30 = arith.constant 0 : index
    %swap3A_31 = arith.constant 0 : index
    %swap3A_32 = vector.load %arg9[%swap3A_30, %swap3A_31] : memref<2000x4xf32, #tpu.memory_space<vmem>>, vector<2000x4xf32>
    tpu.vector_store %arg9[%swap3A_30, %swap3A_31], %slice3A_29 {strides = array<i32>} : memref<2000x4xf32, #tpu.memory_space<vmem>>, vector<2000x4xf32>,
    return
  }
  func.func @transform_0(%arg0: i32) -> (i32, i32) {
    %c0_i32 = arith.constant 0 : i32
    %c0_i32_0 = arith.constant 0 : i32
    return %arg0, %c0_i32 : i32, i32
  }
  func.func @transform_1(%arg0: i32) -> (i32, i32) {
    %c0_i32 = arith.constant 0 : i32
    %c0_i32_0 = arith.constant 0 : i32
    %c0_i32_1 = arith.constant 0 : i32
    return %c0_i32, %c0_i32_0 : i32, i32
  }
  func.func @transform_2(%arg0: i32) -> (i32, i32) {
    %c0_i32 = arith.constant 0 : i32
    %c0_i32_0 = arith.constant 0 : i32
    %c0_i32_1 = arith.constant 0 : i32
    return %c0_i32, %c0_i32_0 : i32, i32
  }
  func.func @transform_3(%arg0: i32) -> (i32, i32) {
    %c0_i32 = arith.constant 0 : i32
    %c0_i32_0 = arith.constant 0 : i32
    %c0_i32_1 = arith.constant 0 : i32
    return %c0_i32, %c0_i32_0 : i32, i32
  }
  func.func @transform_4(%arg0: i32) -> (i32, i32) {
    %c0_i32 = arith.constant 0 : i32
    %c0_i32_0 = arith.constant 0 : i32
    return %arg0, %c0_i32 : i32, i32
  }
  func.func @transform_5(%arg0: i32) -> (i32, i32) {
    %c0_i32 = arith.constant 0 : i32
    %c0_i32_0 = arith.constant 0 : i32
    return %arg0, %c0_i32 : i32, i32
  }
  func.func @transform_6(%arg0: i32) -> (i32, i32) {
    %c0_i32 = arith.constant 0 : i32
    %c0_i32_0 = arith.constant 0 : i32
    return %arg0, %c0_i32 : i32, i32
  }
  func.func @transform_7(%arg0: i32) -> (i32, i32) {
    %c0_i32 = arith.constant 0 : i32
    %c0_i32_0 = arith.constant 0 : i32
    return %arg0, %c0_i32 : i32, i32
  }
  func.func @transform_8(%arg0: i32) -> (i32, i32) {
    %c0_i32 = arith.constant 0 : i32
    %c0_i32_0 = arith.constant 0 : i32
    return %arg0, %c0_i32 : i32, i32
  }
}

</mosaic_0001>

<sc_bundles>
// kernel: kernel.15.cloned.1.call-start
scs
__scs_entry_jumppad:
0x0: {  	(pc) =	sbr.rel $0x88, $3  }
0x1: {  	(tag) =	ssettag $0x0;
	lr =	simm.s32 $0x1  }
0x2: {  	[smem:$0x3F91] =	sst lr;
	_ =	strace $0xD0000000  }
0x3: {  	_ = 	snop  }
0x4: {  	_ = 	snop  }
0x5: {  	_ = 	snop  }
0x6: {  	_ = 	snop  }
0x7: {  	_ = 	snop  }
__scs_overlays_trampoline_lowered:
0x8: {  	[smem:$0x3FA0] =	sst s0  }
0x9: {  	[smem:$0x3FA1] =	sst s1  }
0xa: {  	[smem:$0x3FA2] =	sst s2  }
0xb: {  	[smem:$0x3FA3] =	sst s3  }
0xc: {  	[smem:$0x3FA4] =	sst s4  }
0xd: {  	[smem:$0x3FA5] =	sst s5  }
0xe: {  	[smem:$0x3FA6] =	sst s6  }
0xf: {  	[smem:$0x3FA7] =	sst s7  }
0x10: {  	[smem:$0x3FA8] =	sst s8  }
0x11: {  	[smem:$0x3FA9] =	sst s9;
	s0 =	simm.s32 @!p0 $0x0  }
0x12: {  	s1 =	sld [smem:$0x3F8F];
	s0 =	simm.s32 @p0 $0x1  }
0x13: {  	[smem:$0x3FAA] =	sst s0;
	s0 =	simm.s32 @!p1 $0x0  }
0x14: {  	s2 =	sld [smem:$0x3F8E];
	s0 =	simm.s32 @p1 $0x1  }
0x15: {  	[smem:$0x3FAB] =	sst s0;
	s0 =	simm.s32 @!p2 $0x0  }
0x16: {  	s3 =	sld [smem:$0x3FDB];
	s0 =	simm.s32 @p2 $0x1  }
0x17: {  	s4 =	simm.s32 $0x1BF5;
	[smem:$0x3FAD] =	sst s0  }
0x18: {  	s0 =	sld [smem:$0x3F90];
	_ =	swait.ge [sflag:s4], $0x0  }
0x19: {  	s7 =	sld [smem:$0x3F91]  }
0x1a: {  	s8 =	sadd.s32 $0xFFFFE003, lr  }
0x1b: {  	s9 =	sadd.s32 $0xFFFFFEF7, lr;
	s5 =	simm.s32 $0xFFFFFFFF;
	p2 =	slt.u32 s8, $0xFFFFF086  }
0x1c: {  	p1 =	slt.u32 s9, $0xF7A;
	s5 =	simm.s32 @!p2 $0x0  }
0x1d: {  	s5 =	simm.s32 @p1 $0x1;
	p0 =	seq.s32 s7, s2  }
0x1e: {  	s7 =	smul.u32 @!p0 $0xF7A, s2;
	p2 =	seq.s32 @!p0 s5, $0x0  }
0x1f: {  	s9 =	smul.u32 $0xF7A, s1;
	s8 =	simm.s32 @!p0 $0x1BF5;
	p2 =	por !p2, p0  }
0x20: {  	[sflag:s8] =	ssyncset.s32 @!p0 $0xFFFFF086;
	s6 =	sadd.s32 @!p0 s3, s7;
	s7 =	simm.s32 @!p0 $0x108  }
0x21: {  	s3 =	sadd.s32 s3, s9;
	s6 =	sadd.s32 @!p0 $0x88, s6;
	s7 =	simm.s32 @p2 $0x1082  }
0x22: {  	[simem:s7], [sflag:s8] =	dma.local @!p0 [hbm:s6], $0xF7A  }
0x23: {  	s9 =	sor.u32 $0xD0000000, s2;
	s6 =	simm.s32 $0x108;
	_ =	swait.ge @!p0 [sflag:s8], $0x0  }
0x24: {  	s3 =	sadd.s32 $0x88, s3;
	s6 =	simm.s32 @!p1 $0x1082;
	[sflag:s4] =	ssyncset.s32 $0xFFFFF086  }
0x25: {  	[simem:s6], [sflag:s4] =	dma.local [hbm:s3], $0xF7A  }
0x26: {  	[smem:$0x3F91] =	sst s1;
	(tag) =	ssettag s2;
	_ =	strace s9  }
0x27: {  	s1 =	sld [smem:$0x3FA1]  }
0x28: {  	s2 =	sld [smem:$0x3FA2]  }
0x29: {  	s4 =	sld [smem:$0x3FA4]  }
0x2a: {  	p0 =	seq.s32 s5, $0x0;
	s5 =	sld [smem:$0x3FA5]  }
0x2b: {  	s6 =	sld [smem:$0x3FA6]  }
0x2c: {  	s7 =	sld [smem:$0x3FA7]  }
0x2d: {  	s3 =	simm.s32 $0x108;
	s8 =	sld [smem:$0x3FA8]  }
0x2e: {  	s3 =	simm.s32 @!p0 $0x1082;
	s9 =	sld [smem:$0x3FA9]  }
0x2f: {  	lr =	sadd.s32 s0, s3;
	s0 =	sld [smem:$0x3FA0]  }
0x30: {  	s3 =	sld [smem:$0x3FA3]  }
0x31: {  	[smem:$0x3FAC] =	sst s10  }
0x32: {  	s10 =	sld [smem:$0x3FAA];
	_ =	sdelay $0x3  }
0x33: {  	p0 =	seq.s32 s10, $0x1;
	s10 =	sld [smem:$0x3FAC];
	_ =	sdelay $0x3  }
0x34: {  	[smem:$0x3FAC] =	sst s10  }
0x35: {  	s10 =	sld [smem:$0x3FAB];
	_ =	sdelay $0x3  }
0x36: {  	p1 =	seq.s32 s10, $0x1;
	s10 =	sld [smem:$0x3FAC];
	_ =	sdelay $0x3  }
0x37: {  	[smem:$0x3FAC] =	sst s10  }
0x38: {  	s10 =	sld [smem:$0x3FAD]  }
0x39: {  	_ = 	snop;
	(pc) =	sbr.ind lr, $3  }
0x3a: {  	_ = 	snop  }
0x3b: {  	_ = 	snop  }
0x3c: {  	p2 =	seq.s32 s10, $0x1;
	s10 =	sld [smem:$0x3FAC]  }
0x3d: {  	_ =	shalt  }
0x3e: {  	_ =	shalt  }
0x3f: {  	_ =	shalt  }
0x40: {  	_ =	shalt  }
0x41: {  	_ =	shalt  }
0x42: {  	_ =	shalt  }
0x43: {  	_ =	shalt  }
0x44: {  	_ =	shalt  }
0x45: {  	_ =	shalt  }
0x46: {  	_ =	shalt  }
0x47: {  	_ =	shalt  }
0x48: {  	_ =	shalt  }
0x49: {  	_ =	shalt  }
0x4a: {  	_ =	shalt  }
0x4b: {  	_ =	shalt  }
0x4c: {  	_ =	shalt  }
0x4d: {  	_ =	shalt  }
0x4e: {  	_ =	shalt  }
0x4f: {  	_ =	shalt  }
0x50: {  	_ =	shalt  }
0x51: {  	_ =	shalt  }
0x52: {  	_ =	shalt  }
0x53: {  	_ =	shalt  }
0x54: {  	_ =	shalt  }
0x55: {  	_ =	shalt  }
0x56: {  	_ =	shalt  }
0x57: {  	_ =	shalt  }
0x58: {  	_ =	shalt  }
0x59: {  	_ =	shalt  }
0x5a: {  	_ =	shalt  }
0x5b: {  	_ =	shalt  }
0x5c: {  	_ =	shalt  }
0x5d: {  	_ =	shalt  }
0x5e: {  	_ =	shalt  }
0x5f: {  	_ =	shalt  }
0x60: {  	_ =	shalt  }
0x61: {  	_ =	shalt  }
0x62: {  	_ =	shalt  }
0x63: {  	_ =	shalt  }
0x64: {  	_ =	shalt  }
0x65: {  	_ =	shalt  }
0x66: {  	_ =	shalt  }
0x67: {  	_ =	shalt  }
0x68: {  	_ =	shalt  }
0x69: {  	_ =	shalt  }
0x6a: {  	_ =	shalt  }
0x6b: {  	_ =	shalt  }
0x6c: {  	_ =	shalt  }
0x6d: {  	_ =	shalt  }
0x6e: {  	_ =	shalt  }
0x6f: {  	_ =	shalt  }
0x70: {  	_ =	shalt  }
0x71: {  	_ =	shalt  }
0x72: {  	_ =	shalt  }
0x73: {  	_ =	shalt  }
0x74: {  	_ =	shalt  }
0x75: {  	_ =	shalt  }
0x76: {  	_ =	shalt  }
0x77: {  	_ =	shalt  }
0x78: {  	_ =	shalt  }
0x79: {  	_ =	shalt  }
0x7a: {  	_ =	shalt  }
0x7b: {  	_ =	shalt  }
0x7c: {  	_ =	shalt  }
0x7d: {  	_ =	shalt  }
0x7e: {  	_ =	shalt  }
0x7f: {  	_ =	shalt  }
0x80: {  	_ =	shalt  }
0x81: {  	_ =	shalt  }
0x82: {  	_ =	shalt  }
0x83: {  	_ =	shalt  }
0x84: {  	_ =	shalt  }
0x85: {  	_ =	shalt  }
0x86: {  	_ =	shalt  }
0x87: {  	_ =	shalt  }
.Lfunc_end0:
.L_simem_size_0:
called_computation_lowered:
.L_overlay_start_0:
0x88: {  	s2 =	sld [smem:$0x3FD9]  }
0x89: {  	s3 =	sld [smem:$0x3FFE];
	_ =	sdelay $0x1  }
0x8a: {  	s1 =	srdreg.scid  }
0x8b: {  	s0 =	sand.u32 $0x1, s1  }
0x8c: {  	s16 =	sshll.u32 s0, $0xA;
	s2 =	sadd.s32 s3, s2  }
0x8d: {  	s2 =	sadd.s32 s2, s16  }
0x8e: {  	[smem:$0x3FB8] =	sst s2  }
0x8f: {  	_ = 	snop  }
0x90: {  	(tm) =	ssettm $0x1  }
0x91: {  	s17 =	sld [smem:$0x3FFB];
	_ =	sdelay $0x3  }
0x92: {  	_ =	strace s17  }
0x93: {  	s2 =	sld [smem:$0x3FFC];
	_ =	sdelay $0x3  }
0x94: {  	_ =	strace s2  }
0x95: {  	s2 =	sld [smem:$0x3FFD];
	_ =	sdelay $0x3  }
0x96: {  	_ =	strace s2  }
0x97: {  	_ =	strace $0x8FFFFFFF  }
0x98: {  	s18 =	sld [smem:$0x3FDB];
	_ =	sdelay $0x1  }
0x99: {  	s19 =	simm.s32 $_scs_section_size  }
0x9a: {  	s4 =	simm.s32 $_size__tile_overlayer_lowered;
	s5 =	simm.s32 $_tile_overlayer_lowered  }
0x9b: {  	s22 =	simm.s32 $0x1BFF;
	s21 =	sshll.u32 s5, $0x1;
	s2 =	sadd.s32 s19, s18  }
0x9c: {  	s6 =	simm.s32 $0x0;
	s20 =	sshll.u32 s4, $0x1;
	s4 =	sadd.s32 s21, s2  }
0x9d: {  	[timem:s6], [sflag:s22] =	dma.local [hbm:s4], s20  }
0x9e: {  	_ =	swait.ge [sflag:s22], s20  }
0x9f: {  	s3 =	ssub.s32 $0x0, s20;
	[sflag:s22] =	ssyncset.done $0x0  }
0xa0: {  	[sflag:s22] =	ssyncadd.s32 s3;
	_ =	sdelay $0x1  }
0xa1: {  	s23 =	simm.s32 $0x1B8B  }
0xa2: {  	_ =	swait.ge [sflag:s23], $0x1  }
0xa3: {  	[sflag:s23] =	ssyncset.done $0x0  }
0xa4: {  	s25 =	simm.s32 $0x1B8E;
	s24 =	sld [smem:$0x3FFE];
	[sflag:s23] =	ssyncadd.s32 $0xFFFFFFFF  }
0xa5: {  	s26 =	simm.s32 $execute0_lowered;
	[smem:$0x3FD2] =	sst s25  }
0xa6: {  	s4 =	sshll.u32 s26, $0x1;
	_ =	strace $0x80000046;
	[dreg:$0x1] =	wrdreg $0xFFFFFFFF  }
0xa7: {  	s28 =	simm.s32 $_size_execute0_lowered;
	s2 =	sadd.s32 s2, s4;
	[dreg:$0x0] =	wrdreg $0x0  }
0xa8: {  	s4 =	sshll.u32 s28, $0x1;
	[dreg:$0x2] =	wrdreg s2  }
0xa9: {  	[dreg:$0x3] =	wrdreg s4  }
0xaa: {  	[dreg:$0x4] =	wrdreg $0xC0  }
0xab: {  	_ =	task [dreg:s6], $0x5FFFF  }
0xac: {  	[dreg:$0x1] =	wrdreg $0xFFFFFFFF  }
0xad: {  	[dreg:$0x0] =	wrdreg $0x60  }
0xae: {  	[dreg:$0x2] =	wrdreg s24  }
0xaf: {  	[dreg:$0x3] =	wrdreg $0x0  }
0xb0: {  	[dreg:$0x4] =	wrdreg $0x9  }
0xb1: {  	_ =	task.clear_ibuf [dreg:s6], $0x5FFFF;
	_ =	strace $0x90000046  }
0xb2: {  	s29 =	simm.s32 $0x9;
	_ =	strace $0x80000048  }
0xb3: {  	_ =	swait.ge [sflag:s29], $0x1  }
0xb4: {  	[sflag:s29] =	ssyncadd.s32 $0xFFFFFFFF  }
0xb5: {  	_ =	strace $0x90000048  }
0xb6: {  	_ =	sfence  }
0xb7: {  	s30 =	sld [smem:$0x0];
	_ =	sdelay $0x2  }
0xb8: {  	s31 =	sshll.u32 s1, $0xD;
	s1 =	sshrl.u32 s1, $0x2  }
0xb9: {  	s3 =	sand.u32 $0x4000, s31;
	s1 =	sadd.s32 s1, s30  }
0xba: {  	s0 =	sor.u32 s3, s0;
	s1 =	sshll.u32 s1, $0x11  }
0xbb: {  	s0 =	sor.u32 s1, s0  }
0xbc: {  	s0 =	sadd.s32 $0x8F2B, s0  }
0xbd: {  	[sflag:s0] =	ssyncadd.remote.s32 $0x1  }
0xbe: {  	_ =	sfence.sel $0xFFFF  }
0xbf: {  	[dreg:$0x0] =	wrdreg $0xFFFFFFFF;
	(pc) =	sbr.abs _section_cstart, $3  }
0xc0: {  	[dreg:$0x1] =	wrdreg $0xFFFFFFFF  }
0xc1: {  	_ =	task.clear_ibuf [dreg:s6], $0x2FFFF;
	_ =	strace $0x9FFFFFFF  }
0xc2: {  	(tm) =	ssettm $0x7FFFFFFF  }
0xc3: {  	_ =	shalt  }
tec
execute0_lowered:
.L_overlay_start_1:
0x0: {  	(tag) =	ssettag $0x1  }
0x1: {  	s0 =	rddreg [dreg:$0x0]  }
0x2: {  	s1 =	rddreg [dreg:$0x1];
	s2 =	simm.s32 $0x0  }
0x3: {  	s3 =	srdreg.scid;
	s15 =	stileid.u32;
	s18 =	simm.s32 $0xB418  }
0x4: {  	s19 =	simm.s32 $0x3;
	s21 =	simm.s32 $0xD358;
	s22 =	simm.s32 $0xB030  }
0x5: {  	s23 =	simm.s32 $0x8150;
	s24 =	simm.s32 $0x3E8;
	s25 =	simm.s32 $0x90F0  }
0x6: {  	s28 =	simm.s32 $0x1;
	s29 =	simm.s32 $0x2;
	[smem:$0x7FF] =	sst s2  }
0x7: {  	s30 =	simm.s32 $0x0;
	s4 =	sadd.s32 $0x10EE00, s0;
	s5 =	sadd.s32 $0x11B200, s0  }
0x8: {  	s3 =	sand.u32 $0x1, s3;
	s9 =	smul.u32 $0x6200, s15;
	s7 =	sadd.s32 $0x127A00, s0  }
0x9: {  	s6 =	sadd.s32 $0x32400, s0;
	s10 =	sadd.s32 $0x24D200, s0;
	s12 =	smul.u32 $0x18800, s15  }
0xa: {  	s8 =	sadd.s32 $0x19C00, s0;
	_ =	strace $0x80000047;
	s11 =	smul.u32 $0x62000, s3  }
0xb: {  	[dreg:$0x3] =	wrdreg s10;
	s10 =	sadd.s32 $0x359600, s0;
	s13 =	ssub.s32 $0x2, s3  }
0xc: {  	s3 =	sshll.u32 s3, $0x4;
	s14 =	sshrl.u32 s13, $0x1;
	s12 =	sshrl.u32 s12, $0x2  }
0xd: {  	s3 =	sor.u32 s15, s3;
	s11 =	sadd.s32 s9, s11;
	s17 =	ssub.s32 s13, s14  }
0xe: {  	s26 =	sadd.s32 s12, s1;
	s15 =	smul.u32 $0x19, s3;
	s11 =	sshrl.u32 s11, $0x3  }
0xf: {  	v4 =	vlaneseq.u32;
	v2 =	vimm.f32 $0.0e+00;
	s31 =	sadd.s32 $0x1F40, s26;
	s13 =	sadd.s32 $0x3E80, s26;
	s14 =	sadd.s32 $0x5DC0, s26  }
0x10: {  	v0 =	vshrl.u32 v4, $0x3;
	v1 =	vand.u32 $0x7, v4;
	v3 =	vshrl.u32 v4, $0x2;
	s17 =	smax.u32 s17, $0x1;
	s26 =	simm.s32 $0x6210;
	s0 =	sadd.s32 s11, s0  }
0x11: {  	v4 =	vand.u32 $0x3, v4;
	v0 =	vmul.u32 $0x8, v0;
	v3 =	vmul.u32 $0x8, v3;
	s11 =	sadd.s32 s9, s1;
	[dreg:$0x4] =	wrdreg s31;
	s16 =	sadd.s32 $0x24D400, s0  }
.LBB2_1:
0x12: {  	v5 =	vmov s2  }
0x13: {  	v5 =	vshll.u32 v5, $0x3  }
0x14: {  	v5 =	vor.u32 v0, v5  }
0x15: {  	s0 =	simm.s32 $0x2;
	v5 =	vor.u32 v1, v5  }
.LBB2_2:
0x16: {  	p0 =	sne.s32 s0, $0x3E6  }
.Ltmp0:
0x17: {  	_ = 	snop;
	(pc) =	sbr.rel @p0 .LBB2_2-.Ltmp0, $4  }
0x18: {  	v6 =	vmov s0  }
0x19: {  	v6 =	vshll.u32 v6, $0x3  }
0x1a: {  	v6 =	vor.u32 v0, v6  }
0x1b: {  	s0 =	sadd.s32 $0x2, s0;
	[tilespmem:v5+s18+$0x0] =	vst.idx.msk $0xffff, v2;
	v5 =	vor.u32 v1, v6  }
0x1c: {  	_ =	sdelay $0x3  }
0x1d: {  	[tilespmem:v5+s18+$0x0] =	vst.idx.msk $0xffff, v2  }
0x1e: {  	[spmem:s11] =	stream.linear.scatter [tilespmem:s18], [sflag:$0x3], $0x1F40, $0x38;
	[tilespmem:$0xD740] =	vst v63  }
0x1f: {  	_ =	swait.ge [sflag:s19], $0x1F40  }
0x20: {  	[sflag:s19] =	ssyncset.done $0x0  }
0x21: {  	s0 =	rddreg [dreg:$0x4];
	[sflag:s19] =	ssyncadd.s32 $0xFFFFE0C0  }
0x22: {  	[spmem:s0] =	stream.linear.scatter [tilespmem:s18], [sflag:$0x3], $0x1F40, $0x38;
	[tilespmem:$0xD740] =	vst v63  }
0x23: {  	_ =	swait.ge [sflag:s19], $0x1F40  }
0x24: {  	[sflag:s19] =	ssyncset.done $0x0  }
0x25: {  	[sflag:s19] =	ssyncadd.s32 $0xFFFFE0C0  }
0x26: {  	[spmem:s13] =	stream.linear.scatter [tilespmem:s18], [sflag:$0x3], $0x1F40, $0x38;
	[tilespmem:$0xD740] =	vst v63  }
0x27: {  	_ =	swait.ge [sflag:s19], $0x1F40  }
0x28: {  	[sflag:s19] =	ssyncset.done $0x0  }
0x29: {  	[sflag:s19] =	ssyncadd.s32 $0xFFFFE0C0  }
0x2a: {  	[spmem:s14] =	stream.linear.scatter [tilespmem:s18], [sflag:$0x3], $0x440, $0x38;
	[tilespmem:$0xD740] =	vst v63  }
0x2b: {  	_ =	swait.ge [sflag:s19], $0x440  }
0x2c: {  	[sflag:s19] =	ssyncset.done $0x0  }
0x2d: {  	[sflag:s19] =	ssyncadd.s32 $0xFFFFFBC0  }
0x2e: {  	[bflag:$0x0] =	sbarrier.arrive $0xFFFF  }
0x2f: {  	s31 =	simm.s32 $0x0;
	s3 =	simm.s32 $0x6200;
	s20 =	rddreg [dreg:$0x3]  }
0x30: {  	[tilespmem:s3], [sflag:$0x3] =	stream.linear.gather [hbm4b:s20+s31], $0x10, $0x38;
	[tilespmem:$0xD740] =	vst v63  }
0x31: {  	_ =	swait.ge [sflag:s19], $0x10  }
0x32: {  	[sflag:s19] =	ssyncset.done $0x0  }
0x33: {  	[sflag:s19] =	ssyncadd.s32 $0xFFFFFFF0  }
0x34: {  	v5 =	vld [tilespmem:$0x6200]  }
.LBB2_4:
0x35: {  	s0 =	sadd.s32 s15, s31  }
0x36: {  	s3 =	smul.u32 $0x7D, s0;
	_ =	sdelay $0x1  }
0x37: {  	s9 =	sadd.s32 s6, s3  }
0x38: {  	[tilespmem:s21], [sflag:$0x3] =	stream.linear.gather [hbm4b:s9+s2], $0x3E8, $0x38;
	[tilespmem:$0xD740] =	vst v63  }
0x39: {  	_ =	swait.ge [sflag:s19], $0x3E8  }
0x3a: {  	[sflag:s19] =	ssyncset.done $0x0  }
0x3b: {  	s3 =	sadd.s32 s8, s3;
	[sflag:s19] =	ssyncadd.s32 $0xFFFFFC18  }
0x3c: {  	[tilespmem:s22], [sflag:$0x3] =	stream.linear.gather [hbm4b:s3+s2], $0x3E8, $0x38;
	[tilespmem:$0xD740] =	vst v63  }
0x3d: {  	s12 =	smul.u32 $0x1F4, s0;
	_ =	swait.ge [sflag:s19], $0x3E8  }
0x3e: {  	[sflag:s19] =	ssyncset.done $0x0  }
0x3f: {  	s3 =	sadd.s32 s7, s12;
	[sflag:s19] =	ssyncadd.s32 $0xFFFFFC18  }
0x40: {  	[tilespmem:s23], [sflag:$0x3] =	stream.linear.gather [hbm4b:s3+s2], $0xFA0, $0x38;
	[tilespmem:$0xD740] =	vst v63  }
0x41: {  	_ =	swait.ge [sflag:s19], $0xFA0  }
0x42: {  	[sflag:s19] =	ssyncset.done $0x0  }
0x43: {  	s20 =	simm.s32 $0x0;
	[sflag:s19] =	ssyncadd.s32 $0xFFFFF060  }
0x44: {  	[tilespmem:s25], [sflag:$0x1] =	stream.indirect.gather [hbm4b:s4+s24], $0x8, s21, s24, $0xb8;
	[tilespmem:$0xD740] =	vst v63  }
0x45: {  	v6 =	vmov s20  }
0x46: {  	v6 =	vshll.u32 v6, $0x3;
	[tilespmem:s26], [sflag:$0x2] =	stream.indirect.gather [hbm4b:s5+s24], $0x8, s22, s24, $0xb8;
	[tilespmem:$0xD740] =	vst v63  }
0x47: {  	v6 =	vor.u32 v3, v6;
	_ =	swait.ge [sflag:s28], $0x1F40  }
0x48: {  	v7 =	vor.u32 v4, v6;
	[sflag:s28] =	ssyncset.done $0x0  }
0x49: {  	[sflag:s28] =	ssyncadd.s32 $0xFFFFE0C0  }
0x4a: {  	_ =	swait.ge [sflag:s29], $0x1F40  }
0x4b: {  	[sflag:s29] =	ssyncset.done $0x0  }
0x4c: {  	[sflag:s29] =	ssyncadd.s32 $0xFFFFE0C0  }
0x4d: {  	v6 =	vld.idx.msk [tilespmem:v7+s25+$0x0], $0xffff  }
0x4e: {  	v8 =	vld.idx.msk [tilespmem:v7+s26+$0x0], $0xffff  }
0x4f: {  	s20 =	simm.s32 $0x8160  }
0x50: {  	v9 =	vld [tilespmem:s20+$0xFFFFFFF0];
	_ =	sdelay $0x2  }
0x51: {  	v6 =	vadd.f32 v8, v6;
	_ =	sdelay $0x1  }
0x52: {  	v6 =	vadd.f32 v9, v6;
	_ =	sdelay $0x1  }
0x53: {  	v8 =	vmul.f32 $2.000000030e-01, v6  }
0x54: {  	vm0 =	vgt.f32 v6, $0.0e+00  }
0x55: {  	v6 =	vsel vm0, v6, v8  }
0x56: {  	v6 =	vsub.f32 v6, v5;
	_ =	sdelay $0x1  }
0x57: {  	v6 =	vmul.f32 $1.442695020e+00, v6;
	_ =	sdelay $0x1  }
0x58: {  	(erf) = vpow2.f32 v6;
	_ =	sdelay $0x1  }
0x59: {  	s9 =	simm.s32 $0x4  }
0x5a: {  	v6 =	vmov s9  }
0x5b: {  	v6 =	vshll.u32 v6, $0x3  }
0x5c: {  	v6 =	vor.u32 v3, v6  }
0x5d: {  	v6 =	vor.u32 v4, v6;
	_ =	sdelay $0x2  }
0x5e: {  	v8 =	vpop (erf)  }
0x5f: {  	[tilespmem:v7+s18+$0x0] =	vst.idx.msk $0xffff, v8  }
0x60: {  	v7 =	vld.idx.msk [tilespmem:v6+s25+$0x0], $0xffff  }
0x61: {  	v8 =	vld.idx.msk [tilespmem:v6+s26+$0x0], $0xffff;
	_ =	sdelay $0x1  }
0x62: {  	v63 =	vld [tilespmem:s20+$0x0];
	_ =	sdelay $0x2  }
0x63: {  	v7 =	vadd.f32 v8, v7;
	_ =	sdelay $0x1  }
0x64: {  	v7 =	vadd.f32 v63, v7;
	_ =	sdelay $0x1  }
0x65: {  	v8 =	vmul.f32 $2.000000030e-01, v7  }
0x66: {  	vm15 =	vgt.f32 v7, $0.0e+00  }
0x67: {  	v7 =	vsel vm15, v7, v8  }
0x68: {  	v7 =	vsub.f32 v7, v5;
	_ =	sdelay $0x1  }
0x69: {  	v7 =	vmul.f32 $1.442695020e+00, v7;
	_ =	sdelay $0x1  }
0x6a: {  	(erf) = vpow2.f32 v7;
	_ =	sdelay $0x1  }
0x6b: {  	s12 =	simm.s32 $0x8  }
0x6c: {  	v8 =	vmov s12  }
0x6d: {  	v8 =	vshll.u32 v8, $0x3  }
0x6e: {  	v8 =	vor.u32 v3, v8  }
0x6f: {  	s3 =	simm.s32 $0xC;
	s9 =	simm.s32 $0x14;
	v7 =	vor.u32 v4, v8  }
.LBB2_5:
0x70: {  	p0 =	sne.s32 s9, $0x3E4  }
0x71: {  	s20 =	sadd.s32 $0x20, s20;
	s12 =	smov.u32 s9;
	s9 =	sadd.s32 $0x8, s9  }
0x72: {  	v8 =	vpop (erf)  }
0x73: {  	[tilespmem:v6+s18+$0x0] =	vst.idx.msk $0xffff, v8  }
0x74: {  	v6 =	vld.idx.msk [tilespmem:v7+s25+$0x0], $0xffff  }
0x75: {  	v8 =	vld.idx.msk [tilespmem:v7+s26+$0x0], $0xffff;
	_ =	sdelay $0x1  }
0x76: {  	v9 =	vld [tilespmem:s20+$0xFFFFFFF0];
	_ =	sdelay $0x3  }
0x77: {  	v6 =	vadd.f32 v8, v6;
	_ =	sdelay $0x1  }
0x78: {  	v6 =	vadd.f32 v9, v6;
	_ =	sdelay $0x1  }
0x79: {  	vm0 =	vgt.f32 v6, $0.0e+00;
	v8 =	vmul.f32 $2.000000030e-01, v6;
	_ =	sdelay $0x1  }
0x7a: {  	v6 =	vsel vm0, v6, v8  }
0x7b: {  	v6 =	vsub.f32 v6, v5;
	_ =	sdelay $0x1  }
0x7c: {  	v6 =	vmul.f32 $1.442695020e+00, v6;
	_ =	sdelay $0x1  }
0x7d: {  	(erf) = vpow2.f32 v6;
	_ =	sdelay $0x2  }
0x7e: {  	v6 =	vmov s3;
	s3 =	smov.u32 s12  }
0x7f: {  	v6 =	vshll.u32 v6, $0x3  }
0x80: {  	v6 =	vor.u32 v3, v6  }
0x81: {  	v6 =	vor.u32 v4, v6;
	_ =	sdelay $0x2  }
0x82: {  	v8 =	vpop (erf)  }
0x83: {  	[tilespmem:v7+s18+$0x0] =	vst.idx.msk $0xffff, v8  }
0x84: {  	v7 =	vld.idx.msk [tilespmem:v6+s25+$0x0], $0xffff  }
0x85: {  	v8 =	vld.idx.msk [tilespmem:v6+s26+$0x0], $0xffff  }
0x86: {  	v9 =	vld [tilespmem:s20+$0x0];
	_ =	sdelay $0x4  }
0x87: {  	v7 =	vadd.f32 v8, v7;
	_ =	sdelay $0x1  }
0x88: {  	v7 =	vadd.f32 v9, v7;
	_ =	sdelay $0x1  }
0x89: {  	vm0 =	vgt.f32 v7, $0.0e+00;
	v8 =	vmul.f32 $2.000000030e-01, v7;
	_ =	sdelay $0x1  }
0x8a: {  	v7 =	vsel vm0, v7, v8  }
0x8b: {  	v7 =	vsub.f32 v7, v5;
	_ =	sdelay $0x1  }
0x8c: {  	v7 =	vmul.f32 $1.442695020e+00, v7;
	_ =	sdelay $0x1  }
0x8d: {  	(erf) = vpow2.f32 v7;
	_ =	sdelay $0x1  }
.Ltmp1:
0x8e: {  	s12 =	sadd.s32 $0xFFFFFFFC, s3;
	(pc) =	sbr.rel @p0 .LBB2_5-.Ltmp1, $4  }
0x8f: {  	v7 =	vmov s12  }
0x90: {  	v7 =	vshll.u32 v7, $0x3  }
0x91: {  	v7 =	vor.u32 v3, v7  }
0x92: {  	v7 =	vor.u32 v4, v7  }
0x93: {  	_ =	sdelay $0x2  }
0x94: {  	v8 =	vpop (erf)  }
0x95: {  	[tilespmem:v6+s18+$0x0] =	vst.idx.msk $0xffff, v8  }
0x96: {  	v6 =	vld.idx.msk [tilespmem:v7+s25+$0x0], $0xffff  }
0x97: {  	v8 =	vld.idx.msk [tilespmem:v7+s26+$0x0], $0xffff  }
0x98: {  	s9 =	sadd.s32 $0x20, s20  }
0x99: {  	v9 =	vld [tilespmem:s9+$0xFFFFFFF0];
	_ =	sdelay $0x2  }
0x9a: {  	v6 =	vadd.f32 v8, v6;
	_ =	sdelay $0x1  }
0x9b: {  	v6 =	vadd.f32 v9, v6;
	_ =	sdelay $0x1  }
0x9c: {  	v60 =	vmul.f32 $2.000000030e-01, v6  }
0x9d: {  	vm0 =	vgt.f32 v6, $0.0e+00  }
0x9e: {  	v6 =	vsel vm0, v6, v60  }
0x9f: {  	v6 =	vsub.f32 v6, v5;
	_ =	sdelay $0x1  }
0xa0: {  	v6 =	vmul.f32 $1.442695020e+00, v6;
	_ =	sdelay $0x1  }
0xa1: {  	(erf) = vpow2.f32 v6;
	_ =	sdelay $0x2  }
0xa2: {  	v6 =	vmov s3  }
0xa3: {  	v6 =	vshll.u32 v6, $0x3  }
0xa4: {  	v6 =	vor.u32 v3, v6  }
0xa5: {  	v6 =	vor.u32 v4, v6;
	_ =	sdelay $0x2  }
0xa6: {  	v61 =	vpop (erf)  }
0xa7: {  	[tilespmem:v7+s18+$0x0] =	vst.idx.msk $0xffff, v61  }
0xa8: {  	v7 =	vld.idx.msk [tilespmem:v6+s25+$0x0], $0xffff  }
0xa9: {  	v8 =	vld.idx.msk [tilespmem:v6+s26+$0x0], $0xffff;
	_ =	sdelay $0x1  }
0xaa: {  	v62 =	vld [tilespmem:s9+$0x0];
	_ =	sdelay $0x2  }
0xab: {  	v7 =	vadd.f32 v8, v7;
	_ =	sdelay $0x1  }
0xac: {  	v7 =	vadd.f32 v62, v7;
	_ =	sdelay $0x1  }
0xad: {  	v63 =	vmul.f32 $2.000000030e-01, v7  }
0xae: {  	vm15 =	vgt.f32 v7, $0.0e+00  }
0xaf: {  	v7 =	vsel vm15, v7, v63  }
0xb0: {  	v7 =	vsub.f32 v7, v5;
	_ =	sdelay $0x1  }
0xb1: {  	v7 =	vmul.f32 $1.442695020e+00, v7;
	_ =	sdelay $0x1  }
0xb2: {  	(erf) = vpow2.f32 v7;
	_ =	sdelay $0x8  }
0xb3: {  	v7 =	vpop (erf)  }
0xb4: {  	[tilespmem:v6+s18+$0x0] =	vst.idx.msk $0xffff, v7  }
0xb5: {  	[spmem:s1] =	stream.indirect.scatter.add.f32 [tilespmem:s18], [sflag:$0x3], $0x8, s22, s24, $0xb8;
	[tilespmem:$0xD740] =	vst v63  }
0xb6: {  	s0 =	smul.u32 $0x3E8, s0;
	s31 =	sadd.s32 $0x1, s31;
	_ =	swait.ge [sflag:s19], $0x1F40  }
0xb7: {  	p0 =	sne.s32 s31, $0x19;
	[sflag:s19] =	ssyncset.done $0x0  }
.Ltmp2:
0xb8: {  	s0 =	sadd.s32 s10, s0;
	[sflag:s19] =	ssyncadd.s32 $0xFFFFE0C0;
	(pc) =	sbr.rel @p0 .LBB2_4-.Ltmp2, $4  }
0xb9: {  	[hbm4b:s0+s2] =	stream.linear.scatter [tilespmem:s18], [sflag:$0x3], $0x1F40, $0x38;
	[tilespmem:$0xD740] =	vst v63  }
0xba: {  	_ =	swait.ge [sflag:s19], $0x1F40  }
0xbb: {  	[sflag:s19] =	ssyncset.done $0x0  }
0xbc: {  	[sflag:s19] =	ssyncadd.s32 $0xFFFFE0C0  }
0xbd: {  	s0 =	stileid.u32;
	s30 =	sadd.s32 $0x1, s30  }
0xbe: {  	[bflag:$0x0] =	sbarrier.arrive $0xFFFF;
	s0 =	sshll.u32 s0, $0x6;
	p0 =	sne.s32 s30, s17  }
.Ltmp3:
0xbf: {  	s3 =	sshrl.u32 s11, $0x3;
	s0 =	sor.u32 $0x1C03, s0;
	(pc) =	sbr.rel @p0 .LBB2_1-.Ltmp3, $4  }
0xc0: {  	[hbm:s16], [sflag:s0] =	dma.local [spmem:s3], $0xC40  }
0xc1: {  	_ =	swait.ge [sflag:s19], $0xC40  }
0xc2: {  	[sflag:s19] =	ssyncset.done $0x0  }
0xc3: {  	[sflag:s19] =	ssyncadd.s32 $0xFFFFF3C0  }
0xc4: {  	_ =	sfence.sel $0x180000  }
0xc5: {  	[bflag:$0x0] =	sbarrier.arrive $0xFFFF  }
0xc6: {  	_ =	strace $0x90000047  }
0xc7: {  	s0 =	stileid.u32;
	[bflag:$0x2] =	sbarrier.arrive $0xFFFF  }
0xc8: {  	p0 =	sne.s32 s0, $0x0;
	s0 =	rddreg [dreg:$0x2]  }
0xc9: {  	s0 =	sadd.s32 @!p0 $0x100000, s0  }
0xca: {  	[sflag:s0] =	ssyncadd.tile.s32 @!p0 $0x1;
	_ =	shalt  }
.Lfunc_end2:
_tile_overlayer_lowered:
.L_overlay_start_2:
0xcb: {  	(tag) =	ssettag $0x2  }
0xcc: {  	s0 =	rddreg [dreg:$0x0];
	s2 =	stileid.u32  }
0xcd: {  	s1 =	rddreg [dreg:$0x1];
	p0 =	sne.s32 s2, $0x0  }
0xce: {  	s3 =	rddreg [dreg:$0x2];
	[bflag:$0x3] =	sbarrier.arrive $0xFFFF;
	s2 =	simm.s32 @!p0 $0x1C03  }
0xcf: {  	[timem:s3], [sflag:s2] =	dma.local @!p0 [hbm:s0], s1  }
0xd0: {  	s0 =	simm.s32 @!p0 $0x3  }
0xd1: {  	_ =	swait.ge @!p0 [sflag:s0], s1  }
0xd2: {  	s1 =	ssub.s32 @!p0 $0x0, s1;
	[sflag:s0] =	ssyncset.done @!p0 $0x0  }
0xd3: {  	[sflag:s0] =	ssyncadd.s32 @!p0 s1  }
0xd4: {  	[bflag:$0x3] =	sbarrier.arrive $0xFFFF  }
0xd5: {  	_ =	shalt  }

// kernel: kernel.18.cloned.1.call-start
scs
__scs_entry_jumppad:
0x0: {  	(pc) =	sbr.rel $0x88, $3  }
0x1: {  	(tag) =	ssettag $0x0;
	lr =	simm.s32 $0x1  }
0x2: {  	[smem:$0x3F91] =	sst lr;
	_ =	strace $0xD0000000  }
0x3: {  	_ = 	snop  }
0x4: {  	_ = 	snop  }
0x5: {  	_ = 	snop  }
0x6: {  	_ = 	snop  }
0x7: {  	_ = 	snop  }
__scs_overlays_trampoline_lowered:
0x8: {  	[smem:$0x3FA0] =	sst s0  }
0x9: {  	[smem:$0x3FA1] =	sst s1  }
0xa: {  	[smem:$0x3FA2] =	sst s2  }
0xb: {  	[smem:$0x3FA3] =	sst s3  }
0xc: {  	[smem:$0x3FA4] =	sst s4  }
0xd: {  	[smem:$0x3FA5] =	sst s5  }
0xe: {  	[smem:$0x3FA6] =	sst s6  }
0xf: {  	[smem:$0x3FA7] =	sst s7  }
0x10: {  	[smem:$0x3FA8] =	sst s8  }
0x11: {  	[smem:$0x3FA9] =	sst s9;
	s0 =	simm.s32 @!p0 $0x0  }
0x12: {  	s1 =	sld [smem:$0x3F8F];
	s0 =	simm.s32 @p0 $0x1  }
0x13: {  	[smem:$0x3FAA] =	sst s0;
	s0 =	simm.s32 @!p1 $0x0  }
0x14: {  	s2 =	sld [smem:$0x3F8E];
	s0 =	simm.s32 @p1 $0x1  }
0x15: {  	[smem:$0x3FAB] =	sst s0;
	s0 =	simm.s32 @!p2 $0x0  }
0x16: {  	s3 =	sld [smem:$0x3FDB];
	s0 =	simm.s32 @p2 $0x1  }
0x17: {  	s4 =	simm.s32 $0x1BF5;
	[smem:$0x3FAD] =	sst s0  }
0x18: {  	s0 =	sld [smem:$0x3F90];
	_ =	swait.ge [sflag:s4], $0x0  }
0x19: {  	s7 =	sld [smem:$0x3F91]  }
0x1a: {  	s8 =	sadd.s32 $0xFFFFE003, lr  }
0x1b: {  	s9 =	sadd.s32 $0xFFFFFEF7, lr;
	s5 =	simm.s32 $0xFFFFFFFF;
	p2 =	slt.u32 s8, $0xFFFFF086  }
0x1c: {  	p1 =	slt.u32 s9, $0xF7A;
	s5 =	simm.s32 @!p2 $0x0  }
0x1d: {  	s5 =	simm.s32 @p1 $0x1;
	p0 =	seq.s32 s7, s2  }
0x1e: {  	s7 =	smul.u32 @!p0 $0xF7A, s2;
	p2 =	seq.s32 @!p0 s5, $0x0  }
0x1f: {  	s9 =	smul.u32 $0xF7A, s1;
	s8 =	simm.s32 @!p0 $0x1BF5;
	p2 =	por !p2, p0  }
0x20: {  	[sflag:s8] =	ssyncset.s32 @!p0 $0xFFFFF086;
	s6 =	sadd.s32 @!p0 s3, s7;
	s7 =	simm.s32 @!p0 $0x108  }
0x21: {  	s3 =	sadd.s32 s3, s9;
	s6 =	sadd.s32 @!p0 $0x88, s6;
	s7 =	simm.s32 @p2 $0x1082  }
0x22: {  	[simem:s7], [sflag:s8] =	dma.local @!p0 [hbm:s6], $0xF7A  }
0x23: {  	s9 =	sor.u32 $0xD0000000, s2;
	s6 =	simm.s32 $0x108;
	_ =	swait.ge @!p0 [sflag:s8], $0x0  }
0x24: {  	s3 =	sadd.s32 $0x88, s3;
	s6 =	simm.s32 @!p1 $0x1082;
	[sflag:s4] =	ssyncset.s32 $0xFFFFF086  }
0x25: {  	[simem:s6], [sflag:s4] =	dma.local [hbm:s3], $0xF7A  }
0x26: {  	[smem:$0x3F91] =	sst s1;
	(tag) =	ssettag s2;
	_ =	strace s9  }
0x27: {  	s1 =	sld [smem:$0x3FA1]  }
0x28: {  	s2 =	sld [smem:$0x3FA2]  }
0x29: {  	s4 =	sld [smem:$0x3FA4]  }
0x2a: {  	p0 =	seq.s32 s5, $0x0;
	s5 =	sld [smem:$0x3FA5]  }
0x2b: {  	s6 =	sld [smem:$0x3FA6]  }
0x2c: {  	s7 =	sld [smem:$0x3FA7]  }
0x2d: {  	s3 =	simm.s32 $0x108;
	s8 =	sld [smem:$0x3FA8]  }
0x2e: {  	s3 =	simm.s32 @!p0 $0x1082;
	s9 =	sld [smem:$0x3FA9]  }
0x2f: {  	lr =	sadd.s32 s0, s3;
	s0 =	sld [smem:$0x3FA0]  }
0x30: {  	s3 =	sld [smem:$0x3FA3]  }
0x31: {  	[smem:$0x3FAC] =	sst s10  }
0x32: {  	s10 =	sld [smem:$0x3FAA];
	_ =	sdelay $0x3  }
0x33: {  	p0 =	seq.s32 s10, $0x1;
	s10 =	sld [smem:$0x3FAC];
	_ =	sdelay $0x3  }
0x34: {  	[smem:$0x3FAC] =	sst s10  }
0x35: {  	s10 =	sld [smem:$0x3FAB];
	_ =	sdelay $0x3  }
0x36: {  	p1 =	seq.s32 s10, $0x1;
	s10 =	sld [smem:$0x3FAC];
	_ =	sdelay $0x3  }
0x37: {  	[smem:$0x3FAC] =	sst s10  }
0x38: {  	s10 =	sld [smem:$0x3FAD]  }
0x39: {  	_ = 	snop;
	(pc) =	sbr.ind lr, $3  }
0x3a: {  	_ = 	snop  }
0x3b: {  	_ = 	snop  }
0x3c: {  	p2 =	seq.s32 s10, $0x1;
	s10 =	sld [smem:$0x3FAC]  }
0x3d: {  	_ =	shalt  }
0x3e: {  	_ =	shalt  }
0x3f: {  	_ =	shalt  }
0x40: {  	_ =	shalt  }
0x41: {  	_ =	shalt  }
0x42: {  	_ =	shalt  }
0x43: {  	_ =	shalt  }
0x44: {  	_ =	shalt  }
0x45: {  	_ =	shalt  }
0x46: {  	_ =	shalt  }
0x47: {  	_ =	shalt  }
0x48: {  	_ =	shalt  }
0x49: {  	_ =	shalt  }
0x4a: {  	_ =	shalt  }
0x4b: {  	_ =	shalt  }
0x4c: {  	_ =	shalt  }
0x4d: {  	_ =	shalt  }
0x4e: {  	_ =	shalt  }
0x4f: {  	_ =	shalt  }
0x50: {  	_ =	shalt  }
0x51: {  	_ =	shalt  }
0x52: {  	_ =	shalt  }
0x53: {  	_ =	shalt  }
0x54: {  	_ =	shalt  }
0x55: {  	_ =	shalt  }
0x56: {  	_ =	shalt  }
0x57: {  	_ =	shalt  }
0x58: {  	_ =	shalt  }
0x59: {  	_ =	shalt  }
0x5a: {  	_ =	shalt  }
0x5b: {  	_ =	shalt  }
0x5c: {  	_ =	shalt  }
0x5d: {  	_ =	shalt  }
0x5e: {  	_ =	shalt  }
0x5f: {  	_ =	shalt  }
0x60: {  	_ =	shalt  }
0x61: {  	_ =	shalt  }
0x62: {  	_ =	shalt  }
0x63: {  	_ =	shalt  }
0x64: {  	_ =	shalt  }
0x65: {  	_ =	shalt  }
0x66: {  	_ =	shalt  }
0x67: {  	_ =	shalt  }
0x68: {  	_ =	shalt  }
0x69: {  	_ =	shalt  }
0x6a: {  	_ =	shalt  }
0x6b: {  	_ =	shalt  }
0x6c: {  	_ =	shalt  }
0x6d: {  	_ =	shalt  }
0x6e: {  	_ =	shalt  }
0x6f: {  	_ =	shalt  }
0x70: {  	_ =	shalt  }
0x71: {  	_ =	shalt  }
0x72: {  	_ =	shalt  }
0x73: {  	_ =	shalt  }
0x74: {  	_ =	shalt  }
0x75: {  	_ =	shalt  }
0x76: {  	_ =	shalt  }
0x77: {  	_ =	shalt  }
0x78: {  	_ =	shalt  }
0x79: {  	_ =	shalt  }
0x7a: {  	_ =	shalt  }
0x7b: {  	_ =	shalt  }
0x7c: {  	_ =	shalt  }
0x7d: {  	_ =	shalt  }
0x7e: {  	_ =	shalt  }
0x7f: {  	_ =	shalt  }
0x80: {  	_ =	shalt  }
0x81: {  	_ =	shalt  }
0x82: {  	_ =	shalt  }
0x83: {  	_ =	shalt  }
0x84: {  	_ =	shalt  }
0x85: {  	_ =	shalt  }
0x86: {  	_ =	shalt  }
0x87: {  	_ =	shalt  }
.Lfunc_end0:
.L_simem_size_0:
called_computation.1_lowered:
.L_overlay_start_0:
0x88: {  	s2 =	sld [smem:$0x3FD9]  }
0x89: {  	s3 =	sld [smem:$0x3FFE];
	_ =	sdelay $0x1  }
0x8a: {  	s1 =	srdreg.scid  }
0x8b: {  	s0 =	sand.u32 $0x1, s1  }
0x8c: {  	s16 =	sshll.u32 s0, $0xA;
	s2 =	sadd.s32 s3, s2  }
0x8d: {  	s2 =	sadd.s32 s2, s16  }
0x8e: {  	[smem:$0x3FB8] =	sst s2  }
0x8f: {  	_ = 	snop  }
0x90: {  	(tm) =	ssettm $0x1  }
0x91: {  	s17 =	sld [smem:$0x3FFB];
	_ =	sdelay $0x3  }
0x92: {  	_ =	strace s17  }
0x93: {  	s2 =	sld [smem:$0x3FFC];
	_ =	sdelay $0x3  }
0x94: {  	_ =	strace s2  }
0x95: {  	s2 =	sld [smem:$0x3FFD];
	_ =	sdelay $0x3  }
0x96: {  	_ =	strace s2  }
0x97: {  	_ =	strace $0x8FFFFFFF  }
0x98: {  	s18 =	sld [smem:$0x3FDB];
	_ =	sdelay $0x1  }
0x99: {  	s19 =	simm.s32 $_scs_section_size  }
0x9a: {  	s4 =	simm.s32 $_size__tile_overlayer_lowered;
	s5 =	simm.s32 $_tile_overlayer_lowered  }
0x9b: {  	s22 =	simm.s32 $0x1BFF;
	s21 =	sshll.u32 s5, $0x1;
	s2 =	sadd.s32 s19, s18  }
0x9c: {  	s6 =	simm.s32 $0x0;
	s20 =	sshll.u32 s4, $0x1;
	s4 =	sadd.s32 s21, s2  }
0x9d: {  	[timem:s6], [sflag:s22] =	dma.local [hbm:s4], s20  }
0x9e: {  	_ =	swait.ge [sflag:s22], s20  }
0x9f: {  	s3 =	ssub.s32 $0x0, s20;
	[sflag:s22] =	ssyncset.done $0x0  }
0xa0: {  	[sflag:s22] =	ssyncadd.s32 s3;
	_ =	sdelay $0x1  }
0xa1: {  	s23 =	simm.s32 $0x1B8B  }
0xa2: {  	_ =	swait.ge [sflag:s23], $0x1  }
0xa3: {  	[sflag:s23] =	ssyncset.done $0x0  }
0xa4: {  	s25 =	simm.s32 $0x1B8E;
	s24 =	sld [smem:$0x3FFE];
	[sflag:s23] =	ssyncadd.s32 $0xFFFFFFFF  }
0xa5: {  	s26 =	simm.s32 $execute0_lowered;
	[smem:$0x3FD2] =	sst s25  }
0xa6: {  	s4 =	sshll.u32 s26, $0x1;
	_ =	strace $0x80000049;
	[dreg:$0x1] =	wrdreg $0xFFFFFFFF  }
0xa7: {  	s28 =	simm.s32 $_size_execute0_lowered;
	s2 =	sadd.s32 s2, s4;
	[dreg:$0x0] =	wrdreg $0x0  }
0xa8: {  	s4 =	sshll.u32 s28, $0x1;
	[dreg:$0x2] =	wrdreg s2  }
0xa9: {  	[dreg:$0x3] =	wrdreg s4  }
0xaa: {  	[dreg:$0x4] =	wrdreg $0xC0  }
0xab: {  	_ =	task [dreg:s6], $0x5FFFF  }
0xac: {  	[dreg:$0x1] =	wrdreg $0xFFFFFFFF  }
0xad: {  	[dreg:$0x0] =	wrdreg $0x60  }
0xae: {  	[dreg:$0x2] =	wrdreg s24  }
0xaf: {  	[dreg:$0x3] =	wrdreg $0x0  }
0xb0: {  	[dreg:$0x4] =	wrdreg $0x9  }
0xb1: {  	_ =	task.clear_ibuf [dreg:s6], $0x5FFFF;
	_ =	strace $0x90000049  }
0xb2: {  	s29 =	simm.s32 $0x9;
	_ =	strace $0x8000004B  }
0xb3: {  	_ =	swait.ge [sflag:s29], $0x1  }
0xb4: {  	[sflag:s29] =	ssyncadd.s32 $0xFFFFFFFF  }
0xb5: {  	_ =	strace $0x9000004B  }
0xb6: {  	_ =	sfence  }
0xb7: {  	s30 =	sld [smem:$0x0];
	_ =	sdelay $0x2  }
0xb8: {  	s31 =	sshll.u32 s1, $0xD;
	s1 =	sshrl.u32 s1, $0x2  }
0xb9: {  	s3 =	sand.u32 $0x4000, s31;
	s1 =	sadd.s32 s1, s30  }
0xba: {  	s0 =	sor.u32 s3, s0;
	s1 =	sshll.u32 s1, $0x11  }
0xbb: {  	s0 =	sor.u32 s1, s0  }
0xbc: {  	s0 =	sadd.s32 $0x8F2B, s0  }
0xbd: {  	[sflag:s0] =	ssyncadd.remote.s32 $0x1  }
0xbe: {  	_ =	sfence.sel $0xFFFF  }
0xbf: {  	[dreg:$0x0] =	wrdreg $0xFFFFFFFF;
	(pc) =	sbr.abs _section_cstart, $3  }
0xc0: {  	[dreg:$0x1] =	wrdreg $0xFFFFFFFF  }
0xc1: {  	_ =	task.clear_ibuf [dreg:s6], $0x2FFFF;
	_ =	strace $0x9FFFFFFF  }
0xc2: {  	(tm) =	ssettm $0x7FFFFFFF  }
0xc3: {  	_ =	shalt  }
tec
execute0_lowered:
.L_overlay_start_1:
0x0: {  	(tag) =	ssettag $0x1  }
0x1: {  	s0 =	rddreg [dreg:$0x0]  }
0x2: {  	s2 =	rddreg [dreg:$0x1];
	s3 =	simm.s32 $0x0  }
0x3: {  	s1 =	srdreg.scid;
	s12 =	stileid.u32;
	s19 =	simm.s32 $0x197A0  }
0x4: {  	s20 =	simm.s32 $0x2;
	s21 =	simm.s32 $0x19610;
	s7 =	smul.u32 $0x18800, s12  }
0x5: {  	s22 =	simm.s32 $0x18800;
	s23 =	simm.s32 $0x18990;
	s10 =	smul.u32 $0x62000, s12  }
0x6: {  	[smem:$0x7FF] =	sst s3;
	s1 =	sand.u32 $0x1, s1;
	s15 =	smul.u32 $0x7D, s12  }
0x7: {  	s4 =	sadd.s32 $0x32400, s0;
	s6 =	sadd.s32 $0x359600, s0;
	s8 =	smul.u32 $0x188000, s1  }
0x8: {  	s5 =	sadd.s32 $0x19C00, s0;
	_ =	strace $0x8000004A;
	s9 =	smul.u32 $0x31000, s1  }
0x9: {  	s11 =	ssub.s32 $0x2, s1;
	s31 =	sshll.u32 s1, $0x1;
	s1 =	sshllo.u32 s1, $0x1  }
0xa: {  	s24 =	sshrl.u32 s11, $0x1;
	s10 =	sshrl.u32 s10, $0x2;
	s8 =	sadd.s32 s7, s8  }
0xb: {  	s9 =	sadd.s32 s9, s0;
	s7 =	sadd.s32 s7, s2;
	s10 =	sadd.s32 s10, s2  }
0xc: {  	s8 =	sshrl.u32 s8, $0x3;
	s25 =	sadd.s32 $0x3200, s10;
	s26 =	sadd.s32 $0x6400, s10  }
0xd: {  	s28 =	sadd.s32 $0x9600, s10;
	s29 =	sadd.s32 $0xC800, s10;
	[dreg:$0x3] =	wrdreg s25  }
0xe: {  	s30 =	sadd.s32 $0xFA00, s10;
	s13 =	sadd.s32 $0x12C00, s10;
	[dreg:$0x4] =	wrdreg s26  }
0xf: {  	s14 =	sadd.s32 $0x15E00, s10;
	s16 =	sadd.s32 $0x189600, s9;
	[dreg:$0x5] =	wrdreg s28  }
0x10: {  	s0 =	sadd.s32 s8, s0;
	s8 =	ssub.s32 s11, s24;
	[dreg:$0x6] =	wrdreg s29  }
0x11: {  	v0 =	vmov s31;
	v1 =	vmov s1;
	[dreg:$0x7] =	wrdreg s30;
	s24 =	simm.s32 $0x190;
	s25 =	simm.s32 $0x1  }
0x12: {  	v2 =	vimm.f32 $0.0e+00;
	v0 =	vbroadcast v0, $0x0;
	v1 =	vbroadcast v1, $0x0;
	s26 =	simm.s32 $0x0;
	s17 =	sadd.s32 $0x41CC00, s0;
	s18 =	smax.u32 s8, $0x1  }
.LBB2_1:
0x13: {  	s0 =	simm.s32 $0x80;
	s1 =	simm.s32 $0x0  }
.LBB2_2:
0x14: {  	p0 =	sne.s32 s0, $0xC780;
	[tilespmem:s1+$0x197A0] =	vst v2;
	s8 =	smov.u32 s0;
	s0 =	sadd.s32 $0x80, s0  }
.Ltmp0:
0x15: {  	[tilespmem:s1+$0x197B0] =	vst v2;
	(pc) =	sbr.rel @p0 .LBB2_2-.Ltmp0, $2  }
0x16: {  	_ =	sdelay $0x2  }
0x17: {  	s1 =	sshra.s32 s8, $0x2  }
0x18: {  	[tilespmem:s1+$0x197A0] =	vst v2  }
0x19: {  	[tilespmem:s1+$0x197B0] =	vst v2  }
0x1a: {  	[spmem:s7] =	stream.linear.scatter [tilespmem:s19], [sflag:$0x2], $0x3200, $0x38;
	[tilespmem:$0x1C9A0] =	vst v63  }
0x1b: {  	_ =	swait.ge [sflag:s20], $0x3200  }
0x1c: {  	[sflag:s20] =	ssyncset.done $0x0  }
0x1d: {  	s0 =	rddreg [dreg:$0x3];
	[sflag:s20] =	ssyncadd.s32 $0xFFFFCE00  }
0x1e: {  	[spmem:s0] =	stream.linear.scatter [tilespmem:s19], [sflag:$0x2], $0x3200, $0x38;
	[tilespmem:$0x1C9A0] =	vst v63  }
0x1f: {  	_ =	swait.ge [sflag:s20], $0x3200  }
0x20: {  	[sflag:s20] =	ssyncset.done $0x0  }
0x21: {  	s12 =	rddreg [dreg:$0x4];
	[sflag:s20] =	ssyncadd.s32 $0xFFFFCE00  }
0x22: {  	[spmem:s12] =	stream.linear.scatter [tilespmem:s19], [sflag:$0x2], $0x3200, $0x38;
	[tilespmem:$0x1C9A0] =	vst v63  }
0x23: {  	_ =	swait.ge [sflag:s20], $0x3200  }
0x24: {  	[sflag:s20] =	ssyncset.done $0x0  }
0x25: {  	s29 =	rddreg [dreg:$0x5];
	[sflag:s20] =	ssyncadd.s32 $0xFFFFCE00  }
0x26: {  	[spmem:s29] =	stream.linear.scatter [tilespmem:s19], [sflag:$0x2], $0x3200, $0x38;
	[tilespmem:$0x1C9A0] =	vst v63  }
0x27: {  	_ =	swait.ge [sflag:s20], $0x3200  }
0x28: {  	[sflag:s20] =	ssyncset.done $0x0  }
0x29: {  	s30 =	rddreg [dreg:$0x6];
	[sflag:s20] =	ssyncadd.s32 $0xFFFFCE00  }
0x2a: {  	[spmem:s30] =	stream.linear.scatter [tilespmem:s19], [sflag:$0x2], $0x3200, $0x38;
	[tilespmem:$0x1C9A0] =	vst v63  }
0x2b: {  	_ =	swait.ge [sflag:s20], $0x3200  }
0x2c: {  	[sflag:s20] =	ssyncset.done $0x0  }
0x2d: {  	s31 =	rddreg [dreg:$0x7];
	[sflag:s20] =	ssyncadd.s32 $0xFFFFCE00  }
0x2e: {  	[spmem:s31] =	stream.linear.scatter [tilespmem:s19], [sflag:$0x2], $0x3200, $0x38;
	[tilespmem:$0x1C9A0] =	vst v63  }
0x2f: {  	_ =	swait.ge [sflag:s20], $0x3200  }
0x30: {  	[sflag:s20] =	ssyncset.done $0x0  }
0x31: {  	[sflag:s20] =	ssyncadd.s32 $0xFFFFCE00  }
0x32: {  	[spmem:s13] =	stream.linear.scatter [tilespmem:s19], [sflag:$0x2], $0x3200, $0x38;
	[tilespmem:$0x1C9A0] =	vst v63  }
0x33: {  	_ =	swait.ge [sflag:s20], $0x3200  }
0x34: {  	[sflag:s20] =	ssyncset.done $0x0  }
0x35: {  	[sflag:s20] =	ssyncadd.s32 $0xFFFFCE00  }
0x36: {  	[spmem:s14] =	stream.linear.scatter [tilespmem:s19], [sflag:$0x2], $0x2A00, $0x38;
	[tilespmem:$0x1C9A0] =	vst v63  }
0x37: {  	_ =	swait.ge [sflag:s20], $0x2A00  }
0x38: {  	[sflag:s20] =	ssyncset.done $0x0  }
0x39: {  	[sflag:s20] =	ssyncadd.s32 $0xFFFFD600  }
0x3a: {  	s28 =	simm.s32 $0x0;
	[bflag:$0x0] =	sbarrier.arrive $0xFFFF  }
.LBB2_4:
0x3b: {  	s0 =	sadd.s32 s15, s28  }
0x3c: {  	s1 =	smul.u32 $0x32, s0;
	_ =	sdelay $0x1  }
0x3d: {  	s8 =	sadd.s32 s4, s1  }
0x3e: {  	[tilespmem:s21], [sflag:$0x2] =	stream.linear.gather [hbm4b:s8+s3], $0x190, $0x38;
	[tilespmem:$0x1C9A0] =	vst v63  }
0x3f: {  	_ =	swait.ge [sflag:s20], $0x190  }
0x40: {  	[sflag:s20] =	ssyncset.done $0x0  }
0x41: {  	s1 =	sadd.s32 s5, s1;
	[sflag:s20] =	ssyncadd.s32 $0xFFFFFE70  }
0x42: {  	[tilespmem:s22], [sflag:$0x2] =	stream.linear.gather [hbm4b:s1+s3], $0x190, $0x38;
	[tilespmem:$0x1C9A0] =	vst v63  }
0x43: {  	s0 =	smul.u32 $0x190, s0;
	_ =	swait.ge [sflag:s20], $0x190  }
0x44: {  	[sflag:s20] =	ssyncset.done $0x0  }
0x45: {  	s0 =	sadd.s32 s6, s0;
	[sflag:s20] =	ssyncadd.s32 $0xFFFFFE70  }
0x46: {  	[tilespmem:s23], [sflag:$0x2] =	stream.linear.gather [hbm4b:s0+s3], $0xC80, $0x38;
	[tilespmem:$0x1C9A0] =	vst v63  }
0x47: {  	_ =	swait.ge [sflag:s20], $0xC80  }
0x48: {  	[sflag:s20] =	ssyncset.done $0x0  }
0x49: {  	s11 =	simm.s32 $0x0;
	[sflag:s20] =	ssyncadd.s32 $0xFFFFF380  }
0x4a: {  	v3 =	vor.u32 s11, v0;
	[tilespmem:s19], [sflag:$0x1] =	stream.indirect.gather [hbm4b:s16+s24], $0x20, s21, s24, $0xb8;
	[tilespmem:$0x1C9A0] =	vst v63  }
0x4b: {  	_ =	swait.ge [sflag:s25], $0x3200  }
0x4c: {  	v4 =	vor.u32 s11, v1;
	[sflag:s25] =	ssyncset.done $0x0  }
0x4d: {  	s29 =	simm.s32 $0x19820;
	[sflag:s25] =	ssyncadd.s32 $0xFFFFCE00  }
0x4e: {  	v5 =	vld [tilespmem:s29+$0xFFFFFF80]  }
0x4f: {  	v3 =	vld.idx.msk [tilespmem:v3+s23+$0x0], $0xffff  }
0x50: {  	v6 =	vld [tilespmem:s29+$0xFFFFFF90]  }
0x51: {  	v4 =	vld.idx.msk [tilespmem:v4+s23+$0x0], $0xffff;
	_ =	sdelay $0x1  }
0x52: {  	s12 =	simm.s32 $0x8  }
0x53: {  	v3 =	vmul.f32 v5, v3;
	v5 =	vor.u32 s12, v0;
	_ =	sdelay $0x1  }
0x54: {  	v4 =	vmul.f32 v6, v4  }
0x55: {  	[tilespmem:s29+$0xFFFFFF80] =	vst v3;
	v3 =	vor.u32 s12, v1  }
0x56: {  	[tilespmem:s29+$0xFFFFFF90] =	vst v4;
	v4 =	vld [tilespmem:s29+$0xFFFFFFA0]  }
0x57: {  	v5 =	vld.idx.msk [tilespmem:v5+s23+$0x0], $0xffff;
	_ =	sdelay $0x1  }
0x58: {  	v6 =	vld [tilespmem:s29+$0xFFFFFFB0]  }
0x59: {  	v3 =	vld.idx.msk [tilespmem:v3+s23+$0x0], $0xffff;
	_ =	sdelay $0x1  }
0x5a: {  	s1 =	simm.s32 $0x10;
	v4 =	vmul.f32 v4, v5  }
0x5b: {  	v5 =	vor.u32 s1, v0  }
0x5c: {  	[tilespmem:s29+$0xFFFFFFA0] =	vst v4;
	v4 =	vor.u32 s1, v1  }
0x5d: {  	v3 =	vmul.f32 v6, v3  }
0x5e: {  	v6 =	vld [tilespmem:s29+$0xFFFFFFD0]  }
0x5f: {  	[tilespmem:s29+$0xFFFFFFB0] =	vst v3;
	v3 =	vld [tilespmem:s29+$0xFFFFFFC0]  }
0x60: {  	v5 =	vld.idx.msk [tilespmem:v5+s23+$0x0], $0xffff  }
0x61: {  	v4 =	vld.idx.msk [tilespmem:v4+s23+$0x0], $0xffff;
	_ =	sdelay $0x1  }
0x62: {  	s8 =	simm.s32 $0x18  }
0x63: {  	v7 =	vor.u32 s8, v0  }
0x64: {  	v3 =	vmul.f32 v3, v5;
	v5 =	vor.u32 s8, v1  }
0x65: {  	v4 =	vmul.f32 v6, v4  }
0x66: {  	v8 =	vld [tilespmem:s29+$0xFFFFFFF0];
	[tilespmem:s29+$0xFFFFFFC0] =	vst v3  }
0x67: {  	v3 =	vld [tilespmem:s29+$0xFFFFFFE0];
	[tilespmem:s29+$0xFFFFFFD0] =	vst v4  }
0x68: {  	v4 =	vld.idx.msk [tilespmem:v7+s23+$0x0], $0xffff  }
0x69: {  	v5 =	vld.idx.msk [tilespmem:v5+s23+$0x0], $0xffff;
	_ =	sdelay $0x1  }
0x6a: {  	s9 =	simm.s32 $0x20  }
0x6b: {  	v6 =	vor.u32 s9, v0  }
0x6c: {  	v7 =	vor.u32 s9, v1;
	v3 =	vmul.f32 v3, v4  }
0x6d: {  	v5 =	vmul.f32 v8, v5  }
0x6e: {  	v4 =	vld [tilespmem:s29+$0x10];
	[tilespmem:s29+$0xFFFFFFE0] =	vst v3  }
0x6f: {  	v8 =	vld [tilespmem:s29+$0x0];
	[tilespmem:s29+$0xFFFFFFF0] =	vst v5  }
0x70: {  	v3 =	vld.idx.msk [tilespmem:v6+s23+$0x0], $0xffff  }
0x71: {  	v5 =	vld.idx.msk [tilespmem:v7+s23+$0x0], $0xffff;
	_ =	sdelay $0x1  }
0x72: {  	s10 =	simm.s32 $0x28  }
0x73: {  	v6 =	vor.u32 s10, v0  }
0x74: {  	v7 =	vor.u32 s10, v1;
	v3 =	vmul.f32 v8, v3  }
0x75: {  	v4 =	vmul.f32 v4, v5  }
0x76: {  	v9 =	vld [tilespmem:s29+$0x30];
	[tilespmem:s29+$0x0] =	vst v3  }
0x77: {  	v8 =	vld [tilespmem:s29+$0x20];
	[tilespmem:s29+$0x10] =	vst v4  }
0x78: {  	v3 =	vld.idx.msk [tilespmem:v6+s23+$0x0], $0xffff  }
0x79: {  	v4 =	vld.idx.msk [tilespmem:v7+s23+$0x0], $0xffff;
	_ =	sdelay $0x1  }
0x7a: {  	s11 =	simm.s32 $0x30  }
0x7b: {  	v5 =	vor.u32 s11, v0  }
0x7c: {  	v7 =	vor.u32 s11, v1;
	v3 =	vmul.f32 v8, v3  }
0x7d: {  	v4 =	vmul.f32 v9, v4  }
0x7e: {  	v6 =	vld [tilespmem:s29+$0x50];
	[tilespmem:s29+$0x20] =	vst v3  }
0x7f: {  	v8 =	vld [tilespmem:s29+$0x40];
	[tilespmem:s29+$0x30] =	vst v4  }
0x80: {  	v4 =	vld.idx.msk [tilespmem:v5+s23+$0x0], $0xffff  }
0x81: {  	v5 =	vld.idx.msk [tilespmem:v7+s23+$0x0], $0xffff;
	_ =	sdelay $0x1  }
0x82: {  	s12 =	simm.s32 $0x38  }
0x83: {  	v7 =	vor.u32 s12, v0  }
0x84: {  	v8 =	vmul.f32 v8, v4  }
0x85: {  	v5 =	vmul.f32 v6, v5;
	v6 =	vor.u32 s12, v1  }
0x86: {  	v3 =	vld [tilespmem:s29+$0x60];
	[tilespmem:s29+$0x40] =	vst v8  }
0x87: {  	v4 =	vld [tilespmem:s29+$0x70];
	[tilespmem:s29+$0x50] =	vst v5  }
0x88: {  	s31 =	simm.s32 $0xF;
	s30 =	simm.s32 $0x19820;
	v5 =	vld.idx.msk [tilespmem:v7+s23+$0x0], $0xffff  }
.LBB2_5:
0x89: {  	p0 =	sne.s32 s31, $0x18F  }
0x8a: {  	v6 =	vld.idx.msk [tilespmem:v6+s23+$0x0], $0xffff;
	s29 =	sadd.s32 $0x100, s29;
	s0 =	smov.u32 s31;
	s31 =	sadd.s32 $0x8, s31  }
0x8b: {  	_ = 	snop  }
0x8c: {  	s0 =	sshll.u32 s0, $0x3  }
0x8d: {  	s1 =	sadd.s32 $0xFFFFFFC8, s0;
	s11 =	sadd.s32 $0xFFFFFFD0, s0;
	s12 =	sadd.s32 $0xFFFFFFD8, s0  }
0x8e: {  	s10 =	sadd.s32 $0xFFFFFFE0, s0;
	s9 =	sadd.s32 $0xFFFFFFE8, s0;
	s8 =	sadd.s32 $0xFFFFFFF0, s0;
	v7 =	vor.u32 s1, v0;
	v8 =	vor.u32 s1, v1  }
0x8f: {  	s1 =	sadd.s32 $0xFFFFFFF8, s0;
	v3 =	vmul.f32 v3, v5  }
0x90: {  	v4 =	vmul.f32 v4, v6  }
0x91: {  	v5 =	vld [tilespmem:s29+$0xFFFFFF90];
	[tilespmem:s30+$0x60] =	vst v3  }
0x92: {  	v3 =	vld [tilespmem:s29+$0xFFFFFF80];
	[tilespmem:s30+$0x70] =	vst v4;
	s30 =	smov.u32 s29  }
0x93: {  	v4 =	vld.idx.msk [tilespmem:v7+s23+$0x0], $0xffff  }
0x94: {  	v6 =	vld.idx.msk [tilespmem:v8+s23+$0x0], $0xffff;
	_ =	sdelay $0x3  }
0x95: {  	v7 =	vor.u32 s11, v0;
	v8 =	vor.u32 s11, v1  }
0x96: {  	v3 =	vmul.f32 v3, v4  }
0x97: {  	v4 =	vmul.f32 v5, v6  }
0x98: {  	[tilespmem:s29+$0xFFFFFF80] =	vst v3;
	v3 =	vld [tilespmem:s29+$0xFFFFFFB0]  }
0x99: {  	[tilespmem:s29+$0xFFFFFF90] =	vst v4;
	v4 =	vld [tilespmem:s29+$0xFFFFFFA0]  }
0x9a: {  	v5 =	vld.idx.msk [tilespmem:v7+s23+$0x0], $0xffff  }
0x9b: {  	v6 =	vld.idx.msk [tilespmem:v8+s23+$0x0], $0xffff;
	_ =	sdelay $0x3  }
0x9c: {  	v7 =	vor.u32 s12, v0;
	v8 =	vor.u32 s12, v1  }
0x9d: {  	v4 =	vmul.f32 v4, v5  }
0x9e: {  	v3 =	vmul.f32 v3, v6  }
0x9f: {  	[tilespmem:s29+$0xFFFFFFA0] =	vst v4;
	v4 =	vld [tilespmem:s29+$0xFFFFFFD0]  }
0xa0: {  	[tilespmem:s29+$0xFFFFFFB0] =	vst v3;
	v3 =	vld [tilespmem:s29+$0xFFFFFFC0]  }
0xa1: {  	v5 =	vld.idx.msk [tilespmem:v7+s23+$0x0], $0xffff  }
0xa2: {  	v6 =	vld.idx.msk [tilespmem:v8+s23+$0x0], $0xffff;
	_ =	sdelay $0x3  }
0xa3: {  	v7 =	vor.u32 s10, v0;
	v8 =	vor.u32 s10, v1  }
0xa4: {  	v3 =	vmul.f32 v3, v5  }
0xa5: {  	v4 =	vmul.f32 v4, v6;
	v5 =	vld [tilespmem:s29+$0xFFFFFFF0]  }
0xa6: {  	[tilespmem:s29+$0xFFFFFFC0] =	vst v3;
	v3 =	vld [tilespmem:s29+$0xFFFFFFE0]  }
0xa7: {  	[tilespmem:s29+$0xFFFFFFD0] =	vst v4  }
0xa8: {  	v4 =	vld.idx.msk [tilespmem:v7+s23+$0x0], $0xffff  }
0xa9: {  	v6 =	vld.idx.msk [tilespmem:v8+s23+$0x0], $0xffff;
	_ =	sdelay $0x3  }
0xaa: {  	v7 =	vor.u32 s9, v0;
	v8 =	vor.u32 s9, v1  }
0xab: {  	v3 =	vmul.f32 v3, v4;
	v4 =	vld [tilespmem:s29+$0x10]  }
0xac: {  	v5 =	vmul.f32 v5, v6;
	v6 =	vld [tilespmem:s29+$0x0]  }
0xad: {  	[tilespmem:s29+$0xFFFFFFE0] =	vst v3  }
0xae: {  	[tilespmem:s29+$0xFFFFFFF0] =	vst v5  }
0xaf: {  	v3 =	vld.idx.msk [tilespmem:v7+s23+$0x0], $0xffff  }
0xb0: {  	v5 =	vld.idx.msk [tilespmem:v8+s23+$0x0], $0xffff;
	_ =	sdelay $0x3  }
0xb1: {  	v7 =	vor.u32 s8, v0;
	v8 =	vor.u32 s8, v1;
	v9 =	vld [tilespmem:s29+$0x30]  }
0xb2: {  	v3 =	vmul.f32 v6, v3;
	v6 =	vld [tilespmem:s29+$0x20]  }
0xb3: {  	v4 =	vmul.f32 v4, v5  }
0xb4: {  	[tilespmem:s29+$0x0] =	vst v3  }
0xb5: {  	[tilespmem:s29+$0x10] =	vst v4  }
0xb6: {  	v3 =	vld.idx.msk [tilespmem:v7+s23+$0x0], $0xffff  }
0xb7: {  	v4 =	vld.idx.msk [tilespmem:v8+s23+$0x0], $0xffff;
	_ =	sdelay $0x2  }
0xb8: {  	v5 =	vld [tilespmem:s29+$0x50]  }
0xb9: {  	v7 =	vor.u32 s1, v0;
	v8 =	vor.u32 s1, v1;
	v10 =	vld [tilespmem:s29+$0x40]  }
0xba: {  	v3 =	vmul.f32 v6, v3  }
0xbb: {  	v4 =	vmul.f32 v9, v4  }
0xbc: {  	[tilespmem:s29+$0x20] =	vst v3  }
0xbd: {  	[tilespmem:s29+$0x30] =	vst v4  }
0xbe: {  	v7 =	vld.idx.msk [tilespmem:v7+s23+$0x0], $0xffff  }
0xbf: {  	v8 =	vld.idx.msk [tilespmem:v8+s23+$0x0], $0xffff;
	_ =	sdelay $0x1  }
0xc0: {  	v3 =	vld [tilespmem:s29+$0x60]  }
0xc1: {  	v4 =	vld [tilespmem:s29+$0x70]  }
0xc2: {  	v6 =	vor.u32 s0, v1;
	v9 =	vor.u32 s0, v0  }
.Ltmp1:
0xc3: {  	v7 =	vmul.f32 v10, v7;
	(pc) =	sbr.rel @p0 .LBB2_5-.Ltmp1, $4  }
0xc4: {  	v5 =	vmul.f32 v5, v8  }
0xc5: {  	[tilespmem:s29+$0x40] =	vst v7  }
0xc6: {  	[tilespmem:s29+$0x50] =	vst v5  }
0xc7: {  	v5 =	vld.idx.msk [tilespmem:v9+s23+$0x0], $0xffff  }
0xc8: {  	_ =	sdelay $0x3  }
0xc9: {  	v6 =	vld.idx.msk [tilespmem:v6+s23+$0x0], $0xffff;
	_ =	sdelay $0x3  }
0xca: {  	v3 =	vmul.f32 v3, v5  }
0xcb: {  	s28 =	sadd.s32 $0x1, s28;
	v4 =	vmul.f32 v4, v6  }
0xcc: {  	p0 =	sne.s32 s28, $0x7D;
	[tilespmem:s30+$0x60] =	vst v3  }
.Ltmp2:
0xcd: {  	[tilespmem:s30+$0x70] =	vst v4;
	(pc) =	sbr.rel @p0 .LBB2_4-.Ltmp2, $4  }
0xce: {  	[spmem:s2] =	stream.indirect.scatter.add.f32 [tilespmem:s19], [sflag:$0x2], $0x20, s22, s24, $0xb8;
	[tilespmem:$0x1C9A0] =	vst v63  }
0xcf: {  	_ =	swait.ge [sflag:s20], $0x3200  }
0xd0: {  	[sflag:s20] =	ssyncset.done $0x0  }
0xd1: {  	[sflag:s20] =	ssyncadd.s32 $0xFFFFCE00  }
0xd2: {  	s0 =	stileid.u32;
	s26 =	sadd.s32 $0x1, s26  }
0xd3: {  	[bflag:$0x0] =	sbarrier.arrive $0xFFFF;
	s0 =	sshll.u32 s0, $0x6;
	p0 =	sne.s32 s26, s18  }
.Ltmp3:
0xd4: {  	s1 =	sshrl.u32 s7, $0x3;
	s0 =	sor.u32 $0x1C02, s0;
	(pc) =	sbr.rel @p0 .LBB2_1-.Ltmp3, $4  }
0xd5: {  	[hbm:s17], [sflag:s0] =	dma.local [spmem:s1], $0x3100  }
0xd6: {  	_ =	swait.ge [sflag:s20], $0x3100  }
0xd7: {  	[sflag:s20] =	ssyncset.done $0x0  }
0xd8: {  	[sflag:s20] =	ssyncadd.s32 $0xFFFFCF00  }
0xd9: {  	_ =	sfence.sel $0x180000  }
0xda: {  	[bflag:$0x0] =	sbarrier.arrive $0xFFFF  }
0xdb: {  	_ =	strace $0x9000004A  }
0xdc: {  	s0 =	stileid.u32;
	[bflag:$0x2] =	sbarrier.arrive $0xFFFF  }
0xdd: {  	p0 =	sne.s32 s0, $0x0;
	s0 =	rddreg [dreg:$0x2]  }
0xde: {  	s0 =	sadd.s32 @!p0 $0x100000, s0  }
0xdf: {  	[sflag:s0] =	ssyncadd.tile.s32 @!p0 $0x1;
	_ =	shalt  }
.Lfunc_end2:
_tile_overlayer_lowered:
.L_overlay_start_2:
0xe0: {  	(tag) =	ssettag $0x2  }
0xe1: {  	s0 =	rddreg [dreg:$0x0];
	s2 =	stileid.u32  }
0xe2: {  	s1 =	rddreg [dreg:$0x1];
	p0 =	sne.s32 s2, $0x0  }
0xe3: {  	s3 =	rddreg [dreg:$0x2];
	[bflag:$0x3] =	sbarrier.arrive $0xFFFF;
	s2 =	simm.s32 @!p0 $0x1C02  }
0xe4: {  	[timem:s3], [sflag:s2] =	dma.local @!p0 [hbm:s0], s1  }
0xe5: {  	s0 =	simm.s32 @!p0 $0x2  }
0xe6: {  	_ =	swait.ge @!p0 [sflag:s0], s1  }
0xe7: {  	s1 =	ssub.s32 @!p0 $0x0, s1;
	[sflag:s0] =	ssyncset.done @!p0 $0x0  }
0xe8: {  	[sflag:s0] =	ssyncadd.s32 @!p0 s1  }
0xe9: {  	[bflag:$0x3] =	sbarrier.arrive $0xFFFF  }
0xea: {  	_ =	shalt  }

// kernel: kernel.21.cloned.1.call-start
scs
__scs_entry_jumppad:
0x0: {  	(pc) =	sbr.rel $0x88, $3  }
0x1: {  	(tag) =	ssettag $0x0;
	lr =	simm.s32 $0x1  }
0x2: {  	[smem:$0x3F91] =	sst lr;
	_ =	strace $0xD0000000  }
0x3: {  	_ = 	snop  }
0x4: {  	_ = 	snop  }
0x5: {  	_ = 	snop  }
0x6: {  	_ = 	snop  }
0x7: {  	_ = 	snop  }
__scs_overlays_trampoline_lowered:
0x8: {  	[smem:$0x3FA0] =	sst s0  }
0x9: {  	[smem:$0x3FA1] =	sst s1  }
0xa: {  	[smem:$0x3FA2] =	sst s2  }
0xb: {  	[smem:$0x3FA3] =	sst s3  }
0xc: {  	[smem:$0x3FA4] =	sst s4  }
0xd: {  	[smem:$0x3FA5] =	sst s5  }
0xe: {  	[smem:$0x3FA6] =	sst s6  }
0xf: {  	[smem:$0x3FA7] =	sst s7  }
0x10: {  	[smem:$0x3FA8] =	sst s8  }
0x11: {  	[smem:$0x3FA9] =	sst s9;
	s0 =	simm.s32 @!p0 $0x0  }
0x12: {  	s1 =	sld [smem:$0x3F8F];
	s0 =	simm.s32 @p0 $0x1  }
0x13: {  	[smem:$0x3FAA] =	sst s0;
	s0 =	simm.s32 @!p1 $0x0  }
0x14: {  	s2 =	sld [smem:$0x3F8E];
	s0 =	simm.s32 @p1 $0x1  }
0x15: {  	[smem:$0x3FAB] =	sst s0;
	s0 =	simm.s32 @!p2 $0x0  }
0x16: {  	s3 =	sld [smem:$0x3FDB];
	s0 =	simm.s32 @p2 $0x1  }
0x17: {  	s4 =	simm.s32 $0x1BF5;
	[smem:$0x3FAD] =	sst s0  }
0x18: {  	s0 =	sld [smem:$0x3F90];
	_ =	swait.ge [sflag:s4], $0x0  }
0x19: {  	s7 =	sld [smem:$0x3F91]  }
0x1a: {  	s8 =	sadd.s32 $0xFFFFE003, lr  }
0x1b: {  	s9 =	sadd.s32 $0xFFFFFEF7, lr;
	s5 =	simm.s32 $0xFFFFFFFF;
	p2 =	slt.u32 s8, $0xFFFFF086  }
0x1c: {  	p1 =	slt.u32 s9, $0xF7A;
	s5 =	simm.s32 @!p2 $0x0  }
0x1d: {  	s5 =	simm.s32 @p1 $0x1;
	p0 =	seq.s32 s7, s2  }
0x1e: {  	s7 =	smul.u32 @!p0 $0xF7A, s2;
	p2 =	seq.s32 @!p0 s5, $0x0  }
0x1f: {  	s9 =	smul.u32 $0xF7A, s1;
	s8 =	simm.s32 @!p0 $0x1BF5;
	p2 =	por !p2, p0  }
0x20: {  	[sflag:s8] =	ssyncset.s32 @!p0 $0xFFFFF086;
	s6 =	sadd.s32 @!p0 s3, s7;
	s7 =	simm.s32 @!p0 $0x108  }
0x21: {  	s3 =	sadd.s32 s3, s9;
	s6 =	sadd.s32 @!p0 $0x88, s6;
	s7 =	simm.s32 @p2 $0x1082  }
0x22: {  	[simem:s7], [sflag:s8] =	dma.local @!p0 [hbm:s6], $0xF7A  }
0x23: {  	s9 =	sor.u32 $0xD0000000, s2;
	s6 =	simm.s32 $0x108;
	_ =	swait.ge @!p0 [sflag:s8], $0x0  }
0x24: {  	s3 =	sadd.s32 $0x88, s3;
	s6 =	simm.s32 @!p1 $0x1082;
	[sflag:s4] =	ssyncset.s32 $0xFFFFF086  }
0x25: {  	[simem:s6], [sflag:s4] =	dma.local [hbm:s3], $0xF7A  }
0x26: {  	[smem:$0x3F91] =	sst s1;
	(tag) =	ssettag s2;
	_ =	strace s9  }
0x27: {  	s1 =	sld [smem:$0x3FA1]  }
0x28: {  	s2 =	sld [smem:$0x3FA2]  }
0x29: {  	s4 =	sld [smem:$0x3FA4]  }
0x2a: {  	p0 =	seq.s32 s5, $0x0;
	s5 =	sld [smem:$0x3FA5]  }
0x2b: {  	s6 =	sld [smem:$0x3FA6]  }
0x2c: {  	s7 =	sld [smem:$0x3FA7]  }
0x2d: {  	s3 =	simm.s32 $0x108;
	s8 =	sld [smem:$0x3FA8]  }
0x2e: {  	s3 =	simm.s32 @!p0 $0x1082;
	s9 =	sld [smem:$0x3FA9]  }
0x2f: {  	lr =	sadd.s32 s0, s3;
	s0 =	sld [smem:$0x3FA0]  }
0x30: {  	s3 =	sld [smem:$0x3FA3]  }
0x31: {  	[smem:$0x3FAC] =	sst s10  }
0x32: {  	s10 =	sld [smem:$0x3FAA];
	_ =	sdelay $0x3  }
0x33: {  	p0 =	seq.s32 s10, $0x1;
	s10 =	sld [smem:$0x3FAC];
	_ =	sdelay $0x3  }
0x34: {  	[smem:$0x3FAC] =	sst s10  }
0x35: {  	s10 =	sld [smem:$0x3FAB];
	_ =	sdelay $0x3  }
0x36: {  	p1 =	seq.s32 s10, $0x1;
	s10 =	sld [smem:$0x3FAC];
	_ =	sdelay $0x3  }
0x37: {  	[smem:$0x3FAC] =	sst s10  }
0x38: {  	s10 =	sld [smem:$0x3FAD]  }
0x39: {  	_ = 	snop;
	(pc) =	sbr.ind lr, $3  }
0x3a: {  	_ = 	snop  }
0x3b: {  	_ = 	snop  }
0x3c: {  	p2 =	seq.s32 s10, $0x1;
	s10 =	sld [smem:$0x3FAC]  }
0x3d: {  	_ =	shalt  }
0x3e: {  	_ =	shalt  }
0x3f: {  	_ =	shalt  }
0x40: {  	_ =	shalt  }
0x41: {  	_ =	shalt  }
0x42: {  	_ =	shalt  }
0x43: {  	_ =	shalt  }
0x44: {  	_ =	shalt  }
0x45: {  	_ =	shalt  }
0x46: {  	_ =	shalt  }
0x47: {  	_ =	shalt  }
0x48: {  	_ =	shalt  }
0x49: {  	_ =	shalt  }
0x4a: {  	_ =	shalt  }
0x4b: {  	_ =	shalt  }
0x4c: {  	_ =	shalt  }
0x4d: {  	_ =	shalt  }
0x4e: {  	_ =	shalt  }
0x4f: {  	_ =	shalt  }
0x50: {  	_ =	shalt  }
0x51: {  	_ =	shalt  }
0x52: {  	_ =	shalt  }
0x53: {  	_ =	shalt  }
0x54: {  	_ =	shalt  }
0x55: {  	_ =	shalt  }
0x56: {  	_ =	shalt  }
0x57: {  	_ =	shalt  }
0x58: {  	_ =	shalt  }
0x59: {  	_ =	shalt  }
0x5a: {  	_ =	shalt  }
0x5b: {  	_ =	shalt  }
0x5c: {  	_ =	shalt  }
0x5d: {  	_ =	shalt  }
0x5e: {  	_ =	shalt  }
0x5f: {  	_ =	shalt  }
0x60: {  	_ =	shalt  }
0x61: {  	_ =	shalt  }
0x62: {  	_ =	shalt  }
0x63: {  	_ =	shalt  }
0x64: {  	_ =	shalt  }
0x65: {  	_ =	shalt  }
0x66: {  	_ =	shalt  }
0x67: {  	_ =	shalt  }
0x68: {  	_ =	shalt  }
0x69: {  	_ =	shalt  }
0x6a: {  	_ =	shalt  }
0x6b: {  	_ =	shalt  }
0x6c: {  	_ =	shalt  }
0x6d: {  	_ =	shalt  }
0x6e: {  	_ =	shalt  }
0x6f: {  	_ =	shalt  }
0x70: {  	_ =	shalt  }
0x71: {  	_ =	shalt  }
0x72: {  	_ =	shalt  }
0x73: {  	_ =	shalt  }
0x74: {  	_ =	shalt  }
0x75: {  	_ =	shalt  }
0x76: {  	_ =	shalt  }
0x77: {  	_ =	shalt  }
0x78: {  	_ =	shalt  }
0x79: {  	_ =	shalt  }
0x7a: {  	_ =	shalt  }
0x7b: {  	_ =	shalt  }
0x7c: {  	_ =	shalt  }
0x7d: {  	_ =	shalt  }
0x7e: {  	_ =	shalt  }
0x7f: {  	_ =	shalt  }
0x80: {  	_ =	shalt  }
0x81: {  	_ =	shalt  }
0x82: {  	_ =	shalt  }
0x83: {  	_ =	shalt  }
0x84: {  	_ =	shalt  }
0x85: {  	_ =	shalt  }
0x86: {  	_ =	shalt  }
0x87: {  	_ =	shalt  }
.Lfunc_end0:
.L_simem_size_0:
called_computation.2_lowered:
.L_overlay_start_0:
0x88: {  	s2 =	sld [smem:$0x3FD9]  }
0x89: {  	s3 =	sld [smem:$0x3FFE];
	_ =	sdelay $0x1  }
0x8a: {  	s1 =	srdreg.scid  }
0x8b: {  	s0 =	sand.u32 $0x1, s1  }
0x8c: {  	s17 =	sshll.u32 s0, $0xA;
	s2 =	sadd.s32 s3, s2  }
0x8d: {  	s2 =	sadd.s32 s2, s17  }
0x8e: {  	[smem:$0x3FB8] =	sst s2  }
0x8f: {  	_ = 	snop  }
0x90: {  	s2 =	sld [smem:$0x3FD0];
	(tm) =	ssettm $0x1  }
0x91: {  	s18 =	sld [smem:$0x3FFB];
	_ =	sdelay $0x3  }
0x92: {  	_ =	strace s18  }
0x93: {  	s3 =	sld [smem:$0x3FFC];
	_ =	sdelay $0x3  }
0x94: {  	_ =	strace s3  }
0x95: {  	s3 =	sld [smem:$0x3FFD];
	_ =	sdelay $0x3  }
0x96: {  	_ =	strace s3  }
0x97: {  	_ =	strace $0x8FFFFFFF  }
0x98: {  	s19 =	sld [smem:$0x3FDB];
	_ =	sdelay $0x1  }
0x99: {  	s4 =	simm.s32 $_scs_section_size  }
0x9a: {  	s5 =	simm.s32 $_size__tile_overlayer_lowered;
	s6 =	simm.s32 $_tile_overlayer_lowered  }
0x9b: {  	s22 =	simm.s32 $0x1BFF;
	s21 =	sshll.u32 s6, $0x1;
	s3 =	sadd.s32 s4, s19  }
0x9c: {  	s7 =	simm.s32 $0x0;
	s20 =	sshll.u32 s5, $0x1;
	s5 =	sadd.s32 s21, s3  }
0x9d: {  	[timem:s7], [sflag:s22] =	dma.local [hbm:s5], s20  }
0x9e: {  	_ =	swait.ge [sflag:s22], s20  }
0x9f: {  	s4 =	ssub.s32 $0x0, s20;
	[sflag:s22] =	ssyncset.done $0x0  }
0xa0: {  	[sflag:s22] =	ssyncadd.s32 s4;
	_ =	sdelay $0x1  }
0xa1: {  	s23 =	simm.s32 $0x1B8B  }
0xa2: {  	_ =	swait.ge [sflag:s23], $0x1  }
0xa3: {  	[sflag:s23] =	ssyncset.done $0x0  }
0xa4: {  	s25 =	simm.s32 $0x1B8E;
	s24 =	sld [smem:$0x3FFE];
	[sflag:s23] =	ssyncadd.s32 $0xFFFFFFFF  }
0xa5: {  	s26 =	simm.s32 $execute0_lowered;
	[smem:$0x3FD2] =	sst s25  }
0xa6: {  	s5 =	sshll.u32 s26, $0x1;
	_ =	strace $0x8000004C;
	[dreg:$0x1] =	wrdreg $0xFFFFFFFF  }
0xa7: {  	s28 =	simm.s32 $_size_execute0_lowered;
	s3 =	sadd.s32 s3, s5;
	[dreg:$0x0] =	wrdreg $0x0  }
0xa8: {  	s5 =	sshll.u32 s28, $0x1;
	[dreg:$0x2] =	wrdreg s3  }
0xa9: {  	[dreg:$0x3] =	wrdreg s5  }
0xaa: {  	[dreg:$0x4] =	wrdreg $0xC0  }
0xab: {  	_ =	task [dreg:s7], $0x5FFFF  }
0xac: {  	[dreg:$0x1] =	wrdreg $0xFFFFFFFF  }
0xad: {  	[dreg:$0x0] =	wrdreg $0x60  }
0xae: {  	[dreg:$0x2] =	wrdreg s24  }
0xaf: {  	[dreg:$0x3] =	wrdreg s2  }
0xb0: {  	[dreg:$0x4] =	wrdreg $0x0  }
0xb1: {  	[dreg:$0x5] =	wrdreg $0x9  }
0xb2: {  	_ =	task.clear_ibuf [dreg:s7], $0x6FFFF;
	_ =	strace $0x9000004C  }
0xb3: {  	s29 =	simm.s32 $0x9;
	_ =	strace $0x8000004E  }
0xb4: {  	_ =	swait.ge [sflag:s29], $0x1  }
0xb5: {  	[sflag:s29] =	ssyncadd.s32 $0xFFFFFFFF  }
0xb6: {  	_ =	strace $0x9000004E  }
0xb7: {  	_ =	sfence  }
0xb8: {  	s30 =	sld [smem:$0x0];
	_ =	sdelay $0x2  }
0xb9: {  	s31 =	sshll.u32 s1, $0xD;
	s1 =	sshrl.u32 s1, $0x2  }
0xba: {  	s3 =	sand.u32 $0x4000, s31;
	s1 =	sadd.s32 s1, s30  }
0xbb: {  	s0 =	sor.u32 s3, s0;
	s1 =	sshll.u32 s1, $0x11  }
0xbc: {  	s0 =	sor.u32 s1, s0  }
0xbd: {  	s0 =	sadd.s32 $0x8F2B, s0  }
0xbe: {  	[sflag:s0] =	ssyncadd.remote.s32 $0x1  }
0xbf: {  	_ =	sfence.sel $0xFFFF  }
0xc0: {  	[dreg:$0x0] =	wrdreg $0xFFFFFFFF;
	(pc) =	sbr.abs _section_cstart, $3  }
0xc1: {  	[dreg:$0x1] =	wrdreg $0xFFFFFFFF  }
0xc2: {  	_ =	task.clear_ibuf [dreg:s7], $0x2FFFF;
	_ =	strace $0x9FFFFFFF  }
0xc3: {  	(tm) =	ssettm $0x7FFFFFFF  }
tec
execute0_lowered:
.L_overlay_start_1:
0x0: {  	(tag) =	ssettag $0x1  }
0x1: {  	s0 =	rddreg [dreg:$0x0]  }
0x2: {  	s2 =	rddreg [dreg:$0x2];
	s4 =	simm.s32 $0x0;
	s1 =	srdreg.scid  }
0x3: {  	s15 =	stileid.u32;
	s18 =	simm.s32 $0xB418;
	s19 =	simm.s32 $0x3  }
0x4: {  	s21 =	simm.s32 $0xD358;
	s22 =	simm.s32 $0xB030;
	s23 =	simm.s32 $0x8150  }
0x5: {  	s24 =	simm.s32 $0x3E8;
	s25 =	simm.s32 $0x90F0;
	s28 =	simm.s32 $0x1  }
0x6: {  	s29 =	simm.s32 $0x2;
	s30 =	simm.s32 $0x0;
	[smem:$0x7FF] =	sst s4  }
0x7: {  	s5 =	sadd.s32 $0x10F200, s0;
	s1 =	sand.u32 $0x1, s1;
	s3 =	smul.u32 $0x6200, s15  }
0x8: {  	s6 =	sadd.s32 $0x32400, s0;
	s7 =	sadd.s32 $0x24D400, s0;
	s8 =	sadd.s32 $0x19C00, s0  }
0x9: {  	s9 =	sadd.s32 $0x127A00, s0;
	s12 =	smul.u32 $0x18800, s15;
	s10 =	sadd.s32 $0x4B200, s0  }
0xa: {  	_ =	strace $0x8000004D;
	s11 =	smul.u32 $0x62000, s1;
	s13 =	ssub.s32 $0x2, s1  }
0xb: {  	s1 =	sshll.u32 s1, $0x4;
	s14 =	sshrl.u32 s13, $0x1;
	s12 =	sshrl.u32 s12, $0x2  }
0xc: {  	s1 =	sor.u32 s15, s1;
	s11 =	sadd.s32 s3, s11;
	s17 =	ssub.s32 s13, s14  }
0xd: {  	s26 =	sadd.s32 s12, s2;
	s15 =	smul.u32 $0x19, s1;
	s11 =	sshrl.u32 s11, $0x3  }
0xe: {  	v4 =	vlaneseq.u32;
	v2 =	vimm.f32 $0.0e+00;
	s31 =	sadd.s32 $0x1F40, s26;
	s13 =	sadd.s32 $0x3E80, s26;
	s14 =	sadd.s32 $0x5DC0, s26  }
0xf: {  	v0 =	vshrl.u32 v4, $0x3;
	v1 =	vand.u32 $0x7, v4;
	v3 =	vshrl.u32 v4, $0x2;
	s17 =	smax.u32 s17, $0x1;
	s26 =	simm.s32 $0x6210;
	s0 =	sadd.s32 s11, s0  }
0x10: {  	v4 =	vand.u32 $0x3, v4;
	v0 =	vmul.u32 $0x8, v0;
	v3 =	vmul.u32 $0x8, v3;
	s11 =	sadd.s32 s3, s2;
	[dreg:$0x4] =	wrdreg s31;
	s16 =	sadd.s32 $0x259800, s0  }
.LBB2_1:
0x11: {  	v5 =	vmov s4  }
0x12: {  	v5 =	vshll.u32 v5, $0x3  }
0x13: {  	v5 =	vor.u32 v0, v5  }
0x14: {  	s0 =	simm.s32 $0x2;
	v5 =	vor.u32 v1, v5  }
.LBB2_2:
0x15: {  	p0 =	sne.s32 s0, $0x3E6  }
.Ltmp0:
0x16: {  	_ = 	snop;
	(pc) =	sbr.rel @p0 .LBB2_2-.Ltmp0, $4  }
0x17: {  	v6 =	vmov s0  }
0x18: {  	v6 =	vshll.u32 v6, $0x3  }
0x19: {  	v6 =	vor.u32 v0, v6  }
0x1a: {  	s0 =	sadd.s32 $0x2, s0;
	[tilespmem:v5+s18+$0x0] =	vst.idx.msk $0xffff, v2;
	v5 =	vor.u32 v1, v6  }
0x1b: {  	_ =	sdelay $0x3  }
0x1c: {  	[tilespmem:v5+s18+$0x0] =	vst.idx.msk $0xffff, v2  }
0x1d: {  	[spmem:s11] =	stream.linear.scatter [tilespmem:s18], [sflag:$0x3], $0x1F40, $0x38;
	[tilespmem:$0xD740] =	vst v63  }
0x1e: {  	_ =	swait.ge [sflag:s19], $0x1F40  }
0x1f: {  	[sflag:s19] =	ssyncset.done $0x0  }
0x20: {  	s0 =	rddreg [dreg:$0x4];
	[sflag:s19] =	ssyncadd.s32 $0xFFFFE0C0  }
0x21: {  	[spmem:s0] =	stream.linear.scatter [tilespmem:s18], [sflag:$0x3], $0x1F40, $0x38;
	[tilespmem:$0xD740] =	vst v63  }
0x22: {  	_ =	swait.ge [sflag:s19], $0x1F40  }
0x23: {  	[sflag:s19] =	ssyncset.done $0x0  }
0x24: {  	[sflag:s19] =	ssyncadd.s32 $0xFFFFE0C0  }
0x25: {  	[spmem:s13] =	stream.linear.scatter [tilespmem:s18], [sflag:$0x3], $0x1F40, $0x38;
	[tilespmem:$0xD740] =	vst v63  }
0x26: {  	_ =	swait.ge [sflag:s19], $0x1F40  }
0x27: {  	[sflag:s19] =	ssyncset.done $0x0  }
0x28: {  	[sflag:s19] =	ssyncadd.s32 $0xFFFFE0C0  }
0x29: {  	[spmem:s14] =	stream.linear.scatter [tilespmem:s18], [sflag:$0x3], $0x440, $0x38;
	[tilespmem:$0xD740] =	vst v63  }
0x2a: {  	_ =	swait.ge [sflag:s19], $0x440  }
0x2b: {  	[sflag:s19] =	ssyncset.done $0x0  }
0x2c: {  	[sflag:s19] =	ssyncadd.s32 $0xFFFFFBC0  }
0x2d: {  	[bflag:$0x0] =	sbarrier.arrive $0xFFFF  }
0x2e: {  	s31 =	simm.s32 $0x0;
	s1 =	simm.s32 $0x6200;
	s20 =	rddreg [dreg:$0x1]  }
0x2f: {  	[tilespmem:s1], [sflag:$0x3] =	stream.linear.gather [hbm4b:s20+s31], $0x10, $0x38;
	[tilespmem:$0xD740] =	vst v63  }
0x30: {  	_ =	swait.ge [sflag:s19], $0x10  }
0x31: {  	[sflag:s19] =	ssyncset.done $0x0  }
0x32: {  	[sflag:s19] =	ssyncadd.s32 $0xFFFFFFF0  }
0x33: {  	v5 =	vld [tilespmem:$0x6200]  }
.LBB2_4:
0x34: {  	s0 =	sadd.s32 s15, s31  }
0x35: {  	s1 =	smul.u32 $0x7D, s0;
	_ =	sdelay $0x1  }
0x36: {  	s3 =	sadd.s32 s6, s1  }
0x37: {  	[tilespmem:s21], [sflag:$0x3] =	stream.linear.gather [hbm4b:s3+s4], $0x3E8, $0x38;
	[tilespmem:$0xD740] =	vst v63  }
0x38: {  	_ =	swait.ge [sflag:s19], $0x3E8  }
0x39: {  	[sflag:s19] =	ssyncset.done $0x0  }
0x3a: {  	s1 =	sadd.s32 s8, s1;
	[sflag:s19] =	ssyncadd.s32 $0xFFFFFC18  }
0x3b: {  	[tilespmem:s22], [sflag:$0x3] =	stream.linear.gather [hbm4b:s1+s4], $0x3E8, $0x38;
	[tilespmem:$0xD740] =	vst v63  }
0x3c: {  	s20 =	smul.u32 $0x1F4, s0;
	_ =	swait.ge [sflag:s19], $0x3E8  }
0x3d: {  	[sflag:s19] =	ssyncset.done $0x0  }
0x3e: {  	s1 =	sadd.s32 s9, s20;
	[sflag:s19] =	ssyncadd.s32 $0xFFFFFC18  }
0x3f: {  	[tilespmem:s23], [sflag:$0x3] =	stream.linear.gather [hbm4b:s1+s4], $0xFA0, $0x38;
	[tilespmem:$0xD740] =	vst v63  }
0x40: {  	_ =	swait.ge [sflag:s19], $0xFA0  }
0x41: {  	[sflag:s19] =	ssyncset.done $0x0  }
0x42: {  	s3 =	simm.s32 $0x0;
	[sflag:s19] =	ssyncadd.s32 $0xFFFFF060  }
0x43: {  	[tilespmem:s25], [sflag:$0x1] =	stream.indirect.gather [hbm4b:s5+s24], $0x8, s21, s24, $0xb8;
	[tilespmem:$0xD740] =	vst v63  }
0x44: {  	v6 =	vmov s3  }
0x45: {  	v6 =	vshll.u32 v6, $0x3;
	[tilespmem:s26], [sflag:$0x2] =	stream.indirect.gather [hbm4b:s7+s24], $0x8, s22, s24, $0xb8;
	[tilespmem:$0xD740] =	vst v63  }
0x46: {  	v6 =	vor.u32 v3, v6;
	_ =	swait.ge [sflag:s28], $0x1F40  }
0x47: {  	v7 =	vor.u32 v4, v6;
	[sflag:s28] =	ssyncset.done $0x0  }
0x48: {  	[sflag:s28] =	ssyncadd.s32 $0xFFFFE0C0  }
0x49: {  	_ =	swait.ge [sflag:s29], $0x1F40  }
0x4a: {  	[sflag:s29] =	ssyncset.done $0x0  }
0x4b: {  	[sflag:s29] =	ssyncadd.s32 $0xFFFFE0C0  }
0x4c: {  	v6 =	vld.idx.msk [tilespmem:v7+s25+$0x0], $0xffff  }
0x4d: {  	v8 =	vld.idx.msk [tilespmem:v7+s26+$0x0], $0xffff  }
0x4e: {  	s1 =	simm.s32 $0x8160  }
0x4f: {  	v9 =	vld [tilespmem:s1+$0xFFFFFFF0];
	_ =	sdelay $0x2  }
0x50: {  	v6 =	vadd.f32 v8, v6;
	_ =	sdelay $0x1  }
0x51: {  	v6 =	vadd.f32 v9, v6;
	_ =	sdelay $0x1  }
0x52: {  	v8 =	vmul.f32 $2.000000030e-01, v6  }
0x53: {  	vm0 =	vgt.f32 v6, $0.0e+00  }
0x54: {  	v6 =	vsel vm0, v6, v8  }
0x55: {  	v6 =	vsub.f32 v6, v5;
	_ =	sdelay $0x1  }
0x56: {  	v6 =	vmul.f32 $1.442695020e+00, v6;
	_ =	sdelay $0x1  }
0x57: {  	(erf) = vpow2.f32 v6;
	_ =	sdelay $0x1  }
0x58: {  	s12 =	simm.s32 $0x4  }
0x59: {  	v6 =	vmov s12  }
0x5a: {  	v6 =	vshll.u32 v6, $0x3  }
0x5b: {  	v6 =	vor.u32 v3, v6  }
0x5c: {  	v6 =	vor.u32 v4, v6;
	_ =	sdelay $0x2  }
0x5d: {  	v8 =	vpop (erf)  }
0x5e: {  	[tilespmem:v7+s18+$0x0] =	vst.idx.msk $0xffff, v8  }
0x5f: {  	v7 =	vld.idx.msk [tilespmem:v6+s25+$0x0], $0xffff  }
0x60: {  	v8 =	vld.idx.msk [tilespmem:v6+s26+$0x0], $0xffff;
	_ =	sdelay $0x1  }
0x61: {  	v63 =	vld [tilespmem:s1+$0x0];
	_ =	sdelay $0x2  }
0x62: {  	v7 =	vadd.f32 v8, v7;
	_ =	sdelay $0x1  }
0x63: {  	v7 =	vadd.f32 v63, v7;
	_ =	sdelay $0x1  }
0x64: {  	v8 =	vmul.f32 $2.000000030e-01, v7  }
0x65: {  	vm15 =	vgt.f32 v7, $0.0e+00  }
0x66: {  	v7 =	vsel vm15, v7, v8  }
0x67: {  	v7 =	vsub.f32 v7, v5;
	_ =	sdelay $0x1  }
0x68: {  	v7 =	vmul.f32 $1.442695020e+00, v7;
	_ =	sdelay $0x1  }
0x69: {  	(erf) = vpow2.f32 v7;
	_ =	sdelay $0x1  }
0x6a: {  	s20 =	simm.s32 $0x8  }
0x6b: {  	v8 =	vmov s20  }
0x6c: {  	v8 =	vshll.u32 v8, $0x3  }
0x6d: {  	v8 =	vor.u32 v3, v8  }
0x6e: {  	s3 =	simm.s32 $0x14;
	s20 =	simm.s32 $0xC;
	v7 =	vor.u32 v4, v8  }
.LBB2_5:
0x6f: {  	p0 =	sne.s32 s3, $0x3E4  }
0x70: {  	s1 =	sadd.s32 $0x20, s1;
	s12 =	smov.u32 s3;
	s3 =	sadd.s32 $0x8, s3  }
0x71: {  	v8 =	vpop (erf)  }
0x72: {  	[tilespmem:v6+s18+$0x0] =	vst.idx.msk $0xffff, v8  }
0x73: {  	v6 =	vld.idx.msk [tilespmem:v7+s25+$0x0], $0xffff  }
0x74: {  	v8 =	vld.idx.msk [tilespmem:v7+s26+$0x0], $0xffff;
	_ =	sdelay $0x1  }
0x75: {  	v9 =	vld [tilespmem:s1+$0xFFFFFFF0];
	_ =	sdelay $0x3  }
0x76: {  	v6 =	vadd.f32 v8, v6;
	_ =	sdelay $0x1  }
0x77: {  	v6 =	vadd.f32 v9, v6;
	_ =	sdelay $0x1  }
0x78: {  	vm0 =	vgt.f32 v6, $0.0e+00;
	v8 =	vmul.f32 $2.000000030e-01, v6;
	_ =	sdelay $0x1  }
0x79: {  	v6 =	vsel vm0, v6, v8  }
0x7a: {  	v6 =	vsub.f32 v6, v5;
	_ =	sdelay $0x1  }
0x7b: {  	v6 =	vmul.f32 $1.442695020e+00, v6;
	_ =	sdelay $0x1  }
0x7c: {  	(erf) = vpow2.f32 v6;
	_ =	sdelay $0x2  }
0x7d: {  	v6 =	vmov s20;
	s20 =	smov.u32 s12  }
0x7e: {  	v6 =	vshll.u32 v6, $0x3  }
0x7f: {  	v6 =	vor.u32 v3, v6  }
0x80: {  	v6 =	vor.u32 v4, v6;
	_ =	sdelay $0x2  }
0x81: {  	v8 =	vpop (erf)  }
0x82: {  	[tilespmem:v7+s18+$0x0] =	vst.idx.msk $0xffff, v8  }
0x83: {  	v7 =	vld.idx.msk [tilespmem:v6+s25+$0x0], $0xffff  }
0x84: {  	v8 =	vld.idx.msk [tilespmem:v6+s26+$0x0], $0xffff  }
0x85: {  	v9 =	vld [tilespmem:s1+$0x0];
	_ =	sdelay $0x4  }
0x86: {  	v7 =	vadd.f32 v8, v7;
	_ =	sdelay $0x1  }
0x87: {  	v7 =	vadd.f32 v9, v7;
	_ =	sdelay $0x1  }
0x88: {  	vm0 =	vgt.f32 v7, $0.0e+00;
	v8 =	vmul.f32 $2.000000030e-01, v7;
	_ =	sdelay $0x1  }
0x89: {  	v7 =	vsel vm0, v7, v8  }
0x8a: {  	v7 =	vsub.f32 v7, v5;
	_ =	sdelay $0x1  }
0x8b: {  	v7 =	vmul.f32 $1.442695020e+00, v7;
	_ =	sdelay $0x1  }
0x8c: {  	(erf) = vpow2.f32 v7;
	_ =	sdelay $0x1  }
.Ltmp1:
0x8d: {  	s12 =	sadd.s32 $0xFFFFFFFC, s20;
	(pc) =	sbr.rel @p0 .LBB2_5-.Ltmp1, $4  }
0x8e: {  	v7 =	vmov s12  }
0x8f: {  	v7 =	vshll.u32 v7, $0x3  }
0x90: {  	v7 =	vor.u32 v3, v7  }
0x91: {  	v7 =	vor.u32 v4, v7  }
0x92: {  	_ =	sdelay $0x2  }
0x93: {  	v8 =	vpop (erf)  }
0x94: {  	[tilespmem:v6+s18+$0x0] =	vst.idx.msk $0xffff, v8  }
0x95: {  	v6 =	vld.idx.msk [tilespmem:v7+s25+$0x0], $0xffff  }
0x96: {  	v8 =	vld.idx.msk [tilespmem:v7+s26+$0x0], $0xffff  }
0x97: {  	s1 =	sadd.s32 $0x20, s1  }
0x98: {  	v9 =	vld [tilespmem:s1+$0xFFFFFFF0];
	_ =	sdelay $0x2  }
0x99: {  	v6 =	vadd.f32 v8, v6;
	_ =	sdelay $0x1  }
0x9a: {  	v6 =	vadd.f32 v9, v6;
	_ =	sdelay $0x1  }
0x9b: {  	v60 =	vmul.f32 $2.000000030e-01, v6  }
0x9c: {  	vm0 =	vgt.f32 v6, $0.0e+00  }
0x9d: {  	v6 =	vsel vm0, v6, v60  }
0x9e: {  	v6 =	vsub.f32 v6, v5;
	_ =	sdelay $0x1  }
0x9f: {  	v6 =	vmul.f32 $1.442695020e+00, v6;
	_ =	sdelay $0x1  }
0xa0: {  	(erf) = vpow2.f32 v6;
	_ =	sdelay $0x2  }
0xa1: {  	v6 =	vmov s20  }
0xa2: {  	v6 =	vshll.u32 v6, $0x3  }
0xa3: {  	v6 =	vor.u32 v3, v6  }
0xa4: {  	v6 =	vor.u32 v4, v6;
	_ =	sdelay $0x2  }
0xa5: {  	v61 =	vpop (erf)  }
0xa6: {  	[tilespmem:v7+s18+$0x0] =	vst.idx.msk $0xffff, v61  }
0xa7: {  	v7 =	vld.idx.msk [tilespmem:v6+s25+$0x0], $0xffff  }
0xa8: {  	v8 =	vld.idx.msk [tilespmem:v6+s26+$0x0], $0xffff;
	_ =	sdelay $0x1  }
0xa9: {  	v62 =	vld [tilespmem:s1+$0x0];
	_ =	sdelay $0x2  }
0xaa: {  	v7 =	vadd.f32 v8, v7;
	_ =	sdelay $0x1  }
0xab: {  	v7 =	vadd.f32 v62, v7;
	_ =	sdelay $0x1  }
0xac: {  	v63 =	vmul.f32 $2.000000030e-01, v7  }
0xad: {  	vm15 =	vgt.f32 v7, $0.0e+00  }
0xae: {  	v7 =	vsel vm15, v7, v63  }
0xaf: {  	v7 =	vsub.f32 v7, v5;
	_ =	sdelay $0x1  }
0xb0: {  	v7 =	vmul.f32 $1.442695020e+00, v7;
	_ =	sdelay $0x1  }
0xb1: {  	(erf) = vpow2.f32 v7;
	_ =	sdelay $0x8  }
0xb2: {  	v7 =	vpop (erf)  }
0xb3: {  	[tilespmem:v6+s18+$0x0] =	vst.idx.msk $0xffff, v7  }
0xb4: {  	[spmem:s2] =	stream.indirect.scatter.add.f32 [tilespmem:s18], [sflag:$0x3], $0x8, s22, s24, $0xb8;
	[tilespmem:$0xD740] =	vst v63  }
0xb5: {  	s0 =	smul.u32 $0x3E8, s0;
	s31 =	sadd.s32 $0x1, s31;
	_ =	swait.ge [sflag:s19], $0x1F40  }
0xb6: {  	p0 =	sne.s32 s31, $0x19;
	[sflag:s19] =	ssyncset.done $0x0  }
.Ltmp2:
0xb7: {  	s0 =	sadd.s32 s10, s0;
	[sflag:s19] =	ssyncadd.s32 $0xFFFFE0C0;
	(pc) =	sbr.rel @p0 .LBB2_4-.Ltmp2, $4  }
0xb8: {  	[hbm4b:s0+s4] =	stream.linear.scatter [tilespmem:s18], [sflag:$0x3], $0x1F40, $0x38;
	[tilespmem:$0xD740] =	vst v63  }
0xb9: {  	_ =	swait.ge [sflag:s19], $0x1F40  }
0xba: {  	[sflag:s19] =	ssyncset.done $0x0  }
0xbb: {  	[sflag:s19] =	ssyncadd.s32 $0xFFFFE0C0  }
0xbc: {  	s0 =	stileid.u32;
	s30 =	sadd.s32 $0x1, s30  }
0xbd: {  	[bflag:$0x0] =	sbarrier.arrive $0xFFFF;
	s0 =	sshll.u32 s0, $0x6;
	p0 =	sne.s32 s30, s17  }
.Ltmp3:
0xbe: {  	s1 =	sshrl.u32 s11, $0x3;
	s0 =	sor.u32 $0x1C03, s0;
	(pc) =	sbr.rel @p0 .LBB2_1-.Ltmp3, $4  }
0xbf: {  	[hbm:s16], [sflag:s0] =	dma.local [spmem:s1], $0xC40  }
0xc0: {  	_ =	swait.ge [sflag:s19], $0xC40  }
0xc1: {  	[sflag:s19] =	ssyncset.done $0x0  }
0xc2: {  	[sflag:s19] =	ssyncadd.s32 $0xFFFFF3C0  }
0xc3: {  	_ =	sfence.sel $0x180000  }
0xc4: {  	[bflag:$0x0] =	sbarrier.arrive $0xFFFF  }
0xc5: {  	_ =	strace $0x9000004D  }
0xc6: {  	s0 =	stileid.u32;
	[bflag:$0x2] =	sbarrier.arrive $0xFFFF  }
0xc7: {  	p0 =	sne.s32 s0, $0x0;
	s0 =	rddreg [dreg:$0x3]  }
0xc8: {  	s0 =	sadd.s32 @!p0 $0x100000, s0  }
0xc9: {  	[sflag:s0] =	ssyncadd.tile.s32 @!p0 $0x1;
	_ =	shalt  }
.Lfunc_end2:
_tile_overlayer_lowered:
.L_overlay_start_2:
0xca: {  	(tag) =	ssettag $0x2  }
0xcb: {  	s0 =	rddreg [dreg:$0x0];
	s2 =	stileid.u32  }
0xcc: {  	s1 =	rddreg [dreg:$0x1];
	p0 =	sne.s32 s2, $0x0  }
0xcd: {  	s3 =	rddreg [dreg:$0x2];
	[bflag:$0x3] =	sbarrier.arrive $0xFFFF;
	s2 =	simm.s32 @!p0 $0x1C03  }
0xce: {  	[timem:s3], [sflag:s2] =	dma.local @!p0 [hbm:s0], s1  }
0xcf: {  	s0 =	simm.s32 @!p0 $0x3  }
0xd0: {  	_ =	swait.ge @!p0 [sflag:s0], s1  }
0xd1: {  	s1 =	ssub.s32 @!p0 $0x0, s1;
	[sflag:s0] =	ssyncset.done @!p0 $0x0  }
0xd2: {  	[sflag:s0] =	ssyncadd.s32 @!p0 s1  }
0xd3: {  	[bflag:$0x3] =	sbarrier.arrive $0xFFFF  }
0xd4: {  	_ =	shalt  }

// kernel: kernel.24.cloned.1.call-start
scs
__scs_entry_jumppad:
0x0: {  	(pc) =	sbr.rel $0x88, $3  }
0x1: {  	(tag) =	ssettag $0x0;
	lr =	simm.s32 $0x1  }
0x2: {  	[smem:$0x3F91] =	sst lr;
	_ =	strace $0xD0000000  }
0x3: {  	_ = 	snop  }
0x4: {  	_ = 	snop  }
0x5: {  	_ = 	snop  }
0x6: {  	_ = 	snop  }
0x7: {  	_ = 	snop  }
__scs_overlays_trampoline_lowered:
0x8: {  	[smem:$0x3FA0] =	sst s0  }
0x9: {  	[smem:$0x3FA1] =	sst s1  }
0xa: {  	[smem:$0x3FA2] =	sst s2  }
0xb: {  	[smem:$0x3FA3] =	sst s3  }
0xc: {  	[smem:$0x3FA4] =	sst s4  }
0xd: {  	[smem:$0x3FA5] =	sst s5  }
0xe: {  	[smem:$0x3FA6] =	sst s6  }
0xf: {  	[smem:$0x3FA7] =	sst s7  }
0x10: {  	[smem:$0x3FA8] =	sst s8  }
0x11: {  	[smem:$0x3FA9] =	sst s9;
	s0 =	simm.s32 @!p0 $0x0  }
0x12: {  	s1 =	sld [smem:$0x3F8F];
	s0 =	simm.s32 @p0 $0x1  }
0x13: {  	[smem:$0x3FAA] =	sst s0;
	s0 =	simm.s32 @!p1 $0x0  }
0x14: {  	s2 =	sld [smem:$0x3F8E];
	s0 =	simm.s32 @p1 $0x1  }
0x15: {  	[smem:$0x3FAB] =	sst s0;
	s0 =	simm.s32 @!p2 $0x0  }
0x16: {  	s3 =	sld [smem:$0x3FDB];
	s0 =	simm.s32 @p2 $0x1  }
0x17: {  	s4 =	simm.s32 $0x1BF5;
	[smem:$0x3FAD] =	sst s0  }
0x18: {  	s0 =	sld [smem:$0x3F90];
	_ =	swait.ge [sflag:s4], $0x0  }
0x19: {  	s7 =	sld [smem:$0x3F91]  }
0x1a: {  	s8 =	sadd.s32 $0xFFFFE003, lr  }
0x1b: {  	s9 =	sadd.s32 $0xFFFFFEF7, lr;
	s5 =	simm.s32 $0xFFFFFFFF;
	p2 =	slt.u32 s8, $0xFFFFF086  }
0x1c: {  	p1 =	slt.u32 s9, $0xF7A;
	s5 =	simm.s32 @!p2 $0x0  }
0x1d: {  	s5 =	simm.s32 @p1 $0x1;
	p0 =	seq.s32 s7, s2  }
0x1e: {  	s7 =	smul.u32 @!p0 $0xF7A, s2;
	p2 =	seq.s32 @!p0 s5, $0x0  }
0x1f: {  	s9 =	smul.u32 $0xF7A, s1;
	s8 =	simm.s32 @!p0 $0x1BF5;
	p2 =	por !p2, p0  }
0x20: {  	[sflag:s8] =	ssyncset.s32 @!p0 $0xFFFFF086;
	s6 =	sadd.s32 @!p0 s3, s7;
	s7 =	simm.s32 @!p0 $0x108  }
0x21: {  	s3 =	sadd.s32 s3, s9;
	s6 =	sadd.s32 @!p0 $0x88, s6;
	s7 =	simm.s32 @p2 $0x1082  }
0x22: {  	[simem:s7], [sflag:s8] =	dma.local @!p0 [hbm:s6], $0xF7A  }
0x23: {  	s9 =	sor.u32 $0xD0000000, s2;
	s6 =	simm.s32 $0x108;
	_ =	swait.ge @!p0 [sflag:s8], $0x0  }
0x24: {  	s3 =	sadd.s32 $0x88, s3;
	s6 =	simm.s32 @!p1 $0x1082;
	[sflag:s4] =	ssyncset.s32 $0xFFFFF086  }
0x25: {  	[simem:s6], [sflag:s4] =	dma.local [hbm:s3], $0xF7A  }
0x26: {  	[smem:$0x3F91] =	sst s1;
	(tag) =	ssettag s2;
	_ =	strace s9  }
0x27: {  	s1 =	sld [smem:$0x3FA1]  }
0x28: {  	s2 =	sld [smem:$0x3FA2]  }
0x29: {  	s4 =	sld [smem:$0x3FA4]  }
0x2a: {  	p0 =	seq.s32 s5, $0x0;
	s5 =	sld [smem:$0x3FA5]  }
0x2b: {  	s6 =	sld [smem:$0x3FA6]  }
0x2c: {  	s7 =	sld [smem:$0x3FA7]  }
0x2d: {  	s3 =	simm.s32 $0x108;
	s8 =	sld [smem:$0x3FA8]  }
0x2e: {  	s3 =	simm.s32 @!p0 $0x1082;
	s9 =	sld [smem:$0x3FA9]  }
0x2f: {  	lr =	sadd.s32 s0, s3;
	s0 =	sld [smem:$0x3FA0]  }
0x30: {  	s3 =	sld [smem:$0x3FA3]  }
0x31: {  	[smem:$0x3FAC] =	sst s10  }
0x32: {  	s10 =	sld [smem:$0x3FAA];
	_ =	sdelay $0x3  }
0x33: {  	p0 =	seq.s32 s10, $0x1;
	s10 =	sld [smem:$0x3FAC];
	_ =	sdelay $0x3  }
0x34: {  	[smem:$0x3FAC] =	sst s10  }
0x35: {  	s10 =	sld [smem:$0x3FAB];
	_ =	sdelay $0x3  }
0x36: {  	p1 =	seq.s32 s10, $0x1;
	s10 =	sld [smem:$0x3FAC];
	_ =	sdelay $0x3  }
0x37: {  	[smem:$0x3FAC] =	sst s10  }
0x38: {  	s10 =	sld [smem:$0x3FAD]  }
0x39: {  	_ = 	snop;
	(pc) =	sbr.ind lr, $3  }
0x3a: {  	_ = 	snop  }
0x3b: {  	_ = 	snop  }
0x3c: {  	p2 =	seq.s32 s10, $0x1;
	s10 =	sld [smem:$0x3FAC]  }
0x3d: {  	_ =	shalt  }
0x3e: {  	_ =	shalt  }
0x3f: {  	_ =	shalt  }
0x40: {  	_ =	shalt  }
0x41: {  	_ =	shalt  }
0x42: {  	_ =	shalt  }
0x43: {  	_ =	shalt  }
0x44: {  	_ =	shalt  }
0x45: {  	_ =	shalt  }
0x46: {  	_ =	shalt  }
0x47: {  	_ =	shalt  }
0x48: {  	_ =	shalt  }
0x49: {  	_ =	shalt  }
0x4a: {  	_ =	shalt  }
0x4b: {  	_ =	shalt  }
0x4c: {  	_ =	shalt  }
0x4d: {  	_ =	shalt  }
0x4e: {  	_ =	shalt  }
0x4f: {  	_ =	shalt  }
0x50: {  	_ =	shalt  }
0x51: {  	_ =	shalt  }
0x52: {  	_ =	shalt  }
0x53: {  	_ =	shalt  }
0x54: {  	_ =	shalt  }
0x55: {  	_ =	shalt  }
0x56: {  	_ =	shalt  }
0x57: {  	_ =	shalt  }
0x58: {  	_ =	shalt  }
0x59: {  	_ =	shalt  }
0x5a: {  	_ =	shalt  }
0x5b: {  	_ =	shalt  }
0x5c: {  	_ =	shalt  }
0x5d: {  	_ =	shalt  }
0x5e: {  	_ =	shalt  }
0x5f: {  	_ =	shalt  }
0x60: {  	_ =	shalt  }
0x61: {  	_ =	shalt  }
0x62: {  	_ =	shalt  }
0x63: {  	_ =	shalt  }
0x64: {  	_ =	shalt  }
0x65: {  	_ =	shalt  }
0x66: {  	_ =	shalt  }
0x67: {  	_ =	shalt  }
0x68: {  	_ =	shalt  }
0x69: {  	_ =	shalt  }
0x6a: {  	_ =	shalt  }
0x6b: {  	_ =	shalt  }
0x6c: {  	_ =	shalt  }
0x6d: {  	_ =	shalt  }
0x6e: {  	_ =	shalt  }
0x6f: {  	_ =	shalt  }
0x70: {  	_ =	shalt  }
0x71: {  	_ =	shalt  }
0x72: {  	_ =	shalt  }
0x73: {  	_ =	shalt  }
0x74: {  	_ =	shalt  }
0x75: {  	_ =	shalt  }
0x76: {  	_ =	shalt  }
0x77: {  	_ =	shalt  }
0x78: {  	_ =	shalt  }
0x79: {  	_ =	shalt  }
0x7a: {  	_ =	shalt  }
0x7b: {  	_ =	shalt  }
0x7c: {  	_ =	shalt  }
0x7d: {  	_ =	shalt  }
0x7e: {  	_ =	shalt  }
0x7f: {  	_ =	shalt  }
0x80: {  	_ =	shalt  }
0x81: {  	_ =	shalt  }
0x82: {  	_ =	shalt  }
0x83: {  	_ =	shalt  }
0x84: {  	_ =	shalt  }
0x85: {  	_ =	shalt  }
0x86: {  	_ =	shalt  }
0x87: {  	_ =	shalt  }
.Lfunc_end0:
.L_simem_size_0:
called_computation.3_lowered:
.L_overlay_start_0:
0x88: {  	s2 =	sld [smem:$0x3FD9]  }
0x89: {  	s3 =	sld [smem:$0x3FFE];
	_ =	sdelay $0x1  }
0x8a: {  	s1 =	srdreg.scid  }
0x8b: {  	s0 =	sand.u32 $0x1, s1  }
0x8c: {  	s16 =	sshll.u32 s0, $0xA;
	s2 =	sadd.s32 s3, s2  }
0x8d: {  	s2 =	sadd.s32 s2, s16  }
0x8e: {  	[smem:$0x3FB8] =	sst s2  }
0x8f: {  	_ = 	snop  }
0x90: {  	(tm) =	ssettm $0x1  }
0x91: {  	s17 =	sld [smem:$0x3FFB];
	_ =	sdelay $0x3  }
0x92: {  	_ =	strace s17  }
0x93: {  	s2 =	sld [smem:$0x3FFC];
	_ =	sdelay $0x3  }
0x94: {  	_ =	strace s2  }
0x95: {  	s2 =	sld [smem:$0x3FFD];
	_ =	sdelay $0x3  }
0x96: {  	_ =	strace s2  }
0x97: {  	_ =	strace $0x8FFFFFFF  }
0x98: {  	s18 =	sld [smem:$0x3FDB];
	_ =	sdelay $0x1  }
0x99: {  	s19 =	simm.s32 $_scs_section_size  }
0x9a: {  	s4 =	simm.s32 $_size__tile_overlayer_lowered;
	s5 =	simm.s32 $_tile_overlayer_lowered  }
0x9b: {  	s22 =	simm.s32 $0x1BFF;
	s21 =	sshll.u32 s5, $0x1;
	s2 =	sadd.s32 s19, s18  }
0x9c: {  	s6 =	simm.s32 $0x0;
	s20 =	sshll.u32 s4, $0x1;
	s4 =	sadd.s32 s21, s2  }
0x9d: {  	[timem:s6], [sflag:s22] =	dma.local [hbm:s4], s20  }
0x9e: {  	_ =	swait.ge [sflag:s22], s20  }
0x9f: {  	s3 =	ssub.s32 $0x0, s20;
	[sflag:s22] =	ssyncset.done $0x0  }
0xa0: {  	[sflag:s22] =	ssyncadd.s32 s3;
	_ =	sdelay $0x1  }
0xa1: {  	s23 =	simm.s32 $0x1B8B  }
0xa2: {  	_ =	swait.ge [sflag:s23], $0x1  }
0xa3: {  	[sflag:s23] =	ssyncset.done $0x0  }
0xa4: {  	s25 =	simm.s32 $0x1B8E;
	s24 =	sld [smem:$0x3FFE];
	[sflag:s23] =	ssyncadd.s32 $0xFFFFFFFF  }
0xa5: {  	s26 =	simm.s32 $execute0_lowered;
	[smem:$0x3FD2] =	sst s25  }
0xa6: {  	s4 =	sshll.u32 s26, $0x1;
	_ =	strace $0x8000004F;
	[dreg:$0x1] =	wrdreg $0xFFFFFFFF  }
0xa7: {  	s28 =	simm.s32 $_size_execute0_lowered;
	s2 =	sadd.s32 s2, s4;
	[dreg:$0x0] =	wrdreg $0x0  }
0xa8: {  	s4 =	sshll.u32 s28, $0x1;
	[dreg:$0x2] =	wrdreg s2  }
0xa9: {  	[dreg:$0x3] =	wrdreg s4  }
0xaa: {  	[dreg:$0x4] =	wrdreg $0xC0  }
0xab: {  	_ =	task [dreg:s6], $0x5FFFF  }
0xac: {  	[dreg:$0x1] =	wrdreg $0xFFFFFFFF  }
0xad: {  	[dreg:$0x0] =	wrdreg $0x60  }
0xae: {  	[dreg:$0x2] =	wrdreg s24  }
0xaf: {  	[dreg:$0x3] =	wrdreg $0x0  }
0xb0: {  	[dreg:$0x4] =	wrdreg $0x9  }
0xb1: {  	_ =	task.clear_ibuf [dreg:s6], $0x5FFFF;
	_ =	strace $0x9000004F  }
0xb2: {  	s29 =	simm.s32 $0x9;
	_ =	strace $0x80000051  }
0xb3: {  	_ =	swait.ge [sflag:s29], $0x1  }
0xb4: {  	[sflag:s29] =	ssyncadd.s32 $0xFFFFFFFF  }
0xb5: {  	_ =	strace $0x90000051  }
0xb6: {  	_ =	sfence  }
0xb7: {  	s30 =	sld [smem:$0x0];
	_ =	sdelay $0x2  }
0xb8: {  	s31 =	sshll.u32 s1, $0xD;
	s1 =	sshrl.u32 s1, $0x2  }
0xb9: {  	s3 =	sand.u32 $0x4000, s31;
	s1 =	sadd.s32 s1, s30  }
0xba: {  	s0 =	sor.u32 s3, s0;
	s1 =	sshll.u32 s1, $0x11  }
0xbb: {  	s0 =	sor.u32 s1, s0  }
0xbc: {  	s0 =	sadd.s32 $0x8F2B, s0  }
0xbd: {  	[sflag:s0] =	ssyncadd.remote.s32 $0x1  }
0xbe: {  	_ =	sfence.sel $0xFFFF  }
0xbf: {  	[dreg:$0x0] =	wrdreg $0xFFFFFFFF;
	(pc) =	sbr.abs _section_cstart, $3  }
0xc0: {  	[dreg:$0x1] =	wrdreg $0xFFFFFFFF  }
0xc1: {  	_ =	task.clear_ibuf [dreg:s6], $0x2FFFF;
	_ =	strace $0x9FFFFFFF  }
0xc2: {  	(tm) =	ssettm $0x7FFFFFFF  }
0xc3: {  	_ =	shalt  }
tec
execute0_lowered:
.L_overlay_start_1:
0x0: {  	(tag) =	ssettag $0x1  }
0x1: {  	s0 =	rddreg [dreg:$0x0]  }
0x2: {  	s2 =	rddreg [dreg:$0x1];
	s3 =	simm.s32 $0x0  }
0x3: {  	s1 =	srdreg.scid;
	s12 =	stileid.u32;
	s19 =	simm.s32 $0x197A0  }
0x4: {  	s20 =	simm.s32 $0x2;
	s21 =	simm.s32 $0x19610;
	s7 =	smul.u32 $0x18800, s12  }
0x5: {  	s22 =	simm.s32 $0x18800;
	s23 =	simm.s32 $0x18990;
	s10 =	smul.u32 $0x62000, s12  }
0x6: {  	[smem:$0x7FF] =	sst s3;
	s1 =	sand.u32 $0x1, s1;
	s15 =	smul.u32 $0x7D, s12  }
0x7: {  	s4 =	sadd.s32 $0x32400, s0;
	s5 =	sadd.s32 $0x19C00, s0;
	s8 =	smul.u32 $0x188000, s1  }
0x8: {  	s6 =	sadd.s32 $0x4B200, s0;
	_ =	strace $0x80000050;
	s9 =	smul.u32 $0x31000, s1  }
0x9: {  	s11 =	ssub.s32 $0x2, s1;
	s31 =	sshll.u32 s1, $0x1;
	s1 =	sshllo.u32 s1, $0x1  }
0xa: {  	s24 =	sshrl.u32 s11, $0x1;
	s10 =	sshrl.u32 s10, $0x2;
	s8 =	sadd.s32 s7, s8  }
0xb: {  	s9 =	sadd.s32 s9, s0;
	s7 =	sadd.s32 s7, s2;
	s10 =	sadd.s32 s10, s2  }
0xc: {  	s8 =	sshrl.u32 s8, $0x3;
	s25 =	sadd.s32 $0x3200, s10;
	s26 =	sadd.s32 $0x6400, s10  }
0xd: {  	s28 =	sadd.s32 $0x9600, s10;
	s29 =	sadd.s32 $0xC800, s10;
	[dreg:$0x3] =	wrdreg s25  }
0xe: {  	s30 =	sadd.s32 $0xFA00, s10;
	s13 =	sadd.s32 $0x12C00, s10;
	[dreg:$0x4] =	wrdreg s26  }
0xf: {  	s14 =	sadd.s32 $0x15E00, s10;
	s16 =	sadd.s32 $0x272000, s9;
	[dreg:$0x5] =	wrdreg s28  }
0x10: {  	s0 =	sadd.s32 s8, s0;
	s8 =	ssub.s32 s11, s24;
	[dreg:$0x6] =	wrdreg s29  }
0x11: {  	v0 =	vmov s31;
	v1 =	vmov s1;
	[dreg:$0x7] =	wrdreg s30;
	s24 =	simm.s32 $0x190;
	s25 =	simm.s32 $0x1  }
0x12: {  	v2 =	vimm.f32 $0.0e+00;
	v0 =	vbroadcast v0, $0x0;
	v1 =	vbroadcast v1, $0x0;
	s26 =	simm.s32 $0x0;
	s17 =	sadd.s32 $0x127A00, s0;
	s18 =	smax.u32 s8, $0x1  }
.LBB2_1:
0x13: {  	s0 =	simm.s32 $0x80;
	s1 =	simm.s32 $0x0  }
.LBB2_2:
0x14: {  	p0 =	sne.s32 s0, $0xC780;
	[tilespmem:s1+$0x197A0] =	vst v2;
	s8 =	smov.u32 s0;
	s0 =	sadd.s32 $0x80, s0  }
.Ltmp0:
0x15: {  	[tilespmem:s1+$0x197B0] =	vst v2;
	(pc) =	sbr.rel @p0 .LBB2_2-.Ltmp0, $2  }
0x16: {  	_ =	sdelay $0x2  }
0x17: {  	s1 =	sshra.s32 s8, $0x2  }
0x18: {  	[tilespmem:s1+$0x197A0] =	vst v2  }
0x19: {  	[tilespmem:s1+$0x197B0] =	vst v2  }
0x1a: {  	[spmem:s7] =	stream.linear.scatter [tilespmem:s19], [sflag:$0x2], $0x3200, $0x38;
	[tilespmem:$0x1C9A0] =	vst v63  }
0x1b: {  	_ =	swait.ge [sflag:s20], $0x3200  }
0x1c: {  	[sflag:s20] =	ssyncset.done $0x0  }
0x1d: {  	s0 =	rddreg [dreg:$0x3];
	[sflag:s20] =	ssyncadd.s32 $0xFFFFCE00  }
0x1e: {  	[spmem:s0] =	stream.linear.scatter [tilespmem:s19], [sflag:$0x2], $0x3200, $0x38;
	[tilespmem:$0x1C9A0] =	vst v63  }
0x1f: {  	_ =	swait.ge [sflag:s20], $0x3200  }
0x20: {  	[sflag:s20] =	ssyncset.done $0x0  }
0x21: {  	s12 =	rddreg [dreg:$0x4];
	[sflag:s20] =	ssyncadd.s32 $0xFFFFCE00  }
0x22: {  	[spmem:s12] =	stream.linear.scatter [tilespmem:s19], [sflag:$0x2], $0x3200, $0x38;
	[tilespmem:$0x1C9A0] =	vst v63  }
0x23: {  	_ =	swait.ge [sflag:s20], $0x3200  }
0x24: {  	[sflag:s20] =	ssyncset.done $0x0  }
0x25: {  	s29 =	rddreg [dreg:$0x5];
	[sflag:s20] =	ssyncadd.s32 $0xFFFFCE00  }
0x26: {  	[spmem:s29] =	stream.linear.scatter [tilespmem:s19], [sflag:$0x2], $0x3200, $0x38;
	[tilespmem:$0x1C9A0] =	vst v63  }
0x27: {  	_ =	swait.ge [sflag:s20], $0x3200  }
0x28: {  	[sflag:s20] =	ssyncset.done $0x0  }
0x29: {  	s30 =	rddreg [dreg:$0x6];
	[sflag:s20] =	ssyncadd.s32 $0xFFFFCE00  }
0x2a: {  	[spmem:s30] =	stream.linear.scatter [tilespmem:s19], [sflag:$0x2], $0x3200, $0x38;
	[tilespmem:$0x1C9A0] =	vst v63  }
0x2b: {  	_ =	swait.ge [sflag:s20], $0x3200  }
0x2c: {  	[sflag:s20] =	ssyncset.done $0x0  }
0x2d: {  	s31 =	rddreg [dreg:$0x7];
	[sflag:s20] =	ssyncadd.s32 $0xFFFFCE00  }
0x2e: {  	[spmem:s31] =	stream.linear.scatter [tilespmem:s19], [sflag:$0x2], $0x3200, $0x38;
	[tilespmem:$0x1C9A0] =	vst v63  }
0x2f: {  	_ =	swait.ge [sflag:s20], $0x3200  }
0x30: {  	[sflag:s20] =	ssyncset.done $0x0  }
0x31: {  	[sflag:s20] =	ssyncadd.s32 $0xFFFFCE00  }
0x32: {  	[spmem:s13] =	stream.linear.scatter [tilespmem:s19], [sflag:$0x2], $0x3200, $0x38;
	[tilespmem:$0x1C9A0] =	vst v63  }
0x33: {  	_ =	swait.ge [sflag:s20], $0x3200  }
0x34: {  	[sflag:s20] =	ssyncset.done $0x0  }
0x35: {  	[sflag:s20] =	ssyncadd.s32 $0xFFFFCE00  }
0x36: {  	[spmem:s14] =	stream.linear.scatter [tilespmem:s19], [sflag:$0x2], $0x2A00, $0x38;
	[tilespmem:$0x1C9A0] =	vst v63  }
0x37: {  	_ =	swait.ge [sflag:s20], $0x2A00  }
0x38: {  	[sflag:s20] =	ssyncset.done $0x0  }
0x39: {  	[sflag:s20] =	ssyncadd.s32 $0xFFFFD600  }
0x3a: {  	s28 =	simm.s32 $0x0;
	[bflag:$0x0] =	sbarrier.arrive $0xFFFF  }
.LBB2_4:
0x3b: {  	s0 =	sadd.s32 s15, s28  }
0x3c: {  	s1 =	smul.u32 $0x32, s0;
	_ =	sdelay $0x1  }
0x3d: {  	s8 =	sadd.s32 s4, s1  }
0x3e: {  	[tilespmem:s21], [sflag:$0x2] =	stream.linear.gather [hbm4b:s8+s3], $0x190, $0x38;
	[tilespmem:$0x1C9A0] =	vst v63  }
0x3f: {  	_ =	swait.ge [sflag:s20], $0x190  }
0x40: {  	[sflag:s20] =	ssyncset.done $0x0  }
0x41: {  	s1 =	sadd.s32 s5, s1;
	[sflag:s20] =	ssyncadd.s32 $0xFFFFFE70  }
0x42: {  	[tilespmem:s22], [sflag:$0x2] =	stream.linear.gather [hbm4b:s1+s3], $0x190, $0x38;
	[tilespmem:$0x1C9A0] =	vst v63  }
0x43: {  	s0 =	smul.u32 $0x190, s0;
	_ =	swait.ge [sflag:s20], $0x190  }
0x44: {  	[sflag:s20] =	ssyncset.done $0x0  }
0x45: {  	s0 =	sadd.s32 s6, s0;
	[sflag:s20] =	ssyncadd.s32 $0xFFFFFE70  }
0x46: {  	[tilespmem:s23], [sflag:$0x2] =	stream.linear.gather [hbm4b:s0+s3], $0xC80, $0x38;
	[tilespmem:$0x1C9A0] =	vst v63  }
0x47: {  	_ =	swait.ge [sflag:s20], $0xC80  }
0x48: {  	[sflag:s20] =	ssyncset.done $0x0  }
0x49: {  	s11 =	simm.s32 $0x0;
	[sflag:s20] =	ssyncadd.s32 $0xFFFFF380  }
0x4a: {  	v3 =	vor.u32 s11, v0;
	[tilespmem:s19], [sflag:$0x1] =	stream.indirect.gather [hbm4b:s16+s24], $0x20, s21, s24, $0xb8;
	[tilespmem:$0x1C9A0] =	vst v63  }
0x4b: {  	_ =	swait.ge [sflag:s25], $0x3200  }
0x4c: {  	v4 =	vor.u32 s11, v1;
	[sflag:s25] =	ssyncset.done $0x0  }
0x4d: {  	s29 =	simm.s32 $0x19820;
	[sflag:s25] =	ssyncadd.s32 $0xFFFFCE00  }
0x4e: {  	v5 =	vld [tilespmem:s29+$0xFFFFFF80]  }
0x4f: {  	v3 =	vld.idx.msk [tilespmem:v3+s23+$0x0], $0xffff  }
0x50: {  	v6 =	vld [tilespmem:s29+$0xFFFFFF90]  }
0x51: {  	v4 =	vld.idx.msk [tilespmem:v4+s23+$0x0], $0xffff;
	_ =	sdelay $0x1  }
0x52: {  	s12 =	simm.s32 $0x8  }
0x53: {  	v3 =	vmul.f32 v5, v3;
	v5 =	vor.u32 s12, v0;
	_ =	sdelay $0x1  }
0x54: {  	v4 =	vmul.f32 v6, v4  }
0x55: {  	[tilespmem:s29+$0xFFFFFF80] =	vst v3;
	v3 =	vor.u32 s12, v1  }
0x56: {  	[tilespmem:s29+$0xFFFFFF90] =	vst v4;
	v4 =	vld [tilespmem:s29+$0xFFFFFFA0]  }
0x57: {  	v5 =	vld.idx.msk [tilespmem:v5+s23+$0x0], $0xffff;
	_ =	sdelay $0x1  }
0x58: {  	v6 =	vld [tilespmem:s29+$0xFFFFFFB0]  }
0x59: {  	v3 =	vld.idx.msk [tilespmem:v3+s23+$0x0], $0xffff;
	_ =	sdelay $0x1  }
0x5a: {  	s1 =	simm.s32 $0x10;
	v4 =	vmul.f32 v4, v5  }
0x5b: {  	v5 =	vor.u32 s1, v0  }
0x5c: {  	[tilespmem:s29+$0xFFFFFFA0] =	vst v4;
	v4 =	vor.u32 s1, v1  }
0x5d: {  	v3 =	vmul.f32 v6, v3  }
0x5e: {  	v6 =	vld [tilespmem:s29+$0xFFFFFFD0]  }
0x5f: {  	[tilespmem:s29+$0xFFFFFFB0] =	vst v3;
	v3 =	vld [tilespmem:s29+$0xFFFFFFC0]  }
0x60: {  	v5 =	vld.idx.msk [tilespmem:v5+s23+$0x0], $0xffff  }
0x61: {  	v4 =	vld.idx.msk [tilespmem:v4+s23+$0x0], $0xffff;
	_ =	sdelay $0x1  }
0x62: {  	s8 =	simm.s32 $0x18  }
0x63: {  	v7 =	vor.u32 s8, v0  }
0x64: {  	v3 =	vmul.f32 v3, v5;
	v5 =	vor.u32 s8, v1  }
0x65: {  	v4 =	vmul.f32 v6, v4  }
0x66: {  	v8 =	vld [tilespmem:s29+$0xFFFFFFF0];
	[tilespmem:s29+$0xFFFFFFC0] =	vst v3  }
0x67: {  	v3 =	vld [tilespmem:s29+$0xFFFFFFE0];
	[tilespmem:s29+$0xFFFFFFD0] =	vst v4  }
0x68: {  	v4 =	vld.idx.msk [tilespmem:v7+s23+$0x0], $0xffff  }
0x69: {  	v5 =	vld.idx.msk [tilespmem:v5+s23+$0x0], $0xffff;
	_ =	sdelay $0x1  }
0x6a: {  	s9 =	simm.s32 $0x20  }
0x6b: {  	v6 =	vor.u32 s9, v0  }
0x6c: {  	v7 =	vor.u32 s9, v1;
	v3 =	vmul.f32 v3, v4  }
0x6d: {  	v5 =	vmul.f32 v8, v5  }
0x6e: {  	v4 =	vld [tilespmem:s29+$0x10];
	[tilespmem:s29+$0xFFFFFFE0] =	vst v3  }
0x6f: {  	v8 =	vld [tilespmem:s29+$0x0];
	[tilespmem:s29+$0xFFFFFFF0] =	vst v5  }
0x70: {  	v3 =	vld.idx.msk [tilespmem:v6+s23+$0x0], $0xffff  }
0x71: {  	v5 =	vld.idx.msk [tilespmem:v7+s23+$0x0], $0xffff;
	_ =	sdelay $0x1  }
0x72: {  	s10 =	simm.s32 $0x28  }
0x73: {  	v6 =	vor.u32 s10, v0  }
0x74: {  	v7 =	vor.u32 s10, v1;
	v3 =	vmul.f32 v8, v3  }
0x75: {  	v4 =	vmul.f32 v4, v5  }
0x76: {  	v9 =	vld [tilespmem:s29+$0x30];
	[tilespmem:s29+$0x0] =	vst v3  }
0x77: {  	v8 =	vld [tilespmem:s29+$0x20];
	[tilespmem:s29+$0x10] =	vst v4  }
0x78: {  	v3 =	vld.idx.msk [tilespmem:v6+s23+$0x0], $0xffff  }
0x79: {  	v4 =	vld.idx.msk [tilespmem:v7+s23+$0x0], $0xffff;
	_ =	sdelay $0x1  }
0x7a: {  	s11 =	simm.s32 $0x30  }
0x7b: {  	v5 =	vor.u32 s11, v0  }
0x7c: {  	v7 =	vor.u32 s11, v1;
	v3 =	vmul.f32 v8, v3  }
0x7d: {  	v4 =	vmul.f32 v9, v4  }
0x7e: {  	v6 =	vld [tilespmem:s29+$0x50];
	[tilespmem:s29+$0x20] =	vst v3  }
0x7f: {  	v8 =	vld [tilespmem:s29+$0x40];
	[tilespmem:s29+$0x30] =	vst v4  }
0x80: {  	v4 =	vld.idx.msk [tilespmem:v5+s23+$0x0], $0xffff  }
0x81: {  	v5 =	vld.idx.msk [tilespmem:v7+s23+$0x0], $0xffff;
	_ =	sdelay $0x1  }
0x82: {  	s12 =	simm.s32 $0x38  }
0x83: {  	v7 =	vor.u32 s12, v0  }
0x84: {  	v8 =	vmul.f32 v8, v4  }
0x85: {  	v5 =	vmul.f32 v6, v5;
	v6 =	vor.u32 s12, v1  }
0x86: {  	v3 =	vld [tilespmem:s29+$0x60];
	[tilespmem:s29+$0x40] =	vst v8  }
0x87: {  	v4 =	vld [tilespmem:s29+$0x70];
	[tilespmem:s29+$0x50] =	vst v5  }
0x88: {  	s31 =	simm.s32 $0xF;
	s30 =	simm.s32 $0x19820;
	v5 =	vld.idx.msk [tilespmem:v7+s23+$0x0], $0xffff  }
.LBB2_5:
0x89: {  	p0 =	sne.s32 s31, $0x18F  }
0x8a: {  	v6 =	vld.idx.msk [tilespmem:v6+s23+$0x0], $0xffff;
	s29 =	sadd.s32 $0x100, s29;
	s0 =	smov.u32 s31;
	s31 =	sadd.s32 $0x8, s31  }
0x8b: {  	_ = 	snop  }
0x8c: {  	s0 =	sshll.u32 s0, $0x3  }
0x8d: {  	s1 =	sadd.s32 $0xFFFFFFC8, s0;
	s11 =	sadd.s32 $0xFFFFFFD0, s0;
	s12 =	sadd.s32 $0xFFFFFFD8, s0  }
0x8e: {  	s10 =	sadd.s32 $0xFFFFFFE0, s0;
	s9 =	sadd.s32 $0xFFFFFFE8, s0;
	s8 =	sadd.s32 $0xFFFFFFF0, s0;
	v7 =	vor.u32 s1, v0;
	v8 =	vor.u32 s1, v1  }
0x8f: {  	s1 =	sadd.s32 $0xFFFFFFF8, s0;
	v3 =	vmul.f32 v3, v5  }
0x90: {  	v4 =	vmul.f32 v4, v6  }
0x91: {  	v5 =	vld [tilespmem:s29+$0xFFFFFF90];
	[tilespmem:s30+$0x60] =	vst v3  }
0x92: {  	v3 =	vld [tilespmem:s29+$0xFFFFFF80];
	[tilespmem:s30+$0x70] =	vst v4;
	s30 =	smov.u32 s29  }
0x93: {  	v4 =	vld.idx.msk [tilespmem:v7+s23+$0x0], $0xffff  }
0x94: {  	v6 =	vld.idx.msk [tilespmem:v8+s23+$0x0], $0xffff;
	_ =	sdelay $0x3  }
0x95: {  	v7 =	vor.u32 s11, v0;
	v8 =	vor.u32 s11, v1  }
0x96: {  	v3 =	vmul.f32 v3, v4  }
0x97: {  	v4 =	vmul.f32 v5, v6  }
0x98: {  	[tilespmem:s29+$0xFFFFFF80] =	vst v3;
	v3 =	vld [tilespmem:s29+$0xFFFFFFB0]  }
0x99: {  	[tilespmem:s29+$0xFFFFFF90] =	vst v4;
	v4 =	vld [tilespmem:s29+$0xFFFFFFA0]  }
0x9a: {  	v5 =	vld.idx.msk [tilespmem:v7+s23+$0x0], $0xffff  }
0x9b: {  	v6 =	vld.idx.msk [tilespmem:v8+s23+$0x0], $0xffff;
	_ =	sdelay $0x3  }
0x9c: {  	v7 =	vor.u32 s12, v0;
	v8 =	vor.u32 s12, v1  }
0x9d: {  	v4 =	vmul.f32 v4, v5  }
0x9e: {  	v3 =	vmul.f32 v3, v6  }
0x9f: {  	[tilespmem:s29+$0xFFFFFFA0] =	vst v4;
	v4 =	vld [tilespmem:s29+$0xFFFFFFD0]  }
0xa0: {  	[tilespmem:s29+$0xFFFFFFB0] =	vst v3;
	v3 =	vld [tilespmem:s29+$0xFFFFFFC0]  }
0xa1: {  	v5 =	vld.idx.msk [tilespmem:v7+s23+$0x0], $0xffff  }
0xa2: {  	v6 =	vld.idx.msk [tilespmem:v8+s23+$0x0], $0xffff;
	_ =	sdelay $0x3  }
0xa3: {  	v7 =	vor.u32 s10, v0;
	v8 =	vor.u32 s10, v1  }
0xa4: {  	v3 =	vmul.f32 v3, v5  }
0xa5: {  	v4 =	vmul.f32 v4, v6;
	v5 =	vld [tilespmem:s29+$0xFFFFFFF0]  }
0xa6: {  	[tilespmem:s29+$0xFFFFFFC0] =	vst v3;
	v3 =	vld [tilespmem:s29+$0xFFFFFFE0]  }
0xa7: {  	[tilespmem:s29+$0xFFFFFFD0] =	vst v4  }
0xa8: {  	v4 =	vld.idx.msk [tilespmem:v7+s23+$0x0], $0xffff  }
0xa9: {  	v6 =	vld.idx.msk [tilespmem:v8+s23+$0x0], $0xffff;
	_ =	sdelay $0x3  }
0xaa: {  	v7 =	vor.u32 s9, v0;
	v8 =	vor.u32 s9, v1  }
0xab: {  	v3 =	vmul.f32 v3, v4;
	v4 =	vld [tilespmem:s29+$0x10]  }
0xac: {  	v5 =	vmul.f32 v5, v6;
	v6 =	vld [tilespmem:s29+$0x0]  }
0xad: {  	[tilespmem:s29+$0xFFFFFFE0] =	vst v3  }
0xae: {  	[tilespmem:s29+$0xFFFFFFF0] =	vst v5  }
0xaf: {  	v3 =	vld.idx.msk [tilespmem:v7+s23+$0x0], $0xffff  }
0xb0: {  	v5 =	vld.idx.msk [tilespmem:v8+s23+$0x0], $0xffff;
	_ =	sdelay $0x3  }
0xb1: {  	v7 =	vor.u32 s8, v0;
	v8 =	vor.u32 s8, v1;
	v9 =	vld [tilespmem:s29+$0x30]  }
0xb2: {  	v3 =	vmul.f32 v6, v3;
	v6 =	vld [tilespmem:s29+$0x20]  }
0xb3: {  	v4 =	vmul.f32 v4, v5  }
0xb4: {  	[tilespmem:s29+$0x0] =	vst v3  }
0xb5: {  	[tilespmem:s29+$0x10] =	vst v4  }
0xb6: {  	v3 =	vld.idx.msk [tilespmem:v7+s23+$0x0], $0xffff  }
0xb7: {  	v4 =	vld.idx.msk [tilespmem:v8+s23+$0x0], $0xffff;
	_ =	sdelay $0x2  }
0xb8: {  	v5 =	vld [tilespmem:s29+$0x50]  }
0xb9: {  	v7 =	vor.u32 s1, v0;
	v8 =	vor.u32 s1, v1;
	v10 =	vld [tilespmem:s29+$0x40]  }
0xba: {  	v3 =	vmul.f32 v6, v3  }
0xbb: {  	v4 =	vmul.f32 v9, v4  }
0xbc: {  	[tilespmem:s29+$0x20] =	vst v3  }
0xbd: {  	[tilespmem:s29+$0x30] =	vst v4  }
0xbe: {  	v7 =	vld.idx.msk [tilespmem:v7+s23+$0x0], $0xffff  }
0xbf: {  	v8 =	vld.idx.msk [tilespmem:v8+s23+$0x0], $0xffff;
	_ =	sdelay $0x1  }
0xc0: {  	v3 =	vld [tilespmem:s29+$0x60]  }
0xc1: {  	v4 =	vld [tilespmem:s29+$0x70]  }
0xc2: {  	v6 =	vor.u32 s0, v1;
	v9 =	vor.u32 s0, v0  }
.Ltmp1:
0xc3: {  	v7 =	vmul.f32 v10, v7;
	(pc) =	sbr.rel @p0 .LBB2_5-.Ltmp1, $4  }
0xc4: {  	v5 =	vmul.f32 v5, v8  }
0xc5: {  	[tilespmem:s29+$0x40] =	vst v7  }
0xc6: {  	[tilespmem:s29+$0x50] =	vst v5  }
0xc7: {  	v5 =	vld.idx.msk [tilespmem:v9+s23+$0x0], $0xffff  }
0xc8: {  	_ =	sdelay $0x3  }
0xc9: {  	v6 =	vld.idx.msk [tilespmem:v6+s23+$0x0], $0xffff;
	_ =	sdelay $0x3  }
0xca: {  	v3 =	vmul.f32 v3, v5  }
0xcb: {  	s28 =	sadd.s32 $0x1, s28;
	v4 =	vmul.f32 v4, v6  }
0xcc: {  	p0 =	sne.s32 s28, $0x7D;
	[tilespmem:s30+$0x60] =	vst v3  }
.Ltmp2:
0xcd: {  	[tilespmem:s30+$0x70] =	vst v4;
	(pc) =	sbr.rel @p0 .LBB2_4-.Ltmp2, $4  }
0xce: {  	[spmem:s2] =	stream.indirect.scatter.add.f32 [tilespmem:s19], [sflag:$0x2], $0x20, s22, s24, $0xb8;
	[tilespmem:$0x1C9A0] =	vst v63  }
0xcf: {  	_ =	swait.ge [sflag:s20], $0x3200  }
0xd0: {  	[sflag:s20] =	ssyncset.done $0x0  }
0xd1: {  	[sflag:s20] =	ssyncadd.s32 $0xFFFFCE00  }
0xd2: {  	s0 =	stileid.u32;
	s26 =	sadd.s32 $0x1, s26  }
0xd3: {  	[bflag:$0x0] =	sbarrier.arrive $0xFFFF;
	s0 =	sshll.u32 s0, $0x6;
	p0 =	sne.s32 s26, s18  }
.Ltmp3:
0xd4: {  	s1 =	sshrl.u32 s7, $0x3;
	s0 =	sor.u32 $0x1C02, s0;
	(pc) =	sbr.rel @p0 .LBB2_1-.Ltmp3, $4  }
0xd5: {  	[hbm:s17], [sflag:s0] =	dma.local [spmem:s1], $0x3100  }
0xd6: {  	_ =	swait.ge [sflag:s20], $0x3100  }
0xd7: {  	[sflag:s20] =	ssyncset.done $0x0  }
0xd8: {  	[sflag:s20] =	ssyncadd.s32 $0xFFFFCF00  }
0xd9: {  	_ =	sfence.sel $0x180000  }
0xda: {  	[bflag:$0x0] =	sbarrier.arrive $0xFFFF  }
0xdb: {  	_ =	strace $0x90000050  }
0xdc: {  	s0 =	stileid.u32;
	[bflag:$0x2] =	sbarrier.arrive $0xFFFF  }
0xdd: {  	p0 =	sne.s32 s0, $0x0;
	s0 =	rddreg [dreg:$0x2]  }
0xde: {  	s0 =	sadd.s32 @!p0 $0x100000, s0  }
0xdf: {  	[sflag:s0] =	ssyncadd.tile.s32 @!p0 $0x1;
	_ =	shalt  }
.Lfunc_end2:
_tile_overlayer_lowered:
.L_overlay_start_2:
0xe0: {  	(tag) =	ssettag $0x2  }
0xe1: {  	s0 =	rddreg [dreg:$0x0];
	s2 =	stileid.u32  }
0xe2: {  	s1 =	rddreg [dreg:$0x1];
	p0 =	sne.s32 s2, $0x0  }
0xe3: {  	s3 =	rddreg [dreg:$0x2];
	[bflag:$0x3] =	sbarrier.arrive $0xFFFF;
	s2 =	simm.s32 @!p0 $0x1C02  }
0xe4: {  	[timem:s3], [sflag:s2] =	dma.local @!p0 [hbm:s0], s1  }
0xe5: {  	s0 =	simm.s32 @!p0 $0x2  }
0xe6: {  	_ =	swait.ge @!p0 [sflag:s0], s1  }
0xe7: {  	s1 =	ssub.s32 @!p0 $0x0, s1;
	[sflag:s0] =	ssyncset.done @!p0 $0x0  }
0xe8: {  	[sflag:s0] =	ssyncadd.s32 @!p0 s1  }
0xe9: {  	[bflag:$0x3] =	sbarrier.arrive $0xFFFF  }
0xea: {  	_ =	shalt  }

// kernel: kernel.27.cloned.1.call-start
scs
__scs_entry_jumppad:
0x0: {  	(pc) =	sbr.rel $0x88, $3  }
0x1: {  	(tag) =	ssettag $0x0;
	lr =	simm.s32 $0x1  }
0x2: {  	[smem:$0x3F91] =	sst lr;
	_ =	strace $0xD0000000  }
0x3: {  	_ = 	snop  }
0x4: {  	_ = 	snop  }
0x5: {  	_ = 	snop  }
0x6: {  	_ = 	snop  }
0x7: {  	_ = 	snop  }
__scs_overlays_trampoline_lowered:
0x8: {  	[smem:$0x3FA0] =	sst s0  }
0x9: {  	[smem:$0x3FA1] =	sst s1  }
0xa: {  	[smem:$0x3FA2] =	sst s2  }
0xb: {  	[smem:$0x3FA3] =	sst s3  }
0xc: {  	[smem:$0x3FA4] =	sst s4  }
0xd: {  	[smem:$0x3FA5] =	sst s5  }
0xe: {  	[smem:$0x3FA6] =	sst s6  }
0xf: {  	[smem:$0x3FA7] =	sst s7  }
0x10: {  	[smem:$0x3FA8] =	sst s8  }
0x11: {  	[smem:$0x3FA9] =	sst s9;
	s0 =	simm.s32 @!p0 $0x0  }
0x12: {  	s1 =	sld [smem:$0x3F8F];
	s0 =	simm.s32 @p0 $0x1  }
0x13: {  	[smem:$0x3FAA] =	sst s0;
	s0 =	simm.s32 @!p1 $0x0  }
0x14: {  	s2 =	sld [smem:$0x3F8E];
	s0 =	simm.s32 @p1 $0x1  }
0x15: {  	[smem:$0x3FAB] =	sst s0;
	s0 =	simm.s32 @!p2 $0x0  }
0x16: {  	s3 =	sld [smem:$0x3FDB];
	s0 =	simm.s32 @p2 $0x1  }
0x17: {  	s4 =	simm.s32 $0x1BF5;
	[smem:$0x3FAD] =	sst s0  }
0x18: {  	s0 =	sld [smem:$0x3F90];
	_ =	swait.ge [sflag:s4], $0x0  }
0x19: {  	s7 =	sld [smem:$0x3F91]  }
0x1a: {  	s8 =	sadd.s32 $0xFFFFE003, lr  }
0x1b: {  	s9 =	sadd.s32 $0xFFFFFEF7, lr;
	s5 =	simm.s32 $0xFFFFFFFF;
	p2 =	slt.u32 s8, $0xFFFFF086  }
0x1c: {  	p1 =	slt.u32 s9, $0xF7A;
	s5 =	simm.s32 @!p2 $0x0  }
0x1d: {  	s5 =	simm.s32 @p1 $0x1;
	p0 =	seq.s32 s7, s2  }
0x1e: {  	s7 =	smul.u32 @!p0 $0xF7A, s2;
	p2 =	seq.s32 @!p0 s5, $0x0  }
0x1f: {  	s9 =	smul.u32 $0xF7A, s1;
	s8 =	simm.s32 @!p0 $0x1BF5;
	p2 =	por !p2, p0  }
0x20: {  	[sflag:s8] =	ssyncset.s32 @!p0 $0xFFFFF086;
	s6 =	sadd.s32 @!p0 s3, s7;
	s7 =	simm.s32 @!p0 $0x108  }
0x21: {  	s3 =	sadd.s32 s3, s9;
	s6 =	sadd.s32 @!p0 $0x88, s6;
	s7 =	simm.s32 @p2 $0x1082  }
0x22: {  	[simem:s7], [sflag:s8] =	dma.local @!p0 [hbm:s6], $0xF7A  }
0x23: {  	s9 =	sor.u32 $0xD0000000, s2;
	s6 =	simm.s32 $0x108;
	_ =	swait.ge @!p0 [sflag:s8], $0x0  }
0x24: {  	s3 =	sadd.s32 $0x88, s3;
	s6 =	simm.s32 @!p1 $0x1082;
	[sflag:s4] =	ssyncset.s32 $0xFFFFF086  }
0x25: {  	[simem:s6], [sflag:s4] =	dma.local [hbm:s3], $0xF7A  }
0x26: {  	[smem:$0x3F91] =	sst s1;
	(tag) =	ssettag s2;
	_ =	strace s9  }
0x27: {  	s1 =	sld [smem:$0x3FA1]  }
0x28: {  	s2 =	sld [smem:$0x3FA2]  }
0x29: {  	s4 =	sld [smem:$0x3FA4]  }
0x2a: {  	p0 =	seq.s32 s5, $0x0;
	s5 =	sld [smem:$0x3FA5]  }
0x2b: {  	s6 =	sld [smem:$0x3FA6]  }
0x2c: {  	s7 =	sld [smem:$0x3FA7]  }
0x2d: {  	s3 =	simm.s32 $0x108;
	s8 =	sld [smem:$0x3FA8]  }
0x2e: {  	s3 =	simm.s32 @!p0 $0x1082;
	s9 =	sld [smem:$0x3FA9]  }
0x2f: {  	lr =	sadd.s32 s0, s3;
	s0 =	sld [smem:$0x3FA0]  }
0x30: {  	s3 =	sld [smem:$0x3FA3]  }
0x31: {  	[smem:$0x3FAC] =	sst s10  }
0x32: {  	s10 =	sld [smem:$0x3FAA];
	_ =	sdelay $0x3  }
0x33: {  	p0 =	seq.s32 s10, $0x1;
	s10 =	sld [smem:$0x3FAC];
	_ =	sdelay $0x3  }
0x34: {  	[smem:$0x3FAC] =	sst s10  }
0x35: {  	s10 =	sld [smem:$0x3FAB];
	_ =	sdelay $0x3  }
0x36: {  	p1 =	seq.s32 s10, $0x1;
	s10 =	sld [smem:$0x3FAC];
	_ =	sdelay $0x3  }
0x37: {  	[smem:$0x3FAC] =	sst s10  }
0x38: {  	s10 =	sld [smem:$0x3FAD]  }
0x39: {  	_ = 	snop;
	(pc) =	sbr.ind lr, $3  }
0x3a: {  	_ = 	snop  }
0x3b: {  	_ = 	snop  }
0x3c: {  	p2 =	seq.s32 s10, $0x1;
	s10 =	sld [smem:$0x3FAC]  }
0x3d: {  	_ =	shalt  }
0x3e: {  	_ =	shalt  }
0x3f: {  	_ =	shalt  }
0x40: {  	_ =	shalt  }
0x41: {  	_ =	shalt  }
0x42: {  	_ =	shalt  }
0x43: {  	_ =	shalt  }
0x44: {  	_ =	shalt  }
0x45: {  	_ =	shalt  }
0x46: {  	_ =	shalt  }
0x47: {  	_ =	shalt  }
0x48: {  	_ =	shalt  }
0x49: {  	_ =	shalt  }
0x4a: {  	_ =	shalt  }
0x4b: {  	_ =	shalt  }
0x4c: {  	_ =	shalt  }
0x4d: {  	_ =	shalt  }
0x4e: {  	_ =	shalt  }
0x4f: {  	_ =	shalt  }
0x50: {  	_ =	shalt  }
0x51: {  	_ =	shalt  }
0x52: {  	_ =	shalt  }
0x53: {  	_ =	shalt  }
0x54: {  	_ =	shalt  }
0x55: {  	_ =	shalt  }
0x56: {  	_ =	shalt  }
0x57: {  	_ =	shalt  }
0x58: {  	_ =	shalt  }
0x59: {  	_ =	shalt  }
0x5a: {  	_ =	shalt  }
0x5b: {  	_ =	shalt  }
0x5c: {  	_ =	shalt  }
0x5d: {  	_ =	shalt  }
0x5e: {  	_ =	shalt  }
0x5f: {  	_ =	shalt  }
0x60: {  	_ =	shalt  }
0x61: {  	_ =	shalt  }
0x62: {  	_ =	shalt  }
0x63: {  	_ =	shalt  }
0x64: {  	_ =	shalt  }
0x65: {  	_ =	shalt  }
0x66: {  	_ =	shalt  }
0x67: {  	_ =	shalt  }
0x68: {  	_ =	shalt  }
0x69: {  	_ =	shalt  }
0x6a: {  	_ =	shalt  }
0x6b: {  	_ =	shalt  }
0x6c: {  	_ =	shalt  }
0x6d: {  	_ =	shalt  }
0x6e: {  	_ =	shalt  }
0x6f: {  	_ =	shalt  }
0x70: {  	_ =	shalt  }
0x71: {  	_ =	shalt  }
0x72: {  	_ =	shalt  }
0x73: {  	_ =	shalt  }
0x74: {  	_ =	shalt  }
0x75: {  	_ =	shalt  }
0x76: {  	_ =	shalt  }
0x77: {  	_ =	shalt  }
0x78: {  	_ =	shalt  }
0x79: {  	_ =	shalt  }
0x7a: {  	_ =	shalt  }
0x7b: {  	_ =	shalt  }
0x7c: {  	_ =	shalt  }
0x7d: {  	_ =	shalt  }
0x7e: {  	_ =	shalt  }
0x7f: {  	_ =	shalt  }
0x80: {  	_ =	shalt  }
0x81: {  	_ =	shalt  }
0x82: {  	_ =	shalt  }
0x83: {  	_ =	shalt  }
0x84: {  	_ =	shalt  }
0x85: {  	_ =	shalt  }
0x86: {  	_ =	shalt  }
0x87: {  	_ =	shalt  }
.Lfunc_end0:
.L_simem_size_0:
called_computation.4_lowered:
.L_overlay_start_0:
0x88: {  	s2 =	sld [smem:$0x3FD9]  }
0x89: {  	s3 =	sld [smem:$0x3FFE];
	_ =	sdelay $0x1  }
0x8a: {  	s1 =	srdreg.scid  }
0x8b: {  	s0 =	sand.u32 $0x1, s1  }
0x8c: {  	s17 =	sshll.u32 s0, $0xA;
	s2 =	sadd.s32 s3, s2  }
0x8d: {  	s2 =	sadd.s32 s2, s17  }
0x8e: {  	[smem:$0x3FB8] =	sst s2  }
0x8f: {  	_ = 	snop  }
0x90: {  	s2 =	sld [smem:$0x3FD0];
	(tm) =	ssettm $0x1  }
0x91: {  	s18 =	sld [smem:$0x3FFB];
	_ =	sdelay $0x3  }
0x92: {  	_ =	strace s18  }
0x93: {  	s3 =	sld [smem:$0x3FFC];
	_ =	sdelay $0x3  }
0x94: {  	_ =	strace s3  }
0x95: {  	s3 =	sld [smem:$0x3FFD];
	_ =	sdelay $0x3  }
0x96: {  	_ =	strace s3  }
0x97: {  	_ =	strace $0x8FFFFFFF  }
0x98: {  	s19 =	sld [smem:$0x3FDB];
	_ =	sdelay $0x1  }
0x99: {  	s4 =	simm.s32 $_scs_section_size  }
0x9a: {  	s5 =	simm.s32 $_size__tile_overlayer_lowered;
	s6 =	simm.s32 $_tile_overlayer_lowered  }
0x9b: {  	s22 =	simm.s32 $0x1BFF;
	s21 =	sshll.u32 s6, $0x1;
	s3 =	sadd.s32 s4, s19  }
0x9c: {  	s7 =	simm.s32 $0x0;
	s20 =	sshll.u32 s5, $0x1;
	s5 =	sadd.s32 s21, s3  }
0x9d: {  	[timem:s7], [sflag:s22] =	dma.local [hbm:s5], s20  }
0x9e: {  	_ =	swait.ge [sflag:s22], s20  }
0x9f: {  	s4 =	ssub.s32 $0x0, s20;
	[sflag:s22] =	ssyncset.done $0x0  }
0xa0: {  	[sflag:s22] =	ssyncadd.s32 s4;
	_ =	sdelay $0x1  }
0xa1: {  	s23 =	simm.s32 $0x1B8B  }
0xa2: {  	_ =	swait.ge [sflag:s23], $0x1  }
0xa3: {  	[sflag:s23] =	ssyncset.done $0x0  }
0xa4: {  	s25 =	simm.s32 $0x1B8E;
	s24 =	sld [smem:$0x3FFE];
	[sflag:s23] =	ssyncadd.s32 $0xFFFFFFFF  }
0xa5: {  	s26 =	simm.s32 $execute0_lowered;
	[smem:$0x3FD2] =	sst s25  }
0xa6: {  	s5 =	sshll.u32 s26, $0x1;
	_ =	strace $0x80000052;
	[dreg:$0x1] =	wrdreg $0xFFFFFFFF  }
0xa7: {  	s28 =	simm.s32 $_size_execute0_lowered;
	s3 =	sadd.s32 s3, s5;
	[dreg:$0x0] =	wrdreg $0x0  }
0xa8: {  	s5 =	sshll.u32 s28, $0x1;
	[dreg:$0x2] =	wrdreg s3  }
0xa9: {  	[dreg:$0x3] =	wrdreg s5  }
0xaa: {  	[dreg:$0x4] =	wrdreg $0xC0  }
0xab: {  	_ =	task [dreg:s7], $0x5FFFF  }
0xac: {  	[dreg:$0x1] =	wrdreg $0xFFFFFFFF  }
0xad: {  	[dreg:$0x0] =	wrdreg $0x60  }
0xae: {  	[dreg:$0x2] =	wrdreg s24  }
0xaf: {  	[dreg:$0x3] =	wrdreg s2  }
0xb0: {  	[dreg:$0x4] =	wrdreg $0x0  }
0xb1: {  	[dreg:$0x5] =	wrdreg $0x9  }
0xb2: {  	_ =	task.clear_ibuf [dreg:s7], $0x6FFFF;
	_ =	strace $0x90000052  }
0xb3: {  	s29 =	simm.s32 $0x9;
	_ =	strace $0x80000054  }
0xb4: {  	_ =	swait.ge [sflag:s29], $0x1  }
0xb5: {  	[sflag:s29] =	ssyncadd.s32 $0xFFFFFFFF  }
0xb6: {  	_ =	strace $0x90000054  }
0xb7: {  	_ =	sfence  }
0xb8: {  	s30 =	sld [smem:$0x0];
	_ =	sdelay $0x2  }
0xb9: {  	s31 =	sshll.u32 s1, $0xD;
	s1 =	sshrl.u32 s1, $0x2  }
0xba: {  	s3 =	sand.u32 $0x4000, s31;
	s1 =	sadd.s32 s1, s30  }
0xbb: {  	s0 =	sor.u32 s3, s0;
	s1 =	sshll.u32 s1, $0x11  }
0xbc: {  	s0 =	sor.u32 s1, s0  }
0xbd: {  	s0 =	sadd.s32 $0x8F2B, s0  }
0xbe: {  	[sflag:s0] =	ssyncadd.remote.s32 $0x1  }
0xbf: {  	_ =	sfence.sel $0xFFFF  }
0xc0: {  	[dreg:$0x0] =	wrdreg $0xFFFFFFFF;
	(pc) =	sbr.abs _section_cstart, $3  }
0xc1: {  	[dreg:$0x1] =	wrdreg $0xFFFFFFFF  }
0xc2: {  	_ =	task.clear_ibuf [dreg:s7], $0x2FFFF;
	_ =	strace $0x9FFFFFFF  }
0xc3: {  	(tm) =	ssettm $0x7FFFFFFF  }
tec
execute0_lowered:
.L_overlay_start_1:
0x0: {  	(tag) =	ssettag $0x1  }
0x1: {  	s0 =	rddreg [dreg:$0x0]  }
0x2: {  	s2 =	rddreg [dreg:$0x2];
	s4 =	simm.s32 $0x0;
	s1 =	srdreg.scid  }
0x3: {  	s15 =	stileid.u32;
	s18 =	simm.s32 $0xB418;
	s19 =	simm.s32 $0x3  }
0x4: {  	s21 =	simm.s32 $0xD358;
	s22 =	simm.s32 $0xB030;
	s23 =	simm.s32 $0x8150  }
0x5: {  	s24 =	simm.s32 $0x3E8;
	s25 =	simm.s32 $0x90F0;
	s28 =	simm.s32 $0x1  }
0x6: {  	s29 =	simm.s32 $0x2;
	s30 =	simm.s32 $0x0;
	[smem:$0x7FF] =	sst s4  }
0x7: {  	s5 =	sadd.s32 $0x32400, s0;
	s3 =	smul.u32 $0x6200, s15;
	s6 =	sadd.s32 $0x19C00, s0  }
0x8: {  	s1 =	sand.u32 $0x1, s1;
	s7 =	sadd.s32 $0x1EB800, s0;
	s8 =	sadd.s32 $0x1F7C00, s0  }
0x9: {  	s9 =	sadd.s32 $0x2D4000, s0;
	s12 =	smul.u32 $0x18800, s15;
	s10 =	sadd.s32 $0x4B200, s0  }
0xa: {  	_ =	strace $0x80000053;
	s11 =	smul.u32 $0x62000, s1;
	s13 =	ssub.s32 $0x2, s1  }
0xb: {  	s1 =	sshll.u32 s1, $0x4;
	s14 =	sshrl.u32 s13, $0x1;
	s12 =	sshrl.u32 s12, $0x2  }
0xc: {  	s1 =	sor.u32 s15, s1;
	s11 =	sadd.s32 s3, s11;
	s17 =	ssub.s32 s13, s14  }
0xd: {  	s26 =	sadd.s32 s12, s2;
	s15 =	smul.u32 $0x19, s1;
	s11 =	sshrl.u32 s11, $0x3  }
0xe: {  	v4 =	vlaneseq.u32;
	v2 =	vimm.f32 $0.0e+00;
	s31 =	sadd.s32 $0x1F40, s26;
	s13 =	sadd.s32 $0x3E80, s26;
	s14 =	sadd.s32 $0x5DC0, s26  }
0xf: {  	v0 =	vshrl.u32 v4, $0x3;
	v1 =	vand.u32 $0x7, v4;
	v3 =	vshrl.u32 v4, $0x2;
	s17 =	smax.u32 s17, $0x1;
	s26 =	simm.s32 $0x6210;
	s0 =	sadd.s32 s11, s0  }
0x10: {  	v4 =	vand.u32 $0x3, v4;
	v0 =	vmul.u32 $0x8, v0;
	v3 =	vmul.u32 $0x8, v3;
	s11 =	sadd.s32 s3, s2;
	[dreg:$0x4] =	wrdreg s31;
	s16 =	sadd.s32 $0x204000, s0  }
.LBB2_1:
0x11: {  	v5 =	vmov s4  }
0x12: {  	v5 =	vshll.u32 v5, $0x3  }
0x13: {  	v5 =	vor.u32 v0, v5  }
0x14: {  	s0 =	simm.s32 $0x2;
	v5 =	vor.u32 v1, v5  }
.LBB2_2:
0x15: {  	p0 =	sne.s32 s0, $0x3E6  }
.Ltmp0:
0x16: {  	_ = 	snop;
	(pc) =	sbr.rel @p0 .LBB2_2-.Ltmp0, $4  }
0x17: {  	v6 =	vmov s0  }
0x18: {  	v6 =	vshll.u32 v6, $0x3  }
0x19: {  	v6 =	vor.u32 v0, v6  }
0x1a: {  	s0 =	sadd.s32 $0x2, s0;
	[tilespmem:v5+s18+$0x0] =	vst.idx.msk $0xffff, v2;
	v5 =	vor.u32 v1, v6  }
0x1b: {  	_ =	sdelay $0x3  }
0x1c: {  	[tilespmem:v5+s18+$0x0] =	vst.idx.msk $0xffff, v2  }
0x1d: {  	[spmem:s11] =	stream.linear.scatter [tilespmem:s18], [sflag:$0x3], $0x1F40, $0x38;
	[tilespmem:$0xD740] =	vst v63  }
0x1e: {  	_ =	swait.ge [sflag:s19], $0x1F40  }
0x1f: {  	[sflag:s19] =	ssyncset.done $0x0  }
0x20: {  	s0 =	rddreg [dreg:$0x4];
	[sflag:s19] =	ssyncadd.s32 $0xFFFFE0C0  }
0x21: {  	[spmem:s0] =	stream.linear.scatter [tilespmem:s18], [sflag:$0x3], $0x1F40, $0x38;
	[tilespmem:$0xD740] =	vst v63  }
0x22: {  	_ =	swait.ge [sflag:s19], $0x1F40  }
0x23: {  	[sflag:s19] =	ssyncset.done $0x0  }
0x24: {  	[sflag:s19] =	ssyncadd.s32 $0xFFFFE0C0  }
0x25: {  	[spmem:s13] =	stream.linear.scatter [tilespmem:s18], [sflag:$0x3], $0x1F40, $0x38;
	[tilespmem:$0xD740] =	vst v63  }
0x26: {  	_ =	swait.ge [sflag:s19], $0x1F40  }
0x27: {  	[sflag:s19] =	ssyncset.done $0x0  }
0x28: {  	[sflag:s19] =	ssyncadd.s32 $0xFFFFE0C0  }
0x29: {  	[spmem:s14] =	stream.linear.scatter [tilespmem:s18], [sflag:$0x3], $0x440, $0x38;
	[tilespmem:$0xD740] =	vst v63  }
0x2a: {  	_ =	swait.ge [sflag:s19], $0x440  }
0x2b: {  	[sflag:s19] =	ssyncset.done $0x0  }
0x2c: {  	[sflag:s19] =	ssyncadd.s32 $0xFFFFFBC0  }
0x2d: {  	[bflag:$0x0] =	sbarrier.arrive $0xFFFF  }
0x2e: {  	s31 =	simm.s32 $0x0;
	s1 =	simm.s32 $0x6200;
	s20 =	rddreg [dreg:$0x1]  }
0x2f: {  	[tilespmem:s1], [sflag:$0x3] =	stream.linear.gather [hbm4b:s20+s31], $0x10, $0x38;
	[tilespmem:$0xD740] =	vst v63  }
0x30: {  	_ =	swait.ge [sflag:s19], $0x10  }
0x31: {  	[sflag:s19] =	ssyncset.done $0x0  }
0x32: {  	[sflag:s19] =	ssyncadd.s32 $0xFFFFFFF0  }
0x33: {  	v5 =	vld [tilespmem:$0x6200]  }
.LBB2_4:
0x34: {  	s0 =	sadd.s32 s15, s31  }
0x35: {  	s1 =	smul.u32 $0x7D, s0;
	_ =	sdelay $0x1  }
0x36: {  	s3 =	sadd.s32 s5, s1  }
0x37: {  	[tilespmem:s21], [sflag:$0x3] =	stream.linear.gather [hbm4b:s3+s4], $0x3E8, $0x38;
	[tilespmem:$0xD740] =	vst v63  }
0x38: {  	_ =	swait.ge [sflag:s19], $0x3E8  }
0x39: {  	[sflag:s19] =	ssyncset.done $0x0  }
0x3a: {  	s1 =	sadd.s32 s6, s1;
	[sflag:s19] =	ssyncadd.s32 $0xFFFFFC18  }
0x3b: {  	[tilespmem:s22], [sflag:$0x3] =	stream.linear.gather [hbm4b:s1+s4], $0x3E8, $0x38;
	[tilespmem:$0xD740] =	vst v63  }
0x3c: {  	s20 =	smul.u32 $0x1F4, s0;
	_ =	swait.ge [sflag:s19], $0x3E8  }
0x3d: {  	[sflag:s19] =	ssyncset.done $0x0  }
0x3e: {  	s1 =	sadd.s32 s9, s20;
	[sflag:s19] =	ssyncadd.s32 $0xFFFFFC18  }
0x3f: {  	[tilespmem:s23], [sflag:$0x3] =	stream.linear.gather [hbm4b:s1+s4], $0xFA0, $0x38;
	[tilespmem:$0xD740] =	vst v63  }
0x40: {  	_ =	swait.ge [sflag:s19], $0xFA0  }
0x41: {  	[sflag:s19] =	ssyncset.done $0x0  }
0x42: {  	s3 =	simm.s32 $0x0;
	[sflag:s19] =	ssyncadd.s32 $0xFFFFF060  }
0x43: {  	[tilespmem:s25], [sflag:$0x1] =	stream.indirect.gather [hbm4b:s7+s24], $0x8, s21, s24, $0xb8;
	[tilespmem:$0xD740] =	vst v63  }
0x44: {  	v6 =	vmov s3  }
0x45: {  	v6 =	vshll.u32 v6, $0x3;
	[tilespmem:s26], [sflag:$0x2] =	stream.indirect.gather [hbm4b:s8+s24], $0x8, s22, s24, $0xb8;
	[tilespmem:$0xD740] =	vst v63  }
0x46: {  	v6 =	vor.u32 v3, v6;
	_ =	swait.ge [sflag:s28], $0x1F40  }
0x47: {  	v7 =	vor.u32 v4, v6;
	[sflag:s28] =	ssyncset.done $0x0  }
0x48: {  	[sflag:s28] =	ssyncadd.s32 $0xFFFFE0C0  }
0x49: {  	_ =	swait.ge [sflag:s29], $0x1F40  }
0x4a: {  	[sflag:s29] =	ssyncset.done $0x0  }
0x4b: {  	[sflag:s29] =	ssyncadd.s32 $0xFFFFE0C0  }
0x4c: {  	v6 =	vld.idx.msk [tilespmem:v7+s25+$0x0], $0xffff  }
0x4d: {  	v8 =	vld.idx.msk [tilespmem:v7+s26+$0x0], $0xffff  }
0x4e: {  	s1 =	simm.s32 $0x8160  }
0x4f: {  	v9 =	vld [tilespmem:s1+$0xFFFFFFF0];
	_ =	sdelay $0x2  }
0x50: {  	v6 =	vadd.f32 v8, v6;
	_ =	sdelay $0x1  }
0x51: {  	v6 =	vadd.f32 v9, v6;
	_ =	sdelay $0x1  }
0x52: {  	v8 =	vmul.f32 $2.000000030e-01, v6  }
0x53: {  	vm0 =	vgt.f32 v6, $0.0e+00  }
0x54: {  	v6 =	vsel vm0, v6, v8  }
0x55: {  	v6 =	vsub.f32 v6, v5;
	_ =	sdelay $0x1  }
0x56: {  	v6 =	vmul.f32 $1.442695020e+00, v6;
	_ =	sdelay $0x1  }
0x57: {  	(erf) = vpow2.f32 v6;
	_ =	sdelay $0x1  }
0x58: {  	s12 =	simm.s32 $0x4  }
0x59: {  	v6 =	vmov s12  }
0x5a: {  	v6 =	vshll.u32 v6, $0x3  }
0x5b: {  	v6 =	vor.u32 v3, v6  }
0x5c: {  	v6 =	vor.u32 v4, v6;
	_ =	sdelay $0x2  }
0x5d: {  	v8 =	vpop (erf)  }
0x5e: {  	[tilespmem:v7+s18+$0x0] =	vst.idx.msk $0xffff, v8  }
0x5f: {  	v7 =	vld.idx.msk [tilespmem:v6+s25+$0x0], $0xffff  }
0x60: {  	v8 =	vld.idx.msk [tilespmem:v6+s26+$0x0], $0xffff;
	_ =	sdelay $0x1  }
0x61: {  	v63 =	vld [tilespmem:s1+$0x0];
	_ =	sdelay $0x2  }
0x62: {  	v7 =	vadd.f32 v8, v7;
	_ =	sdelay $0x1  }
0x63: {  	v7 =	vadd.f32 v63, v7;
	_ =	sdelay $0x1  }
0x64: {  	v8 =	vmul.f32 $2.000000030e-01, v7  }
0x65: {  	vm15 =	vgt.f32 v7, $0.0e+00  }
0x66: {  	v7 =	vsel vm15, v7, v8  }
0x67: {  	v7 =	vsub.f32 v7, v5;
	_ =	sdelay $0x1  }
0x68: {  	v7 =	vmul.f32 $1.442695020e+00, v7;
	_ =	sdelay $0x1  }
0x69: {  	(erf) = vpow2.f32 v7;
	_ =	sdelay $0x1  }
0x6a: {  	s20 =	simm.s32 $0x8  }
0x6b: {  	v8 =	vmov s20  }
0x6c: {  	v8 =	vshll.u32 v8, $0x3  }
0x6d: {  	v8 =	vor.u32 v3, v8  }
0x6e: {  	s3 =	simm.s32 $0x14;
	s20 =	simm.s32 $0xC;
	v7 =	vor.u32 v4, v8  }
.LBB2_5:
0x6f: {  	p0 =	sne.s32 s3, $0x3E4  }
0x70: {  	s1 =	sadd.s32 $0x20, s1;
	s12 =	smov.u32 s3;
	s3 =	sadd.s32 $0x8, s3  }
0x71: {  	v8 =	vpop (erf)  }
0x72: {  	[tilespmem:v6+s18+$0x0] =	vst.idx.msk $0xffff, v8  }
0x73: {  	v6 =	vld.idx.msk [tilespmem:v7+s25+$0x0], $0xffff  }
0x74: {  	v8 =	vld.idx.msk [tilespmem:v7+s26+$0x0], $0xffff;
	_ =	sdelay $0x1  }
0x75: {  	v9 =	vld [tilespmem:s1+$0xFFFFFFF0];
	_ =	sdelay $0x3  }
0x76: {  	v6 =	vadd.f32 v8, v6;
	_ =	sdelay $0x1  }
0x77: {  	v6 =	vadd.f32 v9, v6;
	_ =	sdelay $0x1  }
0x78: {  	vm0 =	vgt.f32 v6, $0.0e+00;
	v8 =	vmul.f32 $2.000000030e-01, v6;
	_ =	sdelay $0x1  }
0x79: {  	v6 =	vsel vm0, v6, v8  }
0x7a: {  	v6 =	vsub.f32 v6, v5;
	_ =	sdelay $0x1  }
0x7b: {  	v6 =	vmul.f32 $1.442695020e+00, v6;
	_ =	sdelay $0x1  }
0x7c: {  	(erf) = vpow2.f32 v6;
	_ =	sdelay $0x2  }
0x7d: {  	v6 =	vmov s20;
	s20 =	smov.u32 s12  }
0x7e: {  	v6 =	vshll.u32 v6, $0x3  }
0x7f: {  	v6 =	vor.u32 v3, v6  }
0x80: {  	v6 =	vor.u32 v4, v6;
	_ =	sdelay $0x2  }
0x81: {  	v8 =	vpop (erf)  }
0x82: {  	[tilespmem:v7+s18+$0x0] =	vst.idx.msk $0xffff, v8  }
0x83: {  	v7 =	vld.idx.msk [tilespmem:v6+s25+$0x0], $0xffff  }
0x84: {  	v8 =	vld.idx.msk [tilespmem:v6+s26+$0x0], $0xffff  }
0x85: {  	v9 =	vld [tilespmem:s1+$0x0];
	_ =	sdelay $0x4  }
0x86: {  	v7 =	vadd.f32 v8, v7;
	_ =	sdelay $0x1  }
0x87: {  	v7 =	vadd.f32 v9, v7;
	_ =	sdelay $0x1  }
0x88: {  	vm0 =	vgt.f32 v7, $0.0e+00;
	v8 =	vmul.f32 $2.000000030e-01, v7;
	_ =	sdelay $0x1  }
0x89: {  	v7 =	vsel vm0, v7, v8  }
0x8a: {  	v7 =	vsub.f32 v7, v5;
	_ =	sdelay $0x1  }
0x8b: {  	v7 =	vmul.f32 $1.442695020e+00, v7;
	_ =	sdelay $0x1  }
0x8c: {  	(erf) = vpow2.f32 v7;
	_ =	sdelay $0x1  }
.Ltmp1:
0x8d: {  	s12 =	sadd.s32 $0xFFFFFFFC, s20;
	(pc) =	sbr.rel @p0 .LBB2_5-.Ltmp1, $4  }
0x8e: {  	v7 =	vmov s12  }
0x8f: {  	v7 =	vshll.u32 v7, $0x3  }
0x90: {  	v7 =	vor.u32 v3, v7  }
0x91: {  	v7 =	vor.u32 v4, v7  }
0x92: {  	_ =	sdelay $0x2  }
0x93: {  	v8 =	vpop (erf)  }
0x94: {  	[tilespmem:v6+s18+$0x0] =	vst.idx.msk $0xffff, v8  }
0x95: {  	v6 =	vld.idx.msk [tilespmem:v7+s25+$0x0], $0xffff  }
0x96: {  	v8 =	vld.idx.msk [tilespmem:v7+s26+$0x0], $0xffff  }
0x97: {  	s1 =	sadd.s32 $0x20, s1  }
0x98: {  	v9 =	vld [tilespmem:s1+$0xFFFFFFF0];
	_ =	sdelay $0x2  }
0x99: {  	v6 =	vadd.f32 v8, v6;
	_ =	sdelay $0x1  }
0x9a: {  	v6 =	vadd.f32 v9, v6;
	_ =	sdelay $0x1  }
0x9b: {  	v60 =	vmul.f32 $2.000000030e-01, v6  }
0x9c: {  	vm0 =	vgt.f32 v6, $0.0e+00  }
0x9d: {  	v6 =	vsel vm0, v6, v60  }
0x9e: {  	v6 =	vsub.f32 v6, v5;
	_ =	sdelay $0x1  }
0x9f: {  	v6 =	vmul.f32 $1.442695020e+00, v6;
	_ =	sdelay $0x1  }
0xa0: {  	(erf) = vpow2.f32 v6;
	_ =	sdelay $0x2  }
0xa1: {  	v6 =	vmov s20  }
0xa2: {  	v6 =	vshll.u32 v6, $0x3  }
0xa3: {  	v6 =	vor.u32 v3, v6  }
0xa4: {  	v6 =	vor.u32 v4, v6;
	_ =	sdelay $0x2  }
0xa5: {  	v61 =	vpop (erf)  }
0xa6: {  	[tilespmem:v7+s18+$0x0] =	vst.idx.msk $0xffff, v61  }
0xa7: {  	v7 =	vld.idx.msk [tilespmem:v6+s25+$0x0], $0xffff  }
0xa8: {  	v8 =	vld.idx.msk [tilespmem:v6+s26+$0x0], $0xffff;
	_ =	sdelay $0x1  }
0xa9: {  	v62 =	vld [tilespmem:s1+$0x0];
	_ =	sdelay $0x2  }
0xaa: {  	v7 =	vadd.f32 v8, v7;
	_ =	sdelay $0x1  }
0xab: {  	v7 =	vadd.f32 v62, v7;
	_ =	sdelay $0x1  }
0xac: {  	v63 =	vmul.f32 $2.000000030e-01, v7  }
0xad: {  	vm15 =	vgt.f32 v7, $0.0e+00  }
0xae: {  	v7 =	vsel vm15, v7, v63  }
0xaf: {  	v7 =	vsub.f32 v7, v5;
	_ =	sdelay $0x1  }
0xb0: {  	v7 =	vmul.f32 $1.442695020e+00, v7;
	_ =	sdelay $0x1  }
0xb1: {  	(erf) = vpow2.f32 v7;
	_ =	sdelay $0x8  }
0xb2: {  	v7 =	vpop (erf)  }
0xb3: {  	[tilespmem:v6+s18+$0x0] =	vst.idx.msk $0xffff, v7  }
0xb4: {  	[spmem:s2] =	stream.indirect.scatter.add.f32 [tilespmem:s18], [sflag:$0x3], $0x8, s22, s24, $0xb8;
	[tilespmem:$0xD740] =	vst v63  }
0xb5: {  	s0 =	smul.u32 $0x3E8, s0;
	s31 =	sadd.s32 $0x1, s31;
	_ =	swait.ge [sflag:s19], $0x1F40  }
0xb6: {  	p0 =	sne.s32 s31, $0x19;
	[sflag:s19] =	ssyncset.done $0x0  }
.Ltmp2:
0xb7: {  	s0 =	sadd.s32 s10, s0;
	[sflag:s19] =	ssyncadd.s32 $0xFFFFE0C0;
	(pc) =	sbr.rel @p0 .LBB2_4-.Ltmp2, $4  }
0xb8: {  	[hbm4b:s0+s4] =	stream.linear.scatter [tilespmem:s18], [sflag:$0x3], $0x1F40, $0x38;
	[tilespmem:$0xD740] =	vst v63  }
0xb9: {  	_ =	swait.ge [sflag:s19], $0x1F40  }
0xba: {  	[sflag:s19] =	ssyncset.done $0x0  }
0xbb: {  	[sflag:s19] =	ssyncadd.s32 $0xFFFFE0C0  }
0xbc: {  	s0 =	stileid.u32;
	s30 =	sadd.s32 $0x1, s30  }
0xbd: {  	[bflag:$0x0] =	sbarrier.arrive $0xFFFF;
	s0 =	sshll.u32 s0, $0x6;
	p0 =	sne.s32 s30, s17  }
.Ltmp3:
0xbe: {  	s1 =	sshrl.u32 s11, $0x3;
	s0 =	sor.u32 $0x1C03, s0;
	(pc) =	sbr.rel @p0 .LBB2_1-.Ltmp3, $4  }
0xbf: {  	[hbm:s16], [sflag:s0] =	dma.local [spmem:s1], $0xC40  }
0xc0: {  	_ =	swait.ge [sflag:s19], $0xC40  }
0xc1: {  	[sflag:s19] =	ssyncset.done $0x0  }
0xc2: {  	[sflag:s19] =	ssyncadd.s32 $0xFFFFF3C0  }
0xc3: {  	_ =	sfence.sel $0x180000  }
0xc4: {  	[bflag:$0x0] =	sbarrier.arrive $0xFFFF  }
0xc5: {  	_ =	strace $0x90000053  }
0xc6: {  	s0 =	stileid.u32;
	[bflag:$0x2] =	sbarrier.arrive $0xFFFF  }
0xc7: {  	p0 =	sne.s32 s0, $0x0;
	s0 =	rddreg [dreg:$0x3]  }
0xc8: {  	s0 =	sadd.s32 @!p0 $0x100000, s0  }
0xc9: {  	[sflag:s0] =	ssyncadd.tile.s32 @!p0 $0x1;
	_ =	shalt  }
.Lfunc_end2:
_tile_overlayer_lowered:
.L_overlay_start_2:
0xca: {  	(tag) =	ssettag $0x2  }
0xcb: {  	s0 =	rddreg [dreg:$0x0];
	s2 =	stileid.u32  }
0xcc: {  	s1 =	rddreg [dreg:$0x1];
	p0 =	sne.s32 s2, $0x0  }
0xcd: {  	s3 =	rddreg [dreg:$0x2];
	[bflag:$0x3] =	sbarrier.arrive $0xFFFF;
	s2 =	simm.s32 @!p0 $0x1C03  }
0xce: {  	[timem:s3], [sflag:s2] =	dma.local @!p0 [hbm:s0], s1  }
0xcf: {  	s0 =	simm.s32 @!p0 $0x3  }
0xd0: {  	_ =	swait.ge @!p0 [sflag:s0], s1  }
0xd1: {  	s1 =	ssub.s32 @!p0 $0x0, s1;
	[sflag:s0] =	ssyncset.done @!p0 $0x0  }
0xd2: {  	[sflag:s0] =	ssyncadd.s32 @!p0 s1  }
0xd3: {  	[bflag:$0x3] =	sbarrier.arrive $0xFFFF  }
0xd4: {  	_ =	shalt  }

// kernel: kernel.30.cloned.1.call-start
scs
__scs_entry_jumppad:
0x0: {  	(pc) =	sbr.rel $0x88, $3  }
0x1: {  	(tag) =	ssettag $0x0;
	lr =	simm.s32 $0x1  }
0x2: {  	[smem:$0x3F91] =	sst lr;
	_ =	strace $0xD0000000  }
0x3: {  	_ = 	snop  }
0x4: {  	_ = 	snop  }
0x5: {  	_ = 	snop  }
0x6: {  	_ = 	snop  }
0x7: {  	_ = 	snop  }
__scs_overlays_trampoline_lowered:
0x8: {  	[smem:$0x3FA0] =	sst s0  }
0x9: {  	[smem:$0x3FA1] =	sst s1  }
0xa: {  	[smem:$0x3FA2] =	sst s2  }
0xb: {  	[smem:$0x3FA3] =	sst s3  }
0xc: {  	[smem:$0x3FA4] =	sst s4  }
0xd: {  	[smem:$0x3FA5] =	sst s5  }
0xe: {  	[smem:$0x3FA6] =	sst s6  }
0xf: {  	[smem:$0x3FA7] =	sst s7  }
0x10: {  	[smem:$0x3FA8] =	sst s8  }
0x11: {  	[smem:$0x3FA9] =	sst s9;
	s0 =	simm.s32 @!p0 $0x0  }
0x12: {  	s1 =	sld [smem:$0x3F8F];
	s0 =	simm.s32 @p0 $0x1  }
0x13: {  	[smem:$0x3FAA] =	sst s0;
	s0 =	simm.s32 @!p1 $0x0  }
0x14: {  	s2 =	sld [smem:$0x3F8E];
	s0 =	simm.s32 @p1 $0x1  }
0x15: {  	[smem:$0x3FAB] =	sst s0;
	s0 =	simm.s32 @!p2 $0x0  }
0x16: {  	s3 =	sld [smem:$0x3FDB];
	s0 =	simm.s32 @p2 $0x1  }
0x17: {  	s4 =	simm.s32 $0x1BF5;
	[smem:$0x3FAD] =	sst s0  }
0x18: {  	s0 =	sld [smem:$0x3F90];
	_ =	swait.ge [sflag:s4], $0x0  }
0x19: {  	s7 =	sld [smem:$0x3F91]  }
0x1a: {  	s8 =	sadd.s32 $0xFFFFE003, lr  }
0x1b: {  	s9 =	sadd.s32 $0xFFFFFEF7, lr;
	s5 =	simm.s32 $0xFFFFFFFF;
	p2 =	slt.u32 s8, $0xFFFFF086  }
0x1c: {  	p1 =	slt.u32 s9, $0xF7A;
	s5 =	simm.s32 @!p2 $0x0  }
0x1d: {  	s5 =	simm.s32 @p1 $0x1;
	p0 =	seq.s32 s7, s2  }
0x1e: {  	s7 =	smul.u32 @!p0 $0xF7A, s2;
	p2 =	seq.s32 @!p0 s5, $0x0  }
0x1f: {  	s9 =	smul.u32 $0xF7A, s1;
	s8 =	simm.s32 @!p0 $0x1BF5;
	p2 =	por !p2, p0  }
0x20: {  	[sflag:s8] =	ssyncset.s32 @!p0 $0xFFFFF086;
	s6 =	sadd.s32 @!p0 s3, s7;
	s7 =	simm.s32 @!p0 $0x108  }
0x21: {  	s3 =	sadd.s32 s3, s9;
	s6 =	sadd.s32 @!p0 $0x88, s6;
	s7 =	simm.s32 @p2 $0x1082  }
0x22: {  	[simem:s7], [sflag:s8] =	dma.local @!p0 [hbm:s6], $0xF7A  }
0x23: {  	s9 =	sor.u32 $0xD0000000, s2;
	s6 =	simm.s32 $0x108;
	_ =	swait.ge @!p0 [sflag:s8], $0x0  }
0x24: {  	s3 =	sadd.s32 $0x88, s3;
	s6 =	simm.s32 @!p1 $0x1082;
	[sflag:s4] =	ssyncset.s32 $0xFFFFF086  }
0x25: {  	[simem:s6], [sflag:s4] =	dma.local [hbm:s3], $0xF7A  }
0x26: {  	[smem:$0x3F91] =	sst s1;
	(tag) =	ssettag s2;
	_ =	strace s9  }
0x27: {  	s1 =	sld [smem:$0x3FA1]  }
0x28: {  	s2 =	sld [smem:$0x3FA2]  }
0x29: {  	s4 =	sld [smem:$0x3FA4]  }
0x2a: {  	p0 =	seq.s32 s5, $0x0;
	s5 =	sld [smem:$0x3FA5]  }
0x2b: {  	s6 =	sld [smem:$0x3FA6]  }
0x2c: {  	s7 =	sld [smem:$0x3FA7]  }
0x2d: {  	s3 =	simm.s32 $0x108;
	s8 =	sld [smem:$0x3FA8]  }
0x2e: {  	s3 =	simm.s32 @!p0 $0x1082;
	s9 =	sld [smem:$0x3FA9]  }
0x2f: {  	lr =	sadd.s32 s0, s3;
	s0 =	sld [smem:$0x3FA0]  }
0x30: {  	s3 =	sld [smem:$0x3FA3]  }
0x31: {  	[smem:$0x3FAC] =	sst s10  }
0x32: {  	s10 =	sld [smem:$0x3FAA];
	_ =	sdelay $0x3  }
0x33: {  	p0 =	seq.s32 s10, $0x1;
	s10 =	sld [smem:$0x3FAC];
	_ =	sdelay $0x3  }
0x34: {  	[smem:$0x3FAC] =	sst s10  }
0x35: {  	s10 =	sld [smem:$0x3FAB];
	_ =	sdelay $0x3  }
0x36: {  	p1 =	seq.s32 s10, $0x1;
	s10 =	sld [smem:$0x3FAC];
	_ =	sdelay $0x3  }
0x37: {  	[smem:$0x3FAC] =	sst s10  }
0x38: {  	s10 =	sld [smem:$0x3FAD]  }
0x39: {  	_ = 	snop;
	(pc) =	sbr.ind lr, $3  }
0x3a: {  	_ = 	snop  }
0x3b: {  	_ = 	snop  }
0x3c: {  	p2 =	seq.s32 s10, $0x1;
	s10 =	sld [smem:$0x3FAC]  }
0x3d: {  	_ =	shalt  }
0x3e: {  	_ =	shalt  }
0x3f: {  	_ =	shalt  }
0x40: {  	_ =	shalt  }
0x41: {  	_ =	shalt  }
0x42: {  	_ =	shalt  }
0x43: {  	_ =	shalt  }
0x44: {  	_ =	shalt  }
0x45: {  	_ =	shalt  }
0x46: {  	_ =	shalt  }
0x47: {  	_ =	shalt  }
0x48: {  	_ =	shalt  }
0x49: {  	_ =	shalt  }
0x4a: {  	_ =	shalt  }
0x4b: {  	_ =	shalt  }
0x4c: {  	_ =	shalt  }
0x4d: {  	_ =	shalt  }
0x4e: {  	_ =	shalt  }
0x4f: {  	_ =	shalt  }
0x50: {  	_ =	shalt  }
0x51: {  	_ =	shalt  }
0x52: {  	_ =	shalt  }
0x53: {  	_ =	shalt  }
0x54: {  	_ =	shalt  }
0x55: {  	_ =	shalt  }
0x56: {  	_ =	shalt  }
0x57: {  	_ =	shalt  }
0x58: {  	_ =	shalt  }
0x59: {  	_ =	shalt  }
0x5a: {  	_ =	shalt  }
0x5b: {  	_ =	shalt  }
0x5c: {  	_ =	shalt  }
0x5d: {  	_ =	shalt  }
0x5e: {  	_ =	shalt  }
0x5f: {  	_ =	shalt  }
0x60: {  	_ =	shalt  }
0x61: {  	_ =	shalt  }
0x62: {  	_ =	shalt  }
0x63: {  	_ =	shalt  }
0x64: {  	_ =	shalt  }
0x65: {  	_ =	shalt  }
0x66: {  	_ =	shalt  }
0x67: {  	_ =	shalt  }
0x68: {  	_ =	shalt  }
0x69: {  	_ =	shalt  }
0x6a: {  	_ =	shalt  }
0x6b: {  	_ =	shalt  }
0x6c: {  	_ =	shalt  }
0x6d: {  	_ =	shalt  }
0x6e: {  	_ =	shalt  }
0x6f: {  	_ =	shalt  }
0x70: {  	_ =	shalt  }
0x71: {  	_ =	shalt  }
0x72: {  	_ =	shalt  }
0x73: {  	_ =	shalt  }
0x74: {  	_ =	shalt  }
0x75: {  	_ =	shalt  }
0x76: {  	_ =	shalt  }
0x77: {  	_ =	shalt  }
0x78: {  	_ =	shalt  }
0x79: {  	_ =	shalt  }
0x7a: {  	_ =	shalt  }
0x7b: {  	_ =	shalt  }
0x7c: {  	_ =	shalt  }
0x7d: {  	_ =	shalt  }
0x7e: {  	_ =	shalt  }
0x7f: {  	_ =	shalt  }
0x80: {  	_ =	shalt  }
0x81: {  	_ =	shalt  }
0x82: {  	_ =	shalt  }
0x83: {  	_ =	shalt  }
0x84: {  	_ =	shalt  }
0x85: {  	_ =	shalt  }
0x86: {  	_ =	shalt  }
0x87: {  	_ =	shalt  }
.Lfunc_end0:
.L_simem_size_0:
called_computation.5_lowered:
.L_overlay_start_0:
0x88: {  	s2 =	sld [smem:$0x3FD9]  }
0x89: {  	s3 =	sld [smem:$0x3FFE];
	_ =	sdelay $0x1  }
0x8a: {  	s1 =	srdreg.scid  }
0x8b: {  	s0 =	sand.u32 $0x1, s1  }
0x8c: {  	s16 =	sshll.u32 s0, $0xA;
	s2 =	sadd.s32 s3, s2  }
0x8d: {  	s2 =	sadd.s32 s2, s16  }
0x8e: {  	[smem:$0x3FB8] =	sst s2  }
0x8f: {  	_ = 	snop  }
0x90: {  	(tm) =	ssettm $0x1  }
0x91: {  	s17 =	sld [smem:$0x3FFB];
	_ =	sdelay $0x3  }
0x92: {  	_ =	strace s17  }
0x93: {  	s2 =	sld [smem:$0x3FFC];
	_ =	sdelay $0x3  }
0x94: {  	_ =	strace s2  }
0x95: {  	s2 =	sld [smem:$0x3FFD];
	_ =	sdelay $0x3  }
0x96: {  	_ =	strace s2  }
0x97: {  	_ =	strace $0x8FFFFFFF  }
0x98: {  	s18 =	sld [smem:$0x3FDB];
	_ =	sdelay $0x1  }
0x99: {  	s19 =	simm.s32 $_scs_section_size  }
0x9a: {  	s4 =	simm.s32 $_size__tile_overlayer_lowered;
	s5 =	simm.s32 $_tile_overlayer_lowered  }
0x9b: {  	s22 =	simm.s32 $0x1BFF;
	s21 =	sshll.u32 s5, $0x1;
	s2 =	sadd.s32 s19, s18  }
0x9c: {  	s6 =	simm.s32 $0x0;
	s20 =	sshll.u32 s4, $0x1;
	s4 =	sadd.s32 s21, s2  }
0x9d: {  	[timem:s6], [sflag:s22] =	dma.local [hbm:s4], s20  }
0x9e: {  	_ =	swait.ge [sflag:s22], s20  }
0x9f: {  	s3 =	ssub.s32 $0x0, s20;
	[sflag:s22] =	ssyncset.done $0x0  }
0xa0: {  	[sflag:s22] =	ssyncadd.s32 s3;
	_ =	sdelay $0x1  }
0xa1: {  	s23 =	simm.s32 $0x1B8B  }
0xa2: {  	_ =	swait.ge [sflag:s23], $0x1  }
0xa3: {  	[sflag:s23] =	ssyncset.done $0x0  }
0xa4: {  	s25 =	simm.s32 $0x1B8E;
	s24 =	sld [smem:$0x3FFE];
	[sflag:s23] =	ssyncadd.s32 $0xFFFFFFFF  }
0xa5: {  	s26 =	simm.s32 $execute0_lowered;
	[smem:$0x3FD2] =	sst s25  }
0xa6: {  	s4 =	sshll.u32 s26, $0x1;
	_ =	strace $0x80000055;
	[dreg:$0x1] =	wrdreg $0xFFFFFFFF  }
0xa7: {  	s28 =	simm.s32 $_size_execute0_lowered;
	s2 =	sadd.s32 s2, s4;
	[dreg:$0x0] =	wrdreg $0x0  }
0xa8: {  	s4 =	sshll.u32 s28, $0x1;
	[dreg:$0x2] =	wrdreg s2  }
0xa9: {  	[dreg:$0x3] =	wrdreg s4  }
0xaa: {  	[dreg:$0x4] =	wrdreg $0xC0  }
0xab: {  	_ =	task [dreg:s6], $0x5FFFF  }
0xac: {  	[dreg:$0x1] =	wrdreg $0xFFFFFFFF  }
0xad: {  	[dreg:$0x0] =	wrdreg $0x60  }
0xae: {  	[dreg:$0x2] =	wrdreg s24  }
0xaf: {  	[dreg:$0x3] =	wrdreg $0x0  }
0xb0: {  	[dreg:$0x4] =	wrdreg $0x9  }
0xb1: {  	_ =	task.clear_ibuf [dreg:s6], $0x5FFFF;
	_ =	strace $0x90000055  }
0xb2: {  	s29 =	simm.s32 $0x9;
	_ =	strace $0x80000057  }
0xb3: {  	_ =	swait.ge [sflag:s29], $0x1  }
0xb4: {  	[sflag:s29] =	ssyncadd.s32 $0xFFFFFFFF  }
0xb5: {  	_ =	strace $0x90000057  }
0xb6: {  	_ =	sfence  }
0xb7: {  	s30 =	sld [smem:$0x0];
	_ =	sdelay $0x2  }
0xb8: {  	s31 =	sshll.u32 s1, $0xD;
	s1 =	sshrl.u32 s1, $0x2  }
0xb9: {  	s3 =	sand.u32 $0x4000, s31;
	s1 =	sadd.s32 s1, s30  }
0xba: {  	s0 =	sor.u32 s3, s0;
	s1 =	sshll.u32 s1, $0x11  }
0xbb: {  	s0 =	sor.u32 s1, s0  }
0xbc: {  	s0 =	sadd.s32 $0x8F2B, s0  }
0xbd: {  	[sflag:s0] =	ssyncadd.remote.s32 $0x1  }
0xbe: {  	_ =	sfence.sel $0xFFFF  }
0xbf: {  	[dreg:$0x0] =	wrdreg $0xFFFFFFFF;
	(pc) =	sbr.abs _section_cstart, $3  }
0xc0: {  	[dreg:$0x1] =	wrdreg $0xFFFFFFFF  }
0xc1: {  	_ =	task.clear_ibuf [dreg:s6], $0x2FFFF;
	_ =	strace $0x9FFFFFFF  }
0xc2: {  	(tm) =	ssettm $0x7FFFFFFF  }
0xc3: {  	_ =	shalt  }
tec
execute0_lowered:
.L_overlay_start_1:
0x0: {  	(tag) =	ssettag $0x1  }
0x1: {  	s0 =	rddreg [dreg:$0x0]  }
0x2: {  	s2 =	rddreg [dreg:$0x1];
	s3 =	simm.s32 $0x0  }
0x3: {  	s1 =	srdreg.scid;
	s12 =	stileid.u32;
	s19 =	simm.s32 $0x197A0  }
0x4: {  	s20 =	simm.s32 $0x2;
	s21 =	simm.s32 $0x19610;
	s7 =	smul.u32 $0x18800, s12  }
0x5: {  	s22 =	simm.s32 $0x18800;
	s23 =	simm.s32 $0x18990;
	s10 =	smul.u32 $0x62000, s12  }
0x6: {  	[smem:$0x7FF] =	sst s3;
	s1 =	sand.u32 $0x1, s1;
	s15 =	smul.u32 $0x7D, s12  }
0x7: {  	s4 =	sadd.s32 $0x32400, s0;
	s5 =	sadd.s32 $0x19C00, s0;
	s8 =	smul.u32 $0x188000, s1  }
0x8: {  	s6 =	sadd.s32 $0x4B200, s0;
	_ =	strace $0x80000056;
	s9 =	smul.u32 $0x31000, s1  }
0x9: {  	s11 =	ssub.s32 $0x2, s1;
	s31 =	sshll.u32 s1, $0x1;
	s1 =	sshllo.u32 s1, $0x1  }
0xa: {  	s24 =	sshrl.u32 s11, $0x1;
	s10 =	sshrl.u32 s10, $0x2;
	s8 =	sadd.s32 s7, s8  }
0xb: {  	s9 =	sadd.s32 s9, s0;
	s7 =	sadd.s32 s7, s2;
	s10 =	sadd.s32 s10, s2  }
0xc: {  	s8 =	sshrl.u32 s8, $0x3;
	s25 =	sadd.s32 $0x3200, s10;
	s26 =	sadd.s32 $0x6400, s10  }
0xd: {  	s28 =	sadd.s32 $0x9600, s10;
	s29 =	sadd.s32 $0xC800, s10;
	[dreg:$0x3] =	wrdreg s25  }
0xe: {  	s30 =	sadd.s32 $0xFA00, s10;
	s13 =	sadd.s32 $0x12C00, s10;
	[dreg:$0x4] =	wrdreg s26  }
0xf: {  	s14 =	sadd.s32 $0x15E00, s10;
	s16 =	sadd.s32 $0x24D000, s9;
	[dreg:$0x5] =	wrdreg s28  }
0x10: {  	s0 =	sadd.s32 s8, s0;
	s8 =	ssub.s32 s11, s24;
	[dreg:$0x6] =	wrdreg s29  }
0x11: {  	v0 =	vmov s31;
	v1 =	vmov s1;
	[dreg:$0x7] =	wrdreg s30;
	s24 =	simm.s32 $0x190;
	s25 =	simm.s32 $0x1  }
0x12: {  	v2 =	vimm.f32 $0.0e+00;
	v0 =	vbroadcast v0, $0x0;
	v1 =	vbroadcast v1, $0x0;
	s26 =	simm.s32 $0x0;
	s17 =	sadd.s32 $0x2AF000, s0;
	s18 =	smax.u32 s8, $0x1  }
.LBB2_1:
0x13: {  	s0 =	simm.s32 $0x80;
	s1 =	simm.s32 $0x0  }
.LBB2_2:
0x14: {  	p0 =	sne.s32 s0, $0xC780;
	[tilespmem:s1+$0x197A0] =	vst v2;
	s8 =	smov.u32 s0;
	s0 =	sadd.s32 $0x80, s0  }
.Ltmp0:
0x15: {  	[tilespmem:s1+$0x197B0] =	vst v2;
	(pc) =	sbr.rel @p0 .LBB2_2-.Ltmp0, $2  }
0x16: {  	_ =	sdelay $0x2  }
0x17: {  	s1 =	sshra.s32 s8, $0x2  }
0x18: {  	[tilespmem:s1+$0x197A0] =	vst v2  }
0x19: {  	[tilespmem:s1+$0x197B0] =	vst v2  }
0x1a: {  	[spmem:s7] =	stream.linear.scatter [tilespmem:s19], [sflag:$0x2], $0x3200, $0x38;
	[tilespmem:$0x1C9A0] =	vst v63  }
0x1b: {  	_ =	swait.ge [sflag:s20], $0x3200  }
0x1c: {  	[sflag:s20] =	ssyncset.done $0x0  }
0x1d: {  	s0 =	rddreg [dreg:$0x3];
	[sflag:s20] =	ssyncadd.s32 $0xFFFFCE00  }
0x1e: {  	[spmem:s0] =	stream.linear.scatter [tilespmem:s19], [sflag:$0x2], $0x3200, $0x38;
	[tilespmem:$0x1C9A0] =	vst v63  }
0x1f: {  	_ =	swait.ge [sflag:s20], $0x3200  }
0x20: {  	[sflag:s20] =	ssyncset.done $0x0  }
0x21: {  	s12 =	rddreg [dreg:$0x4];
	[sflag:s20] =	ssyncadd.s32 $0xFFFFCE00  }
0x22: {  	[spmem:s12] =	stream.linear.scatter [tilespmem:s19], [sflag:$0x2], $0x3200, $0x38;
	[tilespmem:$0x1C9A0] =	vst v63  }
0x23: {  	_ =	swait.ge [sflag:s20], $0x3200  }
0x24: {  	[sflag:s20] =	ssyncset.done $0x0  }
0x25: {  	s29 =	rddreg [dreg:$0x5];
	[sflag:s20] =	ssyncadd.s32 $0xFFFFCE00  }
0x26: {  	[spmem:s29] =	stream.linear.scatter [tilespmem:s19], [sflag:$0x2], $0x3200, $0x38;
	[tilespmem:$0x1C9A0] =	vst v63  }
0x27: {  	_ =	swait.ge [sflag:s20], $0x3200  }
0x28: {  	[sflag:s20] =	ssyncset.done $0x0  }
0x29: {  	s30 =	rddreg [dreg:$0x6];
	[sflag:s20] =	ssyncadd.s32 $0xFFFFCE00  }
0x2a: {  	[spmem:s30] =	stream.linear.scatter [tilespmem:s19], [sflag:$0x2], $0x3200, $0x38;
	[tilespmem:$0x1C9A0] =	vst v63  }
0x2b: {  	_ =	swait.ge [sflag:s20], $0x3200  }
0x2c: {  	[sflag:s20] =	ssyncset.done $0x0  }
0x2d: {  	s31 =	rddreg [dreg:$0x7];
	[sflag:s20] =	ssyncadd.s32 $0xFFFFCE00  }
0x2e: {  	[spmem:s31] =	stream.linear.scatter [tilespmem:s19], [sflag:$0x2], $0x3200, $0x38;
	[tilespmem:$0x1C9A0] =	vst v63  }
0x2f: {  	_ =	swait.ge [sflag:s20], $0x3200  }
0x30: {  	[sflag:s20] =	ssyncset.done $0x0  }
0x31: {  	[sflag:s20] =	ssyncadd.s32 $0xFFFFCE00  }
0x32: {  	[spmem:s13] =	stream.linear.scatter [tilespmem:s19], [sflag:$0x2], $0x3200, $0x38;
	[tilespmem:$0x1C9A0] =	vst v63  }
0x33: {  	_ =	swait.ge [sflag:s20], $0x3200  }
0x34: {  	[sflag:s20] =	ssyncset.done $0x0  }
0x35: {  	[sflag:s20] =	ssyncadd.s32 $0xFFFFCE00  }
0x36: {  	[spmem:s14] =	stream.linear.scatter [tilespmem:s19], [sflag:$0x2], $0x2A00, $0x38;
	[tilespmem:$0x1C9A0] =	vst v63  }
0x37: {  	_ =	swait.ge [sflag:s20], $0x2A00  }
0x38: {  	[sflag:s20] =	ssyncset.done $0x0  }
0x39: {  	[sflag:s20] =	ssyncadd.s32 $0xFFFFD600  }
0x3a: {  	s28 =	simm.s32 $0x0;
	[bflag:$0x0] =	sbarrier.arrive $0xFFFF  }
.LBB2_4:
0x3b: {  	s0 =	sadd.s32 s15, s28  }
0x3c: {  	s1 =	smul.u32 $0x32, s0;
	_ =	sdelay $0x1  }
0x3d: {  	s8 =	sadd.s32 s4, s1  }
0x3e: {  	[tilespmem:s21], [sflag:$0x2] =	stream.linear.gather [hbm4b:s8+s3], $0x190, $0x38;
	[tilespmem:$0x1C9A0] =	vst v63  }
0x3f: {  	_ =	swait.ge [sflag:s20], $0x190  }
0x40: {  	[sflag:s20] =	ssyncset.done $0x0  }
0x41: {  	s1 =	sadd.s32 s5, s1;
	[sflag:s20] =	ssyncadd.s32 $0xFFFFFE70  }
0x42: {  	[tilespmem:s22], [sflag:$0x2] =	stream.linear.gather [hbm4b:s1+s3], $0x190, $0x38;
	[tilespmem:$0x1C9A0] =	vst v63  }
0x43: {  	s0 =	smul.u32 $0x190, s0;
	_ =	swait.ge [sflag:s20], $0x190  }
0x44: {  	[sflag:s20] =	ssyncset.done $0x0  }
0x45: {  	s0 =	sadd.s32 s6, s0;
	[sflag:s20] =	ssyncadd.s32 $0xFFFFFE70  }
0x46: {  	[tilespmem:s23], [sflag:$0x2] =	stream.linear.gather [hbm4b:s0+s3], $0xC80, $0x38;
	[tilespmem:$0x1C9A0] =	vst v63  }
0x47: {  	_ =	swait.ge [sflag:s20], $0xC80  }
0x48: {  	[sflag:s20] =	ssyncset.done $0x0  }
0x49: {  	s11 =	simm.s32 $0x0;
	[sflag:s20] =	ssyncadd.s32 $0xFFFFF380  }
0x4a: {  	v3 =	vor.u32 s11, v0;
	[tilespmem:s19], [sflag:$0x1] =	stream.indirect.gather [hbm4b:s16+s24], $0x20, s21, s24, $0xb8;
	[tilespmem:$0x1C9A0] =	vst v63  }
0x4b: {  	_ =	swait.ge [sflag:s25], $0x3200  }
0x4c: {  	v4 =	vor.u32 s11, v1;
	[sflag:s25] =	ssyncset.done $0x0  }
0x4d: {  	s29 =	simm.s32 $0x19820;
	[sflag:s25] =	ssyncadd.s32 $0xFFFFCE00  }
0x4e: {  	v5 =	vld [tilespmem:s29+$0xFFFFFF80]  }
0x4f: {  	v3 =	vld.idx.msk [tilespmem:v3+s23+$0x0], $0xffff  }
0x50: {  	v6 =	vld [tilespmem:s29+$0xFFFFFF90]  }
0x51: {  	v4 =	vld.idx.msk [tilespmem:v4+s23+$0x0], $0xffff;
	_ =	sdelay $0x1  }
0x52: {  	s12 =	simm.s32 $0x8  }
0x53: {  	v3 =	vmul.f32 v5, v3;
	v5 =	vor.u32 s12, v0;
	_ =	sdelay $0x1  }
0x54: {  	v4 =	vmul.f32 v6, v4  }
0x55: {  	[tilespmem:s29+$0xFFFFFF80] =	vst v3;
	v3 =	vor.u32 s12, v1  }
0x56: {  	[tilespmem:s29+$0xFFFFFF90] =	vst v4;
	v4 =	vld [tilespmem:s29+$0xFFFFFFA0]  }
0x57: {  	v5 =	vld.idx.msk [tilespmem:v5+s23+$0x0], $0xffff;
	_ =	sdelay $0x1  }
0x58: {  	v6 =	vld [tilespmem:s29+$0xFFFFFFB0]  }
0x59: {  	v3 =	vld.idx.msk [tilespmem:v3+s23+$0x0], $0xffff;
	_ =	sdelay $0x1  }
0x5a: {  	s1 =	simm.s32 $0x10;
	v4 =	vmul.f32 v4, v5  }
0x5b: {  	v5 =	vor.u32 s1, v0  }
0x5c: {  	[tilespmem:s29+$0xFFFFFFA0] =	vst v4;
	v4 =	vor.u32 s1, v1  }
0x5d: {  	v3 =	vmul.f32 v6, v3  }
0x5e: {  	v6 =	vld [tilespmem:s29+$0xFFFFFFD0]  }
0x5f: {  	[tilespmem:s29+$0xFFFFFFB0] =	vst v3;
	v3 =	vld [tilespmem:s29+$0xFFFFFFC0]  }
0x60: {  	v5 =	vld.idx.msk [tilespmem:v5+s23+$0x0], $0xffff  }
0x61: {  	v4 =	vld.idx.msk [tilespmem:v4+s23+$0x0], $0xffff;
	_ =	sdelay $0x1  }
0x62: {  	s8 =	simm.s32 $0x18  }
0x63: {  	v7 =	vor.u32 s8, v0  }
0x64: {  	v3 =	vmul.f32 v3, v5;
	v5 =	vor.u32 s8, v1  }
0x65: {  	v4 =	vmul.f32 v6, v4  }
0x66: {  	v8 =	vld [tilespmem:s29+$0xFFFFFFF0];
	[tilespmem:s29+$0xFFFFFFC0] =	vst v3  }
0x67: {  	v3 =	vld [tilespmem:s29+$0xFFFFFFE0];
	[tilespmem:s29+$0xFFFFFFD0] =	vst v4  }
0x68: {  	v4 =	vld.idx.msk [tilespmem:v7+s23+$0x0], $0xffff  }
0x69: {  	v5 =	vld.idx.msk [tilespmem:v5+s23+$0x0], $0xffff;
	_ =	sdelay $0x1  }
0x6a: {  	s9 =	simm.s32 $0x20  }
0x6b: {  	v6 =	vor.u32 s9, v0  }
0x6c: {  	v7 =	vor.u32 s9, v1;
	v3 =	vmul.f32 v3, v4  }
0x6d: {  	v5 =	vmul.f32 v8, v5  }
0x6e: {  	v4 =	vld [tilespmem:s29+$0x10];
	[tilespmem:s29+$0xFFFFFFE0] =	vst v3  }
0x6f: {  	v8 =	vld [tilespmem:s29+$0x0];
	[tilespmem:s29+$0xFFFFFFF0] =	vst v5  }
0x70: {  	v3 =	vld.idx.msk [tilespmem:v6+s23+$0x0], $0xffff  }
0x71: {  	v5 =	vld.idx.msk [tilespmem:v7+s23+$0x0], $0xffff;
	_ =	sdelay $0x1  }
0x72: {  	s10 =	simm.s32 $0x28  }
0x73: {  	v6 =	vor.u32 s10, v0  }
0x74: {  	v7 =	vor.u32 s10, v1;
	v3 =	vmul.f32 v8, v3  }
0x75: {  	v4 =	vmul.f32 v4, v5  }
0x76: {  	v9 =	vld [tilespmem:s29+$0x30];
	[tilespmem:s29+$0x0] =	vst v3  }
0x77: {  	v8 =	vld [tilespmem:s29+$0x20];
	[tilespmem:s29+$0x10] =	vst v4  }
0x78: {  	v3 =	vld.idx.msk [tilespmem:v6+s23+$0x0], $0xffff  }
0x79: {  	v4 =	vld.idx.msk [tilespmem:v7+s23+$0x0], $0xffff;
	_ =	sdelay $0x1  }
0x7a: {  	s11 =	simm.s32 $0x30  }
0x7b: {  	v5 =	vor.u32 s11, v0  }
0x7c: {  	v7 =	vor.u32 s11, v1;
	v3 =	vmul.f32 v8, v3  }
0x7d: {  	v4 =	vmul.f32 v9, v4  }
0x7e: {  	v6 =	vld [tilespmem:s29+$0x50];
	[tilespmem:s29+$0x20] =	vst v3  }
0x7f: {  	v8 =	vld [tilespmem:s29+$0x40];
	[tilespmem:s29+$0x30] =	vst v4  }
0x80: {  	v4 =	vld.idx.msk [tilespmem:v5+s23+$0x0], $0xffff  }
0x81: {  	v5 =	vld.idx.msk [tilespmem:v7+s23+$0x0], $0xffff;
	_ =	sdelay $0x1  }
0x82: {  	s12 =	simm.s32 $0x38  }
0x83: {  	v7 =	vor.u32 s12, v0  }
0x84: {  	v8 =	vmul.f32 v8, v4  }
0x85: {  	v5 =	vmul.f32 v6, v5;
	v6 =	vor.u32 s12, v1  }
0x86: {  	v3 =	vld [tilespmem:s29+$0x60];
	[tilespmem:s29+$0x40] =	vst v8  }
0x87: {  	v4 =	vld [tilespmem:s29+$0x70];
	[tilespmem:s29+$0x50] =	vst v5  }
0x88: {  	s31 =	simm.s32 $0xF;
	s30 =	simm.s32 $0x19820;
	v5 =	vld.idx.msk [tilespmem:v7+s23+$0x0], $0xffff  }
.LBB2_5:
0x89: {  	p0 =	sne.s32 s31, $0x18F  }
0x8a: {  	v6 =	vld.idx.msk [tilespmem:v6+s23+$0x0], $0xffff;
	s29 =	sadd.s32 $0x100, s29;
	s0 =	smov.u32 s31;
	s31 =	sadd.s32 $0x8, s31  }
0x8b: {  	_ = 	snop  }
0x8c: {  	s0 =	sshll.u32 s0, $0x3  }
0x8d: {  	s1 =	sadd.s32 $0xFFFFFFC8, s0;
	s11 =	sadd.s32 $0xFFFFFFD0, s0;
	s12 =	sadd.s32 $0xFFFFFFD8, s0  }
0x8e: {  	s10 =	sadd.s32 $0xFFFFFFE0, s0;
	s9 =	sadd.s32 $0xFFFFFFE8, s0;
	s8 =	sadd.s32 $0xFFFFFFF0, s0;
	v7 =	vor.u32 s1, v0;
	v8 =	vor.u32 s1, v1  }
0x8f: {  	s1 =	sadd.s32 $0xFFFFFFF8, s0;
	v3 =	vmul.f32 v3, v5  }
0x90: {  	v4 =	vmul.f32 v4, v6  }
0x91: {  	v5 =	vld [tilespmem:s29+$0xFFFFFF90];
	[tilespmem:s30+$0x60] =	vst v3  }
0x92: {  	v3 =	vld [tilespmem:s29+$0xFFFFFF80];
	[tilespmem:s30+$0x70] =	vst v4;
	s30 =	smov.u32 s29  }
0x93: {  	v4 =	vld.idx.msk [tilespmem:v7+s23+$0x0], $0xffff  }
0x94: {  	v6 =	vld.idx.msk [tilespmem:v8+s23+$0x0], $0xffff;
	_ =	sdelay $0x3  }
0x95: {  	v7 =	vor.u32 s11, v0;
	v8 =	vor.u32 s11, v1  }
0x96: {  	v3 =	vmul.f32 v3, v4  }
0x97: {  	v4 =	vmul.f32 v5, v6  }
0x98: {  	[tilespmem:s29+$0xFFFFFF80] =	vst v3;
	v3 =	vld [tilespmem:s29+$0xFFFFFFB0]  }
0x99: {  	[tilespmem:s29+$0xFFFFFF90] =	vst v4;
	v4 =	vld [tilespmem:s29+$0xFFFFFFA0]  }
0x9a: {  	v5 =	vld.idx.msk [tilespmem:v7+s23+$0x0], $0xffff  }
0x9b: {  	v6 =	vld.idx.msk [tilespmem:v8+s23+$0x0], $0xffff;
	_ =	sdelay $0x3  }
0x9c: {  	v7 =	vor.u32 s12, v0;
	v8 =	vor.u32 s12, v1  }
0x9d: {  	v4 =	vmul.f32 v4, v5  }
0x9e: {  	v3 =	vmul.f32 v3, v6  }
0x9f: {  	[tilespmem:s29+$0xFFFFFFA0] =	vst v4;
	v4 =	vld [tilespmem:s29+$0xFFFFFFD0]  }
0xa0: {  	[tilespmem:s29+$0xFFFFFFB0] =	vst v3;
	v3 =	vld [tilespmem:s29+$0xFFFFFFC0]  }
0xa1: {  	v5 =	vld.idx.msk [tilespmem:v7+s23+$0x0], $0xffff  }
0xa2: {  	v6 =	vld.idx.msk [tilespmem:v8+s23+$0x0], $0xffff;
	_ =	sdelay $0x3  }
0xa3: {  	v7 =	vor.u32 s10, v0;
	v8 =	vor.u32 s10, v1  }
0xa4: {  	v3 =	vmul.f32 v3, v5  }
0xa5: {  	v4 =	vmul.f32 v4, v6;
	v5 =	vld [tilespmem:s29+$0xFFFFFFF0]  }
0xa6: {  	[tilespmem:s29+$0xFFFFFFC0] =	vst v3;
	v3 =	vld [tilespmem:s29+$0xFFFFFFE0]  }
0xa7: {  	[tilespmem:s29+$0xFFFFFFD0] =	vst v4  }
0xa8: {  	v4 =	vld.idx.msk [tilespmem:v7+s23+$0x0], $0xffff  }
0xa9: {  	v6 =	vld.idx.msk [tilespmem:v8+s23+$0x0], $0xffff;
	_ =	sdelay $0x3  }
0xaa: {  	v7 =	vor.u32 s9, v0;
	v8 =	vor.u32 s9, v1  }
0xab: {  	v3 =	vmul.f32 v3, v4;
	v4 =	vld [tilespmem:s29+$0x10]  }
0xac: {  	v5 =	vmul.f32 v5, v6;
	v6 =	vld [tilespmem:s29+$0x0]  }
0xad: {  	[tilespmem:s29+$0xFFFFFFE0] =	vst v3  }
0xae: {  	[tilespmem:s29+$0xFFFFFFF0] =	vst v5  }
0xaf: {  	v3 =	vld.idx.msk [tilespmem:v7+s23+$0x0], $0xffff  }
0xb0: {  	v5 =	vld.idx.msk [tilespmem:v8+s23+$0x0], $0xffff;
	_ =	sdelay $0x3  }
0xb1: {  	v7 =	vor.u32 s8, v0;
	v8 =	vor.u32 s8, v1;
	v9 =	vld [tilespmem:s29+$0x30]  }
0xb2: {  	v3 =	vmul.f32 v6, v3;
	v6 =	vld [tilespmem:s29+$0x20]  }
0xb3: {  	v4 =	vmul.f32 v4, v5  }
0xb4: {  	[tilespmem:s29+$0x0] =	vst v3  }
0xb5: {  	[tilespmem:s29+$0x10] =	vst v4  }
0xb6: {  	v3 =	vld.idx.msk [tilespmem:v7+s23+$0x0], $0xffff  }
0xb7: {  	v4 =	vld.idx.msk [tilespmem:v8+s23+$0x0], $0xffff;
	_ =	sdelay $0x2  }
0xb8: {  	v5 =	vld [tilespmem:s29+$0x50]  }
0xb9: {  	v7 =	vor.u32 s1, v0;
	v8 =	vor.u32 s1, v1;
	v10 =	vld [tilespmem:s29+$0x40]  }
0xba: {  	v3 =	vmul.f32 v6, v3  }
0xbb: {  	v4 =	vmul.f32 v9, v4  }
0xbc: {  	[tilespmem:s29+$0x20] =	vst v3  }
0xbd: {  	[tilespmem:s29+$0x30] =	vst v4  }
0xbe: {  	v7 =	vld.idx.msk [tilespmem:v7+s23+$0x0], $0xffff  }
0xbf: {  	v8 =	vld.idx.msk [tilespmem:v8+s23+$0x0], $0xffff;
	_ =	sdelay $0x1  }
0xc0: {  	v3 =	vld [tilespmem:s29+$0x60]  }
0xc1: {  	v4 =	vld [tilespmem:s29+$0x70]  }
0xc2: {  	v6 =	vor.u32 s0, v1;
	v9 =	vor.u32 s0, v0  }
.Ltmp1:
0xc3: {  	v7 =	vmul.f32 v10, v7;
	(pc) =	sbr.rel @p0 .LBB2_5-.Ltmp1, $4  }
0xc4: {  	v5 =	vmul.f32 v5, v8  }
0xc5: {  	[tilespmem:s29+$0x40] =	vst v7  }
0xc6: {  	[tilespmem:s29+$0x50] =	vst v5  }
0xc7: {  	v5 =	vld.idx.msk [tilespmem:v9+s23+$0x0], $0xffff  }
0xc8: {  	_ =	sdelay $0x3  }
0xc9: {  	v6 =	vld.idx.msk [tilespmem:v6+s23+$0x0], $0xffff;
	_ =	sdelay $0x3  }
0xca: {  	v3 =	vmul.f32 v3, v5  }
0xcb: {  	s28 =	sadd.s32 $0x1, s28;
	v4 =	vmul.f32 v4, v6  }
0xcc: {  	p0 =	sne.s32 s28, $0x7D;
	[tilespmem:s30+$0x60] =	vst v3  }
.Ltmp2:
0xcd: {  	[tilespmem:s30+$0x70] =	vst v4;
	(pc) =	sbr.rel @p0 .LBB2_4-.Ltmp2, $4  }
0xce: {  	[spmem:s2] =	stream.indirect.scatter.add.f32 [tilespmem:s19], [sflag:$0x2], $0x20, s22, s24, $0xb8;
	[tilespmem:$0x1C9A0] =	vst v63  }
0xcf: {  	_ =	swait.ge [sflag:s20], $0x3200  }
0xd0: {  	[sflag:s20] =	ssyncset.done $0x0  }
0xd1: {  	[sflag:s20] =	ssyncadd.s32 $0xFFFFCE00  }
0xd2: {  	s0 =	stileid.u32;
	s26 =	sadd.s32 $0x1, s26  }
0xd3: {  	[bflag:$0x0] =	sbarrier.arrive $0xFFFF;
	s0 =	sshll.u32 s0, $0x6;
	p0 =	sne.s32 s26, s18  }
.Ltmp3:
0xd4: {  	s1 =	sshrl.u32 s7, $0x3;
	s0 =	sor.u32 $0x1C02, s0;
	(pc) =	sbr.rel @p0 .LBB2_1-.Ltmp3, $4  }
0xd5: {  	[hbm:s17], [sflag:s0] =	dma.local [spmem:s1], $0x3100  }
0xd6: {  	_ =	swait.ge [sflag:s20], $0x3100  }
0xd7: {  	[sflag:s20] =	ssyncset.done $0x0  }
0xd8: {  	[sflag:s20] =	ssyncadd.s32 $0xFFFFCF00  }
0xd9: {  	_ =	sfence.sel $0x180000  }
0xda: {  	[bflag:$0x0] =	sbarrier.arrive $0xFFFF  }
0xdb: {  	_ =	strace $0x90000056  }
0xdc: {  	s0 =	stileid.u32;
	[bflag:$0x2] =	sbarrier.arrive $0xFFFF  }
0xdd: {  	p0 =	sne.s32 s0, $0x0;
	s0 =	rddreg [dreg:$0x2]  }
0xde: {  	s0 =	sadd.s32 @!p0 $0x100000, s0  }
0xdf: {  	[sflag:s0] =	ssyncadd.tile.s32 @!p0 $0x1;
	_ =	shalt  }
.Lfunc_end2:
_tile_overlayer_lowered:
.L_overlay_start_2:
0xe0: {  	(tag) =	ssettag $0x2  }
0xe1: {  	s0 =	rddreg [dreg:$0x0];
	s2 =	stileid.u32  }
0xe2: {  	s1 =	rddreg [dreg:$0x1];
	p0 =	sne.s32 s2, $0x0  }
0xe3: {  	s3 =	rddreg [dreg:$0x2];
	[bflag:$0x3] =	sbarrier.arrive $0xFFFF;
	s2 =	simm.s32 @!p0 $0x1C02  }
0xe4: {  	[timem:s3], [sflag:s2] =	dma.local @!p0 [hbm:s0], s1  }
0xe5: {  	s0 =	simm.s32 @!p0 $0x2  }
0xe6: {  	_ =	swait.ge @!p0 [sflag:s0], s1  }
0xe7: {  	s1 =	ssub.s32 @!p0 $0x0, s1;
	[sflag:s0] =	ssyncset.done @!p0 $0x0  }
0xe8: {  	[sflag:s0] =	ssyncadd.s32 @!p0 s1  }
0xe9: {  	[bflag:$0x3] =	sbarrier.arrive $0xFFFF  }
0xea: {  	_ =	shalt  }

// kernel: kernel.33.cloned.1.call-start
scs
__scs_entry_jumppad:
0x0: {  	(pc) =	sbr.rel $0x88, $3  }
0x1: {  	(tag) =	ssettag $0x0;
	lr =	simm.s32 $0x1  }
0x2: {  	[smem:$0x3F91] =	sst lr;
	_ =	strace $0xD0000000  }
0x3: {  	_ = 	snop  }
0x4: {  	_ = 	snop  }
0x5: {  	_ = 	snop  }
0x6: {  	_ = 	snop  }
0x7: {  	_ = 	snop  }
__scs_overlays_trampoline_lowered:
0x8: {  	[smem:$0x3FA0] =	sst s0  }
0x9: {  	[smem:$0x3FA1] =	sst s1  }
0xa: {  	[smem:$0x3FA2] =	sst s2  }
0xb: {  	[smem:$0x3FA3] =	sst s3  }
0xc: {  	[smem:$0x3FA4] =	sst s4  }
0xd: {  	[smem:$0x3FA5] =	sst s5  }
0xe: {  	[smem:$0x3FA6] =	sst s6  }
0xf: {  	[smem:$0x3FA7] =	sst s7  }
0x10: {  	[smem:$0x3FA8] =	sst s8  }
0x11: {  	[smem:$0x3FA9] =	sst s9;
	s0 =	simm.s32 @!p0 $0x0  }
0x12: {  	s1 =	sld [smem:$0x3F8F];
	s0 =	simm.s32 @p0 $0x1  }
0x13: {  	[smem:$0x3FAA] =	sst s0;
	s0 =	simm.s32 @!p1 $0x0  }
0x14: {  	s2 =	sld [smem:$0x3F8E];
	s0 =	simm.s32 @p1 $0x1  }
0x15: {  	[smem:$0x3FAB] =	sst s0;
	s0 =	simm.s32 @!p2 $0x0  }
0x16: {  	s3 =	sld [smem:$0x3FDB];
	s0 =	simm.s32 @p2 $0x1  }
0x17: {  	s4 =	simm.s32 $0x1BF5;
	[smem:$0x3FAD] =	sst s0  }
0x18: {  	s0 =	sld [smem:$0x3F90];
	_ =	swait.ge [sflag:s4], $0x0  }
0x19: {  	s7 =	sld [smem:$0x3F91]  }
0x1a: {  	s8 =	sadd.s32 $0xFFFFE003, lr  }
0x1b: {  	s9 =	sadd.s32 $0xFFFFFEF7, lr;
	s5 =	simm.s32 $0xFFFFFFFF;
	p2 =	slt.u32 s8, $0xFFFFF086  }
0x1c: {  	p1 =	slt.u32 s9, $0xF7A;
	s5 =	simm.s32 @!p2 $0x0  }
0x1d: {  	s5 =	simm.s32 @p1 $0x1;
	p0 =	seq.s32 s7, s2  }
0x1e: {  	s7 =	smul.u32 @!p0 $0xF7A, s2;
	p2 =	seq.s32 @!p0 s5, $0x0  }
0x1f: {  	s9 =	smul.u32 $0xF7A, s1;
	s8 =	simm.s32 @!p0 $0x1BF5;
	p2 =	por !p2, p0  }
0x20: {  	[sflag:s8] =	ssyncset.s32 @!p0 $0xFFFFF086;
	s6 =	sadd.s32 @!p0 s3, s7;
	s7 =	simm.s32 @!p0 $0x108  }
0x21: {  	s3 =	sadd.s32 s3, s9;
	s6 =	sadd.s32 @!p0 $0x88, s6;
	s7 =	simm.s32 @p2 $0x1082  }
0x22: {  	[simem:s7], [sflag:s8] =	dma.local @!p0 [hbm:s6], $0xF7A  }
0x23: {  	s9 =	sor.u32 $0xD0000000, s2;
	s6 =	simm.s32 $0x108;
	_ =	swait.ge @!p0 [sflag:s8], $0x0  }
0x24: {  	s3 =	sadd.s32 $0x88, s3;
	s6 =	simm.s32 @!p1 $0x1082;
	[sflag:s4] =	ssyncset.s32 $0xFFFFF086  }
0x25: {  	[simem:s6], [sflag:s4] =	dma.local [hbm:s3], $0xF7A  }
0x26: {  	[smem:$0x3F91] =	sst s1;
	(tag) =	ssettag s2;
	_ =	strace s9  }
0x27: {  	s1 =	sld [smem:$0x3FA1]  }
0x28: {  	s2 =	sld [smem:$0x3FA2]  }
0x29: {  	s4 =	sld [smem:$0x3FA4]  }
0x2a: {  	p0 =	seq.s32 s5, $0x0;
	s5 =	sld [smem:$0x3FA5]  }
0x2b: {  	s6 =	sld [smem:$0x3FA6]  }
0x2c: {  	s7 =	sld [smem:$0x3FA7]  }
0x2d: {  	s3 =	simm.s32 $0x108;
	s8 =	sld [smem:$0x3FA8]  }
0x2e: {  	s3 =	simm.s32 @!p0 $0x1082;
	s9 =	sld [smem:$0x3FA9]  }
0x2f: {  	lr =	sadd.s32 s0, s3;
	s0 =	sld [smem:$0x3FA0]  }
0x30: {  	s3 =	sld [smem:$0x3FA3]  }
0x31: {  	[smem:$0x3FAC] =	sst s10  }
0x32: {  	s10 =	sld [smem:$0x3FAA];
	_ =	sdelay $0x3  }
0x33: {  	p0 =	seq.s32 s10, $0x1;
	s10 =	sld [smem:$0x3FAC];
	_ =	sdelay $0x3  }
0x34: {  	[smem:$0x3FAC] =	sst s10  }
0x35: {  	s10 =	sld [smem:$0x3FAB];
	_ =	sdelay $0x3  }
0x36: {  	p1 =	seq.s32 s10, $0x1;
	s10 =	sld [smem:$0x3FAC];
	_ =	sdelay $0x3  }
0x37: {  	[smem:$0x3FAC] =	sst s10  }
0x38: {  	s10 =	sld [smem:$0x3FAD]  }
0x39: {  	_ = 	snop;
	(pc) =	sbr.ind lr, $3  }
0x3a: {  	_ = 	snop  }
0x3b: {  	_ = 	snop  }
0x3c: {  	p2 =	seq.s32 s10, $0x1;
	s10 =	sld [smem:$0x3FAC]  }
0x3d: {  	_ =	shalt  }
0x3e: {  	_ =	shalt  }
0x3f: {  	_ =	shalt  }
0x40: {  	_ =	shalt  }
0x41: {  	_ =	shalt  }
0x42: {  	_ =	shalt  }
0x43: {  	_ =	shalt  }
0x44: {  	_ =	shalt  }
0x45: {  	_ =	shalt  }
0x46: {  	_ =	shalt  }
0x47: {  	_ =	shalt  }
0x48: {  	_ =	shalt  }
0x49: {  	_ =	shalt  }
0x4a: {  	_ =	shalt  }
0x4b: {  	_ =	shalt  }
0x4c: {  	_ =	shalt  }
0x4d: {  	_ =	shalt  }
0x4e: {  	_ =	shalt  }
0x4f: {  	_ =	shalt  }
0x50: {  	_ =	shalt  }
0x51: {  	_ =	shalt  }
0x52: {  	_ =	shalt  }
0x53: {  	_ =	shalt  }
0x54: {  	_ =	shalt  }
0x55: {  	_ =	shalt  }
0x56: {  	_ =	shalt  }
0x57: {  	_ =	shalt  }
0x58: {  	_ =	shalt  }
0x59: {  	_ =	shalt  }
0x5a: {  	_ =	shalt  }
0x5b: {  	_ =	shalt  }
0x5c: {  	_ =	shalt  }
0x5d: {  	_ =	shalt  }
0x5e: {  	_ =	shalt  }
0x5f: {  	_ =	shalt  }
0x60: {  	_ =	shalt  }
0x61: {  	_ =	shalt  }
0x62: {  	_ =	shalt  }
0x63: {  	_ =	shalt  }
0x64: {  	_ =	shalt  }
0x65: {  	_ =	shalt  }
0x66: {  	_ =	shalt  }
0x67: {  	_ =	shalt  }
0x68: {  	_ =	shalt  }
0x69: {  	_ =	shalt  }
0x6a: {  	_ =	shalt  }
0x6b: {  	_ =	shalt  }
0x6c: {  	_ =	shalt  }
0x6d: {  	_ =	shalt  }
0x6e: {  	_ =	shalt  }
0x6f: {  	_ =	shalt  }
0x70: {  	_ =	shalt  }
0x71: {  	_ =	shalt  }
0x72: {  	_ =	shalt  }
0x73: {  	_ =	shalt  }
0x74: {  	_ =	shalt  }
0x75: {  	_ =	shalt  }
0x76: {  	_ =	shalt  }
0x77: {  	_ =	shalt  }
0x78: {  	_ =	shalt  }
0x79: {  	_ =	shalt  }
0x7a: {  	_ =	shalt  }
0x7b: {  	_ =	shalt  }
0x7c: {  	_ =	shalt  }
0x7d: {  	_ =	shalt  }
0x7e: {  	_ =	shalt  }
0x7f: {  	_ =	shalt  }
0x80: {  	_ =	shalt  }
0x81: {  	_ =	shalt  }
0x82: {  	_ =	shalt  }
0x83: {  	_ =	shalt  }
0x84: {  	_ =	shalt  }
0x85: {  	_ =	shalt  }
0x86: {  	_ =	shalt  }
0x87: {  	_ =	shalt  }
.Lfunc_end0:
.L_simem_size_0:
called_computation.6_lowered:
.L_overlay_start_0:
0x88: {  	s2 =	sld [smem:$0x3FD9]  }
0x89: {  	s3 =	sld [smem:$0x3FFE];
	_ =	sdelay $0x1  }
0x8a: {  	s1 =	srdreg.scid  }
0x8b: {  	s0 =	sand.u32 $0x1, s1  }
0x8c: {  	s17 =	sshll.u32 s0, $0xA;
	s2 =	sadd.s32 s3, s2  }
0x8d: {  	s2 =	sadd.s32 s2, s17  }
0x8e: {  	[smem:$0x3FB8] =	sst s2  }
0x8f: {  	_ = 	snop  }
0x90: {  	s2 =	sld [smem:$0x3FC6];
	(tm) =	ssettm $0x1  }
0x91: {  	s18 =	sld [smem:$0x3FFB];
	_ =	sdelay $0x3  }
0x92: {  	_ =	strace s18  }
0x93: {  	s3 =	sld [smem:$0x3FFC];
	_ =	sdelay $0x3  }
0x94: {  	_ =	strace s3  }
0x95: {  	s3 =	sld [smem:$0x3FFD];
	_ =	sdelay $0x3  }
0x96: {  	_ =	strace s3  }
0x97: {  	_ =	strace $0x8FFFFFFF  }
0x98: {  	s19 =	sld [smem:$0x3FDB];
	_ =	sdelay $0x1  }
0x99: {  	s4 =	simm.s32 $_scs_section_size  }
0x9a: {  	s5 =	simm.s32 $_size__tile_overlayer_lowered;
	s6 =	simm.s32 $_tile_overlayer_lowered  }
0x9b: {  	s22 =	simm.s32 $0x1BFF;
	s21 =	sshll.u32 s6, $0x1;
	s3 =	sadd.s32 s4, s19  }
0x9c: {  	s7 =	simm.s32 $0x0;
	s20 =	sshll.u32 s5, $0x1;
	s5 =	sadd.s32 s21, s3  }
0x9d: {  	[timem:s7], [sflag:s22] =	dma.local [hbm:s5], s20  }
0x9e: {  	_ =	swait.ge [sflag:s22], s20  }
0x9f: {  	s4 =	ssub.s32 $0x0, s20;
	[sflag:s22] =	ssyncset.done $0x0  }
0xa0: {  	[sflag:s22] =	ssyncadd.s32 s4;
	_ =	sdelay $0x1  }
0xa1: {  	s23 =	simm.s32 $0x1B8B  }
0xa2: {  	_ =	swait.ge [sflag:s23], $0x1  }
0xa3: {  	[sflag:s23] =	ssyncset.done $0x0  }
0xa4: {  	s25 =	simm.s32 $0x1B8E;
	s24 =	sld [smem:$0x3FFE];
	[sflag:s23] =	ssyncadd.s32 $0xFFFFFFFF  }
0xa5: {  	s26 =	simm.s32 $execute0_lowered;
	[smem:$0x3FD2] =	sst s25  }
0xa6: {  	s5 =	sshll.u32 s26, $0x1;
	_ =	strace $0x80000058;
	[dreg:$0x1] =	wrdreg $0xFFFFFFFF  }
0xa7: {  	s28 =	simm.s32 $_size_execute0_lowered;
	s3 =	sadd.s32 s3, s5;
	[dreg:$0x0] =	wrdreg $0x0  }
0xa8: {  	s5 =	sshll.u32 s28, $0x1;
	[dreg:$0x2] =	wrdreg s3  }
0xa9: {  	[dreg:$0x3] =	wrdreg s5  }
0xaa: {  	[dreg:$0x4] =	wrdreg $0xC0  }
0xab: {  	_ =	task [dreg:s7], $0x5FFFF  }
0xac: {  	[dreg:$0x1] =	wrdreg $0xFFFFFFFF  }
0xad: {  	[dreg:$0x0] =	wrdreg $0x60  }
0xae: {  	[dreg:$0x2] =	wrdreg s24  }
0xaf: {  	[dreg:$0x3] =	wrdreg s2  }
0xb0: {  	[dreg:$0x4] =	wrdreg $0x0  }
0xb1: {  	[dreg:$0x5] =	wrdreg $0x9  }
0xb2: {  	_ =	task.clear_ibuf [dreg:s7], $0x6FFFF;
	_ =	strace $0x90000058  }
0xb3: {  	s29 =	simm.s32 $0x9;
	_ =	strace $0x8000005A  }
0xb4: {  	_ =	swait.ge [sflag:s29], $0x1  }
0xb5: {  	[sflag:s29] =	ssyncadd.s32 $0xFFFFFFFF  }
0xb6: {  	_ =	strace $0x9000005A  }
0xb7: {  	_ =	sfence  }
0xb8: {  	s30 =	sld [smem:$0x0];
	_ =	sdelay $0x2  }
0xb9: {  	s31 =	sshll.u32 s1, $0xD;
	s1 =	sshrl.u32 s1, $0x2  }
0xba: {  	s3 =	sand.u32 $0x4000, s31;
	s1 =	sadd.s32 s1, s30  }
0xbb: {  	s0 =	sor.u32 s3, s0;
	s1 =	sshll.u32 s1, $0x11  }
0xbc: {  	s0 =	sor.u32 s1, s0  }
0xbd: {  	s0 =	sadd.s32 $0x8F2B, s0  }
0xbe: {  	[sflag:s0] =	ssyncadd.remote.s32 $0x1  }
0xbf: {  	_ =	sfence.sel $0xFFFF  }
0xc0: {  	[dreg:$0x0] =	wrdreg $0xFFFFFFFF;
	(pc) =	sbr.abs _section_cstart, $3  }
0xc1: {  	[dreg:$0x1] =	wrdreg $0xFFFFFFFF  }
0xc2: {  	_ =	task.clear_ibuf [dreg:s7], $0x2FFFF;
	_ =	strace $0x9FFFFFFF  }
0xc3: {  	(tm) =	ssettm $0x7FFFFFFF  }
tec
execute0_lowered:
.L_overlay_start_1:
0x0: {  	(tag) =	ssettag $0x1  }
0x1: {  	s6 =	rddreg [dreg:$0x0]  }
0x2: {  	s2 =	rddreg [dreg:$0x1]  }
0x3: {  	s3 =	rddreg [dreg:$0x2]  }
0x4: {  	s4 =	srdreg.scid;
	s0 =	rddreg [dreg:$0x3]  }
0x5: {  	s1 =	stileid.u32;
	s15 =	simm.s32 $0x190;
	s18 =	simm.s32 $0x0  }
0x6: {  	s7 =	sand.u32 $0x1, s4;
	s4 =	simm.s32 $0x0;
	s31 =	smul.u32 $0x190, s1  }
0x7: {  	s8 =	sshll.u32 s1, $0xC;
	s14 =	smul.u32 $0x6400, s1;
	s16 =	sshll.u32 s1, $0x6  }
0x8: {  	s5 =	sshll.u32 s7, $0x10;
	[smem:$0x7FF] =	sst s4;
	s12 =	smul.u32 $0x1900, s7  }
0x9: {  	s29 =	ssub.s32 $0x2, s7;
	s11 =	sshll.u32 s7, $0x4;
	s13 =	smul.u32 $0x64000, s7  }
0xa: {  	s7 =	sadd.s32 s8, s3;
	s16 =	sor.u32 $0x1C01, s16;
	s5 =	sor.u32 s8, s5  }
0xb: {  	_ =	strace $0x80000059;
	s10 =	sshrl.u32 s29, $0x1;
	s30 =	sor.u32 s1, s11  }
0xc: {  	s17 =	sshrl.u32 s7, $0x3;
	s9 =	sshrl.u32 s5, $0x3;
	s5 =	sadd.s32 $0x19C00, s6  }
0xd: {  	s10 =	ssub.s32 s29, s10;
	p0 =	slt.u32 s30, $0x1D;
	s11 =	sadd.s32 s14, s13  }
0xe: {  	s13 =	simm.s32 $0x1;
	s9 =	sadd.s32 s9, s6;
	s6 =	simm.s32 $0x4  }
0xf: {  	s14 =	simm.s32 $0x1000;
	s6 =	simm.s32 @!p0 $0x3;
	s8 =	sadd.s32 $0x7B800, s9  }
0x10: {  	v0 =	vimm.f32 $0.0e+00;
	s9 =	smax.u32 s10, $0x1;
	s10 =	sadd.s32 s31, s12;
	s12 =	simm.s32 $0x1190  }
.LBB2_1:
0x11: {  	s20 =	simm.s32 $0x100;
	s19 =	simm.s32 $0x0  }
.LBB2_2:
0x12: {  	p0 =	sne.s32 s20, $0x18F00;
	[tilespmem:s19+$0x11C0] =	vst v0;
	s21 =	smov.u32 s20;
	s20 =	sadd.s32 $0x100, s20  }
.Ltmp0:
0x13: {  	[tilespmem:s19+$0x11B0] =	vst v0;
	(pc) =	sbr.rel @p0 .LBB2_2-.Ltmp0, $3  }
0x14: {  	[tilespmem:s19+$0x1190] =	vst v0  }
0x15: {  	[tilespmem:s19+$0x11A0] =	vst v0;
	_ =	sdelay $0x1  }
0x16: {  	s19 =	sshra.s32 s21, $0x2  }
0x17: {  	[tilespmem:s19+$0x11C0] =	vst v0  }
0x18: {  	[tilespmem:s19+$0x11B0] =	vst v0  }
0x19: {  	[tilespmem:s19+$0x1190] =	vst v0  }
0x1a: {  	[tilespmem:s19+$0x11A0] =	vst v0;
	p1 =	sne.s32 s6, $0x1  }
0x1b: {  	[spmem:s7] =	stream.linear.scatter [tilespmem:s12], [sflag:$0x1], $0x1000, $0x38;
	[tilespmem:$0x7590] =	vst v63  }
.Ltmp1:
0x1c: {  	_ =	swait.ge [sflag:s13], $0x1000;
	(pc) =	sbr.rel @!p1 .LBB2_4-.Ltmp1, $4  }
0x1d: {  	[sflag:s13] =	ssyncset.done $0x0  }
0x1e: {  	[sflag:s13] =	ssyncadd.s32 $0xFFFFF000  }
0x1f: {  	[bflag:$0x0] =	sbarrier.arrive $0xFFFF  }
0x20: {  	s19 =	sadd.s32 $0xFFFFFFFF, s6;
	s22 =	sshrl.u32 s10, $0x3;
	p0 =	por $0x0, $0x0  }
0x21: {  	s20 =	sadd.s32 s2, s22  }
0x22: {  	[tilespmem:s14], [sflag:$0x1] =	stream.linear.gather [hbm4b:s20+s4], $0x190, $0x38;
	[tilespmem:$0x7590] =	vst v63  }
0x23: {  	_ =	swait.ge [sflag:s13], $0x190  }
0x24: {  	s31 =	sshrl.u32 s11, $0x3;
	[sflag:s13] =	ssyncset.done $0x0  }
0x25: {  	s20 =	sadd.s32 s5, s31;
	[sflag:s13] =	ssyncadd.s32 $0xFFFFFE70  }
0x26: {  	[tilespmem:s12], [sflag:$0x1] =	stream.linear.gather [hbm4b:s20+s4], $0x6400, $0x38;
	[tilespmem:$0x7590] =	vst v63  }
0x27: {  	p1 =	sne.s32 s19, $0x1;
	_ =	swait.ge [sflag:s13], $0x6400  }
.Ltmp2:
0x28: {  	[sflag:s13] =	ssyncset.done $0x0;
	(pc) =	sbr.rel @!p1 .LBB2_6-.Ltmp2, $4  }
0x29: {  	s21 =	sadd.s32 $0x3200, s10;
	[sflag:s13] =	ssyncadd.s32 $0xFFFF9C00  }
0x2a: {  	[spmem:s3] =	stream.indirect.scatter.add.f32 [tilespmem:s12], [sflag:$0x1], $0x40, s14, s15, $0xb8;
	[tilespmem:$0x7590] =	vst v63  }
0x2b: {  	p0 =	por $0x1, $0x1;
	s22 =	sshrl.u32 s21, $0x3;
	_ =	swait.ge [sflag:s13], $0x6400  }
0x2c: {  	s20 =	sadd.s32 $0xFFFFFFFF, s19;
	s19 =	smov.u32 s11;
	[sflag:s13] =	ssyncset.done $0x0  }
.LBB2_7:
0x2d: {  	s22 =	sadd.s32 s2, s22;
	[sflag:s13] =	ssyncadd.s32 $0xFFFF9C00;
	s19 =	sadd.s32 $0xC8000, s19  }
0x2e: {  	[tilespmem:s14], [sflag:$0x1] =	stream.linear.gather [hbm4b:s22+s4], $0x190, $0x38;
	[tilespmem:$0x7590] =	vst v63  }
0x2f: {  	p1 =	sne.s32 s20, $0x1;
	s20 =	sadd.s32 $0xFFFFFFFF, s20;
	_ =	swait.ge [sflag:s13], $0x190  }
0x30: {  	s22 =	sshrl.u32 s19, $0x3;
	[sflag:s13] =	ssyncset.done $0x0  }
0x31: {  	s22 =	sadd.s32 s5, s22;
	[sflag:s13] =	ssyncadd.s32 $0xFFFFFE70  }
0x32: {  	[tilespmem:s12], [sflag:$0x1] =	stream.linear.gather [hbm4b:s22+s4], $0x6400, $0x38;
	[tilespmem:$0x7590] =	vst v63  }
0x33: {  	_ =	swait.ge [sflag:s13], $0x6400  }
.Ltmp3:
0x34: {  	[sflag:s13] =	ssyncset.done $0x0;
	(pc) =	sbr.rel @p1 .LBB2_7-.Ltmp3, $4  }
0x35: {  	[sflag:s13] =	ssyncadd.s32 $0xFFFF9C00  }
0x36: {  	[spmem:s3] =	stream.indirect.scatter.add.f32 [tilespmem:s12], [sflag:$0x1], $0x40, s14, s15, $0xb8;
	[tilespmem:$0x7590] =	vst v63  }
0x37: {  	s21 =	sadd.s32 $0x3200, s21;
	_ =	swait.ge [sflag:s13], $0x6400  }
0x38: {  	s22 =	sshrl.u32 s21, $0x3;
	[sflag:s13] =	ssyncset.done $0x0  }
.LBB2_8:
0x39: {  	s20 =	sadd.s32 s2, s22;
	[sflag:s13] =	ssyncadd.s32 @p0 $0xFFFF9C00  }
0x3a: {  	[tilespmem:s14], [sflag:$0x1] =	stream.linear.gather [hbm4b:s20+s4], $0x190, $0x38;
	[tilespmem:$0x7590] =	vst v63  }
0x3b: {  	s19 =	sadd.s32 @p0 $0xC8000, s19;
	s20 =	smov.u32 s11  }
0x3c: {  	_ =	swait.ge [sflag:s13], $0x190;
	s20 =	smov.u32 @p0 s19  }
0x3d: {  	[sflag:s13] =	ssyncset.done $0x0;
	s19 =	sshrl.u32 s20, $0x3  }
0x3e: {  	[sflag:s13] =	ssyncadd.s32 $0xFFFFFE70;
	s19 =	sadd.s32 s5, s19  }
0x3f: {  	[tilespmem:s12], [sflag:$0x1] =	stream.linear.gather [hbm4b:s19+s4], $0x6400, $0x38;
	[tilespmem:$0x7590] =	vst v63  }
0x40: {  	_ =	swait.ge [sflag:s13], $0x6400  }
0x41: {  	[sflag:s13] =	ssyncset.done $0x0  }
0x42: {  	[sflag:s13] =	ssyncadd.s32 $0xFFFF9C00  }
0x43: {  	[spmem:s3] =	stream.indirect.scatter.add.f32 [tilespmem:s12], [sflag:$0x1], $0x40, s14, s15, $0xb8;
	[tilespmem:$0x7590] =	vst v63  }
0x44: {  	_ =	swait.ge [sflag:s13], $0x6400  }
0x45: {  	[sflag:s13] =	ssyncset.done $0x0  }
0x46: {  	s18 =	sadd.s32 $0x1, s18;
	[sflag:s13] =	ssyncadd.s32 $0xFFFF9C00  }
0x47: {  	p0 =	sne.s32 s18, s9;
	[bflag:$0x0] =	sbarrier.arrive $0xFFFF  }
0x48: {  	[hbm:s8], [sflag:s16] =	dma.local [spmem:s17], $0x200  }
.Ltmp4:
0x49: {  	_ = 	snop;
	(pc) =	sbr.rel @p0 .LBB2_1-.Ltmp4, $4  }
.Ltmp5:
0x4a: {  	_ = 	snop;
	(pc) =	sbr.rel @!p0 .LBB2_9-.Ltmp5, $4  }
0x4b: {  	_ =	swait.ge [sflag:s13], $0x200  }
0x4c: {  	[sflag:s13] =	ssyncset.done $0x0  }
0x4d: {  	[sflag:s13] =	ssyncadd.s32 $0xFFFFFE00  }
0x4e: {  	_ = 	snop  }
.LBB2_4:
.Ltmp6:
0x4f: {  	(pc) =	sbr.rel .LBB2_8-.Ltmp6, $2  }
0x50: {  	_ =	sdelay $0x2  }
0x51: {  	s19 =	smov.u32 s11  }
.LBB2_6:
.Ltmp7:
0x52: {  	(pc) =	sbr.rel .LBB2_8-.Ltmp7, $2  }
0x53: {  	_ =	sdelay $0x2  }
0x54: {  	s19 =	smov.u32 s11  }
.LBB2_9:
0x55: {  	_ =	sfence.sel $0x180000  }
0x56: {  	[bflag:$0x0] =	sbarrier.arrive $0xFFFF  }
0x57: {  	p0 =	sne.s32 s1, $0x0;
	_ =	strace $0x90000059  }
0x58: {  	s0 =	sadd.s32 @!p0 $0x100000, s0;
	[bflag:$0x2] =	sbarrier.arrive $0xFFFF  }
0x59: {  	[sflag:s0] =	ssyncadd.tile.s32 @!p0 $0x1;
	_ =	shalt  }
.Lfunc_end2:
_tile_overlayer_lowered:
.L_overlay_start_2:
0x5a: {  	(tag) =	ssettag $0x2  }
0x5b: {  	s0 =	rddreg [dreg:$0x0];
	s2 =	stileid.u32  }
0x5c: {  	s1 =	rddreg [dreg:$0x1];
	p0 =	sne.s32 s2, $0x0  }
0x5d: {  	s3 =	rddreg [dreg:$0x2];
	[bflag:$0x3] =	sbarrier.arrive $0xFFFF;
	s2 =	simm.s32 @!p0 $0x1C01  }
0x5e: {  	[timem:s3], [sflag:s2] =	dma.local @!p0 [hbm:s0], s1  }
0x5f: {  	s0 =	simm.s32 @!p0 $0x1  }
0x60: {  	_ =	swait.ge @!p0 [sflag:s0], s1  }
0x61: {  	s1 =	ssub.s32 @!p0 $0x0, s1;
	[sflag:s0] =	ssyncset.done @!p0 $0x0  }
0x62: {  	[sflag:s0] =	ssyncadd.s32 @!p0 s1  }
0x63: {  	[bflag:$0x3] =	sbarrier.arrive $0xFFFF  }
0x64: {  	_ =	shalt  }

</sc_bundles>
